<compile_context>
chip_gen: v7x
topology: tpu7x:2x2x1
jax: 0.10.2.dev20260603
libtpu: 0.0.44.dev20260713+nightly
codegen_flags: <defaults>
</compile_context>

<pallas_src>
import functools

import jax
import jax.numpy as jnp
from jax import lax
from jax.experimental import pallas as pl
from jax.experimental.pallas import tpu as pltpu
from jax.experimental.pallas import tpu_sc as plsc

EMB_DIM = 32
SCALE = float(EMB_DIM ** 0.5)

NUM_CORES = 2
NUM_SUBCORES = 16
NUM_WORKERS = NUM_CORES * NUM_SUBCORES
LANES = 16

IDX_PER_STREAM = 128
STREAMS_PER_UNIT = 4
UNIT = IDX_PER_STREAM * STREAMS_PER_UNIT
S8_PER_UNIT = 4
TILE_WORDS = 8 * 128
UNIT_TILES = S8_PER_UNIT * (EMB_DIM // 8)


REF_G = 7
REF_NB = 36
REF_ROWS = 7813 * 128


def _reformat_table(wt):
    mesh = plsc.VectorSubcoreMesh(core_axis_name="c", subcore_axis_name="s")
    d32 = wt.shape[0]
    n_pairs = REF_NB // 2
    bw = REF_G * 128
    bwords = bw * d32
    row_max = REF_ROWS - bw

    @functools.partial(
        pl.kernel,
        mesh=mesh,
        compiler_params=pltpu.CompilerParams(needs_layout_passes=False),
        out_type=jax.ShapeDtypeStruct((REF_ROWS * d32,), jnp.float32),
        scratch_types=[
            pltpu.VMEM((d32, bw + 1), jnp.float32),
            pltpu.VMEM((d32, bw + 1), jnp.float32),
            pltpu.VMEM((bwords,), jnp.float32),
            pltpu.VMEM((bwords,), jnp.float32),
            pltpu.SemaphoreType.DMA,
            pltpu.SemaphoreType.DMA,
            pltpu.SemaphoreType.DMA,
            pltpu.SemaphoreType.DMA,
        ],
    )
    def k(wt_hbm, out_hbm, tb_a, tb_b, pb_a, pb_b,
          gsem_a, gsem_b, wsem_a, wsem_b):
        wid = lax.axis_index("s") * NUM_CORES + lax.axis_index("c")
        k0 = wid * REF_NB
        lane = lax.iota(jnp.int32, LANES)
        rvecs = [lane, lane + LANES]

        def row0_of(kk):
            return jnp.minimum(kk * bw, row_max)

        def tiles_in(kk, tb_v, sem, fire):
            r0 = row0_of(kk)
            for td in range(d32 // 8):
                src = wt_hbm.at[pl.ds(td * 8, 8), pl.ds(r0, bw)]
                dst = tb_v.at[pl.ds(td * 8, 8), pl.ds(0, bw)]
                if fire:
                    pltpu.async_copy(src, dst, sem)
                else:
                    pltpu.make_async_copy(src, dst, sem).wait()

        def block_out(kk, pb_v, sem, fire):
            dst = out_hbm.at[pl.ds(row0_of(kk) * d32, bwords)]
            if fire:
                pltpu.async_copy(pb_v, dst, sem)
            else:
                pltpu.make_async_copy(pb_v, dst, sem).wait()

        def transpose_block(tb_v, pb_v):
            @plsc.parallel_loop(0, bw, 1, unroll=4,
                                carry=jnp.zeros((LANES,), jnp.int32))
            def body(bcol, col):
                for h in range(2):
                    v = plsc.load_gather(tb_v, [rvecs[h], col])
                    pb_v[pl.ds(bcol * d32 + h * LANES, LANES)] = v
                return col + 1

        tiles_in(k0, tb_a, gsem_a, fire=True)

        def pair_body(j, carry):
            ka = k0 + 2 * j
            kb = ka + 1

            @pl.when(j > 0)
            def _():
                block_out(kb - 2, pb_b, wsem_b, fire=False)

            tiles_in(kb, tb_b, gsem_b, fire=True)

            @pl.when(j > 0)
            def _():
                block_out(ka - 2, pb_a, wsem_a, fire=False)

            tiles_in(ka, tb_a, gsem_a, fire=False)
            transpose_block(tb_a, pb_a)
            block_out(ka, pb_a, wsem_a, fire=True)

            tiles_in(kb, tb_b, gsem_b, fire=False)
            transpose_block(tb_b, pb_b)

            @pl.when(j < n_pairs - 1)
            def _():
                tiles_in(ka + 2, tb_a, gsem_a, fire=True)

            block_out(kb, pb_b, wsem_b, fire=True)
            return carry

        lax.fori_loop(0, n_pairs, pair_body, 0)
        block_out(k0 + REF_NB - 2, pb_a, wsem_a, fire=False)
        block_out(k0 + REF_NB - 1, pb_b, wsem_b, fire=False)

    return k(wt)


@functools.partial(jax.jit, static_argnames=("b", "s"))
def _embed_native(idx_flat, weight, *, b, s):
    total = b * s
    n_per_w = total // NUM_WORKERS
    n_units = n_per_w // UNIT
    n_pairs = n_units // 2
    assert n_pairs * 2 * UNIT == n_per_w
    b_tiles = b // 128
    d_tiles = EMB_DIM // 8
    units_per_tile = 8 // S8_PER_UNIT
    out_rows = s * d_tiles * b_tiles
    table = _reformat_table(weight.T).reshape(REF_ROWS, EMB_DIM)
    mesh = plsc.VectorSubcoreMesh(core_axis_name="c", subcore_axis_name="s")

    @functools.partial(
        pl.kernel,
        mesh=mesh,
        compiler_params=pltpu.CompilerParams(
            use_tc_tiling_on_sc=False, needs_layout_passes=False),
        out_type=jax.ShapeDtypeStruct((out_rows, 8, 128), jnp.float32),
        scratch_types=[
            pltpu.VMEM((UNIT,), jnp.int32),
            pltpu.VMEM((UNIT,), jnp.int32),
            pltpu.VMEM((UNIT, EMB_DIM), jnp.float32),
            pltpu.VMEM((UNIT, EMB_DIM), jnp.float32),
            pltpu.VMEM((UNIT_TILES * 8, 129), jnp.float32),
            pltpu.VMEM((UNIT_TILES * 8, 129), jnp.float32),
            pltpu.SemaphoreType.DMA,
            pltpu.SemaphoreType.DMA,
            pltpu.SemaphoreType.DMA,
            pltpu.SemaphoreType.DMA,
        ],
    )
    def k(idx_hbm, table_hbm, out_hbm, idx_a, idx_b, rows_a, rows_b,
          tile_a, tile_b, gsem_a, gsem_b, wsem_a, wsem_b):
        wid = lax.axis_index("s") * NUM_CORES + lax.axis_index("c")
        unit0 = wid * n_units

        def fire_gathers(idx_v, rows_v, sem):
            for t in range(STREAMS_PER_UNIT):
                sl = pl.ds(t * IDX_PER_STREAM, IDX_PER_STREAM)
                pltpu.async_copy(table_hbm.at[idx_v.at[sl]], rows_v.at[sl], sem)

        def drain_gathers(idx_v, rows_v, sem):
            for t in range(STREAMS_PER_UNIT):
                sl = pl.ds(t * IDX_PER_STREAM, IDX_PER_STREAM)
                pltpu.make_async_copy(
                    table_hbm.at[idx_v.at[sl]], rows_v.at[sl], sem).wait()

        lane = lax.iota(jnp.int32, LANES)

        def transpose_scale(rows_v, tile_v):
            @plsc.parallel_loop(0, IDX_PER_STREAM, 1, unroll=4,
                                carry=jnp.zeros((LANES,), jnp.int32))
            def body(t128, col):
                for s8 in range(S8_PER_UNIT):
                    tok = s8 * IDX_PER_STREAM + t128
                    for h in range(2):
                        v = rows_v[tok, pl.ds(h * LANES, LANES)] * SCALE
                        plsc.store_scatter(
                            tile_v, [lane + (s8 * 32 + h * LANES), col], v)
                return col + 1

        def unit_coords(u):
            ts = u // (b_tiles * units_per_tile)
            r = lax.rem(u, b_tiles * units_per_tile)
            tb = r // units_per_tile
            h = lax.rem(r, units_per_tile)
            return ts, tb, h

        def unit_writes(tile_v, u, sem, fire):
            ts, tb, h = unit_coords(u)
            for s8 in range(S8_PER_UNIT):
                s_row = ts * 8 + h * S8_PER_UNIT + s8
                for td in range(d_tiles):
                    src = tile_v.at[pl.ds((s8 * d_tiles + td) * 8, 8),
                                    pl.ds(0, 128)]
                    dst = out_hbm.at[(s_row * d_tiles + td) * b_tiles + tb]
                    if fire:
                        pltpu.async_copy(src, dst, sem)
                    else:
                        pltpu.make_async_copy(src, dst, sem).wait()

        pltpu.sync_copy(idx_hbm.at[pl.ds(unit0 * UNIT, UNIT)], idx_a)
        fire_gathers(idx_a, rows_a, gsem_a)

        def pair_body(j, carry):
            ua = unit0 + 2 * j
            ub = ua + 1

            @pl.when(j > 0)
            def _():
                unit_writes(tile_b, ub - 2, wsem_b, fire=False)

            pltpu.sync_copy(idx_hbm.at[pl.ds(ub * UNIT, UNIT)], idx_b)
            fire_gathers(idx_b, rows_b, gsem_b)

            @pl.when(j > 0)
            def _():
                unit_writes(tile_a, ua - 2, wsem_a, fire=False)

            drain_gathers(idx_a, rows_a, gsem_a)
            transpose_scale(rows_a, tile_a)
            unit_writes(tile_a, ua, wsem_a, fire=True)

            drain_gathers(idx_b, rows_b, gsem_b)
            transpose_scale(rows_b, tile_b)

            @pl.when(j < n_pairs - 1)
            def _():
                pltpu.sync_copy(idx_hbm.at[pl.ds((ua + 2) * UNIT, UNIT)], idx_a)
                fire_gathers(idx_a, rows_a, gsem_a)

            unit_writes(tile_b, ub, wsem_b, fire=True)
            return carry

        lax.fori_loop(0, n_pairs, pair_body, 0)

        unit_writes(tile_a, unit0 + 2 * n_pairs - 2, wsem_a, fire=False)
        unit_writes(tile_b, unit0 + 2 * n_pairs - 1, wsem_b, fire=False)

    return k(idx_flat, table)


def kernel(input_ids, weight):
    b, s = input_ids.shape
    idx_flat = (input_ids.astype(jnp.int32)
                .reshape(b // 128, 128, s // 8, 8)
                .transpose(2, 0, 3, 1)
                .reshape(b * s))
    y = _embed_native(idx_flat, weight, b=b, s=s)
    return (y.reshape(s, EMB_DIM // 8, b // 128, 8, 128)
            .transpose(2, 4, 0, 1, 3)
            .reshape(b, s, EMB_DIM))

# --- scband reference (transcript-rebuilt; emitter-appended) ---
"""Pipeline reference for scband-token-embedding-50843822850154 (READ-ONLY COPY).

The authoritative reference and input builder live on the scoring server;
editing this copy changes nothing except your own understanding.
"""

import jax, jax.numpy as jnp
import numpy as np

NUM_EMBEDDINGS = 1000000
EMBEDDING_DIM = 32
PADDING_IDX = 0
EMBEDDING_SCALE = EMBEDDING_DIM ** 0.5


def setup_inputs(seed: int = 0) -> dict:
    key = jax.random.key(seed)
    k1, k2 = jax.random.split(key)
    input_ids = jax.random.randint(k1, (4096, 200), 0, NUM_EMBEDDINGS, dtype=jnp.int64 if jax.config.jax_enable_x64 else jnp.int32)
    weight = 0.02 * jax.random.normal(k2, (NUM_EMBEDDINGS, EMBEDDING_DIM), dtype=jnp.float32)
    # padding_idx row is zeroed at init, matching torch _init_weights
    weight = weight.at[PADDING_IDX].set(0.0)
    return {"input_ids": input_ids, "weight": weight}


def reference(input_ids, weight):
    # F.embedding gather (padding_idx only affects grads, forward is plain gather;
    # the padding row itself is zero from init)
    embeddings = jnp.take(weight, input_ids, axis=0)
    # scale_embeddings=True -> multiply by sqrt(embedding_dim)
    embeddings = embeddings * EMBEDDING_SCALE
    # dropout_prob=0.0 / eval mode -> identity
    return embeddings

if __name__ == "__main__":
    import jax
    _d = setup_inputs()
    print(jax.jit(kernel)(*tuple(_d.values())))

</pallas_src>

<mosaic_0001>
#map = affine_map<(d0, d1) -> (0)>
#map1 = affine_map<(d0, d1) -> (0, 0)>
#map2 = affine_map<(d0, d1) -> (0, 0, 0)>
module attributes {stable_mosaic.version = 14 : i64} {
  func.func @k(%arg0: i32, %arg1: i32, %arg2: memref<819200xi32, #tpu.memory_space<hbm>>, %arg3: memref<1000064x32xf32, #tpu.memory_space<hbm>>, %arg4: memref<25600x8x128xf32, #tpu.memory_space<hbm>>, %arg5: memref<512xi32, #tpu.memory_space<vmem>>, %arg6: memref<512xi32, #tpu.memory_space<vmem>>, %arg7: memref<512x32xf32, #tpu.memory_space<vmem>>, %arg8: memref<512x32xf32, #tpu.memory_space<vmem>>, %arg9: memref<128x129xf32, #tpu.memory_space<vmem>>, %arg10: memref<128x129xf32, #tpu.memory_space<vmem>>, %arg11: memref<!tpu.dma_semaphore, #tpu.memory_space<semaphore_mem>>, %arg12: memref<!tpu.dma_semaphore, #tpu.memory_space<semaphore_mem>>, %arg13: memref<!tpu.dma_semaphore, #tpu.memory_space<semaphore_mem>>, %arg14: memref<!tpu.dma_semaphore, #tpu.memory_space<semaphore_mem>>) attributes {dimension_semantics = [#tpu.dimension_semantics<core_parallel>, #tpu.dimension_semantics<subcore_parallel>], iteration_bounds = array<i64: 2, 16>, scalar_prefetch = 0 : i64, scratch_operands = 10 : i64, tpu.core_type = #tpu.core_type<sc_vector_subcore>, window_params = [{transform_indices = #map}, {transform_indices = #map1}, {transform_indices = #map2}]} {
    %mul3A = arith.constant 2 : i32
    %mul3A_0 = arith.muli %arg1, %mul3A : i32
    %add3A = arith.addi %mul3A_0, %arg0 : i32
    %mul3A_1 = arith.constant 50 : i32
    %mul3A_2 = arith.muli %add3A, %mul3A_1 : i32
    %iota3A = tpu.iota {dimensions = array<i32: 0>} : vector<16xi32>
    %mul3A_3 = arith.constant 512 : i32
    %mul3A_4 = arith.muli %mul3A_2, %mul3A_3 : i32
    "tpu.region"() ({
      %run_scoped3A = tpu.sem_alloc : memref<!tpu.dma_semaphore, #tpu.memory_space<semaphore_mem>>
      %dma_start3A_872 = tpu.memref_slice %arg2[%mul3A_4] : memref<819200xi32, #tpu.memory_space<hbm>> -> memref<512xi32, #tpu.memory_space<hbm>>
      %dma_start3A_873 = tpu.memref_slice %arg2[%mul3A_4] : memref<819200xi32, #tpu.memory_space<hbm>> -> memref<512xi32, #tpu.memory_space<hbm>>
      tpu.enqueue_dma source(%dma_start3A_873 : memref<512xi32, #tpu.memory_space<hbm>>) target(%arg5 : memref<512xi32, #tpu.memory_space<vmem>>) target_semaphore(%run_scoped3A : memref<!tpu.dma_semaphore, #tpu.memory_space<semaphore_mem>>)
      %dma_wait3A_874 = tpu.memref_slice %arg2[%mul3A_4] : memref<819200xi32, #tpu.memory_space<hbm>> -> memref<512xi32, #tpu.memory_space<hbm>>
      %dma_wait3A_875 = tpu.memref_slice %arg2[%mul3A_4] : memref<819200xi32, #tpu.memory_space<hbm>> -> memref<512xi32, #tpu.memory_space<hbm>>
      tpu.wait_dma2 semaphore(%run_scoped3A : memref<!tpu.dma_semaphore, #tpu.memory_space<semaphore_mem>>) src(%dma_wait3A_875 : memref<512xi32, #tpu.memory_space<hbm>>) dst(%arg5 : memref<512xi32, #tpu.memory_space<vmem>>)
      tpu.yield
    }) : () -> ()
    %dma_start3A = arith.constant 0 : i32
    %dma_start3A_5 = arith.constant 0 : i32
    %dma_start3A_6 = tpu.memref_slice %arg7[%dma_start3A, %dma_start3A_5] : memref<512x32xf32, #tpu.memory_space<vmem>> -> memref<128x32xf32, #tpu.memory_space<vmem>>
    %dma_start3A_7 = arith.constant 0 : i32
    %dma_start3A_8 = tpu.memref_slice %arg5[%dma_start3A_7] : memref<512xi32, #tpu.memory_space<vmem>> -> memref<128xi32, #tpu.memory_space<vmem>>
    %dma_start3A_9 = arith.constant 0 : i32
    %dma_start3A_10 = arith.constant 0 : i32
    %dma_start3A_11 = tpu.memref_slice %arg3[%dma_start3A_9, %dma_start3A_10] : memref<1000064x32xf32, #tpu.memory_space<hbm>> -> memref<1000064x32xf32, #tpu.memory_space<hbm>>
    tpu.enqueue_indirect_dma source(%dma_start3A_11 : memref<1000064x32xf32, #tpu.memory_space<hbm>>) target(%dma_start3A_6 : memref<128x32xf32, #tpu.memory_space<vmem>>) offsets(%dma_start3A_8 : memref<128xi32, #tpu.memory_space<vmem>>) semaphore(%arg11 : memref<!tpu.dma_semaphore, #tpu.memory_space<semaphore_mem>>)
    %dma_start3A_12 = arith.constant 128 : i32
    %dma_start3A_13 = arith.constant 0 : i32
    %dma_start3A_14 = tpu.memref_slice %arg7[%dma_start3A_12, %dma_start3A_13] : memref<512x32xf32, #tpu.memory_space<vmem>> -> memref<128x32xf32, #tpu.memory_space<vmem>>
    %dma_start3A_15 = arith.constant 128 : i32
    %dma_start3A_16 = tpu.memref_slice %arg5[%dma_start3A_15] : memref<512xi32, #tpu.memory_space<vmem>> -> memref<128xi32, #tpu.memory_space<vmem>>
    %dma_start3A_17 = arith.constant 0 : i32
    %dma_start3A_18 = arith.constant 0 : i32
    %dma_start3A_19 = tpu.memref_slice %arg3[%dma_start3A_17, %dma_start3A_18] : memref<1000064x32xf32, #tpu.memory_space<hbm>> -> memref<1000064x32xf32, #tpu.memory_space<hbm>>
    tpu.enqueue_indirect_dma source(%dma_start3A_19 : memref<1000064x32xf32, #tpu.memory_space<hbm>>) target(%dma_start3A_14 : memref<128x32xf32, #tpu.memory_space<vmem>>) offsets(%dma_start3A_16 : memref<128xi32, #tpu.memory_space<vmem>>) semaphore(%arg11 : memref<!tpu.dma_semaphore, #tpu.memory_space<semaphore_mem>>)
    %dma_start3A_20 = arith.constant 256 : i32
    %dma_start3A_21 = arith.constant 0 : i32
    %dma_start3A_22 = tpu.memref_slice %arg7[%dma_start3A_20, %dma_start3A_21] : memref<512x32xf32, #tpu.memory_space<vmem>> -> memref<128x32xf32, #tpu.memory_space<vmem>>
    %dma_start3A_23 = arith.constant 256 : i32
    %dma_start3A_24 = tpu.memref_slice %arg5[%dma_start3A_23] : memref<512xi32, #tpu.memory_space<vmem>> -> memref<128xi32, #tpu.memory_space<vmem>>
    %dma_start3A_25 = arith.constant 0 : i32
    %dma_start3A_26 = arith.constant 0 : i32
    %dma_start3A_27 = tpu.memref_slice %arg3[%dma_start3A_25, %dma_start3A_26] : memref<1000064x32xf32, #tpu.memory_space<hbm>> -> memref<1000064x32xf32, #tpu.memory_space<hbm>>
    tpu.enqueue_indirect_dma source(%dma_start3A_27 : memref<1000064x32xf32, #tpu.memory_space<hbm>>) target(%dma_start3A_22 : memref<128x32xf32, #tpu.memory_space<vmem>>) offsets(%dma_start3A_24 : memref<128xi32, #tpu.memory_space<vmem>>) semaphore(%arg11 : memref<!tpu.dma_semaphore, #tpu.memory_space<semaphore_mem>>)
    %dma_start3A_28 = arith.constant 384 : i32
    %dma_start3A_29 = arith.constant 0 : i32
    %dma_start3A_30 = tpu.memref_slice %arg7[%dma_start3A_28, %dma_start3A_29] : memref<512x32xf32, #tpu.memory_space<vmem>> -> memref<128x32xf32, #tpu.memory_space<vmem>>
    %dma_start3A_31 = arith.constant 384 : i32
    %dma_start3A_32 = tpu.memref_slice %arg5[%dma_start3A_31] : memref<512xi32, #tpu.memory_space<vmem>> -> memref<128xi32, #tpu.memory_space<vmem>>
    %dma_start3A_33 = arith.constant 0 : i32
    %dma_start3A_34 = arith.constant 0 : i32
    %dma_start3A_35 = tpu.memref_slice %arg3[%dma_start3A_33, %dma_start3A_34] : memref<1000064x32xf32, #tpu.memory_space<hbm>> -> memref<1000064x32xf32, #tpu.memory_space<hbm>>
    tpu.enqueue_indirect_dma source(%dma_start3A_35 : memref<1000064x32xf32, #tpu.memory_space<hbm>>) target(%dma_start3A_30 : memref<128x32xf32, #tpu.memory_space<vmem>>) offsets(%dma_start3A_32 : memref<128xi32, #tpu.memory_space<vmem>>) semaphore(%arg11 : memref<!tpu.dma_semaphore, #tpu.memory_space<semaphore_mem>>)
    %scan3A = arith.constant 0 : i32
    %scan3A_36 = arith.constant 0 : i32
    %scan3A_37 = arith.constant 25 : i32
    %scan3A_38 = arith.addi %scan3A_36, %scan3A_37 : i32
    %scan3A_39 = arith.constant 1 : i32
    scf.for %scan3A_872 = %scan3A_36 to %scan3A_38 step %scan3A_39  : i32 {
      %mul3A_873 = arith.constant 2 : i32
      %mul3A_874 = arith.muli %mul3A_873, %scan3A_872 : i32
      %add3A_875 = arith.addi %mul3A_2, %mul3A_874 : i32
      %add3A_876 = arith.constant 1 : i32
      %add3A_877 = arith.addi %add3A_875, %add3A_876 : i32
      %gt3A = arith.constant 0 : i32
      %gt3A_878 = arith.cmpi sgt, %scan3A_872, %gt3A : i32
      %convert_element_type3A = arith.extui %gt3A_878 : i1 to i32
      %cond3A = arith.constant 0 : i32
      %cond3A_879 = arith.cmpi ne, %convert_element_type3A, %cond3A : i32
      scf.if %cond3A_879 {
        %sub3A_1829 = arith.constant 2 : i32
        %sub3A_1830 = arith.subi %add3A_877, %sub3A_1829 : i32
        %jit3A_1831 = arith.constant 64 : i32
        %div3A_1832 = arith.divsi %sub3A_1830, %jit3A_1831 : i32
        %sign3A_1833 = arith.constant 0 : i32
        %sign3A_1834 = arith.cmpi sgt, %sub3A_1830, %sign3A_1833 : i32
        %sign3A_1835 = arith.extui %sign3A_1834 : i1 to i32
        %sign3A_1836 = arith.constant 0 : i32
        %sign3A_1837 = arith.cmpi slt, %sub3A_1830, %sign3A_1836 : i32
        %sign3A_1838 = arith.extui %sign3A_1837 : i1 to i32
        %sign3A_1839 = arith.subi %sign3A_1835, %sign3A_1838 : i32
        %sign3A_1840 = arith.constant 0 : i32
        %sign3A_1841 = arith.cmpi sgt, %jit3A_1831, %sign3A_1840 : i32
        %sign3A_1842 = arith.extui %sign3A_1841 : i1 to i32
        %sign3A_1843 = arith.constant 0 : i32
        %sign3A_1844 = arith.cmpi slt, %jit3A_1831, %sign3A_1843 : i32
        %sign3A_1845 = arith.extui %sign3A_1844 : i1 to i32
        %sign3A_1846 = arith.subi %sign3A_1842, %sign3A_1845 : i32
        %ne3A_1847 = arith.cmpi ne, %sign3A_1839, %sign3A_1846 : i32
        %rem3A_1848 = arith.remsi %sub3A_1830, %jit3A_1831 : i32
        %ne3A_1849 = arith.constant 0 : i32
        %ne3A_1850 = arith.cmpi ne, %rem3A_1848, %ne3A_1849 : i32
        %and3A_1851 = arith.andi %ne3A_1847, %ne3A_1850 : i1
        %sub3A_1852 = arith.constant 1 : i32
        %sub3A_1853 = arith.subi %div3A_1832, %sub3A_1852 : i32
        %select_n3A_1854 = arith.select %and3A_1851, %sub3A_1853, %div3A_1832 : i32
        %rem3A_1855 = arith.constant 64 : i32
        %rem3A_1856 = arith.remsi %sub3A_1830, %rem3A_1855 : i32
        %jit3A_1857 = arith.constant 2 : i32
        %div3A_1858 = arith.divsi %rem3A_1856, %jit3A_1857 : i32
        %sign3A_1859 = arith.constant 0 : i32
        %sign3A_1860 = arith.cmpi sgt, %rem3A_1856, %sign3A_1859 : i32
        %sign3A_1861 = arith.extui %sign3A_1860 : i1 to i32
        %sign3A_1862 = arith.constant 0 : i32
        %sign3A_1863 = arith.cmpi slt, %rem3A_1856, %sign3A_1862 : i32
        %sign3A_1864 = arith.extui %sign3A_1863 : i1 to i32
        %sign3A_1865 = arith.subi %sign3A_1861, %sign3A_1864 : i32
        %sign3A_1866 = arith.constant 0 : i32
        %sign3A_1867 = arith.cmpi sgt, %jit3A_1857, %sign3A_1866 : i32
        %sign3A_1868 = arith.extui %sign3A_1867 : i1 to i32
        %sign3A_1869 = arith.constant 0 : i32
        %sign3A_1870 = arith.cmpi slt, %jit3A_1857, %sign3A_1869 : i32
        %sign3A_1871 = arith.extui %sign3A_1870 : i1 to i32
        %sign3A_1872 = arith.subi %sign3A_1868, %sign3A_1871 : i32
        %ne3A_1873 = arith.cmpi ne, %sign3A_1865, %sign3A_1872 : i32
        %rem3A_1874 = arith.remsi %rem3A_1856, %jit3A_1857 : i32
        %ne3A_1875 = arith.constant 0 : i32
        %ne3A_1876 = arith.cmpi ne, %rem3A_1874, %ne3A_1875 : i32
        %and3A_1877 = arith.andi %ne3A_1873, %ne3A_1876 : i1
        %sub3A_1878 = arith.constant 1 : i32
        %sub3A_1879 = arith.subi %div3A_1858, %sub3A_1878 : i32
        %select_n3A_1880 = arith.select %and3A_1877, %sub3A_1879, %div3A_1858 : i32
        %rem3A_1881 = arith.constant 2 : i32
        %rem3A_1882 = arith.remsi %rem3A_1856, %rem3A_1881 : i32
        %mul3A_1883 = arith.constant 8 : i32
        %mul3A_1884 = arith.muli %select_n3A_1854, %mul3A_1883 : i32
        %mul3A_1885 = arith.constant 4 : i32
        %mul3A_1886 = arith.muli %rem3A_1882, %mul3A_1885 : i32
        %add3A_1887 = arith.addi %mul3A_1884, %mul3A_1886 : i32
        %add3A_1888 = arith.constant 0 : i32
        %add3A_1889 = arith.addi %add3A_1887, %add3A_1888 : i32
        %mul3A_1890 = arith.constant 4 : i32
        %mul3A_1891 = arith.muli %add3A_1889, %mul3A_1890 : i32
        %add3A_1892 = arith.constant 0 : i32
        %add3A_1893 = arith.addi %mul3A_1891, %add3A_1892 : i32
        %mul3A_1894 = arith.constant 32 : i32
        %mul3A_1895 = arith.muli %add3A_1893, %mul3A_1894 : i32
        %add3A_1896 = arith.addi %mul3A_1895, %select_n3A_1880 : i32
        %dma_wait3A_1897 = arith.constant 0 : i32
        %dma_wait3A_1898 = arith.constant 0 : i32
        %dma_wait3A_1899 = tpu.memref_slice %arg10[%dma_wait3A_1897, %dma_wait3A_1898] : memref<128x129xf32, #tpu.memory_space<vmem>> -> memref<8x128xf32, #tpu.memory_space<vmem>>
        %dma_wait3A_1900 = arith.constant 0 : i32
        %dma_wait3A_1901 = arith.constant 0 : i32
        %dma_wait3A_1902 = tpu.memref_slice %arg4[%add3A_1896, %dma_wait3A_1900, %dma_wait3A_1901] : memref<25600x8x128xf32, #tpu.memory_space<hbm>> -> memref<1x8x128xf32, #tpu.memory_space<hbm>>
        %dma_wait3A_1903 = tpu.memref_squeeze %dma_wait3A_1902 : memref<1x8x128xf32, #tpu.memory_space<hbm>> -> memref<8x128xf32, #tpu.memory_space<hbm>>
        %dma_wait3A_1904 = arith.constant 0 : i32
        %dma_wait3A_1905 = arith.constant 0 : i32
        %dma_wait3A_1906 = tpu.memref_slice %arg4[%add3A_1896, %dma_wait3A_1904, %dma_wait3A_1905] : memref<25600x8x128xf32, #tpu.memory_space<hbm>> -> memref<1x8x128xf32, #tpu.memory_space<hbm>>
        %dma_wait3A_1907 = tpu.memref_squeeze %dma_wait3A_1906 : memref<1x8x128xf32, #tpu.memory_space<hbm>> -> memref<8x128xf32, #tpu.memory_space<hbm>>
        %dma_wait3A_1908 = arith.constant 0 : i32
        %dma_wait3A_1909 = arith.constant 0 : i32
        %dma_wait3A_1910 = tpu.memref_slice %arg10[%dma_wait3A_1908, %dma_wait3A_1909] : memref<128x129xf32, #tpu.memory_space<vmem>> -> memref<8x128xf32, #tpu.memory_space<vmem>>
        tpu.wait_dma2 semaphore(%arg14 : memref<!tpu.dma_semaphore, #tpu.memory_space<semaphore_mem>>) src(%dma_wait3A_1910 : memref<8x128xf32, #tpu.memory_space<vmem>>) dst(%dma_wait3A_1907 : memref<8x128xf32, #tpu.memory_space<hbm>>)
        %mul3A_1911 = arith.constant 4 : i32
        %mul3A_1912 = arith.muli %add3A_1889, %mul3A_1911 : i32
        %add3A_1913 = arith.constant 1 : i32
        %add3A_1914 = arith.addi %mul3A_1912, %add3A_1913 : i32
        %mul3A_1915 = arith.constant 32 : i32
        %mul3A_1916 = arith.muli %add3A_1914, %mul3A_1915 : i32
        %add3A_1917 = arith.addi %mul3A_1916, %select_n3A_1880 : i32
        %dma_wait3A_1918 = arith.constant 8 : i32
        %dma_wait3A_1919 = arith.constant 0 : i32
        %dma_wait3A_1920 = tpu.memref_slice %arg10[%dma_wait3A_1918, %dma_wait3A_1919] : memref<128x129xf32, #tpu.memory_space<vmem>> -> memref<8x128xf32, #tpu.memory_space<vmem>>
        %dma_wait3A_1921 = arith.constant 0 : i32
        %dma_wait3A_1922 = arith.constant 0 : i32
        %dma_wait3A_1923 = tpu.memref_slice %arg4[%add3A_1917, %dma_wait3A_1921, %dma_wait3A_1922] : memref<25600x8x128xf32, #tpu.memory_space<hbm>> -> memref<1x8x128xf32, #tpu.memory_space<hbm>>
        %dma_wait3A_1924 = tpu.memref_squeeze %dma_wait3A_1923 : memref<1x8x128xf32, #tpu.memory_space<hbm>> -> memref<8x128xf32, #tpu.memory_space<hbm>>
        %dma_wait3A_1925 = arith.constant 0 : i32
        %dma_wait3A_1926 = arith.constant 0 : i32
        %dma_wait3A_1927 = tpu.memref_slice %arg4[%add3A_1917, %dma_wait3A_1925, %dma_wait3A_1926] : memref<25600x8x128xf32, #tpu.memory_space<hbm>> -> memref<1x8x128xf32, #tpu.memory_space<hbm>>
        %dma_wait3A_1928 = tpu.memref_squeeze %dma_wait3A_1927 : memref<1x8x128xf32, #tpu.memory_space<hbm>> -> memref<8x128xf32, #tpu.memory_space<hbm>>
        %dma_wait3A_1929 = arith.constant 8 : i32
        %dma_wait3A_1930 = arith.constant 0 : i32
        %dma_wait3A_1931 = tpu.memref_slice %arg10[%dma_wait3A_1929, %dma_wait3A_1930] : memref<128x129xf32, #tpu.memory_space<vmem>> -> memref<8x128xf32, #tpu.memory_space<vmem>>
        tpu.wait_dma2 semaphore(%arg14 : memref<!tpu.dma_semaphore, #tpu.memory_space<semaphore_mem>>) src(%dma_wait3A_1931 : memref<8x128xf32, #tpu.memory_space<vmem>>) dst(%dma_wait3A_1928 : memref<8x128xf32, #tpu.memory_space<hbm>>)
        %mul3A_1932 = arith.constant 4 : i32
        %mul3A_1933 = arith.muli %add3A_1889, %mul3A_1932 : i32
        %add3A_1934 = arith.constant 2 : i32
        %add3A_1935 = arith.addi %mul3A_1933, %add3A_1934 : i32
        %mul3A_1936 = arith.constant 32 : i32
        %mul3A_1937 = arith.muli %add3A_1935, %mul3A_1936 : i32
        %add3A_1938 = arith.addi %mul3A_1937, %select_n3A_1880 : i32
        %dma_wait3A_1939 = arith.constant 16 : i32
        %dma_wait3A_1940 = arith.constant 0 : i32
        %dma_wait3A_1941 = tpu.memref_slice %arg10[%dma_wait3A_1939, %dma_wait3A_1940] : memref<128x129xf32, #tpu.memory_space<vmem>> -> memref<8x128xf32, #tpu.memory_space<vmem>>
        %dma_wait3A_1942 = arith.constant 0 : i32
        %dma_wait3A_1943 = arith.constant 0 : i32
        %dma_wait3A_1944 = tpu.memref_slice %arg4[%add3A_1938, %dma_wait3A_1942, %dma_wait3A_1943] : memref<25600x8x128xf32, #tpu.memory_space<hbm>> -> memref<1x8x128xf32, #tpu.memory_space<hbm>>
        %dma_wait3A_1945 = tpu.memref_squeeze %dma_wait3A_1944 : memref<1x8x128xf32, #tpu.memory_space<hbm>> -> memref<8x128xf32, #tpu.memory_space<hbm>>
        %dma_wait3A_1946 = arith.constant 0 : i32
        %dma_wait3A_1947 = arith.constant 0 : i32
        %dma_wait3A_1948 = tpu.memref_slice %arg4[%add3A_1938, %dma_wait3A_1946, %dma_wait3A_1947] : memref<25600x8x128xf32, #tpu.memory_space<hbm>> -> memref<1x8x128xf32, #tpu.memory_space<hbm>>
        %dma_wait3A_1949 = tpu.memref_squeeze %dma_wait3A_1948 : memref<1x8x128xf32, #tpu.memory_space<hbm>> -> memref<8x128xf32, #tpu.memory_space<hbm>>
        %dma_wait3A_1950 = arith.constant 16 : i32
        %dma_wait3A_1951 = arith.constant 0 : i32
        %dma_wait3A_1952 = tpu.memref_slice %arg10[%dma_wait3A_1950, %dma_wait3A_1951] : memref<128x129xf32, #tpu.memory_space<vmem>> -> memref<8x128xf32, #tpu.memory_space<vmem>>
        tpu.wait_dma2 semaphore(%arg14 : memref<!tpu.dma_semaphore, #tpu.memory_space<semaphore_mem>>) src(%dma_wait3A_1952 : memref<8x128xf32, #tpu.memory_space<vmem>>) dst(%dma_wait3A_1949 : memref<8x128xf32, #tpu.memory_space<hbm>>)
        %mul3A_1953 = arith.constant 4 : i32
        %mul3A_1954 = arith.muli %add3A_1889, %mul3A_1953 : i32
        %add3A_1955 = arith.constant 3 : i32
        %add3A_1956 = arith.addi %mul3A_1954, %add3A_1955 : i32
        %mul3A_1957 = arith.constant 32 : i32
        %mul3A_1958 = arith.muli %add3A_1956, %mul3A_1957 : i32
        %add3A_1959 = arith.addi %mul3A_1958, %select_n3A_1880 : i32
        %dma_wait3A_1960 = arith.constant 24 : i32
        %dma_wait3A_1961 = arith.constant 0 : i32
        %dma_wait3A_1962 = tpu.memref_slice %arg10[%dma_wait3A_1960, %dma_wait3A_1961] : memref<128x129xf32, #tpu.memory_space<vmem>> -> memref<8x128xf32, #tpu.memory_space<vmem>>
        %dma_wait3A_1963 = arith.constant 0 : i32
        %dma_wait3A_1964 = arith.constant 0 : i32
        %dma_wait3A_1965 = tpu.memref_slice %arg4[%add3A_1959, %dma_wait3A_1963, %dma_wait3A_1964] : memref<25600x8x128xf32, #tpu.memory_space<hbm>> -> memref<1x8x128xf32, #tpu.memory_space<hbm>>
        %dma_wait3A_1966 = tpu.memref_squeeze %dma_wait3A_1965 : memref<1x8x128xf32, #tpu.memory_space<hbm>> -> memref<8x128xf32, #tpu.memory_space<hbm>>
        %dma_wait3A_1967 = arith.constant 0 : i32
        %dma_wait3A_1968 = arith.constant 0 : i32
        %dma_wait3A_1969 = tpu.memref_slice %arg4[%add3A_1959, %dma_wait3A_1967, %dma_wait3A_1968] : memref<25600x8x128xf32, #tpu.memory_space<hbm>> -> memref<1x8x128xf32, #tpu.memory_space<hbm>>
        %dma_wait3A_1970 = tpu.memref_squeeze %dma_wait3A_1969 : memref<1x8x128xf32, #tpu.memory_space<hbm>> -> memref<8x128xf32, #tpu.memory_space<hbm>>
        %dma_wait3A_1971 = arith.constant 24 : i32
        %dma_wait3A_1972 = arith.constant 0 : i32
        %dma_wait3A_1973 = tpu.memref_slice %arg10[%dma_wait3A_1971, %dma_wait3A_1972] : memref<128x129xf32, #tpu.memory_space<vmem>> -> memref<8x128xf32, #tpu.memory_space<vmem>>
        tpu.wait_dma2 semaphore(%arg14 : memref<!tpu.dma_semaphore, #tpu.memory_space<semaphore_mem>>) src(%dma_wait3A_1973 : memref<8x128xf32, #tpu.memory_space<vmem>>) dst(%dma_wait3A_1970 : memref<8x128xf32, #tpu.memory_space<hbm>>)
        %mul3A_1974 = arith.constant 8 : i32
        %mul3A_1975 = arith.muli %select_n3A_1854, %mul3A_1974 : i32
        %mul3A_1976 = arith.constant 4 : i32
        %mul3A_1977 = arith.muli %rem3A_1882, %mul3A_1976 : i32
        %add3A_1978 = arith.addi %mul3A_1975, %mul3A_1977 : i32
        %add3A_1979 = arith.constant 1 : i32
        %add3A_1980 = arith.addi %add3A_1978, %add3A_1979 : i32
        %mul3A_1981 = arith.constant 4 : i32
        %mul3A_1982 = arith.muli %add3A_1980, %mul3A_1981 : i32
        %add3A_1983 = arith.constant 0 : i32
        %add3A_1984 = arith.addi %mul3A_1982, %add3A_1983 : i32
        %mul3A_1985 = arith.constant 32 : i32
        %mul3A_1986 = arith.muli %add3A_1984, %mul3A_1985 : i32
        %add3A_1987 = arith.addi %mul3A_1986, %select_n3A_1880 : i32
        %dma_wait3A_1988 = arith.constant 32 : i32
        %dma_wait3A_1989 = arith.constant 0 : i32
        %dma_wait3A_1990 = tpu.memref_slice %arg10[%dma_wait3A_1988, %dma_wait3A_1989] : memref<128x129xf32, #tpu.memory_space<vmem>> -> memref<8x128xf32, #tpu.memory_space<vmem>>
        %dma_wait3A_1991 = arith.constant 0 : i32
        %dma_wait3A_1992 = arith.constant 0 : i32
        %dma_wait3A_1993 = tpu.memref_slice %arg4[%add3A_1987, %dma_wait3A_1991, %dma_wait3A_1992] : memref<25600x8x128xf32, #tpu.memory_space<hbm>> -> memref<1x8x128xf32, #tpu.memory_space<hbm>>
        %dma_wait3A_1994 = tpu.memref_squeeze %dma_wait3A_1993 : memref<1x8x128xf32, #tpu.memory_space<hbm>> -> memref<8x128xf32, #tpu.memory_space<hbm>>
        %dma_wait3A_1995 = arith.constant 0 : i32
        %dma_wait3A_1996 = arith.constant 0 : i32
        %dma_wait3A_1997 = tpu.memref_slice %arg4[%add3A_1987, %dma_wait3A_1995, %dma_wait3A_1996] : memref<25600x8x128xf32, #tpu.memory_space<hbm>> -> memref<1x8x128xf32, #tpu.memory_space<hbm>>
        %dma_wait3A_1998 = tpu.memref_squeeze %dma_wait3A_1997 : memref<1x8x128xf32, #tpu.memory_space<hbm>> -> memref<8x128xf32, #tpu.memory_space<hbm>>
        %dma_wait3A_1999 = arith.constant 32 : i32
        %dma_wait3A_2000 = arith.constant 0 : i32
        %dma_wait3A_2001 = tpu.memref_slice %arg10[%dma_wait3A_1999, %dma_wait3A_2000] : memref<128x129xf32, #tpu.memory_space<vmem>> -> memref<8x128xf32, #tpu.memory_space<vmem>>
        tpu.wait_dma2 semaphore(%arg14 : memref<!tpu.dma_semaphore, #tpu.memory_space<semaphore_mem>>) src(%dma_wait3A_2001 : memref<8x128xf32, #tpu.memory_space<vmem>>) dst(%dma_wait3A_1998 : memref<8x128xf32, #tpu.memory_space<hbm>>)
        %mul3A_2002 = arith.constant 4 : i32
        %mul3A_2003 = arith.muli %add3A_1980, %mul3A_2002 : i32
        %add3A_2004 = arith.constant 1 : i32
        %add3A_2005 = arith.addi %mul3A_2003, %add3A_2004 : i32
        %mul3A_2006 = arith.constant 32 : i32
        %mul3A_2007 = arith.muli %add3A_2005, %mul3A_2006 : i32
        %add3A_2008 = arith.addi %mul3A_2007, %select_n3A_1880 : i32
        %dma_wait3A_2009 = arith.constant 40 : i32
        %dma_wait3A_2010 = arith.constant 0 : i32
        %dma_wait3A_2011 = tpu.memref_slice %arg10[%dma_wait3A_2009, %dma_wait3A_2010] : memref<128x129xf32, #tpu.memory_space<vmem>> -> memref<8x128xf32, #tpu.memory_space<vmem>>
        %dma_wait3A_2012 = arith.constant 0 : i32
        %dma_wait3A_2013 = arith.constant 0 : i32
        %dma_wait3A_2014 = tpu.memref_slice %arg4[%add3A_2008, %dma_wait3A_2012, %dma_wait3A_2013] : memref<25600x8x128xf32, #tpu.memory_space<hbm>> -> memref<1x8x128xf32, #tpu.memory_space<hbm>>
        %dma_wait3A_2015 = tpu.memref_squeeze %dma_wait3A_2014 : memref<1x8x128xf32, #tpu.memory_space<hbm>> -> memref<8x128xf32, #tpu.memory_space<hbm>>
        %dma_wait3A_2016 = arith.constant 0 : i32
        %dma_wait3A_2017 = arith.constant 0 : i32
        %dma_wait3A_2018 = tpu.memref_slice %arg4[%add3A_2008, %dma_wait3A_2016, %dma_wait3A_2017] : memref<25600x8x128xf32, #tpu.memory_space<hbm>> -> memref<1x8x128xf32, #tpu.memory_space<hbm>>
        %dma_wait3A_2019 = tpu.memref_squeeze %dma_wait3A_2018 : memref<1x8x128xf32, #tpu.memory_space<hbm>> -> memref<8x128xf32, #tpu.memory_space<hbm>>
        %dma_wait3A_2020 = arith.constant 40 : i32
        %dma_wait3A_2021 = arith.constant 0 : i32
        %dma_wait3A_2022 = tpu.memref_slice %arg10[%dma_wait3A_2020, %dma_wait3A_2021] : memref<128x129xf32, #tpu.memory_space<vmem>> -> memref<8x128xf32, #tpu.memory_space<vmem>>
        tpu.wait_dma2 semaphore(%arg14 : memref<!tpu.dma_semaphore, #tpu.memory_space<semaphore_mem>>) src(%dma_wait3A_2022 : memref<8x128xf32, #tpu.memory_space<vmem>>) dst(%dma_wait3A_2019 : memref<8x128xf32, #tpu.memory_space<hbm>>)
        %mul3A_2023 = arith.constant 4 : i32
        %mul3A_2024 = arith.muli %add3A_1980, %mul3A_2023 : i32
        %add3A_2025 = arith.constant 2 : i32
        %add3A_2026 = arith.addi %mul3A_2024, %add3A_2025 : i32
        %mul3A_2027 = arith.constant 32 : i32
        %mul3A_2028 = arith.muli %add3A_2026, %mul3A_2027 : i32
        %add3A_2029 = arith.addi %mul3A_2028, %select_n3A_1880 : i32
        %dma_wait3A_2030 = arith.constant 48 : i32
        %dma_wait3A_2031 = arith.constant 0 : i32
        %dma_wait3A_2032 = tpu.memref_slice %arg10[%dma_wait3A_2030, %dma_wait3A_2031] : memref<128x129xf32, #tpu.memory_space<vmem>> -> memref<8x128xf32, #tpu.memory_space<vmem>>
        %dma_wait3A_2033 = arith.constant 0 : i32
        %dma_wait3A_2034 = arith.constant 0 : i32
        %dma_wait3A_2035 = tpu.memref_slice %arg4[%add3A_2029, %dma_wait3A_2033, %dma_wait3A_2034] : memref<25600x8x128xf32, #tpu.memory_space<hbm>> -> memref<1x8x128xf32, #tpu.memory_space<hbm>>
        %dma_wait3A_2036 = tpu.memref_squeeze %dma_wait3A_2035 : memref<1x8x128xf32, #tpu.memory_space<hbm>> -> memref<8x128xf32, #tpu.memory_space<hbm>>
        %dma_wait3A_2037 = arith.constant 0 : i32
        %dma_wait3A_2038 = arith.constant 0 : i32
        %dma_wait3A_2039 = tpu.memref_slice %arg4[%add3A_2029, %dma_wait3A_2037, %dma_wait3A_2038] : memref<25600x8x128xf32, #tpu.memory_space<hbm>> -> memref<1x8x128xf32, #tpu.memory_space<hbm>>
        %dma_wait3A_2040 = tpu.memref_squeeze %dma_wait3A_2039 : memref<1x8x128xf32, #tpu.memory_space<hbm>> -> memref<8x128xf32, #tpu.memory_space<hbm>>
        %dma_wait3A_2041 = arith.constant 48 : i32
        %dma_wait3A_2042 = arith.constant 0 : i32
        %dma_wait3A_2043 = tpu.memref_slice %arg10[%dma_wait3A_2041, %dma_wait3A_2042] : memref<128x129xf32, #tpu.memory_space<vmem>> -> memref<8x128xf32, #tpu.memory_space<vmem>>
        tpu.wait_dma2 semaphore(%arg14 : memref<!tpu.dma_semaphore, #tpu.memory_space<semaphore_mem>>) src(%dma_wait3A_2043 : memref<8x128xf32, #tpu.memory_space<vmem>>) dst(%dma_wait3A_2040 : memref<8x128xf32, #tpu.memory_space<hbm>>)
        %mul3A_2044 = arith.constant 4 : i32
        %mul3A_2045 = arith.muli %add3A_1980, %mul3A_2044 : i32
        %add3A_2046 = arith.constant 3 : i32
        %add3A_2047 = arith.addi %mul3A_2045, %add3A_2046 : i32
        %mul3A_2048 = arith.constant 32 : i32
        %mul3A_2049 = arith.muli %add3A_2047, %mul3A_2048 : i32
        %add3A_2050 = arith.addi %mul3A_2049, %select_n3A_1880 : i32
        %dma_wait3A_2051 = arith.constant 56 : i32
        %dma_wait3A_2052 = arith.constant 0 : i32
        %dma_wait3A_2053 = tpu.memref_slice %arg10[%dma_wait3A_2051, %dma_wait3A_2052] : memref<128x129xf32, #tpu.memory_space<vmem>> -> memref<8x128xf32, #tpu.memory_space<vmem>>
        %dma_wait3A_2054 = arith.constant 0 : i32
        %dma_wait3A_2055 = arith.constant 0 : i32
        %dma_wait3A_2056 = tpu.memref_slice %arg4[%add3A_2050, %dma_wait3A_2054, %dma_wait3A_2055] : memref<25600x8x128xf32, #tpu.memory_space<hbm>> -> memref<1x8x128xf32, #tpu.memory_space<hbm>>
        %dma_wait3A_2057 = tpu.memref_squeeze %dma_wait3A_2056 : memref<1x8x128xf32, #tpu.memory_space<hbm>> -> memref<8x128xf32, #tpu.memory_space<hbm>>
        %dma_wait3A_2058 = arith.constant 0 : i32
        %dma_wait3A_2059 = arith.constant 0 : i32
        %dma_wait3A_2060 = tpu.memref_slice %arg4[%add3A_2050, %dma_wait3A_2058, %dma_wait3A_2059] : memref<25600x8x128xf32, #tpu.memory_space<hbm>> -> memref<1x8x128xf32, #tpu.memory_space<hbm>>
        %dma_wait3A_2061 = tpu.memref_squeeze %dma_wait3A_2060 : memref<1x8x128xf32, #tpu.memory_space<hbm>> -> memref<8x128xf32, #tpu.memory_space<hbm>>
        %dma_wait3A_2062 = arith.constant 56 : i32
        %dma_wait3A_2063 = arith.constant 0 : i32
        %dma_wait3A_2064 = tpu.memref_slice %arg10[%dma_wait3A_2062, %dma_wait3A_2063] : memref<128x129xf32, #tpu.memory_space<vmem>> -> memref<8x128xf32, #tpu.memory_space<vmem>>
        tpu.wait_dma2 semaphore(%arg14 : memref<!tpu.dma_semaphore, #tpu.memory_space<semaphore_mem>>) src(%dma_wait3A_2064 : memref<8x128xf32, #tpu.memory_space<vmem>>) dst(%dma_wait3A_2061 : memref<8x128xf32, #tpu.memory_space<hbm>>)
        %mul3A_2065 = arith.constant 8 : i32
        %mul3A_2066 = arith.muli %select_n3A_1854, %mul3A_2065 : i32
        %mul3A_2067 = arith.constant 4 : i32
        %mul3A_2068 = arith.muli %rem3A_1882, %mul3A_2067 : i32
        %add3A_2069 = arith.addi %mul3A_2066, %mul3A_2068 : i32
        %add3A_2070 = arith.constant 2 : i32
        %add3A_2071 = arith.addi %add3A_2069, %add3A_2070 : i32
        %mul3A_2072 = arith.constant 4 : i32
        %mul3A_2073 = arith.muli %add3A_2071, %mul3A_2072 : i32
        %add3A_2074 = arith.constant 0 : i32
        %add3A_2075 = arith.addi %mul3A_2073, %add3A_2074 : i32
        %mul3A_2076 = arith.constant 32 : i32
        %mul3A_2077 = arith.muli %add3A_2075, %mul3A_2076 : i32
        %add3A_2078 = arith.addi %mul3A_2077, %select_n3A_1880 : i32
        %dma_wait3A_2079 = arith.constant 64 : i32
        %dma_wait3A_2080 = arith.constant 0 : i32
        %dma_wait3A_2081 = tpu.memref_slice %arg10[%dma_wait3A_2079, %dma_wait3A_2080] : memref<128x129xf32, #tpu.memory_space<vmem>> -> memref<8x128xf32, #tpu.memory_space<vmem>>
        %dma_wait3A_2082 = arith.constant 0 : i32
        %dma_wait3A_2083 = arith.constant 0 : i32
        %dma_wait3A_2084 = tpu.memref_slice %arg4[%add3A_2078, %dma_wait3A_2082, %dma_wait3A_2083] : memref<25600x8x128xf32, #tpu.memory_space<hbm>> -> memref<1x8x128xf32, #tpu.memory_space<hbm>>
        %dma_wait3A_2085 = tpu.memref_squeeze %dma_wait3A_2084 : memref<1x8x128xf32, #tpu.memory_space<hbm>> -> memref<8x128xf32, #tpu.memory_space<hbm>>
        %dma_wait3A_2086 = arith.constant 0 : i32
        %dma_wait3A_2087 = arith.constant 0 : i32
        %dma_wait3A_2088 = tpu.memref_slice %arg4[%add3A_2078, %dma_wait3A_2086, %dma_wait3A_2087] : memref<25600x8x128xf32, #tpu.memory_space<hbm>> -> memref<1x8x128xf32, #tpu.memory_space<hbm>>
        %dma_wait3A_2089 = tpu.memref_squeeze %dma_wait3A_2088 : memref<1x8x128xf32, #tpu.memory_space<hbm>> -> memref<8x128xf32, #tpu.memory_space<hbm>>
        %dma_wait3A_2090 = arith.constant 64 : i32
        %dma_wait3A_2091 = arith.constant 0 : i32
        %dma_wait3A_2092 = tpu.memref_slice %arg10[%dma_wait3A_2090, %dma_wait3A_2091] : memref<128x129xf32, #tpu.memory_space<vmem>> -> memref<8x128xf32, #tpu.memory_space<vmem>>
        tpu.wait_dma2 semaphore(%arg14 : memref<!tpu.dma_semaphore, #tpu.memory_space<semaphore_mem>>) src(%dma_wait3A_2092 : memref<8x128xf32, #tpu.memory_space<vmem>>) dst(%dma_wait3A_2089 : memref<8x128xf32, #tpu.memory_space<hbm>>)
        %mul3A_2093 = arith.constant 4 : i32
        %mul3A_2094 = arith.muli %add3A_2071, %mul3A_2093 : i32
        %add3A_2095 = arith.constant 1 : i32
        %add3A_2096 = arith.addi %mul3A_2094, %add3A_2095 : i32
        %mul3A_2097 = arith.constant 32 : i32
        %mul3A_2098 = arith.muli %add3A_2096, %mul3A_2097 : i32
        %add3A_2099 = arith.addi %mul3A_2098, %select_n3A_1880 : i32
        %dma_wait3A_2100 = arith.constant 72 : i32
        %dma_wait3A_2101 = arith.constant 0 : i32
        %dma_wait3A_2102 = tpu.memref_slice %arg10[%dma_wait3A_2100, %dma_wait3A_2101] : memref<128x129xf32, #tpu.memory_space<vmem>> -> memref<8x128xf32, #tpu.memory_space<vmem>>
        %dma_wait3A_2103 = arith.constant 0 : i32
        %dma_wait3A_2104 = arith.constant 0 : i32
        %dma_wait3A_2105 = tpu.memref_slice %arg4[%add3A_2099, %dma_wait3A_2103, %dma_wait3A_2104] : memref<25600x8x128xf32, #tpu.memory_space<hbm>> -> memref<1x8x128xf32, #tpu.memory_space<hbm>>
        %dma_wait3A_2106 = tpu.memref_squeeze %dma_wait3A_2105 : memref<1x8x128xf32, #tpu.memory_space<hbm>> -> memref<8x128xf32, #tpu.memory_space<hbm>>
        %dma_wait3A_2107 = arith.constant 0 : i32
        %dma_wait3A_2108 = arith.constant 0 : i32
        %dma_wait3A_2109 = tpu.memref_slice %arg4[%add3A_2099, %dma_wait3A_2107, %dma_wait3A_2108] : memref<25600x8x128xf32, #tpu.memory_space<hbm>> -> memref<1x8x128xf32, #tpu.memory_space<hbm>>
        %dma_wait3A_2110 = tpu.memref_squeeze %dma_wait3A_2109 : memref<1x8x128xf32, #tpu.memory_space<hbm>> -> memref<8x128xf32, #tpu.memory_space<hbm>>
        %dma_wait3A_2111 = arith.constant 72 : i32
        %dma_wait3A_2112 = arith.constant 0 : i32
        %dma_wait3A_2113 = tpu.memref_slice %arg10[%dma_wait3A_2111, %dma_wait3A_2112] : memref<128x129xf32, #tpu.memory_space<vmem>> -> memref<8x128xf32, #tpu.memory_space<vmem>>
        tpu.wait_dma2 semaphore(%arg14 : memref<!tpu.dma_semaphore, #tpu.memory_space<semaphore_mem>>) src(%dma_wait3A_2113 : memref<8x128xf32, #tpu.memory_space<vmem>>) dst(%dma_wait3A_2110 : memref<8x128xf32, #tpu.memory_space<hbm>>)
        %mul3A_2114 = arith.constant 4 : i32
        %mul3A_2115 = arith.muli %add3A_2071, %mul3A_2114 : i32
        %add3A_2116 = arith.constant 2 : i32
        %add3A_2117 = arith.addi %mul3A_2115, %add3A_2116 : i32
        %mul3A_2118 = arith.constant 32 : i32
        %mul3A_2119 = arith.muli %add3A_2117, %mul3A_2118 : i32
        %add3A_2120 = arith.addi %mul3A_2119, %select_n3A_1880 : i32
        %dma_wait3A_2121 = arith.constant 80 : i32
        %dma_wait3A_2122 = arith.constant 0 : i32
        %dma_wait3A_2123 = tpu.memref_slice %arg10[%dma_wait3A_2121, %dma_wait3A_2122] : memref<128x129xf32, #tpu.memory_space<vmem>> -> memref<8x128xf32, #tpu.memory_space<vmem>>
        %dma_wait3A_2124 = arith.constant 0 : i32
        %dma_wait3A_2125 = arith.constant 0 : i32
        %dma_wait3A_2126 = tpu.memref_slice %arg4[%add3A_2120, %dma_wait3A_2124, %dma_wait3A_2125] : memref<25600x8x128xf32, #tpu.memory_space<hbm>> -> memref<1x8x128xf32, #tpu.memory_space<hbm>>
        %dma_wait3A_2127 = tpu.memref_squeeze %dma_wait3A_2126 : memref<1x8x128xf32, #tpu.memory_space<hbm>> -> memref<8x128xf32, #tpu.memory_space<hbm>>
        %dma_wait3A_2128 = arith.constant 0 : i32
        %dma_wait3A_2129 = arith.constant 0 : i32
        %dma_wait3A_2130 = tpu.memref_slice %arg4[%add3A_2120, %dma_wait3A_2128, %dma_wait3A_2129] : memref<25600x8x128xf32, #tpu.memory_space<hbm>> -> memref<1x8x128xf32, #tpu.memory_space<hbm>>
        %dma_wait3A_2131 = tpu.memref_squeeze %dma_wait3A_2130 : memref<1x8x128xf32, #tpu.memory_space<hbm>> -> memref<8x128xf32, #tpu.memory_space<hbm>>
        %dma_wait3A_2132 = arith.constant 80 : i32
        %dma_wait3A_2133 = arith.constant 0 : i32
        %dma_wait3A_2134 = tpu.memref_slice %arg10[%dma_wait3A_2132, %dma_wait3A_2133] : memref<128x129xf32, #tpu.memory_space<vmem>> -> memref<8x128xf32, #tpu.memory_space<vmem>>
        tpu.wait_dma2 semaphore(%arg14 : memref<!tpu.dma_semaphore, #tpu.memory_space<semaphore_mem>>) src(%dma_wait3A_2134 : memref<8x128xf32, #tpu.memory_space<vmem>>) dst(%dma_wait3A_2131 : memref<8x128xf32, #tpu.memory_space<hbm>>)
        %mul3A_2135 = arith.constant 4 : i32
        %mul3A_2136 = arith.muli %add3A_2071, %mul3A_2135 : i32
        %add3A_2137 = arith.constant 3 : i32
        %add3A_2138 = arith.addi %mul3A_2136, %add3A_2137 : i32
        %mul3A_2139 = arith.constant 32 : i32
        %mul3A_2140 = arith.muli %add3A_2138, %mul3A_2139 : i32
        %add3A_2141 = arith.addi %mul3A_2140, %select_n3A_1880 : i32
        %dma_wait3A_2142 = arith.constant 88 : i32
        %dma_wait3A_2143 = arith.constant 0 : i32
        %dma_wait3A_2144 = tpu.memref_slice %arg10[%dma_wait3A_2142, %dma_wait3A_2143] : memref<128x129xf32, #tpu.memory_space<vmem>> -> memref<8x128xf32, #tpu.memory_space<vmem>>
        %dma_wait3A_2145 = arith.constant 0 : i32
        %dma_wait3A_2146 = arith.constant 0 : i32
        %dma_wait3A_2147 = tpu.memref_slice %arg4[%add3A_2141, %dma_wait3A_2145, %dma_wait3A_2146] : memref<25600x8x128xf32, #tpu.memory_space<hbm>> -> memref<1x8x128xf32, #tpu.memory_space<hbm>>
        %dma_wait3A_2148 = tpu.memref_squeeze %dma_wait3A_2147 : memref<1x8x128xf32, #tpu.memory_space<hbm>> -> memref<8x128xf32, #tpu.memory_space<hbm>>
        %dma_wait3A_2149 = arith.constant 0 : i32
        %dma_wait3A_2150 = arith.constant 0 : i32
        %dma_wait3A_2151 = tpu.memref_slice %arg4[%add3A_2141, %dma_wait3A_2149, %dma_wait3A_2150] : memref<25600x8x128xf32, #tpu.memory_space<hbm>> -> memref<1x8x128xf32, #tpu.memory_space<hbm>>
        %dma_wait3A_2152 = tpu.memref_squeeze %dma_wait3A_2151 : memref<1x8x128xf32, #tpu.memory_space<hbm>> -> memref<8x128xf32, #tpu.memory_space<hbm>>
        %dma_wait3A_2153 = arith.constant 88 : i32
        %dma_wait3A_2154 = arith.constant 0 : i32
        %dma_wait3A_2155 = tpu.memref_slice %arg10[%dma_wait3A_2153, %dma_wait3A_2154] : memref<128x129xf32, #tpu.memory_space<vmem>> -> memref<8x128xf32, #tpu.memory_space<vmem>>
        tpu.wait_dma2 semaphore(%arg14 : memref<!tpu.dma_semaphore, #tpu.memory_space<semaphore_mem>>) src(%dma_wait3A_2155 : memref<8x128xf32, #tpu.memory_space<vmem>>) dst(%dma_wait3A_2152 : memref<8x128xf32, #tpu.memory_space<hbm>>)
        %mul3A_2156 = arith.constant 8 : i32
        %mul3A_2157 = arith.muli %select_n3A_1854, %mul3A_2156 : i32
        %mul3A_2158 = arith.constant 4 : i32
        %mul3A_2159 = arith.muli %rem3A_1882, %mul3A_2158 : i32
        %add3A_2160 = arith.addi %mul3A_2157, %mul3A_2159 : i32
        %add3A_2161 = arith.constant 3 : i32
        %add3A_2162 = arith.addi %add3A_2160, %add3A_2161 : i32
        %mul3A_2163 = arith.constant 4 : i32
        %mul3A_2164 = arith.muli %add3A_2162, %mul3A_2163 : i32
        %add3A_2165 = arith.constant 0 : i32
        %add3A_2166 = arith.addi %mul3A_2164, %add3A_2165 : i32
        %mul3A_2167 = arith.constant 32 : i32
        %mul3A_2168 = arith.muli %add3A_2166, %mul3A_2167 : i32
        %add3A_2169 = arith.addi %mul3A_2168, %select_n3A_1880 : i32
        %dma_wait3A_2170 = arith.constant 96 : i32
        %dma_wait3A_2171 = arith.constant 0 : i32
        %dma_wait3A_2172 = tpu.memref_slice %arg10[%dma_wait3A_2170, %dma_wait3A_2171] : memref<128x129xf32, #tpu.memory_space<vmem>> -> memref<8x128xf32, #tpu.memory_space<vmem>>
        %dma_wait3A_2173 = arith.constant 0 : i32
        %dma_wait3A_2174 = arith.constant 0 : i32
        %dma_wait3A_2175 = tpu.memref_slice %arg4[%add3A_2169, %dma_wait3A_2173, %dma_wait3A_2174] : memref<25600x8x128xf32, #tpu.memory_space<hbm>> -> memref<1x8x128xf32, #tpu.memory_space<hbm>>
        %dma_wait3A_2176 = tpu.memref_squeeze %dma_wait3A_2175 : memref<1x8x128xf32, #tpu.memory_space<hbm>> -> memref<8x128xf32, #tpu.memory_space<hbm>>
        %dma_wait3A_2177 = arith.constant 0 : i32
        %dma_wait3A_2178 = arith.constant 0 : i32
        %dma_wait3A_2179 = tpu.memref_slice %arg4[%add3A_2169, %dma_wait3A_2177, %dma_wait3A_2178] : memref<25600x8x128xf32, #tpu.memory_space<hbm>> -> memref<1x8x128xf32, #tpu.memory_space<hbm>>
        %dma_wait3A_2180 = tpu.memref_squeeze %dma_wait3A_2179 : memref<1x8x128xf32, #tpu.memory_space<hbm>> -> memref<8x128xf32, #tpu.memory_space<hbm>>
        %dma_wait3A_2181 = arith.constant 96 : i32
        %dma_wait3A_2182 = arith.constant 0 : i32
        %dma_wait3A_2183 = tpu.memref_slice %arg10[%dma_wait3A_2181, %dma_wait3A_2182] : memref<128x129xf32, #tpu.memory_space<vmem>> -> memref<8x128xf32, #tpu.memory_space<vmem>>
        tpu.wait_dma2 semaphore(%arg14 : memref<!tpu.dma_semaphore, #tpu.memory_space<semaphore_mem>>) src(%dma_wait3A_2183 : memref<8x128xf32, #tpu.memory_space<vmem>>) dst(%dma_wait3A_2180 : memref<8x128xf32, #tpu.memory_space<hbm>>)
        %mul3A_2184 = arith.constant 4 : i32
        %mul3A_2185 = arith.muli %add3A_2162, %mul3A_2184 : i32
        %add3A_2186 = arith.constant 1 : i32
        %add3A_2187 = arith.addi %mul3A_2185, %add3A_2186 : i32
        %mul3A_2188 = arith.constant 32 : i32
        %mul3A_2189 = arith.muli %add3A_2187, %mul3A_2188 : i32
        %add3A_2190 = arith.addi %mul3A_2189, %select_n3A_1880 : i32
        %dma_wait3A_2191 = arith.constant 104 : i32
        %dma_wait3A_2192 = arith.constant 0 : i32
        %dma_wait3A_2193 = tpu.memref_slice %arg10[%dma_wait3A_2191, %dma_wait3A_2192] : memref<128x129xf32, #tpu.memory_space<vmem>> -> memref<8x128xf32, #tpu.memory_space<vmem>>
        %dma_wait3A_2194 = arith.constant 0 : i32
        %dma_wait3A_2195 = arith.constant 0 : i32
        %dma_wait3A_2196 = tpu.memref_slice %arg4[%add3A_2190, %dma_wait3A_2194, %dma_wait3A_2195] : memref<25600x8x128xf32, #tpu.memory_space<hbm>> -> memref<1x8x128xf32, #tpu.memory_space<hbm>>
        %dma_wait3A_2197 = tpu.memref_squeeze %dma_wait3A_2196 : memref<1x8x128xf32, #tpu.memory_space<hbm>> -> memref<8x128xf32, #tpu.memory_space<hbm>>
        %dma_wait3A_2198 = arith.constant 0 : i32
        %dma_wait3A_2199 = arith.constant 0 : i32
        %dma_wait3A_2200 = tpu.memref_slice %arg4[%add3A_2190, %dma_wait3A_2198, %dma_wait3A_2199] : memref<25600x8x128xf32, #tpu.memory_space<hbm>> -> memref<1x8x128xf32, #tpu.memory_space<hbm>>
        %dma_wait3A_2201 = tpu.memref_squeeze %dma_wait3A_2200 : memref<1x8x128xf32, #tpu.memory_space<hbm>> -> memref<8x128xf32, #tpu.memory_space<hbm>>
        %dma_wait3A_2202 = arith.constant 104 : i32
        %dma_wait3A_2203 = arith.constant 0 : i32
        %dma_wait3A_2204 = tpu.memref_slice %arg10[%dma_wait3A_2202, %dma_wait3A_2203] : memref<128x129xf32, #tpu.memory_space<vmem>> -> memref<8x128xf32, #tpu.memory_space<vmem>>
        tpu.wait_dma2 semaphore(%arg14 : memref<!tpu.dma_semaphore, #tpu.memory_space<semaphore_mem>>) src(%dma_wait3A_2204 : memref<8x128xf32, #tpu.memory_space<vmem>>) dst(%dma_wait3A_2201 : memref<8x128xf32, #tpu.memory_space<hbm>>)
        %mul3A_2205 = arith.constant 4 : i32
        %mul3A_2206 = arith.muli %add3A_2162, %mul3A_2205 : i32
        %add3A_2207 = arith.constant 2 : i32
        %add3A_2208 = arith.addi %mul3A_2206, %add3A_2207 : i32
        %mul3A_2209 = arith.constant 32 : i32
        %mul3A_2210 = arith.muli %add3A_2208, %mul3A_2209 : i32
        %add3A_2211 = arith.addi %mul3A_2210, %select_n3A_1880 : i32
        %dma_wait3A_2212 = arith.constant 112 : i32
        %dma_wait3A_2213 = arith.constant 0 : i32
        %dma_wait3A_2214 = tpu.memref_slice %arg10[%dma_wait3A_2212, %dma_wait3A_2213] : memref<128x129xf32, #tpu.memory_space<vmem>> -> memref<8x128xf32, #tpu.memory_space<vmem>>
        %dma_wait3A_2215 = arith.constant 0 : i32
        %dma_wait3A_2216 = arith.constant 0 : i32
        %dma_wait3A_2217 = tpu.memref_slice %arg4[%add3A_2211, %dma_wait3A_2215, %dma_wait3A_2216] : memref<25600x8x128xf32, #tpu.memory_space<hbm>> -> memref<1x8x128xf32, #tpu.memory_space<hbm>>
        %dma_wait3A_2218 = tpu.memref_squeeze %dma_wait3A_2217 : memref<1x8x128xf32, #tpu.memory_space<hbm>> -> memref<8x128xf32, #tpu.memory_space<hbm>>
        %dma_wait3A_2219 = arith.constant 0 : i32
        %dma_wait3A_2220 = arith.constant 0 : i32
        %dma_wait3A_2221 = tpu.memref_slice %arg4[%add3A_2211, %dma_wait3A_2219, %dma_wait3A_2220] : memref<25600x8x128xf32, #tpu.memory_space<hbm>> -> memref<1x8x128xf32, #tpu.memory_space<hbm>>
        %dma_wait3A_2222 = tpu.memref_squeeze %dma_wait3A_2221 : memref<1x8x128xf32, #tpu.memory_space<hbm>> -> memref<8x128xf32, #tpu.memory_space<hbm>>
        %dma_wait3A_2223 = arith.constant 112 : i32
        %dma_wait3A_2224 = arith.constant 0 : i32
        %dma_wait3A_2225 = tpu.memref_slice %arg10[%dma_wait3A_2223, %dma_wait3A_2224] : memref<128x129xf32, #tpu.memory_space<vmem>> -> memref<8x128xf32, #tpu.memory_space<vmem>>
        tpu.wait_dma2 semaphore(%arg14 : memref<!tpu.dma_semaphore, #tpu.memory_space<semaphore_mem>>) src(%dma_wait3A_2225 : memref<8x128xf32, #tpu.memory_space<vmem>>) dst(%dma_wait3A_2222 : memref<8x128xf32, #tpu.memory_space<hbm>>)
        %mul3A_2226 = arith.constant 4 : i32
        %mul3A_2227 = arith.muli %add3A_2162, %mul3A_2226 : i32
        %add3A_2228 = arith.constant 3 : i32
        %add3A_2229 = arith.addi %mul3A_2227, %add3A_2228 : i32
        %mul3A_2230 = arith.constant 32 : i32
        %mul3A_2231 = arith.muli %add3A_2229, %mul3A_2230 : i32
        %add3A_2232 = arith.addi %mul3A_2231, %select_n3A_1880 : i32
        %dma_wait3A_2233 = arith.constant 120 : i32
        %dma_wait3A_2234 = arith.constant 0 : i32
        %dma_wait3A_2235 = tpu.memref_slice %arg10[%dma_wait3A_2233, %dma_wait3A_2234] : memref<128x129xf32, #tpu.memory_space<vmem>> -> memref<8x128xf32, #tpu.memory_space<vmem>>
        %dma_wait3A_2236 = arith.constant 0 : i32
        %dma_wait3A_2237 = arith.constant 0 : i32
        %dma_wait3A_2238 = tpu.memref_slice %arg4[%add3A_2232, %dma_wait3A_2236, %dma_wait3A_2237] : memref<25600x8x128xf32, #tpu.memory_space<hbm>> -> memref<1x8x128xf32, #tpu.memory_space<hbm>>
        %dma_wait3A_2239 = tpu.memref_squeeze %dma_wait3A_2238 : memref<1x8x128xf32, #tpu.memory_space<hbm>> -> memref<8x128xf32, #tpu.memory_space<hbm>>
        %dma_wait3A_2240 = arith.constant 0 : i32
        %dma_wait3A_2241 = arith.constant 0 : i32
        %dma_wait3A_2242 = tpu.memref_slice %arg4[%add3A_2232, %dma_wait3A_2240, %dma_wait3A_2241] : memref<25600x8x128xf32, #tpu.memory_space<hbm>> -> memref<1x8x128xf32, #tpu.memory_space<hbm>>
        %dma_wait3A_2243 = tpu.memref_squeeze %dma_wait3A_2242 : memref<1x8x128xf32, #tpu.memory_space<hbm>> -> memref<8x128xf32, #tpu.memory_space<hbm>>
        %dma_wait3A_2244 = arith.constant 120 : i32
        %dma_wait3A_2245 = arith.constant 0 : i32
        %dma_wait3A_2246 = tpu.memref_slice %arg10[%dma_wait3A_2244, %dma_wait3A_2245] : memref<128x129xf32, #tpu.memory_space<vmem>> -> memref<8x128xf32, #tpu.memory_space<vmem>>
        tpu.wait_dma2 semaphore(%arg14 : memref<!tpu.dma_semaphore, #tpu.memory_space<semaphore_mem>>) src(%dma_wait3A_2246 : memref<8x128xf32, #tpu.memory_space<vmem>>) dst(%dma_wait3A_2243 : memref<8x128xf32, #tpu.memory_space<hbm>>)
      } else {
      }
      %mul3A_880 = arith.constant 512 : i32
      %mul3A_881 = arith.muli %add3A_877, %mul3A_880 : i32
      "tpu.region"() ({
        %run_scoped3A = tpu.sem_alloc : memref<!tpu.dma_semaphore, #tpu.memory_space<semaphore_mem>>
        %dma_start3A_1829 = tpu.memref_slice %arg2[%mul3A_881] : memref<819200xi32, #tpu.memory_space<hbm>> -> memref<512xi32, #tpu.memory_space<hbm>>
        %dma_start3A_1830 = tpu.memref_slice %arg2[%mul3A_881] : memref<819200xi32, #tpu.memory_space<hbm>> -> memref<512xi32, #tpu.memory_space<hbm>>
        tpu.enqueue_dma source(%dma_start3A_1830 : memref<512xi32, #tpu.memory_space<hbm>>) target(%arg6 : memref<512xi32, #tpu.memory_space<vmem>>) target_semaphore(%run_scoped3A : memref<!tpu.dma_semaphore, #tpu.memory_space<semaphore_mem>>)
        %dma_wait3A_1831 = tpu.memref_slice %arg2[%mul3A_881] : memref<819200xi32, #tpu.memory_space<hbm>> -> memref<512xi32, #tpu.memory_space<hbm>>
        %dma_wait3A_1832 = tpu.memref_slice %arg2[%mul3A_881] : memref<819200xi32, #tpu.memory_space<hbm>> -> memref<512xi32, #tpu.memory_space<hbm>>
        tpu.wait_dma2 semaphore(%run_scoped3A : memref<!tpu.dma_semaphore, #tpu.memory_space<semaphore_mem>>) src(%dma_wait3A_1832 : memref<512xi32, #tpu.memory_space<hbm>>) dst(%arg6 : memref<512xi32, #tpu.memory_space<vmem>>)
        tpu.yield
      }) : () -> ()
      %dma_start3A_882 = arith.constant 0 : i32
      %dma_start3A_883 = arith.constant 0 : i32
      %dma_start3A_884 = tpu.memref_slice %arg8[%dma_start3A_882, %dma_start3A_883] : memref<512x32xf32, #tpu.memory_space<vmem>> -> memref<128x32xf32, #tpu.memory_space<vmem>>
      %dma_start3A_885 = arith.constant 0 : i32
      %dma_start3A_886 = tpu.memref_slice %arg6[%dma_start3A_885] : memref<512xi32, #tpu.memory_space<vmem>> -> memref<128xi32, #tpu.memory_space<vmem>>
      %dma_start3A_887 = arith.constant 0 : i32
      %dma_start3A_888 = arith.constant 0 : i32
      %dma_start3A_889 = tpu.memref_slice %arg3[%dma_start3A_887, %dma_start3A_888] : memref<1000064x32xf32, #tpu.memory_space<hbm>> -> memref<1000064x32xf32, #tpu.memory_space<hbm>>
      tpu.enqueue_indirect_dma source(%dma_start3A_889 : memref<1000064x32xf32, #tpu.memory_space<hbm>>) target(%dma_start3A_884 : memref<128x32xf32, #tpu.memory_space<vmem>>) offsets(%dma_start3A_886 : memref<128xi32, #tpu.memory_space<vmem>>) semaphore(%arg12 : memref<!tpu.dma_semaphore, #tpu.memory_space<semaphore_mem>>)
      %dma_start3A_890 = arith.constant 128 : i32
      %dma_start3A_891 = arith.constant 0 : i32
      %dma_start3A_892 = tpu.memref_slice %arg8[%dma_start3A_890, %dma_start3A_891] : memref<512x32xf32, #tpu.memory_space<vmem>> -> memref<128x32xf32, #tpu.memory_space<vmem>>
      %dma_start3A_893 = arith.constant 128 : i32
      %dma_start3A_894 = tpu.memref_slice %arg6[%dma_start3A_893] : memref<512xi32, #tpu.memory_space<vmem>> -> memref<128xi32, #tpu.memory_space<vmem>>
      %dma_start3A_895 = arith.constant 0 : i32
      %dma_start3A_896 = arith.constant 0 : i32
      %dma_start3A_897 = tpu.memref_slice %arg3[%dma_start3A_895, %dma_start3A_896] : memref<1000064x32xf32, #tpu.memory_space<hbm>> -> memref<1000064x32xf32, #tpu.memory_space<hbm>>
      tpu.enqueue_indirect_dma source(%dma_start3A_897 : memref<1000064x32xf32, #tpu.memory_space<hbm>>) target(%dma_start3A_892 : memref<128x32xf32, #tpu.memory_space<vmem>>) offsets(%dma_start3A_894 : memref<128xi32, #tpu.memory_space<vmem>>) semaphore(%arg12 : memref<!tpu.dma_semaphore, #tpu.memory_space<semaphore_mem>>)
      %dma_start3A_898 = arith.constant 256 : i32
      %dma_start3A_899 = arith.constant 0 : i32
      %dma_start3A_900 = tpu.memref_slice %arg8[%dma_start3A_898, %dma_start3A_899] : memref<512x32xf32, #tpu.memory_space<vmem>> -> memref<128x32xf32, #tpu.memory_space<vmem>>
      %dma_start3A_901 = arith.constant 256 : i32
      %dma_start3A_902 = tpu.memref_slice %arg6[%dma_start3A_901] : memref<512xi32, #tpu.memory_space<vmem>> -> memref<128xi32, #tpu.memory_space<vmem>>
      %dma_start3A_903 = arith.constant 0 : i32
      %dma_start3A_904 = arith.constant 0 : i32
      %dma_start3A_905 = tpu.memref_slice %arg3[%dma_start3A_903, %dma_start3A_904] : memref<1000064x32xf32, #tpu.memory_space<hbm>> -> memref<1000064x32xf32, #tpu.memory_space<hbm>>
      tpu.enqueue_indirect_dma source(%dma_start3A_905 : memref<1000064x32xf32, #tpu.memory_space<hbm>>) target(%dma_start3A_900 : memref<128x32xf32, #tpu.memory_space<vmem>>) offsets(%dma_start3A_902 : memref<128xi32, #tpu.memory_space<vmem>>) semaphore(%arg12 : memref<!tpu.dma_semaphore, #tpu.memory_space<semaphore_mem>>)
      %dma_start3A_906 = arith.constant 384 : i32
      %dma_start3A_907 = arith.constant 0 : i32
      %dma_start3A_908 = tpu.memref_slice %arg8[%dma_start3A_906, %dma_start3A_907] : memref<512x32xf32, #tpu.memory_space<vmem>> -> memref<128x32xf32, #tpu.memory_space<vmem>>
      %dma_start3A_909 = arith.constant 384 : i32
      %dma_start3A_910 = tpu.memref_slice %arg6[%dma_start3A_909] : memref<512xi32, #tpu.memory_space<vmem>> -> memref<128xi32, #tpu.memory_space<vmem>>
      %dma_start3A_911 = arith.constant 0 : i32
      %dma_start3A_912 = arith.constant 0 : i32
      %dma_start3A_913 = tpu.memref_slice %arg3[%dma_start3A_911, %dma_start3A_912] : memref<1000064x32xf32, #tpu.memory_space<hbm>> -> memref<1000064x32xf32, #tpu.memory_space<hbm>>
      tpu.enqueue_indirect_dma source(%dma_start3A_913 : memref<1000064x32xf32, #tpu.memory_space<hbm>>) target(%dma_start3A_908 : memref<128x32xf32, #tpu.memory_space<vmem>>) offsets(%dma_start3A_910 : memref<128xi32, #tpu.memory_space<vmem>>) semaphore(%arg12 : memref<!tpu.dma_semaphore, #tpu.memory_space<semaphore_mem>>)
      %gt3A_914 = arith.constant 0 : i32
      %gt3A_915 = arith.cmpi sgt, %scan3A_872, %gt3A_914 : i32
      %convert_element_type3A_916 = arith.extui %gt3A_915 : i1 to i32
      %cond3A_917 = arith.constant 0 : i32
      %cond3A_918 = arith.cmpi ne, %convert_element_type3A_916, %cond3A_917 : i32
      scf.if %cond3A_918 {
        %sub3A_1829 = arith.constant 2 : i32
        %sub3A_1830 = arith.subi %add3A_875, %sub3A_1829 : i32
        %jit3A_1831 = arith.constant 64 : i32
        %div3A_1832 = arith.divsi %sub3A_1830, %jit3A_1831 : i32
        %sign3A_1833 = arith.constant 0 : i32
        %sign3A_1834 = arith.cmpi sgt, %sub3A_1830, %sign3A_1833 : i32
        %sign3A_1835 = arith.extui %sign3A_1834 : i1 to i32
        %sign3A_1836 = arith.constant 0 : i32
        %sign3A_1837 = arith.cmpi slt, %sub3A_1830, %sign3A_1836 : i32
        %sign3A_1838 = arith.extui %sign3A_1837 : i1 to i32
        %sign3A_1839 = arith.subi %sign3A_1835, %sign3A_1838 : i32
        %sign3A_1840 = arith.constant 0 : i32
        %sign3A_1841 = arith.cmpi sgt, %jit3A_1831, %sign3A_1840 : i32
        %sign3A_1842 = arith.extui %sign3A_1841 : i1 to i32
        %sign3A_1843 = arith.constant 0 : i32
        %sign3A_1844 = arith.cmpi slt, %jit3A_1831, %sign3A_1843 : i32
        %sign3A_1845 = arith.extui %sign3A_1844 : i1 to i32
        %sign3A_1846 = arith.subi %sign3A_1842, %sign3A_1845 : i32
        %ne3A_1847 = arith.cmpi ne, %sign3A_1839, %sign3A_1846 : i32
        %rem3A_1848 = arith.remsi %sub3A_1830, %jit3A_1831 : i32
        %ne3A_1849 = arith.constant 0 : i32
        %ne3A_1850 = arith.cmpi ne, %rem3A_1848, %ne3A_1849 : i32
        %and3A_1851 = arith.andi %ne3A_1847, %ne3A_1850 : i1
        %sub3A_1852 = arith.constant 1 : i32
        %sub3A_1853 = arith.subi %div3A_1832, %sub3A_1852 : i32
        %select_n3A_1854 = arith.select %and3A_1851, %sub3A_1853, %div3A_1832 : i32
        %rem3A_1855 = arith.constant 64 : i32
        %rem3A_1856 = arith.remsi %sub3A_1830, %rem3A_1855 : i32
        %jit3A_1857 = arith.constant 2 : i32
        %div3A_1858 = arith.divsi %rem3A_1856, %jit3A_1857 : i32
        %sign3A_1859 = arith.constant 0 : i32
        %sign3A_1860 = arith.cmpi sgt, %rem3A_1856, %sign3A_1859 : i32
        %sign3A_1861 = arith.extui %sign3A_1860 : i1 to i32
        %sign3A_1862 = arith.constant 0 : i32
        %sign3A_1863 = arith.cmpi slt, %rem3A_1856, %sign3A_1862 : i32
        %sign3A_1864 = arith.extui %sign3A_1863 : i1 to i32
        %sign3A_1865 = arith.subi %sign3A_1861, %sign3A_1864 : i32
        %sign3A_1866 = arith.constant 0 : i32
        %sign3A_1867 = arith.cmpi sgt, %jit3A_1857, %sign3A_1866 : i32
        %sign3A_1868 = arith.extui %sign3A_1867 : i1 to i32
        %sign3A_1869 = arith.constant 0 : i32
        %sign3A_1870 = arith.cmpi slt, %jit3A_1857, %sign3A_1869 : i32
        %sign3A_1871 = arith.extui %sign3A_1870 : i1 to i32
        %sign3A_1872 = arith.subi %sign3A_1868, %sign3A_1871 : i32
        %ne3A_1873 = arith.cmpi ne, %sign3A_1865, %sign3A_1872 : i32
        %rem3A_1874 = arith.remsi %rem3A_1856, %jit3A_1857 : i32
        %ne3A_1875 = arith.constant 0 : i32
        %ne3A_1876 = arith.cmpi ne, %rem3A_1874, %ne3A_1875 : i32
        %and3A_1877 = arith.andi %ne3A_1873, %ne3A_1876 : i1
        %sub3A_1878 = arith.constant 1 : i32
        %sub3A_1879 = arith.subi %div3A_1858, %sub3A_1878 : i32
        %select_n3A_1880 = arith.select %and3A_1877, %sub3A_1879, %div3A_1858 : i32
        %rem3A_1881 = arith.constant 2 : i32
        %rem3A_1882 = arith.remsi %rem3A_1856, %rem3A_1881 : i32
        %mul3A_1883 = arith.constant 8 : i32
        %mul3A_1884 = arith.muli %select_n3A_1854, %mul3A_1883 : i32
        %mul3A_1885 = arith.constant 4 : i32
        %mul3A_1886 = arith.muli %rem3A_1882, %mul3A_1885 : i32
        %add3A_1887 = arith.addi %mul3A_1884, %mul3A_1886 : i32
        %add3A_1888 = arith.constant 0 : i32
        %add3A_1889 = arith.addi %add3A_1887, %add3A_1888 : i32
        %mul3A_1890 = arith.constant 4 : i32
        %mul3A_1891 = arith.muli %add3A_1889, %mul3A_1890 : i32
        %add3A_1892 = arith.constant 0 : i32
        %add3A_1893 = arith.addi %mul3A_1891, %add3A_1892 : i32
        %mul3A_1894 = arith.constant 32 : i32
        %mul3A_1895 = arith.muli %add3A_1893, %mul3A_1894 : i32
        %add3A_1896 = arith.addi %mul3A_1895, %select_n3A_1880 : i32
        %dma_wait3A_1897 = arith.constant 0 : i32
        %dma_wait3A_1898 = arith.constant 0 : i32
        %dma_wait3A_1899 = tpu.memref_slice %arg9[%dma_wait3A_1897, %dma_wait3A_1898] : memref<128x129xf32, #tpu.memory_space<vmem>> -> memref<8x128xf32, #tpu.memory_space<vmem>>
        %dma_wait3A_1900 = arith.constant 0 : i32
        %dma_wait3A_1901 = arith.constant 0 : i32
        %dma_wait3A_1902 = tpu.memref_slice %arg4[%add3A_1896, %dma_wait3A_1900, %dma_wait3A_1901] : memref<25600x8x128xf32, #tpu.memory_space<hbm>> -> memref<1x8x128xf32, #tpu.memory_space<hbm>>
        %dma_wait3A_1903 = tpu.memref_squeeze %dma_wait3A_1902 : memref<1x8x128xf32, #tpu.memory_space<hbm>> -> memref<8x128xf32, #tpu.memory_space<hbm>>
        %dma_wait3A_1904 = arith.constant 0 : i32
        %dma_wait3A_1905 = arith.constant 0 : i32
        %dma_wait3A_1906 = tpu.memref_slice %arg4[%add3A_1896, %dma_wait3A_1904, %dma_wait3A_1905] : memref<25600x8x128xf32, #tpu.memory_space<hbm>> -> memref<1x8x128xf32, #tpu.memory_space<hbm>>
        %dma_wait3A_1907 = tpu.memref_squeeze %dma_wait3A_1906 : memref<1x8x128xf32, #tpu.memory_space<hbm>> -> memref<8x128xf32, #tpu.memory_space<hbm>>
        %dma_wait3A_1908 = arith.constant 0 : i32
        %dma_wait3A_1909 = arith.constant 0 : i32
        %dma_wait3A_1910 = tpu.memref_slice %arg9[%dma_wait3A_1908, %dma_wait3A_1909] : memref<128x129xf32, #tpu.memory_space<vmem>> -> memref<8x128xf32, #tpu.memory_space<vmem>>
        tpu.wait_dma2 semaphore(%arg13 : memref<!tpu.dma_semaphore, #tpu.memory_space<semaphore_mem>>) src(%dma_wait3A_1910 : memref<8x128xf32, #tpu.memory_space<vmem>>) dst(%dma_wait3A_1907 : memref<8x128xf32, #tpu.memory_space<hbm>>)
        %mul3A_1911 = arith.constant 4 : i32
        %mul3A_1912 = arith.muli %add3A_1889, %mul3A_1911 : i32
        %add3A_1913 = arith.constant 1 : i32
        %add3A_1914 = arith.addi %mul3A_1912, %add3A_1913 : i32
        %mul3A_1915 = arith.constant 32 : i32
        %mul3A_1916 = arith.muli %add3A_1914, %mul3A_1915 : i32
        %add3A_1917 = arith.addi %mul3A_1916, %select_n3A_1880 : i32
        %dma_wait3A_1918 = arith.constant 8 : i32
        %dma_wait3A_1919 = arith.constant 0 : i32
        %dma_wait3A_1920 = tpu.memref_slice %arg9[%dma_wait3A_1918, %dma_wait3A_1919] : memref<128x129xf32, #tpu.memory_space<vmem>> -> memref<8x128xf32, #tpu.memory_space<vmem>>
        %dma_wait3A_1921 = arith.constant 0 : i32
        %dma_wait3A_1922 = arith.constant 0 : i32
        %dma_wait3A_1923 = tpu.memref_slice %arg4[%add3A_1917, %dma_wait3A_1921, %dma_wait3A_1922] : memref<25600x8x128xf32, #tpu.memory_space<hbm>> -> memref<1x8x128xf32, #tpu.memory_space<hbm>>
        %dma_wait3A_1924 = tpu.memref_squeeze %dma_wait3A_1923 : memref<1x8x128xf32, #tpu.memory_space<hbm>> -> memref<8x128xf32, #tpu.memory_space<hbm>>
        %dma_wait3A_1925 = arith.constant 0 : i32
        %dma_wait3A_1926 = arith.constant 0 : i32
        %dma_wait3A_1927 = tpu.memref_slice %arg4[%add3A_1917, %dma_wait3A_1925, %dma_wait3A_1926] : memref<25600x8x128xf32, #tpu.memory_space<hbm>> -> memref<1x8x128xf32, #tpu.memory_space<hbm>>
        %dma_wait3A_1928 = tpu.memref_squeeze %dma_wait3A_1927 : memref<1x8x128xf32, #tpu.memory_space<hbm>> -> memref<8x128xf32, #tpu.memory_space<hbm>>
        %dma_wait3A_1929 = arith.constant 8 : i32
        %dma_wait3A_1930 = arith.constant 0 : i32
        %dma_wait3A_1931 = tpu.memref_slice %arg9[%dma_wait3A_1929, %dma_wait3A_1930] : memref<128x129xf32, #tpu.memory_space<vmem>> -> memref<8x128xf32, #tpu.memory_space<vmem>>
        tpu.wait_dma2 semaphore(%arg13 : memref<!tpu.dma_semaphore, #tpu.memory_space<semaphore_mem>>) src(%dma_wait3A_1931 : memref<8x128xf32, #tpu.memory_space<vmem>>) dst(%dma_wait3A_1928 : memref<8x128xf32, #tpu.memory_space<hbm>>)
        %mul3A_1932 = arith.constant 4 : i32
        %mul3A_1933 = arith.muli %add3A_1889, %mul3A_1932 : i32
        %add3A_1934 = arith.constant 2 : i32
        %add3A_1935 = arith.addi %mul3A_1933, %add3A_1934 : i32
        %mul3A_1936 = arith.constant 32 : i32
        %mul3A_1937 = arith.muli %add3A_1935, %mul3A_1936 : i32
        %add3A_1938 = arith.addi %mul3A_1937, %select_n3A_1880 : i32
        %dma_wait3A_1939 = arith.constant 16 : i32
        %dma_wait3A_1940 = arith.constant 0 : i32
        %dma_wait3A_1941 = tpu.memref_slice %arg9[%dma_wait3A_1939, %dma_wait3A_1940] : memref<128x129xf32, #tpu.memory_space<vmem>> -> memref<8x128xf32, #tpu.memory_space<vmem>>
        %dma_wait3A_1942 = arith.constant 0 : i32
        %dma_wait3A_1943 = arith.constant 0 : i32
        %dma_wait3A_1944 = tpu.memref_slice %arg4[%add3A_1938, %dma_wait3A_1942, %dma_wait3A_1943] : memref<25600x8x128xf32, #tpu.memory_space<hbm>> -> memref<1x8x128xf32, #tpu.memory_space<hbm>>
        %dma_wait3A_1945 = tpu.memref_squeeze %dma_wait3A_1944 : memref<1x8x128xf32, #tpu.memory_space<hbm>> -> memref<8x128xf32, #tpu.memory_space<hbm>>
        %dma_wait3A_1946 = arith.constant 0 : i32
        %dma_wait3A_1947 = arith.constant 0 : i32
        %dma_wait3A_1948 = tpu.memref_slice %arg4[%add3A_1938, %dma_wait3A_1946, %dma_wait3A_1947] : memref<25600x8x128xf32, #tpu.memory_space<hbm>> -> memref<1x8x128xf32, #tpu.memory_space<hbm>>
        %dma_wait3A_1949 = tpu.memref_squeeze %dma_wait3A_1948 : memref<1x8x128xf32, #tpu.memory_space<hbm>> -> memref<8x128xf32, #tpu.memory_space<hbm>>
        %dma_wait3A_1950 = arith.constant 16 : i32
        %dma_wait3A_1951 = arith.constant 0 : i32
        %dma_wait3A_1952 = tpu.memref_slice %arg9[%dma_wait3A_1950, %dma_wait3A_1951] : memref<128x129xf32, #tpu.memory_space<vmem>> -> memref<8x128xf32, #tpu.memory_space<vmem>>
        tpu.wait_dma2 semaphore(%arg13 : memref<!tpu.dma_semaphore, #tpu.memory_space<semaphore_mem>>) src(%dma_wait3A_1952 : memref<8x128xf32, #tpu.memory_space<vmem>>) dst(%dma_wait3A_1949 : memref<8x128xf32, #tpu.memory_space<hbm>>)
        %mul3A_1953 = arith.constant 4 : i32
        %mul3A_1954 = arith.muli %add3A_1889, %mul3A_1953 : i32
        %add3A_1955 = arith.constant 3 : i32
        %add3A_1956 = arith.addi %mul3A_1954, %add3A_1955 : i32
        %mul3A_1957 = arith.constant 32 : i32
        %mul3A_1958 = arith.muli %add3A_1956, %mul3A_1957 : i32
        %add3A_1959 = arith.addi %mul3A_1958, %select_n3A_1880 : i32
        %dma_wait3A_1960 = arith.constant 24 : i32
        %dma_wait3A_1961 = arith.constant 0 : i32
        %dma_wait3A_1962 = tpu.memref_slice %arg9[%dma_wait3A_1960, %dma_wait3A_1961] : memref<128x129xf32, #tpu.memory_space<vmem>> -> memref<8x128xf32, #tpu.memory_space<vmem>>
        %dma_wait3A_1963 = arith.constant 0 : i32
        %dma_wait3A_1964 = arith.constant 0 : i32
        %dma_wait3A_1965 = tpu.memref_slice %arg4[%add3A_1959, %dma_wait3A_1963, %dma_wait3A_1964] : memref<25600x8x128xf32, #tpu.memory_space<hbm>> -> memref<1x8x128xf32, #tpu.memory_space<hbm>>
        %dma_wait3A_1966 = tpu.memref_squeeze %dma_wait3A_1965 : memref<1x8x128xf32, #tpu.memory_space<hbm>> -> memref<8x128xf32, #tpu.memory_space<hbm>>
        %dma_wait3A_1967 = arith.constant 0 : i32
        %dma_wait3A_1968 = arith.constant 0 : i32
        %dma_wait3A_1969 = tpu.memref_slice %arg4[%add3A_1959, %dma_wait3A_1967, %dma_wait3A_1968] : memref<25600x8x128xf32, #tpu.memory_space<hbm>> -> memref<1x8x128xf32, #tpu.memory_space<hbm>>
        %dma_wait3A_1970 = tpu.memref_squeeze %dma_wait3A_1969 : memref<1x8x128xf32, #tpu.memory_space<hbm>> -> memref<8x128xf32, #tpu.memory_space<hbm>>
        %dma_wait3A_1971 = arith.constant 24 : i32
        %dma_wait3A_1972 = arith.constant 0 : i32
        %dma_wait3A_1973 = tpu.memref_slice %arg9[%dma_wait3A_1971, %dma_wait3A_1972] : memref<128x129xf32, #tpu.memory_space<vmem>> -> memref<8x128xf32, #tpu.memory_space<vmem>>
        tpu.wait_dma2 semaphore(%arg13 : memref<!tpu.dma_semaphore, #tpu.memory_space<semaphore_mem>>) src(%dma_wait3A_1973 : memref<8x128xf32, #tpu.memory_space<vmem>>) dst(%dma_wait3A_1970 : memref<8x128xf32, #tpu.memory_space<hbm>>)
        %mul3A_1974 = arith.constant 8 : i32
        %mul3A_1975 = arith.muli %select_n3A_1854, %mul3A_1974 : i32
        %mul3A_1976 = arith.constant 4 : i32
        %mul3A_1977 = arith.muli %rem3A_1882, %mul3A_1976 : i32
        %add3A_1978 = arith.addi %mul3A_1975, %mul3A_1977 : i32
        %add3A_1979 = arith.constant 1 : i32
        %add3A_1980 = arith.addi %add3A_1978, %add3A_1979 : i32
        %mul3A_1981 = arith.constant 4 : i32
        %mul3A_1982 = arith.muli %add3A_1980, %mul3A_1981 : i32
        %add3A_1983 = arith.constant 0 : i32
        %add3A_1984 = arith.addi %mul3A_1982, %add3A_1983 : i32
        %mul3A_1985 = arith.constant 32 : i32
        %mul3A_1986 = arith.muli %add3A_1984, %mul3A_1985 : i32
        %add3A_1987 = arith.addi %mul3A_1986, %select_n3A_1880 : i32
        %dma_wait3A_1988 = arith.constant 32 : i32
        %dma_wait3A_1989 = arith.constant 0 : i32
        %dma_wait3A_1990 = tpu.memref_slice %arg9[%dma_wait3A_1988, %dma_wait3A_1989] : memref<128x129xf32, #tpu.memory_space<vmem>> -> memref<8x128xf32, #tpu.memory_space<vmem>>
        %dma_wait3A_1991 = arith.constant 0 : i32
        %dma_wait3A_1992 = arith.constant 0 : i32
        %dma_wait3A_1993 = tpu.memref_slice %arg4[%add3A_1987, %dma_wait3A_1991, %dma_wait3A_1992] : memref<25600x8x128xf32, #tpu.memory_space<hbm>> -> memref<1x8x128xf32, #tpu.memory_space<hbm>>
        %dma_wait3A_1994 = tpu.memref_squeeze %dma_wait3A_1993 : memref<1x8x128xf32, #tpu.memory_space<hbm>> -> memref<8x128xf32, #tpu.memory_space<hbm>>
        %dma_wait3A_1995 = arith.constant 0 : i32
        %dma_wait3A_1996 = arith.constant 0 : i32
        %dma_wait3A_1997 = tpu.memref_slice %arg4[%add3A_1987, %dma_wait3A_1995, %dma_wait3A_1996] : memref<25600x8x128xf32, #tpu.memory_space<hbm>> -> memref<1x8x128xf32, #tpu.memory_space<hbm>>
        %dma_wait3A_1998 = tpu.memref_squeeze %dma_wait3A_1997 : memref<1x8x128xf32, #tpu.memory_space<hbm>> -> memref<8x128xf32, #tpu.memory_space<hbm>>
        %dma_wait3A_1999 = arith.constant 32 : i32
        %dma_wait3A_2000 = arith.constant 0 : i32
        %dma_wait3A_2001 = tpu.memref_slice %arg9[%dma_wait3A_1999, %dma_wait3A_2000] : memref<128x129xf32, #tpu.memory_space<vmem>> -> memref<8x128xf32, #tpu.memory_space<vmem>>
        tpu.wait_dma2 semaphore(%arg13 : memref<!tpu.dma_semaphore, #tpu.memory_space<semaphore_mem>>) src(%dma_wait3A_2001 : memref<8x128xf32, #tpu.memory_space<vmem>>) dst(%dma_wait3A_1998 : memref<8x128xf32, #tpu.memory_space<hbm>>)
        %mul3A_2002 = arith.constant 4 : i32
        %mul3A_2003 = arith.muli %add3A_1980, %mul3A_2002 : i32
        %add3A_2004 = arith.constant 1 : i32
        %add3A_2005 = arith.addi %mul3A_2003, %add3A_2004 : i32
        %mul3A_2006 = arith.constant 32 : i32
        %mul3A_2007 = arith.muli %add3A_2005, %mul3A_2006 : i32
        %add3A_2008 = arith.addi %mul3A_2007, %select_n3A_1880 : i32
        %dma_wait3A_2009 = arith.constant 40 : i32
        %dma_wait3A_2010 = arith.constant 0 : i32
        %dma_wait3A_2011 = tpu.memref_slice %arg9[%dma_wait3A_2009, %dma_wait3A_2010] : memref<128x129xf32, #tpu.memory_space<vmem>> -> memref<8x128xf32, #tpu.memory_space<vmem>>
        %dma_wait3A_2012 = arith.constant 0 : i32
        %dma_wait3A_2013 = arith.constant 0 : i32
        %dma_wait3A_2014 = tpu.memref_slice %arg4[%add3A_2008, %dma_wait3A_2012, %dma_wait3A_2013] : memref<25600x8x128xf32, #tpu.memory_space<hbm>> -> memref<1x8x128xf32, #tpu.memory_space<hbm>>
        %dma_wait3A_2015 = tpu.memref_squeeze %dma_wait3A_2014 : memref<1x8x128xf32, #tpu.memory_space<hbm>> -> memref<8x128xf32, #tpu.memory_space<hbm>>
        %dma_wait3A_2016 = arith.constant 0 : i32
        %dma_wait3A_2017 = arith.constant 0 : i32
        %dma_wait3A_2018 = tpu.memref_slice %arg4[%add3A_2008, %dma_wait3A_2016, %dma_wait3A_2017] : memref<25600x8x128xf32, #tpu.memory_space<hbm>> -> memref<1x8x128xf32, #tpu.memory_space<hbm>>
        %dma_wait3A_2019 = tpu.memref_squeeze %dma_wait3A_2018 : memref<1x8x128xf32, #tpu.memory_space<hbm>> -> memref<8x128xf32, #tpu.memory_space<hbm>>
        %dma_wait3A_2020 = arith.constant 40 : i32
        %dma_wait3A_2021 = arith.constant 0 : i32
        %dma_wait3A_2022 = tpu.memref_slice %arg9[%dma_wait3A_2020, %dma_wait3A_2021] : memref<128x129xf32, #tpu.memory_space<vmem>> -> memref<8x128xf32, #tpu.memory_space<vmem>>
        tpu.wait_dma2 semaphore(%arg13 : memref<!tpu.dma_semaphore, #tpu.memory_space<semaphore_mem>>) src(%dma_wait3A_2022 : memref<8x128xf32, #tpu.memory_space<vmem>>) dst(%dma_wait3A_2019 : memref<8x128xf32, #tpu.memory_space<hbm>>)
        %mul3A_2023 = arith.constant 4 : i32
        %mul3A_2024 = arith.muli %add3A_1980, %mul3A_2023 : i32
        %add3A_2025 = arith.constant 2 : i32
        %add3A_2026 = arith.addi %mul3A_2024, %add3A_2025 : i32
        %mul3A_2027 = arith.constant 32 : i32
        %mul3A_2028 = arith.muli %add3A_2026, %mul3A_2027 : i32
        %add3A_2029 = arith.addi %mul3A_2028, %select_n3A_1880 : i32
        %dma_wait3A_2030 = arith.constant 48 : i32
        %dma_wait3A_2031 = arith.constant 0 : i32
        %dma_wait3A_2032 = tpu.memref_slice %arg9[%dma_wait3A_2030, %dma_wait3A_2031] : memref<128x129xf32, #tpu.memory_space<vmem>> -> memref<8x128xf32, #tpu.memory_space<vmem>>
        %dma_wait3A_2033 = arith.constant 0 : i32
        %dma_wait3A_2034 = arith.constant 0 : i32
        %dma_wait3A_2035 = tpu.memref_slice %arg4[%add3A_2029, %dma_wait3A_2033, %dma_wait3A_2034] : memref<25600x8x128xf32, #tpu.memory_space<hbm>> -> memref<1x8x128xf32, #tpu.memory_space<hbm>>
        %dma_wait3A_2036 = tpu.memref_squeeze %dma_wait3A_2035 : memref<1x8x128xf32, #tpu.memory_space<hbm>> -> memref<8x128xf32, #tpu.memory_space<hbm>>
        %dma_wait3A_2037 = arith.constant 0 : i32
        %dma_wait3A_2038 = arith.constant 0 : i32
        %dma_wait3A_2039 = tpu.memref_slice %arg4[%add3A_2029, %dma_wait3A_2037, %dma_wait3A_2038] : memref<25600x8x128xf32, #tpu.memory_space<hbm>> -> memref<1x8x128xf32, #tpu.memory_space<hbm>>
        %dma_wait3A_2040 = tpu.memref_squeeze %dma_wait3A_2039 : memref<1x8x128xf32, #tpu.memory_space<hbm>> -> memref<8x128xf32, #tpu.memory_space<hbm>>
        %dma_wait3A_2041 = arith.constant 48 : i32
        %dma_wait3A_2042 = arith.constant 0 : i32
        %dma_wait3A_2043 = tpu.memref_slice %arg9[%dma_wait3A_2041, %dma_wait3A_2042] : memref<128x129xf32, #tpu.memory_space<vmem>> -> memref<8x128xf32, #tpu.memory_space<vmem>>
        tpu.wait_dma2 semaphore(%arg13 : memref<!tpu.dma_semaphore, #tpu.memory_space<semaphore_mem>>) src(%dma_wait3A_2043 : memref<8x128xf32, #tpu.memory_space<vmem>>) dst(%dma_wait3A_2040 : memref<8x128xf32, #tpu.memory_space<hbm>>)
        %mul3A_2044 = arith.constant 4 : i32
        %mul3A_2045 = arith.muli %add3A_1980, %mul3A_2044 : i32
        %add3A_2046 = arith.constant 3 : i32
        %add3A_2047 = arith.addi %mul3A_2045, %add3A_2046 : i32
        %mul3A_2048 = arith.constant 32 : i32
        %mul3A_2049 = arith.muli %add3A_2047, %mul3A_2048 : i32
        %add3A_2050 = arith.addi %mul3A_2049, %select_n3A_1880 : i32
        %dma_wait3A_2051 = arith.constant 56 : i32
        %dma_wait3A_2052 = arith.constant 0 : i32
        %dma_wait3A_2053 = tpu.memref_slice %arg9[%dma_wait3A_2051, %dma_wait3A_2052] : memref<128x129xf32, #tpu.memory_space<vmem>> -> memref<8x128xf32, #tpu.memory_space<vmem>>
        %dma_wait3A_2054 = arith.constant 0 : i32
        %dma_wait3A_2055 = arith.constant 0 : i32
        %dma_wait3A_2056 = tpu.memref_slice %arg4[%add3A_2050, %dma_wait3A_2054, %dma_wait3A_2055] : memref<25600x8x128xf32, #tpu.memory_space<hbm>> -> memref<1x8x128xf32, #tpu.memory_space<hbm>>
        %dma_wait3A_2057 = tpu.memref_squeeze %dma_wait3A_2056 : memref<1x8x128xf32, #tpu.memory_space<hbm>> -> memref<8x128xf32, #tpu.memory_space<hbm>>
        %dma_wait3A_2058 = arith.constant 0 : i32
        %dma_wait3A_2059 = arith.constant 0 : i32
        %dma_wait3A_2060 = tpu.memref_slice %arg4[%add3A_2050, %dma_wait3A_2058, %dma_wait3A_2059] : memref<25600x8x128xf32, #tpu.memory_space<hbm>> -> memref<1x8x128xf32, #tpu.memory_space<hbm>>
        %dma_wait3A_2061 = tpu.memref_squeeze %dma_wait3A_2060 : memref<1x8x128xf32, #tpu.memory_space<hbm>> -> memref<8x128xf32, #tpu.memory_space<hbm>>
        %dma_wait3A_2062 = arith.constant 56 : i32
        %dma_wait3A_2063 = arith.constant 0 : i32
        %dma_wait3A_2064 = tpu.memref_slice %arg9[%dma_wait3A_2062, %dma_wait3A_2063] : memref<128x129xf32, #tpu.memory_space<vmem>> -> memref<8x128xf32, #tpu.memory_space<vmem>>
        tpu.wait_dma2 semaphore(%arg13 : memref<!tpu.dma_semaphore, #tpu.memory_space<semaphore_mem>>) src(%dma_wait3A_2064 : memref<8x128xf32, #tpu.memory_space<vmem>>) dst(%dma_wait3A_2061 : memref<8x128xf32, #tpu.memory_space<hbm>>)
        %mul3A_2065 = arith.constant 8 : i32
        %mul3A_2066 = arith.muli %select_n3A_1854, %mul3A_2065 : i32
        %mul3A_2067 = arith.constant 4 : i32
        %mul3A_2068 = arith.muli %rem3A_1882, %mul3A_2067 : i32
        %add3A_2069 = arith.addi %mul3A_2066, %mul3A_2068 : i32
        %add3A_2070 = arith.constant 2 : i32
        %add3A_2071 = arith.addi %add3A_2069, %add3A_2070 : i32
        %mul3A_2072 = arith.constant 4 : i32
        %mul3A_2073 = arith.muli %add3A_2071, %mul3A_2072 : i32
        %add3A_2074 = arith.constant 0 : i32
        %add3A_2075 = arith.addi %mul3A_2073, %add3A_2074 : i32
        %mul3A_2076 = arith.constant 32 : i32
        %mul3A_2077 = arith.muli %add3A_2075, %mul3A_2076 : i32
        %add3A_2078 = arith.addi %mul3A_2077, %select_n3A_1880 : i32
        %dma_wait3A_2079 = arith.constant 64 : i32
        %dma_wait3A_2080 = arith.constant 0 : i32
        %dma_wait3A_2081 = tpu.memref_slice %arg9[%dma_wait3A_2079, %dma_wait3A_2080] : memref<128x129xf32, #tpu.memory_space<vmem>> -> memref<8x128xf32, #tpu.memory_space<vmem>>
        %dma_wait3A_2082 = arith.constant 0 : i32
        %dma_wait3A_2083 = arith.constant 0 : i32
        %dma_wait3A_2084 = tpu.memref_slice %arg4[%add3A_2078, %dma_wait3A_2082, %dma_wait3A_2083] : memref<25600x8x128xf32, #tpu.memory_space<hbm>> -> memref<1x8x128xf32, #tpu.memory_space<hbm>>
        %dma_wait3A_2085 = tpu.memref_squeeze %dma_wait3A_2084 : memref<1x8x128xf32, #tpu.memory_space<hbm>> -> memref<8x128xf32, #tpu.memory_space<hbm>>
        %dma_wait3A_2086 = arith.constant 0 : i32
        %dma_wait3A_2087 = arith.constant 0 : i32
        %dma_wait3A_2088 = tpu.memref_slice %arg4[%add3A_2078, %dma_wait3A_2086, %dma_wait3A_2087] : memref<25600x8x128xf32, #tpu.memory_space<hbm>> -> memref<1x8x128xf32, #tpu.memory_space<hbm>>
        %dma_wait3A_2089 = tpu.memref_squeeze %dma_wait3A_2088 : memref<1x8x128xf32, #tpu.memory_space<hbm>> -> memref<8x128xf32, #tpu.memory_space<hbm>>
        %dma_wait3A_2090 = arith.constant 64 : i32
        %dma_wait3A_2091 = arith.constant 0 : i32
        %dma_wait3A_2092 = tpu.memref_slice %arg9[%dma_wait3A_2090, %dma_wait3A_2091] : memref<128x129xf32, #tpu.memory_space<vmem>> -> memref<8x128xf32, #tpu.memory_space<vmem>>
        tpu.wait_dma2 semaphore(%arg13 : memref<!tpu.dma_semaphore, #tpu.memory_space<semaphore_mem>>) src(%dma_wait3A_2092 : memref<8x128xf32, #tpu.memory_space<vmem>>) dst(%dma_wait3A_2089 : memref<8x128xf32, #tpu.memory_space<hbm>>)
        %mul3A_2093 = arith.constant 4 : i32
        %mul3A_2094 = arith.muli %add3A_2071, %mul3A_2093 : i32
        %add3A_2095 = arith.constant 1 : i32
        %add3A_2096 = arith.addi %mul3A_2094, %add3A_2095 : i32
        %mul3A_2097 = arith.constant 32 : i32
        %mul3A_2098 = arith.muli %add3A_2096, %mul3A_2097 : i32
        %add3A_2099 = arith.addi %mul3A_2098, %select_n3A_1880 : i32
        %dma_wait3A_2100 = arith.constant 72 : i32
        %dma_wait3A_2101 = arith.constant 0 : i32
        %dma_wait3A_2102 = tpu.memref_slice %arg9[%dma_wait3A_2100, %dma_wait3A_2101] : memref<128x129xf32, #tpu.memory_space<vmem>> -> memref<8x128xf32, #tpu.memory_space<vmem>>
        %dma_wait3A_2103 = arith.constant 0 : i32
        %dma_wait3A_2104 = arith.constant 0 : i32
        %dma_wait3A_2105 = tpu.memref_slice %arg4[%add3A_2099, %dma_wait3A_2103, %dma_wait3A_2104] : memref<25600x8x128xf32, #tpu.memory_space<hbm>> -> memref<1x8x128xf32, #tpu.memory_space<hbm>>
        %dma_wait3A_2106 = tpu.memref_squeeze %dma_wait3A_2105 : memref<1x8x128xf32, #tpu.memory_space<hbm>> -> memref<8x128xf32, #tpu.memory_space<hbm>>
        %dma_wait3A_2107 = arith.constant 0 : i32
        %dma_wait3A_2108 = arith.constant 0 : i32
        %dma_wait3A_2109 = tpu.memref_slice %arg4[%add3A_2099, %dma_wait3A_2107, %dma_wait3A_2108] : memref<25600x8x128xf32, #tpu.memory_space<hbm>> -> memref<1x8x128xf32, #tpu.memory_space<hbm>>
        %dma_wait3A_2110 = tpu.memref_squeeze %dma_wait3A_2109 : memref<1x8x128xf32, #tpu.memory_space<hbm>> -> memref<8x128xf32, #tpu.memory_space<hbm>>
        %dma_wait3A_2111 = arith.constant 72 : i32
        %dma_wait3A_2112 = arith.constant 0 : i32
        %dma_wait3A_2113 = tpu.memref_slice %arg9[%dma_wait3A_2111, %dma_wait3A_2112] : memref<128x129xf32, #tpu.memory_space<vmem>> -> memref<8x128xf32, #tpu.memory_space<vmem>>
        tpu.wait_dma2 semaphore(%arg13 : memref<!tpu.dma_semaphore, #tpu.memory_space<semaphore_mem>>) src(%dma_wait3A_2113 : memref<8x128xf32, #tpu.memory_space<vmem>>) dst(%dma_wait3A_2110 : memref<8x128xf32, #tpu.memory_space<hbm>>)
        %mul3A_2114 = arith.constant 4 : i32
        %mul3A_2115 = arith.muli %add3A_2071, %mul3A_2114 : i32
        %add3A_2116 = arith.constant 2 : i32
        %add3A_2117 = arith.addi %mul3A_2115, %add3A_2116 : i32
        %mul3A_2118 = arith.constant 32 : i32
        %mul3A_2119 = arith.muli %add3A_2117, %mul3A_2118 : i32
        %add3A_2120 = arith.addi %mul3A_2119, %select_n3A_1880 : i32
        %dma_wait3A_2121 = arith.constant 80 : i32
        %dma_wait3A_2122 = arith.constant 0 : i32
        %dma_wait3A_2123 = tpu.memref_slice %arg9[%dma_wait3A_2121, %dma_wait3A_2122] : memref<128x129xf32, #tpu.memory_space<vmem>> -> memref<8x128xf32, #tpu.memory_space<vmem>>
        %dma_wait3A_2124 = arith.constant 0 : i32
        %dma_wait3A_2125 = arith.constant 0 : i32
        %dma_wait3A_2126 = tpu.memref_slice %arg4[%add3A_2120, %dma_wait3A_2124, %dma_wait3A_2125] : memref<25600x8x128xf32, #tpu.memory_space<hbm>> -> memref<1x8x128xf32, #tpu.memory_space<hbm>>
        %dma_wait3A_2127 = tpu.memref_squeeze %dma_wait3A_2126 : memref<1x8x128xf32, #tpu.memory_space<hbm>> -> memref<8x128xf32, #tpu.memory_space<hbm>>
        %dma_wait3A_2128 = arith.constant 0 : i32
        %dma_wait3A_2129 = arith.constant 0 : i32
        %dma_wait3A_2130 = tpu.memref_slice %arg4[%add3A_2120, %dma_wait3A_2128, %dma_wait3A_2129] : memref<25600x8x128xf32, #tpu.memory_space<hbm>> -> memref<1x8x128xf32, #tpu.memory_space<hbm>>
        %dma_wait3A_2131 = tpu.memref_squeeze %dma_wait3A_2130 : memref<1x8x128xf32, #tpu.memory_space<hbm>> -> memref<8x128xf32, #tpu.memory_space<hbm>>
        %dma_wait3A_2132 = arith.constant 80 : i32
        %dma_wait3A_2133 = arith.constant 0 : i32
        %dma_wait3A_2134 = tpu.memref_slice %arg9[%dma_wait3A_2132, %dma_wait3A_2133] : memref<128x129xf32, #tpu.memory_space<vmem>> -> memref<8x128xf32, #tpu.memory_space<vmem>>
        tpu.wait_dma2 semaphore(%arg13 : memref<!tpu.dma_semaphore, #tpu.memory_space<semaphore_mem>>) src(%dma_wait3A_2134 : memref<8x128xf32, #tpu.memory_space<vmem>>) dst(%dma_wait3A_2131 : memref<8x128xf32, #tpu.memory_space<hbm>>)
        %mul3A_2135 = arith.constant 4 : i32
        %mul3A_2136 = arith.muli %add3A_2071, %mul3A_2135 : i32
        %add3A_2137 = arith.constant 3 : i32
        %add3A_2138 = arith.addi %mul3A_2136, %add3A_2137 : i32
        %mul3A_2139 = arith.constant 32 : i32
        %mul3A_2140 = arith.muli %add3A_2138, %mul3A_2139 : i32
        %add3A_2141 = arith.addi %mul3A_2140, %select_n3A_1880 : i32
        %dma_wait3A_2142 = arith.constant 88 : i32
        %dma_wait3A_2143 = arith.constant 0 : i32
        %dma_wait3A_2144 = tpu.memref_slice %arg9[%dma_wait3A_2142, %dma_wait3A_2143] : memref<128x129xf32, #tpu.memory_space<vmem>> -> memref<8x128xf32, #tpu.memory_space<vmem>>
        %dma_wait3A_2145 = arith.constant 0 : i32
        %dma_wait3A_2146 = arith.constant 0 : i32
        %dma_wait3A_2147 = tpu.memref_slice %arg4[%add3A_2141, %dma_wait3A_2145, %dma_wait3A_2146] : memref<25600x8x128xf32, #tpu.memory_space<hbm>> -> memref<1x8x128xf32, #tpu.memory_space<hbm>>
        %dma_wait3A_2148 = tpu.memref_squeeze %dma_wait3A_2147 : memref<1x8x128xf32, #tpu.memory_space<hbm>> -> memref<8x128xf32, #tpu.memory_space<hbm>>
        %dma_wait3A_2149 = arith.constant 0 : i32
        %dma_wait3A_2150 = arith.constant 0 : i32
        %dma_wait3A_2151 = tpu.memref_slice %arg4[%add3A_2141, %dma_wait3A_2149, %dma_wait3A_2150] : memref<25600x8x128xf32, #tpu.memory_space<hbm>> -> memref<1x8x128xf32, #tpu.memory_space<hbm>>
        %dma_wait3A_2152 = tpu.memref_squeeze %dma_wait3A_2151 : memref<1x8x128xf32, #tpu.memory_space<hbm>> -> memref<8x128xf32, #tpu.memory_space<hbm>>
        %dma_wait3A_2153 = arith.constant 88 : i32
        %dma_wait3A_2154 = arith.constant 0 : i32
        %dma_wait3A_2155 = tpu.memref_slice %arg9[%dma_wait3A_2153, %dma_wait3A_2154] : memref<128x129xf32, #tpu.memory_space<vmem>> -> memref<8x128xf32, #tpu.memory_space<vmem>>
        tpu.wait_dma2 semaphore(%arg13 : memref<!tpu.dma_semaphore, #tpu.memory_space<semaphore_mem>>) src(%dma_wait3A_2155 : memref<8x128xf32, #tpu.memory_space<vmem>>) dst(%dma_wait3A_2152 : memref<8x128xf32, #tpu.memory_space<hbm>>)
        %mul3A_2156 = arith.constant 8 : i32
        %mul3A_2157 = arith.muli %select_n3A_1854, %mul3A_2156 : i32
        %mul3A_2158 = arith.constant 4 : i32
        %mul3A_2159 = arith.muli %rem3A_1882, %mul3A_2158 : i32
        %add3A_2160 = arith.addi %mul3A_2157, %mul3A_2159 : i32
        %add3A_2161 = arith.constant 3 : i32
        %add3A_2162 = arith.addi %add3A_2160, %add3A_2161 : i32
        %mul3A_2163 = arith.constant 4 : i32
        %mul3A_2164 = arith.muli %add3A_2162, %mul3A_2163 : i32
        %add3A_2165 = arith.constant 0 : i32
        %add3A_2166 = arith.addi %mul3A_2164, %add3A_2165 : i32
        %mul3A_2167 = arith.constant 32 : i32
        %mul3A_2168 = arith.muli %add3A_2166, %mul3A_2167 : i32
        %add3A_2169 = arith.addi %mul3A_2168, %select_n3A_1880 : i32
        %dma_wait3A_2170 = arith.constant 96 : i32
        %dma_wait3A_2171 = arith.constant 0 : i32
        %dma_wait3A_2172 = tpu.memref_slice %arg9[%dma_wait3A_2170, %dma_wait3A_2171] : memref<128x129xf32, #tpu.memory_space<vmem>> -> memref<8x128xf32, #tpu.memory_space<vmem>>
        %dma_wait3A_2173 = arith.constant 0 : i32
        %dma_wait3A_2174 = arith.constant 0 : i32
        %dma_wait3A_2175 = tpu.memref_slice %arg4[%add3A_2169, %dma_wait3A_2173, %dma_wait3A_2174] : memref<25600x8x128xf32, #tpu.memory_space<hbm>> -> memref<1x8x128xf32, #tpu.memory_space<hbm>>
        %dma_wait3A_2176 = tpu.memref_squeeze %dma_wait3A_2175 : memref<1x8x128xf32, #tpu.memory_space<hbm>> -> memref<8x128xf32, #tpu.memory_space<hbm>>
        %dma_wait3A_2177 = arith.constant 0 : i32
        %dma_wait3A_2178 = arith.constant 0 : i32
        %dma_wait3A_2179 = tpu.memref_slice %arg4[%add3A_2169, %dma_wait3A_2177, %dma_wait3A_2178] : memref<25600x8x128xf32, #tpu.memory_space<hbm>> -> memref<1x8x128xf32, #tpu.memory_space<hbm>>
        %dma_wait3A_2180 = tpu.memref_squeeze %dma_wait3A_2179 : memref<1x8x128xf32, #tpu.memory_space<hbm>> -> memref<8x128xf32, #tpu.memory_space<hbm>>
        %dma_wait3A_2181 = arith.constant 96 : i32
        %dma_wait3A_2182 = arith.constant 0 : i32
        %dma_wait3A_2183 = tpu.memref_slice %arg9[%dma_wait3A_2181, %dma_wait3A_2182] : memref<128x129xf32, #tpu.memory_space<vmem>> -> memref<8x128xf32, #tpu.memory_space<vmem>>
        tpu.wait_dma2 semaphore(%arg13 : memref<!tpu.dma_semaphore, #tpu.memory_space<semaphore_mem>>) src(%dma_wait3A_2183 : memref<8x128xf32, #tpu.memory_space<vmem>>) dst(%dma_wait3A_2180 : memref<8x128xf32, #tpu.memory_space<hbm>>)
        %mul3A_2184 = arith.constant 4 : i32
        %mul3A_2185 = arith.muli %add3A_2162, %mul3A_2184 : i32
        %add3A_2186 = arith.constant 1 : i32
        %add3A_2187 = arith.addi %mul3A_2185, %add3A_2186 : i32
        %mul3A_2188 = arith.constant 32 : i32
        %mul3A_2189 = arith.muli %add3A_2187, %mul3A_2188 : i32
        %add3A_2190 = arith.addi %mul3A_2189, %select_n3A_1880 : i32
        %dma_wait3A_2191 = arith.constant 104 : i32
        %dma_wait3A_2192 = arith.constant 0 : i32
        %dma_wait3A_2193 = tpu.memref_slice %arg9[%dma_wait3A_2191, %dma_wait3A_2192] : memref<128x129xf32, #tpu.memory_space<vmem>> -> memref<8x128xf32, #tpu.memory_space<vmem>>
        %dma_wait3A_2194 = arith.constant 0 : i32
        %dma_wait3A_2195 = arith.constant 0 : i32
        %dma_wait3A_2196 = tpu.memref_slice %arg4[%add3A_2190, %dma_wait3A_2194, %dma_wait3A_2195] : memref<25600x8x128xf32, #tpu.memory_space<hbm>> -> memref<1x8x128xf32, #tpu.memory_space<hbm>>
        %dma_wait3A_2197 = tpu.memref_squeeze %dma_wait3A_2196 : memref<1x8x128xf32, #tpu.memory_space<hbm>> -> memref<8x128xf32, #tpu.memory_space<hbm>>
        %dma_wait3A_2198 = arith.constant 0 : i32
        %dma_wait3A_2199 = arith.constant 0 : i32
        %dma_wait3A_2200 = tpu.memref_slice %arg4[%add3A_2190, %dma_wait3A_2198, %dma_wait3A_2199] : memref<25600x8x128xf32, #tpu.memory_space<hbm>> -> memref<1x8x128xf32, #tpu.memory_space<hbm>>
        %dma_wait3A_2201 = tpu.memref_squeeze %dma_wait3A_2200 : memref<1x8x128xf32, #tpu.memory_space<hbm>> -> memref<8x128xf32, #tpu.memory_space<hbm>>
        %dma_wait3A_2202 = arith.constant 104 : i32
        %dma_wait3A_2203 = arith.constant 0 : i32
        %dma_wait3A_2204 = tpu.memref_slice %arg9[%dma_wait3A_2202, %dma_wait3A_2203] : memref<128x129xf32, #tpu.memory_space<vmem>> -> memref<8x128xf32, #tpu.memory_space<vmem>>
        tpu.wait_dma2 semaphore(%arg13 : memref<!tpu.dma_semaphore, #tpu.memory_space<semaphore_mem>>) src(%dma_wait3A_2204 : memref<8x128xf32, #tpu.memory_space<vmem>>) dst(%dma_wait3A_2201 : memref<8x128xf32, #tpu.memory_space<hbm>>)
        %mul3A_2205 = arith.constant 4 : i32
        %mul3A_2206 = arith.muli %add3A_2162, %mul3A_2205 : i32
        %add3A_2207 = arith.constant 2 : i32
        %add3A_2208 = arith.addi %mul3A_2206, %add3A_2207 : i32
        %mul3A_2209 = arith.constant 32 : i32
        %mul3A_2210 = arith.muli %add3A_2208, %mul3A_2209 : i32
        %add3A_2211 = arith.addi %mul3A_2210, %select_n3A_1880 : i32
        %dma_wait3A_2212 = arith.constant 112 : i32
        %dma_wait3A_2213 = arith.constant 0 : i32
        %dma_wait3A_2214 = tpu.memref_slice %arg9[%dma_wait3A_2212, %dma_wait3A_2213] : memref<128x129xf32, #tpu.memory_space<vmem>> -> memref<8x128xf32, #tpu.memory_space<vmem>>
        %dma_wait3A_2215 = arith.constant 0 : i32
        %dma_wait3A_2216 = arith.constant 0 : i32
        %dma_wait3A_2217 = tpu.memref_slice %arg4[%add3A_2211, %dma_wait3A_2215, %dma_wait3A_2216] : memref<25600x8x128xf32, #tpu.memory_space<hbm>> -> memref<1x8x128xf32, #tpu.memory_space<hbm>>
        %dma_wait3A_2218 = tpu.memref_squeeze %dma_wait3A_2217 : memref<1x8x128xf32, #tpu.memory_space<hbm>> -> memref<8x128xf32, #tpu.memory_space<hbm>>
        %dma_wait3A_2219 = arith.constant 0 : i32
        %dma_wait3A_2220 = arith.constant 0 : i32
        %dma_wait3A_2221 = tpu.memref_slice %arg4[%add3A_2211, %dma_wait3A_2219, %dma_wait3A_2220] : memref<25600x8x128xf32, #tpu.memory_space<hbm>> -> memref<1x8x128xf32, #tpu.memory_space<hbm>>
        %dma_wait3A_2222 = tpu.memref_squeeze %dma_wait3A_2221 : memref<1x8x128xf32, #tpu.memory_space<hbm>> -> memref<8x128xf32, #tpu.memory_space<hbm>>
        %dma_wait3A_2223 = arith.constant 112 : i32
        %dma_wait3A_2224 = arith.constant 0 : i32
        %dma_wait3A_2225 = tpu.memref_slice %arg9[%dma_wait3A_2223, %dma_wait3A_2224] : memref<128x129xf32, #tpu.memory_space<vmem>> -> memref<8x128xf32, #tpu.memory_space<vmem>>
        tpu.wait_dma2 semaphore(%arg13 : memref<!tpu.dma_semaphore, #tpu.memory_space<semaphore_mem>>) src(%dma_wait3A_2225 : memref<8x128xf32, #tpu.memory_space<vmem>>) dst(%dma_wait3A_2222 : memref<8x128xf32, #tpu.memory_space<hbm>>)
        %mul3A_2226 = arith.constant 4 : i32
        %mul3A_2227 = arith.muli %add3A_2162, %mul3A_2226 : i32
        %add3A_2228 = arith.constant 3 : i32
        %add3A_2229 = arith.addi %mul3A_2227, %add3A_2228 : i32
        %mul3A_2230 = arith.constant 32 : i32
        %mul3A_2231 = arith.muli %add3A_2229, %mul3A_2230 : i32
        %add3A_2232 = arith.addi %mul3A_2231, %select_n3A_1880 : i32
        %dma_wait3A_2233 = arith.constant 120 : i32
        %dma_wait3A_2234 = arith.constant 0 : i32
        %dma_wait3A_2235 = tpu.memref_slice %arg9[%dma_wait3A_2233, %dma_wait3A_2234] : memref<128x129xf32, #tpu.memory_space<vmem>> -> memref<8x128xf32, #tpu.memory_space<vmem>>
        %dma_wait3A_2236 = arith.constant 0 : i32
        %dma_wait3A_2237 = arith.constant 0 : i32
        %dma_wait3A_2238 = tpu.memref_slice %arg4[%add3A_2232, %dma_wait3A_2236, %dma_wait3A_2237] : memref<25600x8x128xf32, #tpu.memory_space<hbm>> -> memref<1x8x128xf32, #tpu.memory_space<hbm>>
        %dma_wait3A_2239 = tpu.memref_squeeze %dma_wait3A_2238 : memref<1x8x128xf32, #tpu.memory_space<hbm>> -> memref<8x128xf32, #tpu.memory_space<hbm>>
        %dma_wait3A_2240 = arith.constant 0 : i32
        %dma_wait3A_2241 = arith.constant 0 : i32
        %dma_wait3A_2242 = tpu.memref_slice %arg4[%add3A_2232, %dma_wait3A_2240, %dma_wait3A_2241] : memref<25600x8x128xf32, #tpu.memory_space<hbm>> -> memref<1x8x128xf32, #tpu.memory_space<hbm>>
        %dma_wait3A_2243 = tpu.memref_squeeze %dma_wait3A_2242 : memref<1x8x128xf32, #tpu.memory_space<hbm>> -> memref<8x128xf32, #tpu.memory_space<hbm>>
        %dma_wait3A_2244 = arith.constant 120 : i32
        %dma_wait3A_2245 = arith.constant 0 : i32
        %dma_wait3A_2246 = tpu.memref_slice %arg9[%dma_wait3A_2244, %dma_wait3A_2245] : memref<128x129xf32, #tpu.memory_space<vmem>> -> memref<8x128xf32, #tpu.memory_space<vmem>>
        tpu.wait_dma2 semaphore(%arg13 : memref<!tpu.dma_semaphore, #tpu.memory_space<semaphore_mem>>) src(%dma_wait3A_2246 : memref<8x128xf32, #tpu.memory_space<vmem>>) dst(%dma_wait3A_2243 : memref<8x128xf32, #tpu.memory_space<hbm>>)
      } else {
      }
      %dma_wait3A_919 = arith.constant 0 : i32
      %dma_wait3A_920 = arith.constant 0 : i32
      %dma_wait3A_921 = tpu.memref_slice %arg7[%dma_wait3A_919, %dma_wait3A_920] : memref<512x32xf32, #tpu.memory_space<vmem>> -> memref<128x32xf32, #tpu.memory_space<vmem>>
      %dma_wait3A_922 = arith.constant 0 : i32
      %dma_wait3A_923 = tpu.memref_slice %arg5[%dma_wait3A_922] : memref<512xi32, #tpu.memory_space<vmem>> -> memref<128xi32, #tpu.memory_space<vmem>>
      %dma_wait3A_924 = arith.constant 0 : i32
      %dma_wait3A_925 = arith.constant 0 : i32
      %dma_wait3A_926 = tpu.memref_slice %arg3[%dma_wait3A_924, %dma_wait3A_925] : memref<1000064x32xf32, #tpu.memory_space<hbm>> -> memref<1000064x32xf32, #tpu.memory_space<hbm>>
      tpu.wait_indirect_dma semaphore(%arg11 : memref<!tpu.dma_semaphore, #tpu.memory_space<semaphore_mem>>) src(%dma_wait3A_926 : memref<1000064x32xf32, #tpu.memory_space<hbm>>) dst(%dma_wait3A_921 : memref<128x32xf32, #tpu.memory_space<vmem>>)
      %dma_wait3A_927 = arith.constant 128 : i32
      %dma_wait3A_928 = arith.constant 0 : i32
      %dma_wait3A_929 = tpu.memref_slice %arg7[%dma_wait3A_927, %dma_wait3A_928] : memref<512x32xf32, #tpu.memory_space<vmem>> -> memref<128x32xf32, #tpu.memory_space<vmem>>
      %dma_wait3A_930 = arith.constant 128 : i32
      %dma_wait3A_931 = tpu.memref_slice %arg5[%dma_wait3A_930] : memref<512xi32, #tpu.memory_space<vmem>> -> memref<128xi32, #tpu.memory_space<vmem>>
      %dma_wait3A_932 = arith.constant 0 : i32
      %dma_wait3A_933 = arith.constant 0 : i32
      %dma_wait3A_934 = tpu.memref_slice %arg3[%dma_wait3A_932, %dma_wait3A_933] : memref<1000064x32xf32, #tpu.memory_space<hbm>> -> memref<1000064x32xf32, #tpu.memory_space<hbm>>
      tpu.wait_indirect_dma semaphore(%arg11 : memref<!tpu.dma_semaphore, #tpu.memory_space<semaphore_mem>>) src(%dma_wait3A_934 : memref<1000064x32xf32, #tpu.memory_space<hbm>>) dst(%dma_wait3A_929 : memref<128x32xf32, #tpu.memory_space<vmem>>)
      %dma_wait3A_935 = arith.constant 256 : i32
      %dma_wait3A_936 = arith.constant 0 : i32
      %dma_wait3A_937 = tpu.memref_slice %arg7[%dma_wait3A_935, %dma_wait3A_936] : memref<512x32xf32, #tpu.memory_space<vmem>> -> memref<128x32xf32, #tpu.memory_space<vmem>>
      %dma_wait3A_938 = arith.constant 256 : i32
      %dma_wait3A_939 = tpu.memref_slice %arg5[%dma_wait3A_938] : memref<512xi32, #tpu.memory_space<vmem>> -> memref<128xi32, #tpu.memory_space<vmem>>
      %dma_wait3A_940 = arith.constant 0 : i32
      %dma_wait3A_941 = arith.constant 0 : i32
      %dma_wait3A_942 = tpu.memref_slice %arg3[%dma_wait3A_940, %dma_wait3A_941] : memref<1000064x32xf32, #tpu.memory_space<hbm>> -> memref<1000064x32xf32, #tpu.memory_space<hbm>>
      tpu.wait_indirect_dma semaphore(%arg11 : memref<!tpu.dma_semaphore, #tpu.memory_space<semaphore_mem>>) src(%dma_wait3A_942 : memref<1000064x32xf32, #tpu.memory_space<hbm>>) dst(%dma_wait3A_937 : memref<128x32xf32, #tpu.memory_space<vmem>>)
      %dma_wait3A_943 = arith.constant 384 : i32
      %dma_wait3A_944 = arith.constant 0 : i32
      %dma_wait3A_945 = tpu.memref_slice %arg7[%dma_wait3A_943, %dma_wait3A_944] : memref<512x32xf32, #tpu.memory_space<vmem>> -> memref<128x32xf32, #tpu.memory_space<vmem>>
      %dma_wait3A_946 = arith.constant 384 : i32
      %dma_wait3A_947 = tpu.memref_slice %arg5[%dma_wait3A_946] : memref<512xi32, #tpu.memory_space<vmem>> -> memref<128xi32, #tpu.memory_space<vmem>>
      %dma_wait3A_948 = arith.constant 0 : i32
      %dma_wait3A_949 = arith.constant 0 : i32
      %dma_wait3A_950 = tpu.memref_slice %arg3[%dma_wait3A_948, %dma_wait3A_949] : memref<1000064x32xf32, #tpu.memory_space<hbm>> -> memref<1000064x32xf32, #tpu.memory_space<hbm>>
      tpu.wait_indirect_dma semaphore(%arg11 : memref<!tpu.dma_semaphore, #tpu.memory_space<semaphore_mem>>) src(%dma_wait3A_950 : memref<1000064x32xf32, #tpu.memory_space<hbm>>) dst(%dma_wait3A_945 : memref<128x32xf32, #tpu.memory_space<vmem>>)
      %broadcast_in_dim3A = arith.constant 0 : i32
      %broadcast_in_dim3A_951 = vector.broadcast %broadcast_in_dim3A : i32 to vector<16xi32>
      %parallel_loop3A = arith.constant 0 : i32
      %parallel_loop3A_952 = arith.constant 128 : i32
      %parallel_loop3A_953 = arith.constant 1 : i32
      %parallel_loop3A_954 = scf.for %parallel_loop3A_1829 = %parallel_loop3A to %parallel_loop3A_952 step %parallel_loop3A_953 iter_args(%parallel_loop3A_1830 = %broadcast_in_dim3A_951) -> (vector<16xi32>)  : i32 {
        %parallel_loop3A_1831 = arith.constant 0 : i32
        %parallel_loop3A_1832 = arith.addi %parallel_loop3A_1831, %parallel_loop3A_1829 : i32
        %parallel_loop3A_1833 = arith.index_cast %parallel_loop3A_1832 : i32 to index
        %parallel_loop3A_1834 = arith.constant 0 : index
        %parallel_loop3A_1835 = tpu.vector_load %arg7[%parallel_loop3A_1833, %parallel_loop3A_1834] {strides = array<i32>} : memref<512x32xf32, #tpu.memory_space<vmem>>, vector<16xf32>,
        %parallel_loop3A_1836 = arith.constant 5.65685415 : f32
        %parallel_loop3A_1837 = vector.broadcast %parallel_loop3A_1836 : f32 to vector<16xf32>
        %parallel_loop3A_1838 = arith.mulf %parallel_loop3A_1835, %parallel_loop3A_1837 : vector<16xf32>
        %parallel_loop3A_1839 = arith.constant 0 : i32
        %parallel_loop3A_1840 = vector.broadcast %parallel_loop3A_1839 : i32 to vector<16xi32>
        %parallel_loop3A_1841 = arith.addi %iota3A, %parallel_loop3A_1840 : vector<16xi32>
        tpu.vector_store_idx %arg9[%parallel_loop3A_1841, %parallel_loop3A_1830], %parallel_loop3A_1838 : memref<128x129xf32, #tpu.memory_space<vmem>>[vector<16xi32>, vector<16xi32>], vector<16xf32>,
        %parallel_loop3A_1842 = arith.index_cast %parallel_loop3A_1832 : i32 to index
        %parallel_loop3A_1843 = arith.constant 16 : index
        %parallel_loop3A_1844 = tpu.vector_load %arg7[%parallel_loop3A_1842, %parallel_loop3A_1843] {strides = array<i32>} : memref<512x32xf32, #tpu.memory_space<vmem>>, vector<16xf32>,
        %parallel_loop3A_1845 = arith.constant 5.65685415 : f32
        %parallel_loop3A_1846 = vector.broadcast %parallel_loop3A_1845 : f32 to vector<16xf32>
        %parallel_loop3A_1847 = arith.mulf %parallel_loop3A_1844, %parallel_loop3A_1846 : vector<16xf32>
        %parallel_loop3A_1848 = arith.constant 16 : i32
        %parallel_loop3A_1849 = vector.broadcast %parallel_loop3A_1848 : i32 to vector<16xi32>
        %parallel_loop3A_1850 = arith.addi %iota3A, %parallel_loop3A_1849 : vector<16xi32>
        tpu.vector_store_idx %arg9[%parallel_loop3A_1850, %parallel_loop3A_1830], %parallel_loop3A_1847 : memref<128x129xf32, #tpu.memory_space<vmem>>[vector<16xi32>, vector<16xi32>], vector<16xf32>,
        %parallel_loop3A_1851 = arith.constant 128 : i32
        %parallel_loop3A_1852 = arith.addi %parallel_loop3A_1851, %parallel_loop3A_1829 : i32
        %parallel_loop3A_1853 = arith.index_cast %parallel_loop3A_1852 : i32 to index
        %parallel_loop3A_1854 = arith.constant 0 : index
        %parallel_loop3A_1855 = tpu.vector_load %arg7[%parallel_loop3A_1853, %parallel_loop3A_1854] {strides = array<i32>} : memref<512x32xf32, #tpu.memory_space<vmem>>, vector<16xf32>,
        %parallel_loop3A_1856 = arith.constant 5.65685415 : f32
        %parallel_loop3A_1857 = vector.broadcast %parallel_loop3A_1856 : f32 to vector<16xf32>
        %parallel_loop3A_1858 = arith.mulf %parallel_loop3A_1855, %parallel_loop3A_1857 : vector<16xf32>
        %parallel_loop3A_1859 = arith.constant 32 : i32
        %parallel_loop3A_1860 = vector.broadcast %parallel_loop3A_1859 : i32 to vector<16xi32>
        %parallel_loop3A_1861 = arith.addi %iota3A, %parallel_loop3A_1860 : vector<16xi32>
        tpu.vector_store_idx %arg9[%parallel_loop3A_1861, %parallel_loop3A_1830], %parallel_loop3A_1858 : memref<128x129xf32, #tpu.memory_space<vmem>>[vector<16xi32>, vector<16xi32>], vector<16xf32>,
        %parallel_loop3A_1862 = arith.index_cast %parallel_loop3A_1852 : i32 to index
        %parallel_loop3A_1863 = arith.constant 16 : index
        %parallel_loop3A_1864 = tpu.vector_load %arg7[%parallel_loop3A_1862, %parallel_loop3A_1863] {strides = array<i32>} : memref<512x32xf32, #tpu.memory_space<vmem>>, vector<16xf32>,
        %parallel_loop3A_1865 = arith.constant 5.65685415 : f32
        %parallel_loop3A_1866 = vector.broadcast %parallel_loop3A_1865 : f32 to vector<16xf32>
        %parallel_loop3A_1867 = arith.mulf %parallel_loop3A_1864, %parallel_loop3A_1866 : vector<16xf32>
        %parallel_loop3A_1868 = arith.constant 48 : i32
        %parallel_loop3A_1869 = vector.broadcast %parallel_loop3A_1868 : i32 to vector<16xi32>
        %parallel_loop3A_1870 = arith.addi %iota3A, %parallel_loop3A_1869 : vector<16xi32>
        tpu.vector_store_idx %arg9[%parallel_loop3A_1870, %parallel_loop3A_1830], %parallel_loop3A_1867 : memref<128x129xf32, #tpu.memory_space<vmem>>[vector<16xi32>, vector<16xi32>], vector<16xf32>,
        %parallel_loop3A_1871 = arith.constant 256 : i32
        %parallel_loop3A_1872 = arith.addi %parallel_loop3A_1871, %parallel_loop3A_1829 : i32
        %parallel_loop3A_1873 = arith.index_cast %parallel_loop3A_1872 : i32 to index
        %parallel_loop3A_1874 = arith.constant 0 : index
        %parallel_loop3A_1875 = tpu.vector_load %arg7[%parallel_loop3A_1873, %parallel_loop3A_1874] {strides = array<i32>} : memref<512x32xf32, #tpu.memory_space<vmem>>, vector<16xf32>,
        %parallel_loop3A_1876 = arith.constant 5.65685415 : f32
        %parallel_loop3A_1877 = vector.broadcast %parallel_loop3A_1876 : f32 to vector<16xf32>
        %parallel_loop3A_1878 = arith.mulf %parallel_loop3A_1875, %parallel_loop3A_1877 : vector<16xf32>
        %parallel_loop3A_1879 = arith.constant 64 : i32
        %parallel_loop3A_1880 = vector.broadcast %parallel_loop3A_1879 : i32 to vector<16xi32>
        %parallel_loop3A_1881 = arith.addi %iota3A, %parallel_loop3A_1880 : vector<16xi32>
        tpu.vector_store_idx %arg9[%parallel_loop3A_1881, %parallel_loop3A_1830], %parallel_loop3A_1878 : memref<128x129xf32, #tpu.memory_space<vmem>>[vector<16xi32>, vector<16xi32>], vector<16xf32>,
        %parallel_loop3A_1882 = arith.index_cast %parallel_loop3A_1872 : i32 to index
        %parallel_loop3A_1883 = arith.constant 16 : index
        %parallel_loop3A_1884 = tpu.vector_load %arg7[%parallel_loop3A_1882, %parallel_loop3A_1883] {strides = array<i32>} : memref<512x32xf32, #tpu.memory_space<vmem>>, vector<16xf32>,
        %parallel_loop3A_1885 = arith.constant 5.65685415 : f32
        %parallel_loop3A_1886 = vector.broadcast %parallel_loop3A_1885 : f32 to vector<16xf32>
        %parallel_loop3A_1887 = arith.mulf %parallel_loop3A_1884, %parallel_loop3A_1886 : vector<16xf32>
        %parallel_loop3A_1888 = arith.constant 80 : i32
        %parallel_loop3A_1889 = vector.broadcast %parallel_loop3A_1888 : i32 to vector<16xi32>
        %parallel_loop3A_1890 = arith.addi %iota3A, %parallel_loop3A_1889 : vector<16xi32>
        tpu.vector_store_idx %arg9[%parallel_loop3A_1890, %parallel_loop3A_1830], %parallel_loop3A_1887 : memref<128x129xf32, #tpu.memory_space<vmem>>[vector<16xi32>, vector<16xi32>], vector<16xf32>,
        %parallel_loop3A_1891 = arith.constant 384 : i32
        %parallel_loop3A_1892 = arith.addi %parallel_loop3A_1891, %parallel_loop3A_1829 : i32
        %parallel_loop3A_1893 = arith.index_cast %parallel_loop3A_1892 : i32 to index
        %parallel_loop3A_1894 = arith.constant 0 : index
        %parallel_loop3A_1895 = tpu.vector_load %arg7[%parallel_loop3A_1893, %parallel_loop3A_1894] {strides = array<i32>} : memref<512x32xf32, #tpu.memory_space<vmem>>, vector<16xf32>,
        %parallel_loop3A_1896 = arith.constant 5.65685415 : f32
        %parallel_loop3A_1897 = vector.broadcast %parallel_loop3A_1896 : f32 to vector<16xf32>
        %parallel_loop3A_1898 = arith.mulf %parallel_loop3A_1895, %parallel_loop3A_1897 : vector<16xf32>
        %parallel_loop3A_1899 = arith.constant 96 : i32
        %parallel_loop3A_1900 = vector.broadcast %parallel_loop3A_1899 : i32 to vector<16xi32>
        %parallel_loop3A_1901 = arith.addi %iota3A, %parallel_loop3A_1900 : vector<16xi32>
        tpu.vector_store_idx %arg9[%parallel_loop3A_1901, %parallel_loop3A_1830], %parallel_loop3A_1898 : memref<128x129xf32, #tpu.memory_space<vmem>>[vector<16xi32>, vector<16xi32>], vector<16xf32>,
        %parallel_loop3A_1902 = arith.index_cast %parallel_loop3A_1892 : i32 to index
        %parallel_loop3A_1903 = arith.constant 16 : index
        %parallel_loop3A_1904 = tpu.vector_load %arg7[%parallel_loop3A_1902, %parallel_loop3A_1903] {strides = array<i32>} : memref<512x32xf32, #tpu.memory_space<vmem>>, vector<16xf32>,
        %parallel_loop3A_1905 = arith.constant 5.65685415 : f32
        %parallel_loop3A_1906 = vector.broadcast %parallel_loop3A_1905 : f32 to vector<16xf32>
        %parallel_loop3A_1907 = arith.mulf %parallel_loop3A_1904, %parallel_loop3A_1906 : vector<16xf32>
        %parallel_loop3A_1908 = arith.constant 112 : i32
        %parallel_loop3A_1909 = vector.broadcast %parallel_loop3A_1908 : i32 to vector<16xi32>
        %parallel_loop3A_1910 = arith.addi %iota3A, %parallel_loop3A_1909 : vector<16xi32>
        tpu.vector_store_idx %arg9[%parallel_loop3A_1910, %parallel_loop3A_1830], %parallel_loop3A_1907 : memref<128x129xf32, #tpu.memory_space<vmem>>[vector<16xi32>, vector<16xi32>], vector<16xf32>,
        %parallel_loop3A_1911 = arith.constant 1 : i32
        %parallel_loop3A_1912 = vector.broadcast %parallel_loop3A_1911 : i32 to vector<16xi32>
        %parallel_loop3A_1913 = arith.addi %parallel_loop3A_1830, %parallel_loop3A_1912 : vector<16xi32>
        scf.yield %parallel_loop3A_1913 : vector<16xi32>
      } {sc.loop_unroll_factor = 4 : i64, sc.parallel_access}
      %jit3A_955 = arith.constant 64 : i32
      %div3A_956 = arith.divsi %add3A_875, %jit3A_955 : i32
      %sign3A_957 = arith.constant 0 : i32
      %sign3A_958 = arith.cmpi sgt, %add3A_875, %sign3A_957 : i32
      %sign3A_959 = arith.extui %sign3A_958 : i1 to i32
      %sign3A_960 = arith.constant 0 : i32
      %sign3A_961 = arith.cmpi slt, %add3A_875, %sign3A_960 : i32
      %sign3A_962 = arith.extui %sign3A_961 : i1 to i32
      %sign3A_963 = arith.subi %sign3A_959, %sign3A_962 : i32
      %sign3A_964 = arith.constant 0 : i32
      %sign3A_965 = arith.cmpi sgt, %jit3A_955, %sign3A_964 : i32
      %sign3A_966 = arith.extui %sign3A_965 : i1 to i32
      %sign3A_967 = arith.constant 0 : i32
      %sign3A_968 = arith.cmpi slt, %jit3A_955, %sign3A_967 : i32
      %sign3A_969 = arith.extui %sign3A_968 : i1 to i32
      %sign3A_970 = arith.subi %sign3A_966, %sign3A_969 : i32
      %ne3A_971 = arith.cmpi ne, %sign3A_963, %sign3A_970 : i32
      %rem3A_972 = arith.remsi %add3A_875, %jit3A_955 : i32
      %ne3A_973 = arith.constant 0 : i32
      %ne3A_974 = arith.cmpi ne, %rem3A_972, %ne3A_973 : i32
      %and3A_975 = arith.andi %ne3A_971, %ne3A_974 : i1
      %sub3A_976 = arith.constant 1 : i32
      %sub3A_977 = arith.subi %div3A_956, %sub3A_976 : i32
      %select_n3A_978 = arith.select %and3A_975, %sub3A_977, %div3A_956 : i32
      %rem3A_979 = arith.constant 64 : i32
      %rem3A_980 = arith.remsi %add3A_875, %rem3A_979 : i32
      %jit3A_981 = arith.constant 2 : i32
      %div3A_982 = arith.divsi %rem3A_980, %jit3A_981 : i32
      %sign3A_983 = arith.constant 0 : i32
      %sign3A_984 = arith.cmpi sgt, %rem3A_980, %sign3A_983 : i32
      %sign3A_985 = arith.extui %sign3A_984 : i1 to i32
      %sign3A_986 = arith.constant 0 : i32
      %sign3A_987 = arith.cmpi slt, %rem3A_980, %sign3A_986 : i32
      %sign3A_988 = arith.extui %sign3A_987 : i1 to i32
      %sign3A_989 = arith.subi %sign3A_985, %sign3A_988 : i32
      %sign3A_990 = arith.constant 0 : i32
      %sign3A_991 = arith.cmpi sgt, %jit3A_981, %sign3A_990 : i32
      %sign3A_992 = arith.extui %sign3A_991 : i1 to i32
      %sign3A_993 = arith.constant 0 : i32
      %sign3A_994 = arith.cmpi slt, %jit3A_981, %sign3A_993 : i32
      %sign3A_995 = arith.extui %sign3A_994 : i1 to i32
      %sign3A_996 = arith.subi %sign3A_992, %sign3A_995 : i32
      %ne3A_997 = arith.cmpi ne, %sign3A_989, %sign3A_996 : i32
      %rem3A_998 = arith.remsi %rem3A_980, %jit3A_981 : i32
      %ne3A_999 = arith.constant 0 : i32
      %ne3A_1000 = arith.cmpi ne, %rem3A_998, %ne3A_999 : i32
      %and3A_1001 = arith.andi %ne3A_997, %ne3A_1000 : i1
      %sub3A_1002 = arith.constant 1 : i32
      %sub3A_1003 = arith.subi %div3A_982, %sub3A_1002 : i32
      %select_n3A_1004 = arith.select %and3A_1001, %sub3A_1003, %div3A_982 : i32
      %rem3A_1005 = arith.constant 2 : i32
      %rem3A_1006 = arith.remsi %rem3A_980, %rem3A_1005 : i32
      %mul3A_1007 = arith.constant 8 : i32
      %mul3A_1008 = arith.muli %select_n3A_978, %mul3A_1007 : i32
      %mul3A_1009 = arith.constant 4 : i32
      %mul3A_1010 = arith.muli %rem3A_1006, %mul3A_1009 : i32
      %add3A_1011 = arith.addi %mul3A_1008, %mul3A_1010 : i32
      %add3A_1012 = arith.constant 0 : i32
      %add3A_1013 = arith.addi %add3A_1011, %add3A_1012 : i32
      %mul3A_1014 = arith.constant 4 : i32
      %mul3A_1015 = arith.muli %add3A_1013, %mul3A_1014 : i32
      %add3A_1016 = arith.constant 0 : i32
      %add3A_1017 = arith.addi %mul3A_1015, %add3A_1016 : i32
      %mul3A_1018 = arith.constant 32 : i32
      %mul3A_1019 = arith.muli %add3A_1017, %mul3A_1018 : i32
      %add3A_1020 = arith.addi %mul3A_1019, %select_n3A_1004 : i32
      %dma_start3A_1021 = arith.constant 0 : i32
      %dma_start3A_1022 = arith.constant 0 : i32
      %dma_start3A_1023 = tpu.memref_slice %arg9[%dma_start3A_1021, %dma_start3A_1022] : memref<128x129xf32, #tpu.memory_space<vmem>> -> memref<8x128xf32, #tpu.memory_space<vmem>>
      %dma_start3A_1024 = arith.constant 0 : i32
      %dma_start3A_1025 = arith.constant 0 : i32
      %dma_start3A_1026 = tpu.memref_slice %arg4[%add3A_1020, %dma_start3A_1024, %dma_start3A_1025] : memref<25600x8x128xf32, #tpu.memory_space<hbm>> -> memref<1x8x128xf32, #tpu.memory_space<hbm>>
      %dma_start3A_1027 = tpu.memref_squeeze %dma_start3A_1026 : memref<1x8x128xf32, #tpu.memory_space<hbm>> -> memref<8x128xf32, #tpu.memory_space<hbm>>
      %dma_start3A_1028 = arith.constant 0 : i32
      %dma_start3A_1029 = arith.constant 0 : i32
      %dma_start3A_1030 = tpu.memref_slice %arg4[%add3A_1020, %dma_start3A_1028, %dma_start3A_1029] : memref<25600x8x128xf32, #tpu.memory_space<hbm>> -> memref<1x8x128xf32, #tpu.memory_space<hbm>>
      %dma_start3A_1031 = tpu.memref_squeeze %dma_start3A_1030 : memref<1x8x128xf32, #tpu.memory_space<hbm>> -> memref<8x128xf32, #tpu.memory_space<hbm>>
      %dma_start3A_1032 = arith.constant 0 : i32
      %dma_start3A_1033 = arith.constant 0 : i32
      %dma_start3A_1034 = tpu.memref_slice %arg9[%dma_start3A_1032, %dma_start3A_1033] : memref<128x129xf32, #tpu.memory_space<vmem>> -> memref<8x128xf32, #tpu.memory_space<vmem>>
      tpu.enqueue_dma source(%dma_start3A_1034 : memref<8x128xf32, #tpu.memory_space<vmem>>) target(%dma_start3A_1031 : memref<8x128xf32, #tpu.memory_space<hbm>>) target_semaphore(%arg13 : memref<!tpu.dma_semaphore, #tpu.memory_space<semaphore_mem>>)
      %mul3A_1035 = arith.constant 4 : i32
      %mul3A_1036 = arith.muli %add3A_1013, %mul3A_1035 : i32
      %add3A_1037 = arith.constant 1 : i32
      %add3A_1038 = arith.addi %mul3A_1036, %add3A_1037 : i32
      %mul3A_1039 = arith.constant 32 : i32
      %mul3A_1040 = arith.muli %add3A_1038, %mul3A_1039 : i32
      %add3A_1041 = arith.addi %mul3A_1040, %select_n3A_1004 : i32
      %dma_start3A_1042 = arith.constant 8 : i32
      %dma_start3A_1043 = arith.constant 0 : i32
      %dma_start3A_1044 = tpu.memref_slice %arg9[%dma_start3A_1042, %dma_start3A_1043] : memref<128x129xf32, #tpu.memory_space<vmem>> -> memref<8x128xf32, #tpu.memory_space<vmem>>
      %dma_start3A_1045 = arith.constant 0 : i32
      %dma_start3A_1046 = arith.constant 0 : i32
      %dma_start3A_1047 = tpu.memref_slice %arg4[%add3A_1041, %dma_start3A_1045, %dma_start3A_1046] : memref<25600x8x128xf32, #tpu.memory_space<hbm>> -> memref<1x8x128xf32, #tpu.memory_space<hbm>>
      %dma_start3A_1048 = tpu.memref_squeeze %dma_start3A_1047 : memref<1x8x128xf32, #tpu.memory_space<hbm>> -> memref<8x128xf32, #tpu.memory_space<hbm>>
      %dma_start3A_1049 = arith.constant 0 : i32
      %dma_start3A_1050 = arith.constant 0 : i32
      %dma_start3A_1051 = tpu.memref_slice %arg4[%add3A_1041, %dma_start3A_1049, %dma_start3A_1050] : memref<25600x8x128xf32, #tpu.memory_space<hbm>> -> memref<1x8x128xf32, #tpu.memory_space<hbm>>
      %dma_start3A_1052 = tpu.memref_squeeze %dma_start3A_1051 : memref<1x8x128xf32, #tpu.memory_space<hbm>> -> memref<8x128xf32, #tpu.memory_space<hbm>>
      %dma_start3A_1053 = arith.constant 8 : i32
      %dma_start3A_1054 = arith.constant 0 : i32
      %dma_start3A_1055 = tpu.memref_slice %arg9[%dma_start3A_1053, %dma_start3A_1054] : memref<128x129xf32, #tpu.memory_space<vmem>> -> memref<8x128xf32, #tpu.memory_space<vmem>>
      tpu.enqueue_dma source(%dma_start3A_1055 : memref<8x128xf32, #tpu.memory_space<vmem>>) target(%dma_start3A_1052 : memref<8x128xf32, #tpu.memory_space<hbm>>) target_semaphore(%arg13 : memref<!tpu.dma_semaphore, #tpu.memory_space<semaphore_mem>>)
      %mul3A_1056 = arith.constant 4 : i32
      %mul3A_1057 = arith.muli %add3A_1013, %mul3A_1056 : i32
      %add3A_1058 = arith.constant 2 : i32
      %add3A_1059 = arith.addi %mul3A_1057, %add3A_1058 : i32
      %mul3A_1060 = arith.constant 32 : i32
      %mul3A_1061 = arith.muli %add3A_1059, %mul3A_1060 : i32
      %add3A_1062 = arith.addi %mul3A_1061, %select_n3A_1004 : i32
      %dma_start3A_1063 = arith.constant 16 : i32
      %dma_start3A_1064 = arith.constant 0 : i32
      %dma_start3A_1065 = tpu.memref_slice %arg9[%dma_start3A_1063, %dma_start3A_1064] : memref<128x129xf32, #tpu.memory_space<vmem>> -> memref<8x128xf32, #tpu.memory_space<vmem>>
      %dma_start3A_1066 = arith.constant 0 : i32
      %dma_start3A_1067 = arith.constant 0 : i32
      %dma_start3A_1068 = tpu.memref_slice %arg4[%add3A_1062, %dma_start3A_1066, %dma_start3A_1067] : memref<25600x8x128xf32, #tpu.memory_space<hbm>> -> memref<1x8x128xf32, #tpu.memory_space<hbm>>
      %dma_start3A_1069 = tpu.memref_squeeze %dma_start3A_1068 : memref<1x8x128xf32, #tpu.memory_space<hbm>> -> memref<8x128xf32, #tpu.memory_space<hbm>>
      %dma_start3A_1070 = arith.constant 0 : i32
      %dma_start3A_1071 = arith.constant 0 : i32
      %dma_start3A_1072 = tpu.memref_slice %arg4[%add3A_1062, %dma_start3A_1070, %dma_start3A_1071] : memref<25600x8x128xf32, #tpu.memory_space<hbm>> -> memref<1x8x128xf32, #tpu.memory_space<hbm>>
      %dma_start3A_1073 = tpu.memref_squeeze %dma_start3A_1072 : memref<1x8x128xf32, #tpu.memory_space<hbm>> -> memref<8x128xf32, #tpu.memory_space<hbm>>
      %dma_start3A_1074 = arith.constant 16 : i32
      %dma_start3A_1075 = arith.constant 0 : i32
      %dma_start3A_1076 = tpu.memref_slice %arg9[%dma_start3A_1074, %dma_start3A_1075] : memref<128x129xf32, #tpu.memory_space<vmem>> -> memref<8x128xf32, #tpu.memory_space<vmem>>
      tpu.enqueue_dma source(%dma_start3A_1076 : memref<8x128xf32, #tpu.memory_space<vmem>>) target(%dma_start3A_1073 : memref<8x128xf32, #tpu.memory_space<hbm>>) target_semaphore(%arg13 : memref<!tpu.dma_semaphore, #tpu.memory_space<semaphore_mem>>)
      %mul3A_1077 = arith.constant 4 : i32
      %mul3A_1078 = arith.muli %add3A_1013, %mul3A_1077 : i32
      %add3A_1079 = arith.constant 3 : i32
      %add3A_1080 = arith.addi %mul3A_1078, %add3A_1079 : i32
      %mul3A_1081 = arith.constant 32 : i32
      %mul3A_1082 = arith.muli %add3A_1080, %mul3A_1081 : i32
      %add3A_1083 = arith.addi %mul3A_1082, %select_n3A_1004 : i32
      %dma_start3A_1084 = arith.constant 24 : i32
      %dma_start3A_1085 = arith.constant 0 : i32
      %dma_start3A_1086 = tpu.memref_slice %arg9[%dma_start3A_1084, %dma_start3A_1085] : memref<128x129xf32, #tpu.memory_space<vmem>> -> memref<8x128xf32, #tpu.memory_space<vmem>>
      %dma_start3A_1087 = arith.constant 0 : i32
      %dma_start3A_1088 = arith.constant 0 : i32
      %dma_start3A_1089 = tpu.memref_slice %arg4[%add3A_1083, %dma_start3A_1087, %dma_start3A_1088] : memref<25600x8x128xf32, #tpu.memory_space<hbm>> -> memref<1x8x128xf32, #tpu.memory_space<hbm>>
      %dma_start3A_1090 = tpu.memref_squeeze %dma_start3A_1089 : memref<1x8x128xf32, #tpu.memory_space<hbm>> -> memref<8x128xf32, #tpu.memory_space<hbm>>
      %dma_start3A_1091 = arith.constant 0 : i32
      %dma_start3A_1092 = arith.constant 0 : i32
      %dma_start3A_1093 = tpu.memref_slice %arg4[%add3A_1083, %dma_start3A_1091, %dma_start3A_1092] : memref<25600x8x128xf32, #tpu.memory_space<hbm>> -> memref<1x8x128xf32, #tpu.memory_space<hbm>>
      %dma_start3A_1094 = tpu.memref_squeeze %dma_start3A_1093 : memref<1x8x128xf32, #tpu.memory_space<hbm>> -> memref<8x128xf32, #tpu.memory_space<hbm>>
      %dma_start3A_1095 = arith.constant 24 : i32
      %dma_start3A_1096 = arith.constant 0 : i32
      %dma_start3A_1097 = tpu.memref_slice %arg9[%dma_start3A_1095, %dma_start3A_1096] : memref<128x129xf32, #tpu.memory_space<vmem>> -> memref<8x128xf32, #tpu.memory_space<vmem>>
      tpu.enqueue_dma source(%dma_start3A_1097 : memref<8x128xf32, #tpu.memory_space<vmem>>) target(%dma_start3A_1094 : memref<8x128xf32, #tpu.memory_space<hbm>>) target_semaphore(%arg13 : memref<!tpu.dma_semaphore, #tpu.memory_space<semaphore_mem>>)
      %mul3A_1098 = arith.constant 8 : i32
      %mul3A_1099 = arith.muli %select_n3A_978, %mul3A_1098 : i32
      %mul3A_1100 = arith.constant 4 : i32
      %mul3A_1101 = arith.muli %rem3A_1006, %mul3A_1100 : i32
      %add3A_1102 = arith.addi %mul3A_1099, %mul3A_1101 : i32
      %add3A_1103 = arith.constant 1 : i32
      %add3A_1104 = arith.addi %add3A_1102, %add3A_1103 : i32
      %mul3A_1105 = arith.constant 4 : i32
      %mul3A_1106 = arith.muli %add3A_1104, %mul3A_1105 : i32
      %add3A_1107 = arith.constant 0 : i32
      %add3A_1108 = arith.addi %mul3A_1106, %add3A_1107 : i32
      %mul3A_1109 = arith.constant 32 : i32
      %mul3A_1110 = arith.muli %add3A_1108, %mul3A_1109 : i32
      %add3A_1111 = arith.addi %mul3A_1110, %select_n3A_1004 : i32
      %dma_start3A_1112 = arith.constant 32 : i32
      %dma_start3A_1113 = arith.constant 0 : i32
      %dma_start3A_1114 = tpu.memref_slice %arg9[%dma_start3A_1112, %dma_start3A_1113] : memref<128x129xf32, #tpu.memory_space<vmem>> -> memref<8x128xf32, #tpu.memory_space<vmem>>
      %dma_start3A_1115 = arith.constant 0 : i32
      %dma_start3A_1116 = arith.constant 0 : i32
      %dma_start3A_1117 = tpu.memref_slice %arg4[%add3A_1111, %dma_start3A_1115, %dma_start3A_1116] : memref<25600x8x128xf32, #tpu.memory_space<hbm>> -> memref<1x8x128xf32, #tpu.memory_space<hbm>>
      %dma_start3A_1118 = tpu.memref_squeeze %dma_start3A_1117 : memref<1x8x128xf32, #tpu.memory_space<hbm>> -> memref<8x128xf32, #tpu.memory_space<hbm>>
      %dma_start3A_1119 = arith.constant 0 : i32
      %dma_start3A_1120 = arith.constant 0 : i32
      %dma_start3A_1121 = tpu.memref_slice %arg4[%add3A_1111, %dma_start3A_1119, %dma_start3A_1120] : memref<25600x8x128xf32, #tpu.memory_space<hbm>> -> memref<1x8x128xf32, #tpu.memory_space<hbm>>
      %dma_start3A_1122 = tpu.memref_squeeze %dma_start3A_1121 : memref<1x8x128xf32, #tpu.memory_space<hbm>> -> memref<8x128xf32, #tpu.memory_space<hbm>>
      %dma_start3A_1123 = arith.constant 32 : i32
      %dma_start3A_1124 = arith.constant 0 : i32
      %dma_start3A_1125 = tpu.memref_slice %arg9[%dma_start3A_1123, %dma_start3A_1124] : memref<128x129xf32, #tpu.memory_space<vmem>> -> memref<8x128xf32, #tpu.memory_space<vmem>>
      tpu.enqueue_dma source(%dma_start3A_1125 : memref<8x128xf32, #tpu.memory_space<vmem>>) target(%dma_start3A_1122 : memref<8x128xf32, #tpu.memory_space<hbm>>) target_semaphore(%arg13 : memref<!tpu.dma_semaphore, #tpu.memory_space<semaphore_mem>>)
      %mul3A_1126 = arith.constant 4 : i32
      %mul3A_1127 = arith.muli %add3A_1104, %mul3A_1126 : i32
      %add3A_1128 = arith.constant 1 : i32
      %add3A_1129 = arith.addi %mul3A_1127, %add3A_1128 : i32
      %mul3A_1130 = arith.constant 32 : i32
      %mul3A_1131 = arith.muli %add3A_1129, %mul3A_1130 : i32
      %add3A_1132 = arith.addi %mul3A_1131, %select_n3A_1004 : i32
      %dma_start3A_1133 = arith.constant 40 : i32
      %dma_start3A_1134 = arith.constant 0 : i32
      %dma_start3A_1135 = tpu.memref_slice %arg9[%dma_start3A_1133, %dma_start3A_1134] : memref<128x129xf32, #tpu.memory_space<vmem>> -> memref<8x128xf32, #tpu.memory_space<vmem>>
      %dma_start3A_1136 = arith.constant 0 : i32
      %dma_start3A_1137 = arith.constant 0 : i32
      %dma_start3A_1138 = tpu.memref_slice %arg4[%add3A_1132, %dma_start3A_1136, %dma_start3A_1137] : memref<25600x8x128xf32, #tpu.memory_space<hbm>> -> memref<1x8x128xf32, #tpu.memory_space<hbm>>
      %dma_start3A_1139 = tpu.memref_squeeze %dma_start3A_1138 : memref<1x8x128xf32, #tpu.memory_space<hbm>> -> memref<8x128xf32, #tpu.memory_space<hbm>>
      %dma_start3A_1140 = arith.constant 0 : i32
      %dma_start3A_1141 = arith.constant 0 : i32
      %dma_start3A_1142 = tpu.memref_slice %arg4[%add3A_1132, %dma_start3A_1140, %dma_start3A_1141] : memref<25600x8x128xf32, #tpu.memory_space<hbm>> -> memref<1x8x128xf32, #tpu.memory_space<hbm>>
      %dma_start3A_1143 = tpu.memref_squeeze %dma_start3A_1142 : memref<1x8x128xf32, #tpu.memory_space<hbm>> -> memref<8x128xf32, #tpu.memory_space<hbm>>
      %dma_start3A_1144 = arith.constant 40 : i32
      %dma_start3A_1145 = arith.constant 0 : i32
      %dma_start3A_1146 = tpu.memref_slice %arg9[%dma_start3A_1144, %dma_start3A_1145] : memref<128x129xf32, #tpu.memory_space<vmem>> -> memref<8x128xf32, #tpu.memory_space<vmem>>
      tpu.enqueue_dma source(%dma_start3A_1146 : memref<8x128xf32, #tpu.memory_space<vmem>>) target(%dma_start3A_1143 : memref<8x128xf32, #tpu.memory_space<hbm>>) target_semaphore(%arg13 : memref<!tpu.dma_semaphore, #tpu.memory_space<semaphore_mem>>)
      %mul3A_1147 = arith.constant 4 : i32
      %mul3A_1148 = arith.muli %add3A_1104, %mul3A_1147 : i32
      %add3A_1149 = arith.constant 2 : i32
      %add3A_1150 = arith.addi %mul3A_1148, %add3A_1149 : i32
      %mul3A_1151 = arith.constant 32 : i32
      %mul3A_1152 = arith.muli %add3A_1150, %mul3A_1151 : i32
      %add3A_1153 = arith.addi %mul3A_1152, %select_n3A_1004 : i32
      %dma_start3A_1154 = arith.constant 48 : i32
      %dma_start3A_1155 = arith.constant 0 : i32
      %dma_start3A_1156 = tpu.memref_slice %arg9[%dma_start3A_1154, %dma_start3A_1155] : memref<128x129xf32, #tpu.memory_space<vmem>> -> memref<8x128xf32, #tpu.memory_space<vmem>>
      %dma_start3A_1157 = arith.constant 0 : i32
      %dma_start3A_1158 = arith.constant 0 : i32
      %dma_start3A_1159 = tpu.memref_slice %arg4[%add3A_1153, %dma_start3A_1157, %dma_start3A_1158] : memref<25600x8x128xf32, #tpu.memory_space<hbm>> -> memref<1x8x128xf32, #tpu.memory_space<hbm>>
      %dma_start3A_1160 = tpu.memref_squeeze %dma_start3A_1159 : memref<1x8x128xf32, #tpu.memory_space<hbm>> -> memref<8x128xf32, #tpu.memory_space<hbm>>
      %dma_start3A_1161 = arith.constant 0 : i32
      %dma_start3A_1162 = arith.constant 0 : i32
      %dma_start3A_1163 = tpu.memref_slice %arg4[%add3A_1153, %dma_start3A_1161, %dma_start3A_1162] : memref<25600x8x128xf32, #tpu.memory_space<hbm>> -> memref<1x8x128xf32, #tpu.memory_space<hbm>>
      %dma_start3A_1164 = tpu.memref_squeeze %dma_start3A_1163 : memref<1x8x128xf32, #tpu.memory_space<hbm>> -> memref<8x128xf32, #tpu.memory_space<hbm>>
      %dma_start3A_1165 = arith.constant 48 : i32
      %dma_start3A_1166 = arith.constant 0 : i32
      %dma_start3A_1167 = tpu.memref_slice %arg9[%dma_start3A_1165, %dma_start3A_1166] : memref<128x129xf32, #tpu.memory_space<vmem>> -> memref<8x128xf32, #tpu.memory_space<vmem>>
      tpu.enqueue_dma source(%dma_start3A_1167 : memref<8x128xf32, #tpu.memory_space<vmem>>) target(%dma_start3A_1164 : memref<8x128xf32, #tpu.memory_space<hbm>>) target_semaphore(%arg13 : memref<!tpu.dma_semaphore, #tpu.memory_space<semaphore_mem>>)
      %mul3A_1168 = arith.constant 4 : i32
      %mul3A_1169 = arith.muli %add3A_1104, %mul3A_1168 : i32
      %add3A_1170 = arith.constant 3 : i32
      %add3A_1171 = arith.addi %mul3A_1169, %add3A_1170 : i32
      %mul3A_1172 = arith.constant 32 : i32
      %mul3A_1173 = arith.muli %add3A_1171, %mul3A_1172 : i32
      %add3A_1174 = arith.addi %mul3A_1173, %select_n3A_1004 : i32
      %dma_start3A_1175 = arith.constant 56 : i32
      %dma_start3A_1176 = arith.constant 0 : i32
      %dma_start3A_1177 = tpu.memref_slice %arg9[%dma_start3A_1175, %dma_start3A_1176] : memref<128x129xf32, #tpu.memory_space<vmem>> -> memref<8x128xf32, #tpu.memory_space<vmem>>
      %dma_start3A_1178 = arith.constant 0 : i32
      %dma_start3A_1179 = arith.constant 0 : i32
      %dma_start3A_1180 = tpu.memref_slice %arg4[%add3A_1174, %dma_start3A_1178, %dma_start3A_1179] : memref<25600x8x128xf32, #tpu.memory_space<hbm>> -> memref<1x8x128xf32, #tpu.memory_space<hbm>>
      %dma_start3A_1181 = tpu.memref_squeeze %dma_start3A_1180 : memref<1x8x128xf32, #tpu.memory_space<hbm>> -> memref<8x128xf32, #tpu.memory_space<hbm>>
      %dma_start3A_1182 = arith.constant 0 : i32
      %dma_start3A_1183 = arith.constant 0 : i32
      %dma_start3A_1184 = tpu.memref_slice %arg4[%add3A_1174, %dma_start3A_1182, %dma_start3A_1183] : memref<25600x8x128xf32, #tpu.memory_space<hbm>> -> memref<1x8x128xf32, #tpu.memory_space<hbm>>
      %dma_start3A_1185 = tpu.memref_squeeze %dma_start3A_1184 : memref<1x8x128xf32, #tpu.memory_space<hbm>> -> memref<8x128xf32, #tpu.memory_space<hbm>>
      %dma_start3A_1186 = arith.constant 56 : i32
      %dma_start3A_1187 = arith.constant 0 : i32
      %dma_start3A_1188 = tpu.memref_slice %arg9[%dma_start3A_1186, %dma_start3A_1187] : memref<128x129xf32, #tpu.memory_space<vmem>> -> memref<8x128xf32, #tpu.memory_space<vmem>>
      tpu.enqueue_dma source(%dma_start3A_1188 : memref<8x128xf32, #tpu.memory_space<vmem>>) target(%dma_start3A_1185 : memref<8x128xf32, #tpu.memory_space<hbm>>) target_semaphore(%arg13 : memref<!tpu.dma_semaphore, #tpu.memory_space<semaphore_mem>>)
      %mul3A_1189 = arith.constant 8 : i32
      %mul3A_1190 = arith.muli %select_n3A_978, %mul3A_1189 : i32
      %mul3A_1191 = arith.constant 4 : i32
      %mul3A_1192 = arith.muli %rem3A_1006, %mul3A_1191 : i32
      %add3A_1193 = arith.addi %mul3A_1190, %mul3A_1192 : i32
      %add3A_1194 = arith.constant 2 : i32
      %add3A_1195 = arith.addi %add3A_1193, %add3A_1194 : i32
      %mul3A_1196 = arith.constant 4 : i32
      %mul3A_1197 = arith.muli %add3A_1195, %mul3A_1196 : i32
      %add3A_1198 = arith.constant 0 : i32
      %add3A_1199 = arith.addi %mul3A_1197, %add3A_1198 : i32
      %mul3A_1200 = arith.constant 32 : i32
      %mul3A_1201 = arith.muli %add3A_1199, %mul3A_1200 : i32
      %add3A_1202 = arith.addi %mul3A_1201, %select_n3A_1004 : i32
      %dma_start3A_1203 = arith.constant 64 : i32
      %dma_start3A_1204 = arith.constant 0 : i32
      %dma_start3A_1205 = tpu.memref_slice %arg9[%dma_start3A_1203, %dma_start3A_1204] : memref<128x129xf32, #tpu.memory_space<vmem>> -> memref<8x128xf32, #tpu.memory_space<vmem>>
      %dma_start3A_1206 = arith.constant 0 : i32
      %dma_start3A_1207 = arith.constant 0 : i32
      %dma_start3A_1208 = tpu.memref_slice %arg4[%add3A_1202, %dma_start3A_1206, %dma_start3A_1207] : memref<25600x8x128xf32, #tpu.memory_space<hbm>> -> memref<1x8x128xf32, #tpu.memory_space<hbm>>
      %dma_start3A_1209 = tpu.memref_squeeze %dma_start3A_1208 : memref<1x8x128xf32, #tpu.memory_space<hbm>> -> memref<8x128xf32, #tpu.memory_space<hbm>>
      %dma_start3A_1210 = arith.constant 0 : i32
      %dma_start3A_1211 = arith.constant 0 : i32
      %dma_start3A_1212 = tpu.memref_slice %arg4[%add3A_1202, %dma_start3A_1210, %dma_start3A_1211] : memref<25600x8x128xf32, #tpu.memory_space<hbm>> -> memref<1x8x128xf32, #tpu.memory_space<hbm>>
      %dma_start3A_1213 = tpu.memref_squeeze %dma_start3A_1212 : memref<1x8x128xf32, #tpu.memory_space<hbm>> -> memref<8x128xf32, #tpu.memory_space<hbm>>
      %dma_start3A_1214 = arith.constant 64 : i32
      %dma_start3A_1215 = arith.constant 0 : i32
      %dma_start3A_1216 = tpu.memref_slice %arg9[%dma_start3A_1214, %dma_start3A_1215] : memref<128x129xf32, #tpu.memory_space<vmem>> -> memref<8x128xf32, #tpu.memory_space<vmem>>
      tpu.enqueue_dma source(%dma_start3A_1216 : memref<8x128xf32, #tpu.memory_space<vmem>>) target(%dma_start3A_1213 : memref<8x128xf32, #tpu.memory_space<hbm>>) target_semaphore(%arg13 : memref<!tpu.dma_semaphore, #tpu.memory_space<semaphore_mem>>)
      %mul3A_1217 = arith.constant 4 : i32
      %mul3A_1218 = arith.muli %add3A_1195, %mul3A_1217 : i32
      %add3A_1219 = arith.constant 1 : i32
      %add3A_1220 = arith.addi %mul3A_1218, %add3A_1219 : i32
      %mul3A_1221 = arith.constant 32 : i32
      %mul3A_1222 = arith.muli %add3A_1220, %mul3A_1221 : i32
      %add3A_1223 = arith.addi %mul3A_1222, %select_n3A_1004 : i32
      %dma_start3A_1224 = arith.constant 72 : i32
      %dma_start3A_1225 = arith.constant 0 : i32
      %dma_start3A_1226 = tpu.memref_slice %arg9[%dma_start3A_1224, %dma_start3A_1225] : memref<128x129xf32, #tpu.memory_space<vmem>> -> memref<8x128xf32, #tpu.memory_space<vmem>>
      %dma_start3A_1227 = arith.constant 0 : i32
      %dma_start3A_1228 = arith.constant 0 : i32
      %dma_start3A_1229 = tpu.memref_slice %arg4[%add3A_1223, %dma_start3A_1227, %dma_start3A_1228] : memref<25600x8x128xf32, #tpu.memory_space<hbm>> -> memref<1x8x128xf32, #tpu.memory_space<hbm>>
      %dma_start3A_1230 = tpu.memref_squeeze %dma_start3A_1229 : memref<1x8x128xf32, #tpu.memory_space<hbm>> -> memref<8x128xf32, #tpu.memory_space<hbm>>
      %dma_start3A_1231 = arith.constant 0 : i32
      %dma_start3A_1232 = arith.constant 0 : i32
      %dma_start3A_1233 = tpu.memref_slice %arg4[%add3A_1223, %dma_start3A_1231, %dma_start3A_1232] : memref<25600x8x128xf32, #tpu.memory_space<hbm>> -> memref<1x8x128xf32, #tpu.memory_space<hbm>>
      %dma_start3A_1234 = tpu.memref_squeeze %dma_start3A_1233 : memref<1x8x128xf32, #tpu.memory_space<hbm>> -> memref<8x128xf32, #tpu.memory_space<hbm>>
      %dma_start3A_1235 = arith.constant 72 : i32
      %dma_start3A_1236 = arith.constant 0 : i32
      %dma_start3A_1237 = tpu.memref_slice %arg9[%dma_start3A_1235, %dma_start3A_1236] : memref<128x129xf32, #tpu.memory_space<vmem>> -> memref<8x128xf32, #tpu.memory_space<vmem>>
      tpu.enqueue_dma source(%dma_start3A_1237 : memref<8x128xf32, #tpu.memory_space<vmem>>) target(%dma_start3A_1234 : memref<8x128xf32, #tpu.memory_space<hbm>>) target_semaphore(%arg13 : memref<!tpu.dma_semaphore, #tpu.memory_space<semaphore_mem>>)
      %mul3A_1238 = arith.constant 4 : i32
      %mul3A_1239 = arith.muli %add3A_1195, %mul3A_1238 : i32
      %add3A_1240 = arith.constant 2 : i32
      %add3A_1241 = arith.addi %mul3A_1239, %add3A_1240 : i32
      %mul3A_1242 = arith.constant 32 : i32
      %mul3A_1243 = arith.muli %add3A_1241, %mul3A_1242 : i32
      %add3A_1244 = arith.addi %mul3A_1243, %select_n3A_1004 : i32
      %dma_start3A_1245 = arith.constant 80 : i32
      %dma_start3A_1246 = arith.constant 0 : i32
      %dma_start3A_1247 = tpu.memref_slice %arg9[%dma_start3A_1245, %dma_start3A_1246] : memref<128x129xf32, #tpu.memory_space<vmem>> -> memref<8x128xf32, #tpu.memory_space<vmem>>
      %dma_start3A_1248 = arith.constant 0 : i32
      %dma_start3A_1249 = arith.constant 0 : i32
      %dma_start3A_1250 = tpu.memref_slice %arg4[%add3A_1244, %dma_start3A_1248, %dma_start3A_1249] : memref<25600x8x128xf32, #tpu.memory_space<hbm>> -> memref<1x8x128xf32, #tpu.memory_space<hbm>>
      %dma_start3A_1251 = tpu.memref_squeeze %dma_start3A_1250 : memref<1x8x128xf32, #tpu.memory_space<hbm>> -> memref<8x128xf32, #tpu.memory_space<hbm>>
      %dma_start3A_1252 = arith.constant 0 : i32
      %dma_start3A_1253 = arith.constant 0 : i32
      %dma_start3A_1254 = tpu.memref_slice %arg4[%add3A_1244, %dma_start3A_1252, %dma_start3A_1253] : memref<25600x8x128xf32, #tpu.memory_space<hbm>> -> memref<1x8x128xf32, #tpu.memory_space<hbm>>
      %dma_start3A_1255 = tpu.memref_squeeze %dma_start3A_1254 : memref<1x8x128xf32, #tpu.memory_space<hbm>> -> memref<8x128xf32, #tpu.memory_space<hbm>>
      %dma_start3A_1256 = arith.constant 80 : i32
      %dma_start3A_1257 = arith.constant 0 : i32
      %dma_start3A_1258 = tpu.memref_slice %arg9[%dma_start3A_1256, %dma_start3A_1257] : memref<128x129xf32, #tpu.memory_space<vmem>> -> memref<8x128xf32, #tpu.memory_space<vmem>>
      tpu.enqueue_dma source(%dma_start3A_1258 : memref<8x128xf32, #tpu.memory_space<vmem>>) target(%dma_start3A_1255 : memref<8x128xf32, #tpu.memory_space<hbm>>) target_semaphore(%arg13 : memref<!tpu.dma_semaphore, #tpu.memory_space<semaphore_mem>>)
      %mul3A_1259 = arith.constant 4 : i32
      %mul3A_1260 = arith.muli %add3A_1195, %mul3A_1259 : i32
      %add3A_1261 = arith.constant 3 : i32
      %add3A_1262 = arith.addi %mul3A_1260, %add3A_1261 : i32
      %mul3A_1263 = arith.constant 32 : i32
      %mul3A_1264 = arith.muli %add3A_1262, %mul3A_1263 : i32
      %add3A_1265 = arith.addi %mul3A_1264, %select_n3A_1004 : i32
      %dma_start3A_1266 = arith.constant 88 : i32
      %dma_start3A_1267 = arith.constant 0 : i32
      %dma_start3A_1268 = tpu.memref_slice %arg9[%dma_start3A_1266, %dma_start3A_1267] : memref<128x129xf32, #tpu.memory_space<vmem>> -> memref<8x128xf32, #tpu.memory_space<vmem>>
      %dma_start3A_1269 = arith.constant 0 : i32
      %dma_start3A_1270 = arith.constant 0 : i32
      %dma_start3A_1271 = tpu.memref_slice %arg4[%add3A_1265, %dma_start3A_1269, %dma_start3A_1270] : memref<25600x8x128xf32, #tpu.memory_space<hbm>> -> memref<1x8x128xf32, #tpu.memory_space<hbm>>
      %dma_start3A_1272 = tpu.memref_squeeze %dma_start3A_1271 : memref<1x8x128xf32, #tpu.memory_space<hbm>> -> memref<8x128xf32, #tpu.memory_space<hbm>>
      %dma_start3A_1273 = arith.constant 0 : i32
      %dma_start3A_1274 = arith.constant 0 : i32
      %dma_start3A_1275 = tpu.memref_slice %arg4[%add3A_1265, %dma_start3A_1273, %dma_start3A_1274] : memref<25600x8x128xf32, #tpu.memory_space<hbm>> -> memref<1x8x128xf32, #tpu.memory_space<hbm>>
      %dma_start3A_1276 = tpu.memref_squeeze %dma_start3A_1275 : memref<1x8x128xf32, #tpu.memory_space<hbm>> -> memref<8x128xf32, #tpu.memory_space<hbm>>
      %dma_start3A_1277 = arith.constant 88 : i32
      %dma_start3A_1278 = arith.constant 0 : i32
      %dma_start3A_1279 = tpu.memref_slice %arg9[%dma_start3A_1277, %dma_start3A_1278] : memref<128x129xf32, #tpu.memory_space<vmem>> -> memref<8x128xf32, #tpu.memory_space<vmem>>
      tpu.enqueue_dma source(%dma_start3A_1279 : memref<8x128xf32, #tpu.memory_space<vmem>>) target(%dma_start3A_1276 : memref<8x128xf32, #tpu.memory_space<hbm>>) target_semaphore(%arg13 : memref<!tpu.dma_semaphore, #tpu.memory_space<semaphore_mem>>)
      %mul3A_1280 = arith.constant 8 : i32
      %mul3A_1281 = arith.muli %select_n3A_978, %mul3A_1280 : i32
      %mul3A_1282 = arith.constant 4 : i32
      %mul3A_1283 = arith.muli %rem3A_1006, %mul3A_1282 : i32
      %add3A_1284 = arith.addi %mul3A_1281, %mul3A_1283 : i32
      %add3A_1285 = arith.constant 3 : i32
      %add3A_1286 = arith.addi %add3A_1284, %add3A_1285 : i32
      %mul3A_1287 = arith.constant 4 : i32
      %mul3A_1288 = arith.muli %add3A_1286, %mul3A_1287 : i32
      %add3A_1289 = arith.constant 0 : i32
      %add3A_1290 = arith.addi %mul3A_1288, %add3A_1289 : i32
      %mul3A_1291 = arith.constant 32 : i32
      %mul3A_1292 = arith.muli %add3A_1290, %mul3A_1291 : i32
      %add3A_1293 = arith.addi %mul3A_1292, %select_n3A_1004 : i32
      %dma_start3A_1294 = arith.constant 96 : i32
      %dma_start3A_1295 = arith.constant 0 : i32
      %dma_start3A_1296 = tpu.memref_slice %arg9[%dma_start3A_1294, %dma_start3A_1295] : memref<128x129xf32, #tpu.memory_space<vmem>> -> memref<8x128xf32, #tpu.memory_space<vmem>>
      %dma_start3A_1297 = arith.constant 0 : i32
      %dma_start3A_1298 = arith.constant 0 : i32
      %dma_start3A_1299 = tpu.memref_slice %arg4[%add3A_1293, %dma_start3A_1297, %dma_start3A_1298] : memref<25600x8x128xf32, #tpu.memory_space<hbm>> -> memref<1x8x128xf32, #tpu.memory_space<hbm>>
      %dma_start3A_1300 = tpu.memref_squeeze %dma_start3A_1299 : memref<1x8x128xf32, #tpu.memory_space<hbm>> -> memref<8x128xf32, #tpu.memory_space<hbm>>
      %dma_start3A_1301 = arith.constant 0 : i32
      %dma_start3A_1302 = arith.constant 0 : i32
      %dma_start3A_1303 = tpu.memref_slice %arg4[%add3A_1293, %dma_start3A_1301, %dma_start3A_1302] : memref<25600x8x128xf32, #tpu.memory_space<hbm>> -> memref<1x8x128xf32, #tpu.memory_space<hbm>>
      %dma_start3A_1304 = tpu.memref_squeeze %dma_start3A_1303 : memref<1x8x128xf32, #tpu.memory_space<hbm>> -> memref<8x128xf32, #tpu.memory_space<hbm>>
      %dma_start3A_1305 = arith.constant 96 : i32
      %dma_start3A_1306 = arith.constant 0 : i32
      %dma_start3A_1307 = tpu.memref_slice %arg9[%dma_start3A_1305, %dma_start3A_1306] : memref<128x129xf32, #tpu.memory_space<vmem>> -> memref<8x128xf32, #tpu.memory_space<vmem>>
      tpu.enqueue_dma source(%dma_start3A_1307 : memref<8x128xf32, #tpu.memory_space<vmem>>) target(%dma_start3A_1304 : memref<8x128xf32, #tpu.memory_space<hbm>>) target_semaphore(%arg13 : memref<!tpu.dma_semaphore, #tpu.memory_space<semaphore_mem>>)
      %mul3A_1308 = arith.constant 4 : i32
      %mul3A_1309 = arith.muli %add3A_1286, %mul3A_1308 : i32
      %add3A_1310 = arith.constant 1 : i32
      %add3A_1311 = arith.addi %mul3A_1309, %add3A_1310 : i32
      %mul3A_1312 = arith.constant 32 : i32
      %mul3A_1313 = arith.muli %add3A_1311, %mul3A_1312 : i32
      %add3A_1314 = arith.addi %mul3A_1313, %select_n3A_1004 : i32
      %dma_start3A_1315 = arith.constant 104 : i32
      %dma_start3A_1316 = arith.constant 0 : i32
      %dma_start3A_1317 = tpu.memref_slice %arg9[%dma_start3A_1315, %dma_start3A_1316] : memref<128x129xf32, #tpu.memory_space<vmem>> -> memref<8x128xf32, #tpu.memory_space<vmem>>
      %dma_start3A_1318 = arith.constant 0 : i32
      %dma_start3A_1319 = arith.constant 0 : i32
      %dma_start3A_1320 = tpu.memref_slice %arg4[%add3A_1314, %dma_start3A_1318, %dma_start3A_1319] : memref<25600x8x128xf32, #tpu.memory_space<hbm>> -> memref<1x8x128xf32, #tpu.memory_space<hbm>>
      %dma_start3A_1321 = tpu.memref_squeeze %dma_start3A_1320 : memref<1x8x128xf32, #tpu.memory_space<hbm>> -> memref<8x128xf32, #tpu.memory_space<hbm>>
      %dma_start3A_1322 = arith.constant 0 : i32
      %dma_start3A_1323 = arith.constant 0 : i32
      %dma_start3A_1324 = tpu.memref_slice %arg4[%add3A_1314, %dma_start3A_1322, %dma_start3A_1323] : memref<25600x8x128xf32, #tpu.memory_space<hbm>> -> memref<1x8x128xf32, #tpu.memory_space<hbm>>
      %dma_start3A_1325 = tpu.memref_squeeze %dma_start3A_1324 : memref<1x8x128xf32, #tpu.memory_space<hbm>> -> memref<8x128xf32, #tpu.memory_space<hbm>>
      %dma_start3A_1326 = arith.constant 104 : i32
      %dma_start3A_1327 = arith.constant 0 : i32
      %dma_start3A_1328 = tpu.memref_slice %arg9[%dma_start3A_1326, %dma_start3A_1327] : memref<128x129xf32, #tpu.memory_space<vmem>> -> memref<8x128xf32, #tpu.memory_space<vmem>>
      tpu.enqueue_dma source(%dma_start3A_1328 : memref<8x128xf32, #tpu.memory_space<vmem>>) target(%dma_start3A_1325 : memref<8x128xf32, #tpu.memory_space<hbm>>) target_semaphore(%arg13 : memref<!tpu.dma_semaphore, #tpu.memory_space<semaphore_mem>>)
      %mul3A_1329 = arith.constant 4 : i32
      %mul3A_1330 = arith.muli %add3A_1286, %mul3A_1329 : i32
      %add3A_1331 = arith.constant 2 : i32
      %add3A_1332 = arith.addi %mul3A_1330, %add3A_1331 : i32
      %mul3A_1333 = arith.constant 32 : i32
      %mul3A_1334 = arith.muli %add3A_1332, %mul3A_1333 : i32
      %add3A_1335 = arith.addi %mul3A_1334, %select_n3A_1004 : i32
      %dma_start3A_1336 = arith.constant 112 : i32
      %dma_start3A_1337 = arith.constant 0 : i32
      %dma_start3A_1338 = tpu.memref_slice %arg9[%dma_start3A_1336, %dma_start3A_1337] : memref<128x129xf32, #tpu.memory_space<vmem>> -> memref<8x128xf32, #tpu.memory_space<vmem>>
      %dma_start3A_1339 = arith.constant 0 : i32
      %dma_start3A_1340 = arith.constant 0 : i32
      %dma_start3A_1341 = tpu.memref_slice %arg4[%add3A_1335, %dma_start3A_1339, %dma_start3A_1340] : memref<25600x8x128xf32, #tpu.memory_space<hbm>> -> memref<1x8x128xf32, #tpu.memory_space<hbm>>
      %dma_start3A_1342 = tpu.memref_squeeze %dma_start3A_1341 : memref<1x8x128xf32, #tpu.memory_space<hbm>> -> memref<8x128xf32, #tpu.memory_space<hbm>>
      %dma_start3A_1343 = arith.constant 0 : i32
      %dma_start3A_1344 = arith.constant 0 : i32
      %dma_start3A_1345 = tpu.memref_slice %arg4[%add3A_1335, %dma_start3A_1343, %dma_start3A_1344] : memref<25600x8x128xf32, #tpu.memory_space<hbm>> -> memref<1x8x128xf32, #tpu.memory_space<hbm>>
      %dma_start3A_1346 = tpu.memref_squeeze %dma_start3A_1345 : memref<1x8x128xf32, #tpu.memory_space<hbm>> -> memref<8x128xf32, #tpu.memory_space<hbm>>
      %dma_start3A_1347 = arith.constant 112 : i32
      %dma_start3A_1348 = arith.constant 0 : i32
      %dma_start3A_1349 = tpu.memref_slice %arg9[%dma_start3A_1347, %dma_start3A_1348] : memref<128x129xf32, #tpu.memory_space<vmem>> -> memref<8x128xf32, #tpu.memory_space<vmem>>
      tpu.enqueue_dma source(%dma_start3A_1349 : memref<8x128xf32, #tpu.memory_space<vmem>>) target(%dma_start3A_1346 : memref<8x128xf32, #tpu.memory_space<hbm>>) target_semaphore(%arg13 : memref<!tpu.dma_semaphore, #tpu.memory_space<semaphore_mem>>)
      %mul3A_1350 = arith.constant 4 : i32
      %mul3A_1351 = arith.muli %add3A_1286, %mul3A_1350 : i32
      %add3A_1352 = arith.constant 3 : i32
      %add3A_1353 = arith.addi %mul3A_1351, %add3A_1352 : i32
      %mul3A_1354 = arith.constant 32 : i32
      %mul3A_1355 = arith.muli %add3A_1353, %mul3A_1354 : i32
      %add3A_1356 = arith.addi %mul3A_1355, %select_n3A_1004 : i32
      %dma_start3A_1357 = arith.constant 120 : i32
      %dma_start3A_1358 = arith.constant 0 : i32
      %dma_start3A_1359 = tpu.memref_slice %arg9[%dma_start3A_1357, %dma_start3A_1358] : memref<128x129xf32, #tpu.memory_space<vmem>> -> memref<8x128xf32, #tpu.memory_space<vmem>>
      %dma_start3A_1360 = arith.constant 0 : i32
      %dma_start3A_1361 = arith.constant 0 : i32
      %dma_start3A_1362 = tpu.memref_slice %arg4[%add3A_1356, %dma_start3A_1360, %dma_start3A_1361] : memref<25600x8x128xf32, #tpu.memory_space<hbm>> -> memref<1x8x128xf32, #tpu.memory_space<hbm>>
      %dma_start3A_1363 = tpu.memref_squeeze %dma_start3A_1362 : memref<1x8x128xf32, #tpu.memory_space<hbm>> -> memref<8x128xf32, #tpu.memory_space<hbm>>
      %dma_start3A_1364 = arith.constant 0 : i32
      %dma_start3A_1365 = arith.constant 0 : i32
      %dma_start3A_1366 = tpu.memref_slice %arg4[%add3A_1356, %dma_start3A_1364, %dma_start3A_1365] : memref<25600x8x128xf32, #tpu.memory_space<hbm>> -> memref<1x8x128xf32, #tpu.memory_space<hbm>>
      %dma_start3A_1367 = tpu.memref_squeeze %dma_start3A_1366 : memref<1x8x128xf32, #tpu.memory_space<hbm>> -> memref<8x128xf32, #tpu.memory_space<hbm>>
      %dma_start3A_1368 = arith.constant 120 : i32
      %dma_start3A_1369 = arith.constant 0 : i32
      %dma_start3A_1370 = tpu.memref_slice %arg9[%dma_start3A_1368, %dma_start3A_1369] : memref<128x129xf32, #tpu.memory_space<vmem>> -> memref<8x128xf32, #tpu.memory_space<vmem>>
      tpu.enqueue_dma source(%dma_start3A_1370 : memref<8x128xf32, #tpu.memory_space<vmem>>) target(%dma_start3A_1367 : memref<8x128xf32, #tpu.memory_space<hbm>>) target_semaphore(%arg13 : memref<!tpu.dma_semaphore, #tpu.memory_space<semaphore_mem>>)
      %dma_wait3A_1371 = arith.constant 0 : i32
      %dma_wait3A_1372 = arith.constant 0 : i32
      %dma_wait3A_1373 = tpu.memref_slice %arg8[%dma_wait3A_1371, %dma_wait3A_1372] : memref<512x32xf32, #tpu.memory_space<vmem>> -> memref<128x32xf32, #tpu.memory_space<vmem>>
      %dma_wait3A_1374 = arith.constant 0 : i32
      %dma_wait3A_1375 = tpu.memref_slice %arg6[%dma_wait3A_1374] : memref<512xi32, #tpu.memory_space<vmem>> -> memref<128xi32, #tpu.memory_space<vmem>>
      %dma_wait3A_1376 = arith.constant 0 : i32
      %dma_wait3A_1377 = arith.constant 0 : i32
      %dma_wait3A_1378 = tpu.memref_slice %arg3[%dma_wait3A_1376, %dma_wait3A_1377] : memref<1000064x32xf32, #tpu.memory_space<hbm>> -> memref<1000064x32xf32, #tpu.memory_space<hbm>>
      tpu.wait_indirect_dma semaphore(%arg12 : memref<!tpu.dma_semaphore, #tpu.memory_space<semaphore_mem>>) src(%dma_wait3A_1378 : memref<1000064x32xf32, #tpu.memory_space<hbm>>) dst(%dma_wait3A_1373 : memref<128x32xf32, #tpu.memory_space<vmem>>)
      %dma_wait3A_1379 = arith.constant 128 : i32
      %dma_wait3A_1380 = arith.constant 0 : i32
      %dma_wait3A_1381 = tpu.memref_slice %arg8[%dma_wait3A_1379, %dma_wait3A_1380] : memref<512x32xf32, #tpu.memory_space<vmem>> -> memref<128x32xf32, #tpu.memory_space<vmem>>
      %dma_wait3A_1382 = arith.constant 128 : i32
      %dma_wait3A_1383 = tpu.memref_slice %arg6[%dma_wait3A_1382] : memref<512xi32, #tpu.memory_space<vmem>> -> memref<128xi32, #tpu.memory_space<vmem>>
      %dma_wait3A_1384 = arith.constant 0 : i32
      %dma_wait3A_1385 = arith.constant 0 : i32
      %dma_wait3A_1386 = tpu.memref_slice %arg3[%dma_wait3A_1384, %dma_wait3A_1385] : memref<1000064x32xf32, #tpu.memory_space<hbm>> -> memref<1000064x32xf32, #tpu.memory_space<hbm>>
      tpu.wait_indirect_dma semaphore(%arg12 : memref<!tpu.dma_semaphore, #tpu.memory_space<semaphore_mem>>) src(%dma_wait3A_1386 : memref<1000064x32xf32, #tpu.memory_space<hbm>>) dst(%dma_wait3A_1381 : memref<128x32xf32, #tpu.memory_space<vmem>>)
      %dma_wait3A_1387 = arith.constant 256 : i32
      %dma_wait3A_1388 = arith.constant 0 : i32
      %dma_wait3A_1389 = tpu.memref_slice %arg8[%dma_wait3A_1387, %dma_wait3A_1388] : memref<512x32xf32, #tpu.memory_space<vmem>> -> memref<128x32xf32, #tpu.memory_space<vmem>>
      %dma_wait3A_1390 = arith.constant 256 : i32
      %dma_wait3A_1391 = tpu.memref_slice %arg6[%dma_wait3A_1390] : memref<512xi32, #tpu.memory_space<vmem>> -> memref<128xi32, #tpu.memory_space<vmem>>
      %dma_wait3A_1392 = arith.constant 0 : i32
      %dma_wait3A_1393 = arith.constant 0 : i32
      %dma_wait3A_1394 = tpu.memref_slice %arg3[%dma_wait3A_1392, %dma_wait3A_1393] : memref<1000064x32xf32, #tpu.memory_space<hbm>> -> memref<1000064x32xf32, #tpu.memory_space<hbm>>
      tpu.wait_indirect_dma semaphore(%arg12 : memref<!tpu.dma_semaphore, #tpu.memory_space<semaphore_mem>>) src(%dma_wait3A_1394 : memref<1000064x32xf32, #tpu.memory_space<hbm>>) dst(%dma_wait3A_1389 : memref<128x32xf32, #tpu.memory_space<vmem>>)
      %dma_wait3A_1395 = arith.constant 384 : i32
      %dma_wait3A_1396 = arith.constant 0 : i32
      %dma_wait3A_1397 = tpu.memref_slice %arg8[%dma_wait3A_1395, %dma_wait3A_1396] : memref<512x32xf32, #tpu.memory_space<vmem>> -> memref<128x32xf32, #tpu.memory_space<vmem>>
      %dma_wait3A_1398 = arith.constant 384 : i32
      %dma_wait3A_1399 = tpu.memref_slice %arg6[%dma_wait3A_1398] : memref<512xi32, #tpu.memory_space<vmem>> -> memref<128xi32, #tpu.memory_space<vmem>>
      %dma_wait3A_1400 = arith.constant 0 : i32
      %dma_wait3A_1401 = arith.constant 0 : i32
      %dma_wait3A_1402 = tpu.memref_slice %arg3[%dma_wait3A_1400, %dma_wait3A_1401] : memref<1000064x32xf32, #tpu.memory_space<hbm>> -> memref<1000064x32xf32, #tpu.memory_space<hbm>>
      tpu.wait_indirect_dma semaphore(%arg12 : memref<!tpu.dma_semaphore, #tpu.memory_space<semaphore_mem>>) src(%dma_wait3A_1402 : memref<1000064x32xf32, #tpu.memory_space<hbm>>) dst(%dma_wait3A_1397 : memref<128x32xf32, #tpu.memory_space<vmem>>)
      %broadcast_in_dim3A_1403 = arith.constant 0 : i32
      %broadcast_in_dim3A_1404 = vector.broadcast %broadcast_in_dim3A_1403 : i32 to vector<16xi32>
      %parallel_loop3A_1405 = arith.constant 0 : i32
      %parallel_loop3A_1406 = arith.constant 128 : i32
      %parallel_loop3A_1407 = arith.constant 1 : i32
      %parallel_loop3A_1408 = scf.for %parallel_loop3A_1829 = %parallel_loop3A_1405 to %parallel_loop3A_1406 step %parallel_loop3A_1407 iter_args(%parallel_loop3A_1830 = %broadcast_in_dim3A_1404) -> (vector<16xi32>)  : i32 {
        %parallel_loop3A_1831 = arith.constant 0 : i32
        %parallel_loop3A_1832 = arith.addi %parallel_loop3A_1831, %parallel_loop3A_1829 : i32
        %parallel_loop3A_1833 = arith.index_cast %parallel_loop3A_1832 : i32 to index
        %parallel_loop3A_1834 = arith.constant 0 : index
        %parallel_loop3A_1835 = tpu.vector_load %arg8[%parallel_loop3A_1833, %parallel_loop3A_1834] {strides = array<i32>} : memref<512x32xf32, #tpu.memory_space<vmem>>, vector<16xf32>,
        %parallel_loop3A_1836 = arith.constant 5.65685415 : f32
        %parallel_loop3A_1837 = vector.broadcast %parallel_loop3A_1836 : f32 to vector<16xf32>
        %parallel_loop3A_1838 = arith.mulf %parallel_loop3A_1835, %parallel_loop3A_1837 : vector<16xf32>
        %parallel_loop3A_1839 = arith.constant 0 : i32
        %parallel_loop3A_1840 = vector.broadcast %parallel_loop3A_1839 : i32 to vector<16xi32>
        %parallel_loop3A_1841 = arith.addi %iota3A, %parallel_loop3A_1840 : vector<16xi32>
        tpu.vector_store_idx %arg10[%parallel_loop3A_1841, %parallel_loop3A_1830], %parallel_loop3A_1838 : memref<128x129xf32, #tpu.memory_space<vmem>>[vector<16xi32>, vector<16xi32>], vector<16xf32>,
        %parallel_loop3A_1842 = arith.index_cast %parallel_loop3A_1832 : i32 to index
        %parallel_loop3A_1843 = arith.constant 16 : index
        %parallel_loop3A_1844 = tpu.vector_load %arg8[%parallel_loop3A_1842, %parallel_loop3A_1843] {strides = array<i32>} : memref<512x32xf32, #tpu.memory_space<vmem>>, vector<16xf32>,
        %parallel_loop3A_1845 = arith.constant 5.65685415 : f32
        %parallel_loop3A_1846 = vector.broadcast %parallel_loop3A_1845 : f32 to vector<16xf32>
        %parallel_loop3A_1847 = arith.mulf %parallel_loop3A_1844, %parallel_loop3A_1846 : vector<16xf32>
        %parallel_loop3A_1848 = arith.constant 16 : i32
        %parallel_loop3A_1849 = vector.broadcast %parallel_loop3A_1848 : i32 to vector<16xi32>
        %parallel_loop3A_1850 = arith.addi %iota3A, %parallel_loop3A_1849 : vector<16xi32>
        tpu.vector_store_idx %arg10[%parallel_loop3A_1850, %parallel_loop3A_1830], %parallel_loop3A_1847 : memref<128x129xf32, #tpu.memory_space<vmem>>[vector<16xi32>, vector<16xi32>], vector<16xf32>,
        %parallel_loop3A_1851 = arith.constant 128 : i32
        %parallel_loop3A_1852 = arith.addi %parallel_loop3A_1851, %parallel_loop3A_1829 : i32
        %parallel_loop3A_1853 = arith.index_cast %parallel_loop3A_1852 : i32 to index
        %parallel_loop3A_1854 = arith.constant 0 : index
        %parallel_loop3A_1855 = tpu.vector_load %arg8[%parallel_loop3A_1853, %parallel_loop3A_1854] {strides = array<i32>} : memref<512x32xf32, #tpu.memory_space<vmem>>, vector<16xf32>,
        %parallel_loop3A_1856 = arith.constant 5.65685415 : f32
        %parallel_loop3A_1857 = vector.broadcast %parallel_loop3A_1856 : f32 to vector<16xf32>
        %parallel_loop3A_1858 = arith.mulf %parallel_loop3A_1855, %parallel_loop3A_1857 : vector<16xf32>
        %parallel_loop3A_1859 = arith.constant 32 : i32
        %parallel_loop3A_1860 = vector.broadcast %parallel_loop3A_1859 : i32 to vector<16xi32>
        %parallel_loop3A_1861 = arith.addi %iota3A, %parallel_loop3A_1860 : vector<16xi32>
        tpu.vector_store_idx %arg10[%parallel_loop3A_1861, %parallel_loop3A_1830], %parallel_loop3A_1858 : memref<128x129xf32, #tpu.memory_space<vmem>>[vector<16xi32>, vector<16xi32>], vector<16xf32>,
        %parallel_loop3A_1862 = arith.index_cast %parallel_loop3A_1852 : i32 to index
        %parallel_loop3A_1863 = arith.constant 16 : index
        %parallel_loop3A_1864 = tpu.vector_load %arg8[%parallel_loop3A_1862, %parallel_loop3A_1863] {strides = array<i32>} : memref<512x32xf32, #tpu.memory_space<vmem>>, vector<16xf32>,
        %parallel_loop3A_1865 = arith.constant 5.65685415 : f32
        %parallel_loop3A_1866 = vector.broadcast %parallel_loop3A_1865 : f32 to vector<16xf32>
        %parallel_loop3A_1867 = arith.mulf %parallel_loop3A_1864, %parallel_loop3A_1866 : vector<16xf32>
        %parallel_loop3A_1868 = arith.constant 48 : i32
        %parallel_loop3A_1869 = vector.broadcast %parallel_loop3A_1868 : i32 to vector<16xi32>
        %parallel_loop3A_1870 = arith.addi %iota3A, %parallel_loop3A_1869 : vector<16xi32>
        tpu.vector_store_idx %arg10[%parallel_loop3A_1870, %parallel_loop3A_1830], %parallel_loop3A_1867 : memref<128x129xf32, #tpu.memory_space<vmem>>[vector<16xi32>, vector<16xi32>], vector<16xf32>,
        %parallel_loop3A_1871 = arith.constant 256 : i32
        %parallel_loop3A_1872 = arith.addi %parallel_loop3A_1871, %parallel_loop3A_1829 : i32
        %parallel_loop3A_1873 = arith.index_cast %parallel_loop3A_1872 : i32 to index
        %parallel_loop3A_1874 = arith.constant 0 : index
        %parallel_loop3A_1875 = tpu.vector_load %arg8[%parallel_loop3A_1873, %parallel_loop3A_1874] {strides = array<i32>} : memref<512x32xf32, #tpu.memory_space<vmem>>, vector<16xf32>,
        %parallel_loop3A_1876 = arith.constant 5.65685415 : f32
        %parallel_loop3A_1877 = vector.broadcast %parallel_loop3A_1876 : f32 to vector<16xf32>
        %parallel_loop3A_1878 = arith.mulf %parallel_loop3A_1875, %parallel_loop3A_1877 : vector<16xf32>
        %parallel_loop3A_1879 = arith.constant 64 : i32
        %parallel_loop3A_1880 = vector.broadcast %parallel_loop3A_1879 : i32 to vector<16xi32>
        %parallel_loop3A_1881 = arith.addi %iota3A, %parallel_loop3A_1880 : vector<16xi32>
        tpu.vector_store_idx %arg10[%parallel_loop3A_1881, %parallel_loop3A_1830], %parallel_loop3A_1878 : memref<128x129xf32, #tpu.memory_space<vmem>>[vector<16xi32>, vector<16xi32>], vector<16xf32>,
        %parallel_loop3A_1882 = arith.index_cast %parallel_loop3A_1872 : i32 to index
        %parallel_loop3A_1883 = arith.constant 16 : index
        %parallel_loop3A_1884 = tpu.vector_load %arg8[%parallel_loop3A_1882, %parallel_loop3A_1883] {strides = array<i32>} : memref<512x32xf32, #tpu.memory_space<vmem>>, vector<16xf32>,
        %parallel_loop3A_1885 = arith.constant 5.65685415 : f32
        %parallel_loop3A_1886 = vector.broadcast %parallel_loop3A_1885 : f32 to vector<16xf32>
        %parallel_loop3A_1887 = arith.mulf %parallel_loop3A_1884, %parallel_loop3A_1886 : vector<16xf32>
        %parallel_loop3A_1888 = arith.constant 80 : i32
        %parallel_loop3A_1889 = vector.broadcast %parallel_loop3A_1888 : i32 to vector<16xi32>
        %parallel_loop3A_1890 = arith.addi %iota3A, %parallel_loop3A_1889 : vector<16xi32>
        tpu.vector_store_idx %arg10[%parallel_loop3A_1890, %parallel_loop3A_1830], %parallel_loop3A_1887 : memref<128x129xf32, #tpu.memory_space<vmem>>[vector<16xi32>, vector<16xi32>], vector<16xf32>,
        %parallel_loop3A_1891 = arith.constant 384 : i32
        %parallel_loop3A_1892 = arith.addi %parallel_loop3A_1891, %parallel_loop3A_1829 : i32
        %parallel_loop3A_1893 = arith.index_cast %parallel_loop3A_1892 : i32 to index
        %parallel_loop3A_1894 = arith.constant 0 : index
        %parallel_loop3A_1895 = tpu.vector_load %arg8[%parallel_loop3A_1893, %parallel_loop3A_1894] {strides = array<i32>} : memref<512x32xf32, #tpu.memory_space<vmem>>, vector<16xf32>,
        %parallel_loop3A_1896 = arith.constant 5.65685415 : f32
        %parallel_loop3A_1897 = vector.broadcast %parallel_loop3A_1896 : f32 to vector<16xf32>
        %parallel_loop3A_1898 = arith.mulf %parallel_loop3A_1895, %parallel_loop3A_1897 : vector<16xf32>
        %parallel_loop3A_1899 = arith.constant 96 : i32
        %parallel_loop3A_1900 = vector.broadcast %parallel_loop3A_1899 : i32 to vector<16xi32>
        %parallel_loop3A_1901 = arith.addi %iota3A, %parallel_loop3A_1900 : vector<16xi32>
        tpu.vector_store_idx %arg10[%parallel_loop3A_1901, %parallel_loop3A_1830], %parallel_loop3A_1898 : memref<128x129xf32, #tpu.memory_space<vmem>>[vector<16xi32>, vector<16xi32>], vector<16xf32>,
        %parallel_loop3A_1902 = arith.index_cast %parallel_loop3A_1892 : i32 to index
        %parallel_loop3A_1903 = arith.constant 16 : index
        %parallel_loop3A_1904 = tpu.vector_load %arg8[%parallel_loop3A_1902, %parallel_loop3A_1903] {strides = array<i32>} : memref<512x32xf32, #tpu.memory_space<vmem>>, vector<16xf32>,
        %parallel_loop3A_1905 = arith.constant 5.65685415 : f32
        %parallel_loop3A_1906 = vector.broadcast %parallel_loop3A_1905 : f32 to vector<16xf32>
        %parallel_loop3A_1907 = arith.mulf %parallel_loop3A_1904, %parallel_loop3A_1906 : vector<16xf32>
        %parallel_loop3A_1908 = arith.constant 112 : i32
        %parallel_loop3A_1909 = vector.broadcast %parallel_loop3A_1908 : i32 to vector<16xi32>
        %parallel_loop3A_1910 = arith.addi %iota3A, %parallel_loop3A_1909 : vector<16xi32>
        tpu.vector_store_idx %arg10[%parallel_loop3A_1910, %parallel_loop3A_1830], %parallel_loop3A_1907 : memref<128x129xf32, #tpu.memory_space<vmem>>[vector<16xi32>, vector<16xi32>], vector<16xf32>,
        %parallel_loop3A_1911 = arith.constant 1 : i32
        %parallel_loop3A_1912 = vector.broadcast %parallel_loop3A_1911 : i32 to vector<16xi32>
        %parallel_loop3A_1913 = arith.addi %parallel_loop3A_1830, %parallel_loop3A_1912 : vector<16xi32>
        scf.yield %parallel_loop3A_1913 : vector<16xi32>
      } {sc.loop_unroll_factor = 4 : i64, sc.parallel_access}
      %lt3A = arith.constant 24 : i32
      %lt3A_1409 = arith.cmpi slt, %scan3A_872, %lt3A : i32
      %convert_element_type3A_1410 = arith.extui %lt3A_1409 : i1 to i32
      %cond3A_1411 = arith.constant 0 : i32
      %cond3A_1412 = arith.cmpi ne, %convert_element_type3A_1410, %cond3A_1411 : i32
      scf.if %cond3A_1412 {
        %add3A_1829 = arith.constant 2 : i32
        %add3A_1830 = arith.addi %add3A_875, %add3A_1829 : i32
        %mul3A_1831 = arith.constant 512 : i32
        %mul3A_1832 = arith.muli %add3A_1830, %mul3A_1831 : i32
        "tpu.region"() ({
          %run_scoped3A = tpu.sem_alloc : memref<!tpu.dma_semaphore, #tpu.memory_space<semaphore_mem>>
          %dma_start3A_1865 = tpu.memref_slice %arg2[%mul3A_1832] : memref<819200xi32, #tpu.memory_space<hbm>> -> memref<512xi32, #tpu.memory_space<hbm>>
          %dma_start3A_1866 = tpu.memref_slice %arg2[%mul3A_1832] : memref<819200xi32, #tpu.memory_space<hbm>> -> memref<512xi32, #tpu.memory_space<hbm>>
          tpu.enqueue_dma source(%dma_start3A_1866 : memref<512xi32, #tpu.memory_space<hbm>>) target(%arg5 : memref<512xi32, #tpu.memory_space<vmem>>) target_semaphore(%run_scoped3A : memref<!tpu.dma_semaphore, #tpu.memory_space<semaphore_mem>>)
          %dma_wait3A_1867 = tpu.memref_slice %arg2[%mul3A_1832] : memref<819200xi32, #tpu.memory_space<hbm>> -> memref<512xi32, #tpu.memory_space<hbm>>
          %dma_wait3A_1868 = tpu.memref_slice %arg2[%mul3A_1832] : memref<819200xi32, #tpu.memory_space<hbm>> -> memref<512xi32, #tpu.memory_space<hbm>>
          tpu.wait_dma2 semaphore(%run_scoped3A : memref<!tpu.dma_semaphore, #tpu.memory_space<semaphore_mem>>) src(%dma_wait3A_1868 : memref<512xi32, #tpu.memory_space<hbm>>) dst(%arg5 : memref<512xi32, #tpu.memory_space<vmem>>)
          tpu.yield
        }) : () -> ()
        %dma_start3A_1833 = arith.constant 0 : i32
        %dma_start3A_1834 = arith.constant 0 : i32
        %dma_start3A_1835 = tpu.memref_slice %arg7[%dma_start3A_1833, %dma_start3A_1834] : memref<512x32xf32, #tpu.memory_space<vmem>> -> memref<128x32xf32, #tpu.memory_space<vmem>>
        %dma_start3A_1836 = arith.constant 0 : i32
        %dma_start3A_1837 = tpu.memref_slice %arg5[%dma_start3A_1836] : memref<512xi32, #tpu.memory_space<vmem>> -> memref<128xi32, #tpu.memory_space<vmem>>
        %dma_start3A_1838 = arith.constant 0 : i32
        %dma_start3A_1839 = arith.constant 0 : i32
        %dma_start3A_1840 = tpu.memref_slice %arg3[%dma_start3A_1838, %dma_start3A_1839] : memref<1000064x32xf32, #tpu.memory_space<hbm>> -> memref<1000064x32xf32, #tpu.memory_space<hbm>>
        tpu.enqueue_indirect_dma source(%dma_start3A_1840 : memref<1000064x32xf32, #tpu.memory_space<hbm>>) target(%dma_start3A_1835 : memref<128x32xf32, #tpu.memory_space<vmem>>) offsets(%dma_start3A_1837 : memref<128xi32, #tpu.memory_space<vmem>>) semaphore(%arg11 : memref<!tpu.dma_semaphore, #tpu.memory_space<semaphore_mem>>)
        %dma_start3A_1841 = arith.constant 128 : i32
        %dma_start3A_1842 = arith.constant 0 : i32
        %dma_start3A_1843 = tpu.memref_slice %arg7[%dma_start3A_1841, %dma_start3A_1842] : memref<512x32xf32, #tpu.memory_space<vmem>> -> memref<128x32xf32, #tpu.memory_space<vmem>>
        %dma_start3A_1844 = arith.constant 128 : i32
        %dma_start3A_1845 = tpu.memref_slice %arg5[%dma_start3A_1844] : memref<512xi32, #tpu.memory_space<vmem>> -> memref<128xi32, #tpu.memory_space<vmem>>
        %dma_start3A_1846 = arith.constant 0 : i32
        %dma_start3A_1847 = arith.constant 0 : i32
        %dma_start3A_1848 = tpu.memref_slice %arg3[%dma_start3A_1846, %dma_start3A_1847] : memref<1000064x32xf32, #tpu.memory_space<hbm>> -> memref<1000064x32xf32, #tpu.memory_space<hbm>>
        tpu.enqueue_indirect_dma source(%dma_start3A_1848 : memref<1000064x32xf32, #tpu.memory_space<hbm>>) target(%dma_start3A_1843 : memref<128x32xf32, #tpu.memory_space<vmem>>) offsets(%dma_start3A_1845 : memref<128xi32, #tpu.memory_space<vmem>>) semaphore(%arg11 : memref<!tpu.dma_semaphore, #tpu.memory_space<semaphore_mem>>)
        %dma_start3A_1849 = arith.constant 256 : i32
        %dma_start3A_1850 = arith.constant 0 : i32
        %dma_start3A_1851 = tpu.memref_slice %arg7[%dma_start3A_1849, %dma_start3A_1850] : memref<512x32xf32, #tpu.memory_space<vmem>> -> memref<128x32xf32, #tpu.memory_space<vmem>>
        %dma_start3A_1852 = arith.constant 256 : i32
        %dma_start3A_1853 = tpu.memref_slice %arg5[%dma_start3A_1852] : memref<512xi32, #tpu.memory_space<vmem>> -> memref<128xi32, #tpu.memory_space<vmem>>
        %dma_start3A_1854 = arith.constant 0 : i32
        %dma_start3A_1855 = arith.constant 0 : i32
        %dma_start3A_1856 = tpu.memref_slice %arg3[%dma_start3A_1854, %dma_start3A_1855] : memref<1000064x32xf32, #tpu.memory_space<hbm>> -> memref<1000064x32xf32, #tpu.memory_space<hbm>>
        tpu.enqueue_indirect_dma source(%dma_start3A_1856 : memref<1000064x32xf32, #tpu.memory_space<hbm>>) target(%dma_start3A_1851 : memref<128x32xf32, #tpu.memory_space<vmem>>) offsets(%dma_start3A_1853 : memref<128xi32, #tpu.memory_space<vmem>>) semaphore(%arg11 : memref<!tpu.dma_semaphore, #tpu.memory_space<semaphore_mem>>)
        %dma_start3A_1857 = arith.constant 384 : i32
        %dma_start3A_1858 = arith.constant 0 : i32
        %dma_start3A_1859 = tpu.memref_slice %arg7[%dma_start3A_1857, %dma_start3A_1858] : memref<512x32xf32, #tpu.memory_space<vmem>> -> memref<128x32xf32, #tpu.memory_space<vmem>>
        %dma_start3A_1860 = arith.constant 384 : i32
        %dma_start3A_1861 = tpu.memref_slice %arg5[%dma_start3A_1860] : memref<512xi32, #tpu.memory_space<vmem>> -> memref<128xi32, #tpu.memory_space<vmem>>
        %dma_start3A_1862 = arith.constant 0 : i32
        %dma_start3A_1863 = arith.constant 0 : i32
        %dma_start3A_1864 = tpu.memref_slice %arg3[%dma_start3A_1862, %dma_start3A_1863] : memref<1000064x32xf32, #tpu.memory_space<hbm>> -> memref<1000064x32xf32, #tpu.memory_space<hbm>>
        tpu.enqueue_indirect_dma source(%dma_start3A_1864 : memref<1000064x32xf32, #tpu.memory_space<hbm>>) target(%dma_start3A_1859 : memref<128x32xf32, #tpu.memory_space<vmem>>) offsets(%dma_start3A_1861 : memref<128xi32, #tpu.memory_space<vmem>>) semaphore(%arg11 : memref<!tpu.dma_semaphore, #tpu.memory_space<semaphore_mem>>)
      } else {
      }
      %jit3A_1413 = arith.constant 64 : i32
      %div3A_1414 = arith.divsi %add3A_877, %jit3A_1413 : i32
      %sign3A_1415 = arith.constant 0 : i32
      %sign3A_1416 = arith.cmpi sgt, %add3A_877, %sign3A_1415 : i32
      %sign3A_1417 = arith.extui %sign3A_1416 : i1 to i32
      %sign3A_1418 = arith.constant 0 : i32
      %sign3A_1419 = arith.cmpi slt, %add3A_877, %sign3A_1418 : i32
      %sign3A_1420 = arith.extui %sign3A_1419 : i1 to i32
      %sign3A_1421 = arith.subi %sign3A_1417, %sign3A_1420 : i32
      %sign3A_1422 = arith.constant 0 : i32
      %sign3A_1423 = arith.cmpi sgt, %jit3A_1413, %sign3A_1422 : i32
      %sign3A_1424 = arith.extui %sign3A_1423 : i1 to i32
      %sign3A_1425 = arith.constant 0 : i32
      %sign3A_1426 = arith.cmpi slt, %jit3A_1413, %sign3A_1425 : i32
      %sign3A_1427 = arith.extui %sign3A_1426 : i1 to i32
      %sign3A_1428 = arith.subi %sign3A_1424, %sign3A_1427 : i32
      %ne3A_1429 = arith.cmpi ne, %sign3A_1421, %sign3A_1428 : i32
      %rem3A_1430 = arith.remsi %add3A_877, %jit3A_1413 : i32
      %ne3A_1431 = arith.constant 0 : i32
      %ne3A_1432 = arith.cmpi ne, %rem3A_1430, %ne3A_1431 : i32
      %and3A_1433 = arith.andi %ne3A_1429, %ne3A_1432 : i1
      %sub3A_1434 = arith.constant 1 : i32
      %sub3A_1435 = arith.subi %div3A_1414, %sub3A_1434 : i32
      %select_n3A_1436 = arith.select %and3A_1433, %sub3A_1435, %div3A_1414 : i32
      %rem3A_1437 = arith.constant 64 : i32
      %rem3A_1438 = arith.remsi %add3A_877, %rem3A_1437 : i32
      %jit3A_1439 = arith.constant 2 : i32
      %div3A_1440 = arith.divsi %rem3A_1438, %jit3A_1439 : i32
      %sign3A_1441 = arith.constant 0 : i32
      %sign3A_1442 = arith.cmpi sgt, %rem3A_1438, %sign3A_1441 : i32
      %sign3A_1443 = arith.extui %sign3A_1442 : i1 to i32
      %sign3A_1444 = arith.constant 0 : i32
      %sign3A_1445 = arith.cmpi slt, %rem3A_1438, %sign3A_1444 : i32
      %sign3A_1446 = arith.extui %sign3A_1445 : i1 to i32
      %sign3A_1447 = arith.subi %sign3A_1443, %sign3A_1446 : i32
      %sign3A_1448 = arith.constant 0 : i32
      %sign3A_1449 = arith.cmpi sgt, %jit3A_1439, %sign3A_1448 : i32
      %sign3A_1450 = arith.extui %sign3A_1449 : i1 to i32
      %sign3A_1451 = arith.constant 0 : i32
      %sign3A_1452 = arith.cmpi slt, %jit3A_1439, %sign3A_1451 : i32
      %sign3A_1453 = arith.extui %sign3A_1452 : i1 to i32
      %sign3A_1454 = arith.subi %sign3A_1450, %sign3A_1453 : i32
      %ne3A_1455 = arith.cmpi ne, %sign3A_1447, %sign3A_1454 : i32
      %rem3A_1456 = arith.remsi %rem3A_1438, %jit3A_1439 : i32
      %ne3A_1457 = arith.constant 0 : i32
      %ne3A_1458 = arith.cmpi ne, %rem3A_1456, %ne3A_1457 : i32
      %and3A_1459 = arith.andi %ne3A_1455, %ne3A_1458 : i1
      %sub3A_1460 = arith.constant 1 : i32
      %sub3A_1461 = arith.subi %div3A_1440, %sub3A_1460 : i32
      %select_n3A_1462 = arith.select %and3A_1459, %sub3A_1461, %div3A_1440 : i32
      %rem3A_1463 = arith.constant 2 : i32
      %rem3A_1464 = arith.remsi %rem3A_1438, %rem3A_1463 : i32
      %mul3A_1465 = arith.constant 8 : i32
      %mul3A_1466 = arith.muli %select_n3A_1436, %mul3A_1465 : i32
      %mul3A_1467 = arith.constant 4 : i32
      %mul3A_1468 = arith.muli %rem3A_1464, %mul3A_1467 : i32
      %add3A_1469 = arith.addi %mul3A_1466, %mul3A_1468 : i32
      %add3A_1470 = arith.constant 0 : i32
      %add3A_1471 = arith.addi %add3A_1469, %add3A_1470 : i32
      %mul3A_1472 = arith.constant 4 : i32
      %mul3A_1473 = arith.muli %add3A_1471, %mul3A_1472 : i32
      %add3A_1474 = arith.constant 0 : i32
      %add3A_1475 = arith.addi %mul3A_1473, %add3A_1474 : i32
      %mul3A_1476 = arith.constant 32 : i32
      %mul3A_1477 = arith.muli %add3A_1475, %mul3A_1476 : i32
      %add3A_1478 = arith.addi %mul3A_1477, %select_n3A_1462 : i32
      %dma_start3A_1479 = arith.constant 0 : i32
      %dma_start3A_1480 = arith.constant 0 : i32
      %dma_start3A_1481 = tpu.memref_slice %arg10[%dma_start3A_1479, %dma_start3A_1480] : memref<128x129xf32, #tpu.memory_space<vmem>> -> memref<8x128xf32, #tpu.memory_space<vmem>>
      %dma_start3A_1482 = arith.constant 0 : i32
      %dma_start3A_1483 = arith.constant 0 : i32
      %dma_start3A_1484 = tpu.memref_slice %arg4[%add3A_1478, %dma_start3A_1482, %dma_start3A_1483] : memref<25600x8x128xf32, #tpu.memory_space<hbm>> -> memref<1x8x128xf32, #tpu.memory_space<hbm>>
      %dma_start3A_1485 = tpu.memref_squeeze %dma_start3A_1484 : memref<1x8x128xf32, #tpu.memory_space<hbm>> -> memref<8x128xf32, #tpu.memory_space<hbm>>
      %dma_start3A_1486 = arith.constant 0 : i32
      %dma_start3A_1487 = arith.constant 0 : i32
      %dma_start3A_1488 = tpu.memref_slice %arg4[%add3A_1478, %dma_start3A_1486, %dma_start3A_1487] : memref<25600x8x128xf32, #tpu.memory_space<hbm>> -> memref<1x8x128xf32, #tpu.memory_space<hbm>>
      %dma_start3A_1489 = tpu.memref_squeeze %dma_start3A_1488 : memref<1x8x128xf32, #tpu.memory_space<hbm>> -> memref<8x128xf32, #tpu.memory_space<hbm>>
      %dma_start3A_1490 = arith.constant 0 : i32
      %dma_start3A_1491 = arith.constant 0 : i32
      %dma_start3A_1492 = tpu.memref_slice %arg10[%dma_start3A_1490, %dma_start3A_1491] : memref<128x129xf32, #tpu.memory_space<vmem>> -> memref<8x128xf32, #tpu.memory_space<vmem>>
      tpu.enqueue_dma source(%dma_start3A_1492 : memref<8x128xf32, #tpu.memory_space<vmem>>) target(%dma_start3A_1489 : memref<8x128xf32, #tpu.memory_space<hbm>>) target_semaphore(%arg14 : memref<!tpu.dma_semaphore, #tpu.memory_space<semaphore_mem>>)
      %mul3A_1493 = arith.constant 4 : i32
      %mul3A_1494 = arith.muli %add3A_1471, %mul3A_1493 : i32
      %add3A_1495 = arith.constant 1 : i32
      %add3A_1496 = arith.addi %mul3A_1494, %add3A_1495 : i32
      %mul3A_1497 = arith.constant 32 : i32
      %mul3A_1498 = arith.muli %add3A_1496, %mul3A_1497 : i32
      %add3A_1499 = arith.addi %mul3A_1498, %select_n3A_1462 : i32
      %dma_start3A_1500 = arith.constant 8 : i32
      %dma_start3A_1501 = arith.constant 0 : i32
      %dma_start3A_1502 = tpu.memref_slice %arg10[%dma_start3A_1500, %dma_start3A_1501] : memref<128x129xf32, #tpu.memory_space<vmem>> -> memref<8x128xf32, #tpu.memory_space<vmem>>
      %dma_start3A_1503 = arith.constant 0 : i32
      %dma_start3A_1504 = arith.constant 0 : i32
      %dma_start3A_1505 = tpu.memref_slice %arg4[%add3A_1499, %dma_start3A_1503, %dma_start3A_1504] : memref<25600x8x128xf32, #tpu.memory_space<hbm>> -> memref<1x8x128xf32, #tpu.memory_space<hbm>>
      %dma_start3A_1506 = tpu.memref_squeeze %dma_start3A_1505 : memref<1x8x128xf32, #tpu.memory_space<hbm>> -> memref<8x128xf32, #tpu.memory_space<hbm>>
      %dma_start3A_1507 = arith.constant 0 : i32
      %dma_start3A_1508 = arith.constant 0 : i32
      %dma_start3A_1509 = tpu.memref_slice %arg4[%add3A_1499, %dma_start3A_1507, %dma_start3A_1508] : memref<25600x8x128xf32, #tpu.memory_space<hbm>> -> memref<1x8x128xf32, #tpu.memory_space<hbm>>
      %dma_start3A_1510 = tpu.memref_squeeze %dma_start3A_1509 : memref<1x8x128xf32, #tpu.memory_space<hbm>> -> memref<8x128xf32, #tpu.memory_space<hbm>>
      %dma_start3A_1511 = arith.constant 8 : i32
      %dma_start3A_1512 = arith.constant 0 : i32
      %dma_start3A_1513 = tpu.memref_slice %arg10[%dma_start3A_1511, %dma_start3A_1512] : memref<128x129xf32, #tpu.memory_space<vmem>> -> memref<8x128xf32, #tpu.memory_space<vmem>>
      tpu.enqueue_dma source(%dma_start3A_1513 : memref<8x128xf32, #tpu.memory_space<vmem>>) target(%dma_start3A_1510 : memref<8x128xf32, #tpu.memory_space<hbm>>) target_semaphore(%arg14 : memref<!tpu.dma_semaphore, #tpu.memory_space<semaphore_mem>>)
      %mul3A_1514 = arith.constant 4 : i32
      %mul3A_1515 = arith.muli %add3A_1471, %mul3A_1514 : i32
      %add3A_1516 = arith.constant 2 : i32
      %add3A_1517 = arith.addi %mul3A_1515, %add3A_1516 : i32
      %mul3A_1518 = arith.constant 32 : i32
      %mul3A_1519 = arith.muli %add3A_1517, %mul3A_1518 : i32
      %add3A_1520 = arith.addi %mul3A_1519, %select_n3A_1462 : i32
      %dma_start3A_1521 = arith.constant 16 : i32
      %dma_start3A_1522 = arith.constant 0 : i32
      %dma_start3A_1523 = tpu.memref_slice %arg10[%dma_start3A_1521, %dma_start3A_1522] : memref<128x129xf32, #tpu.memory_space<vmem>> -> memref<8x128xf32, #tpu.memory_space<vmem>>
      %dma_start3A_1524 = arith.constant 0 : i32
      %dma_start3A_1525 = arith.constant 0 : i32
      %dma_start3A_1526 = tpu.memref_slice %arg4[%add3A_1520, %dma_start3A_1524, %dma_start3A_1525] : memref<25600x8x128xf32, #tpu.memory_space<hbm>> -> memref<1x8x128xf32, #tpu.memory_space<hbm>>
      %dma_start3A_1527 = tpu.memref_squeeze %dma_start3A_1526 : memref<1x8x128xf32, #tpu.memory_space<hbm>> -> memref<8x128xf32, #tpu.memory_space<hbm>>
      %dma_start3A_1528 = arith.constant 0 : i32
      %dma_start3A_1529 = arith.constant 0 : i32
      %dma_start3A_1530 = tpu.memref_slice %arg4[%add3A_1520, %dma_start3A_1528, %dma_start3A_1529] : memref<25600x8x128xf32, #tpu.memory_space<hbm>> -> memref<1x8x128xf32, #tpu.memory_space<hbm>>
      %dma_start3A_1531 = tpu.memref_squeeze %dma_start3A_1530 : memref<1x8x128xf32, #tpu.memory_space<hbm>> -> memref<8x128xf32, #tpu.memory_space<hbm>>
      %dma_start3A_1532 = arith.constant 16 : i32
      %dma_start3A_1533 = arith.constant 0 : i32
      %dma_start3A_1534 = tpu.memref_slice %arg10[%dma_start3A_1532, %dma_start3A_1533] : memref<128x129xf32, #tpu.memory_space<vmem>> -> memref<8x128xf32, #tpu.memory_space<vmem>>
      tpu.enqueue_dma source(%dma_start3A_1534 : memref<8x128xf32, #tpu.memory_space<vmem>>) target(%dma_start3A_1531 : memref<8x128xf32, #tpu.memory_space<hbm>>) target_semaphore(%arg14 : memref<!tpu.dma_semaphore, #tpu.memory_space<semaphore_mem>>)
      %mul3A_1535 = arith.constant 4 : i32
      %mul3A_1536 = arith.muli %add3A_1471, %mul3A_1535 : i32
      %add3A_1537 = arith.constant 3 : i32
      %add3A_1538 = arith.addi %mul3A_1536, %add3A_1537 : i32
      %mul3A_1539 = arith.constant 32 : i32
      %mul3A_1540 = arith.muli %add3A_1538, %mul3A_1539 : i32
      %add3A_1541 = arith.addi %mul3A_1540, %select_n3A_1462 : i32
      %dma_start3A_1542 = arith.constant 24 : i32
      %dma_start3A_1543 = arith.constant 0 : i32
      %dma_start3A_1544 = tpu.memref_slice %arg10[%dma_start3A_1542, %dma_start3A_1543] : memref<128x129xf32, #tpu.memory_space<vmem>> -> memref<8x128xf32, #tpu.memory_space<vmem>>
      %dma_start3A_1545 = arith.constant 0 : i32
      %dma_start3A_1546 = arith.constant 0 : i32
      %dma_start3A_1547 = tpu.memref_slice %arg4[%add3A_1541, %dma_start3A_1545, %dma_start3A_1546] : memref<25600x8x128xf32, #tpu.memory_space<hbm>> -> memref<1x8x128xf32, #tpu.memory_space<hbm>>
      %dma_start3A_1548 = tpu.memref_squeeze %dma_start3A_1547 : memref<1x8x128xf32, #tpu.memory_space<hbm>> -> memref<8x128xf32, #tpu.memory_space<hbm>>
      %dma_start3A_1549 = arith.constant 0 : i32
      %dma_start3A_1550 = arith.constant 0 : i32
      %dma_start3A_1551 = tpu.memref_slice %arg4[%add3A_1541, %dma_start3A_1549, %dma_start3A_1550] : memref<25600x8x128xf32, #tpu.memory_space<hbm>> -> memref<1x8x128xf32, #tpu.memory_space<hbm>>
      %dma_start3A_1552 = tpu.memref_squeeze %dma_start3A_1551 : memref<1x8x128xf32, #tpu.memory_space<hbm>> -> memref<8x128xf32, #tpu.memory_space<hbm>>
      %dma_start3A_1553 = arith.constant 24 : i32
      %dma_start3A_1554 = arith.constant 0 : i32
      %dma_start3A_1555 = tpu.memref_slice %arg10[%dma_start3A_1553, %dma_start3A_1554] : memref<128x129xf32, #tpu.memory_space<vmem>> -> memref<8x128xf32, #tpu.memory_space<vmem>>
      tpu.enqueue_dma source(%dma_start3A_1555 : memref<8x128xf32, #tpu.memory_space<vmem>>) target(%dma_start3A_1552 : memref<8x128xf32, #tpu.memory_space<hbm>>) target_semaphore(%arg14 : memref<!tpu.dma_semaphore, #tpu.memory_space<semaphore_mem>>)
      %mul3A_1556 = arith.constant 8 : i32
      %mul3A_1557 = arith.muli %select_n3A_1436, %mul3A_1556 : i32
      %mul3A_1558 = arith.constant 4 : i32
      %mul3A_1559 = arith.muli %rem3A_1464, %mul3A_1558 : i32
      %add3A_1560 = arith.addi %mul3A_1557, %mul3A_1559 : i32
      %add3A_1561 = arith.constant 1 : i32
      %add3A_1562 = arith.addi %add3A_1560, %add3A_1561 : i32
      %mul3A_1563 = arith.constant 4 : i32
      %mul3A_1564 = arith.muli %add3A_1562, %mul3A_1563 : i32
      %add3A_1565 = arith.constant 0 : i32
      %add3A_1566 = arith.addi %mul3A_1564, %add3A_1565 : i32
      %mul3A_1567 = arith.constant 32 : i32
      %mul3A_1568 = arith.muli %add3A_1566, %mul3A_1567 : i32
      %add3A_1569 = arith.addi %mul3A_1568, %select_n3A_1462 : i32
      %dma_start3A_1570 = arith.constant 32 : i32
      %dma_start3A_1571 = arith.constant 0 : i32
      %dma_start3A_1572 = tpu.memref_slice %arg10[%dma_start3A_1570, %dma_start3A_1571] : memref<128x129xf32, #tpu.memory_space<vmem>> -> memref<8x128xf32, #tpu.memory_space<vmem>>
      %dma_start3A_1573 = arith.constant 0 : i32
      %dma_start3A_1574 = arith.constant 0 : i32
      %dma_start3A_1575 = tpu.memref_slice %arg4[%add3A_1569, %dma_start3A_1573, %dma_start3A_1574] : memref<25600x8x128xf32, #tpu.memory_space<hbm>> -> memref<1x8x128xf32, #tpu.memory_space<hbm>>
      %dma_start3A_1576 = tpu.memref_squeeze %dma_start3A_1575 : memref<1x8x128xf32, #tpu.memory_space<hbm>> -> memref<8x128xf32, #tpu.memory_space<hbm>>
      %dma_start3A_1577 = arith.constant 0 : i32
      %dma_start3A_1578 = arith.constant 0 : i32
      %dma_start3A_1579 = tpu.memref_slice %arg4[%add3A_1569, %dma_start3A_1577, %dma_start3A_1578] : memref<25600x8x128xf32, #tpu.memory_space<hbm>> -> memref<1x8x128xf32, #tpu.memory_space<hbm>>
      %dma_start3A_1580 = tpu.memref_squeeze %dma_start3A_1579 : memref<1x8x128xf32, #tpu.memory_space<hbm>> -> memref<8x128xf32, #tpu.memory_space<hbm>>
      %dma_start3A_1581 = arith.constant 32 : i32
      %dma_start3A_1582 = arith.constant 0 : i32
      %dma_start3A_1583 = tpu.memref_slice %arg10[%dma_start3A_1581, %dma_start3A_1582] : memref<128x129xf32, #tpu.memory_space<vmem>> -> memref<8x128xf32, #tpu.memory_space<vmem>>
      tpu.enqueue_dma source(%dma_start3A_1583 : memref<8x128xf32, #tpu.memory_space<vmem>>) target(%dma_start3A_1580 : memref<8x128xf32, #tpu.memory_space<hbm>>) target_semaphore(%arg14 : memref<!tpu.dma_semaphore, #tpu.memory_space<semaphore_mem>>)
      %mul3A_1584 = arith.constant 4 : i32
      %mul3A_1585 = arith.muli %add3A_1562, %mul3A_1584 : i32
      %add3A_1586 = arith.constant 1 : i32
      %add3A_1587 = arith.addi %mul3A_1585, %add3A_1586 : i32
      %mul3A_1588 = arith.constant 32 : i32
      %mul3A_1589 = arith.muli %add3A_1587, %mul3A_1588 : i32
      %add3A_1590 = arith.addi %mul3A_1589, %select_n3A_1462 : i32
      %dma_start3A_1591 = arith.constant 40 : i32
      %dma_start3A_1592 = arith.constant 0 : i32
      %dma_start3A_1593 = tpu.memref_slice %arg10[%dma_start3A_1591, %dma_start3A_1592] : memref<128x129xf32, #tpu.memory_space<vmem>> -> memref<8x128xf32, #tpu.memory_space<vmem>>
      %dma_start3A_1594 = arith.constant 0 : i32
      %dma_start3A_1595 = arith.constant 0 : i32
      %dma_start3A_1596 = tpu.memref_slice %arg4[%add3A_1590, %dma_start3A_1594, %dma_start3A_1595] : memref<25600x8x128xf32, #tpu.memory_space<hbm>> -> memref<1x8x128xf32, #tpu.memory_space<hbm>>
      %dma_start3A_1597 = tpu.memref_squeeze %dma_start3A_1596 : memref<1x8x128xf32, #tpu.memory_space<hbm>> -> memref<8x128xf32, #tpu.memory_space<hbm>>
      %dma_start3A_1598 = arith.constant 0 : i32
      %dma_start3A_1599 = arith.constant 0 : i32
      %dma_start3A_1600 = tpu.memref_slice %arg4[%add3A_1590, %dma_start3A_1598, %dma_start3A_1599] : memref<25600x8x128xf32, #tpu.memory_space<hbm>> -> memref<1x8x128xf32, #tpu.memory_space<hbm>>
      %dma_start3A_1601 = tpu.memref_squeeze %dma_start3A_1600 : memref<1x8x128xf32, #tpu.memory_space<hbm>> -> memref<8x128xf32, #tpu.memory_space<hbm>>
      %dma_start3A_1602 = arith.constant 40 : i32
      %dma_start3A_1603 = arith.constant 0 : i32
      %dma_start3A_1604 = tpu.memref_slice %arg10[%dma_start3A_1602, %dma_start3A_1603] : memref<128x129xf32, #tpu.memory_space<vmem>> -> memref<8x128xf32, #tpu.memory_space<vmem>>
      tpu.enqueue_dma source(%dma_start3A_1604 : memref<8x128xf32, #tpu.memory_space<vmem>>) target(%dma_start3A_1601 : memref<8x128xf32, #tpu.memory_space<hbm>>) target_semaphore(%arg14 : memref<!tpu.dma_semaphore, #tpu.memory_space<semaphore_mem>>)
      %mul3A_1605 = arith.constant 4 : i32
      %mul3A_1606 = arith.muli %add3A_1562, %mul3A_1605 : i32
      %add3A_1607 = arith.constant 2 : i32
      %add3A_1608 = arith.addi %mul3A_1606, %add3A_1607 : i32
      %mul3A_1609 = arith.constant 32 : i32
      %mul3A_1610 = arith.muli %add3A_1608, %mul3A_1609 : i32
      %add3A_1611 = arith.addi %mul3A_1610, %select_n3A_1462 : i32
      %dma_start3A_1612 = arith.constant 48 : i32
      %dma_start3A_1613 = arith.constant 0 : i32
      %dma_start3A_1614 = tpu.memref_slice %arg10[%dma_start3A_1612, %dma_start3A_1613] : memref<128x129xf32, #tpu.memory_space<vmem>> -> memref<8x128xf32, #tpu.memory_space<vmem>>
      %dma_start3A_1615 = arith.constant 0 : i32
      %dma_start3A_1616 = arith.constant 0 : i32
      %dma_start3A_1617 = tpu.memref_slice %arg4[%add3A_1611, %dma_start3A_1615, %dma_start3A_1616] : memref<25600x8x128xf32, #tpu.memory_space<hbm>> -> memref<1x8x128xf32, #tpu.memory_space<hbm>>
      %dma_start3A_1618 = tpu.memref_squeeze %dma_start3A_1617 : memref<1x8x128xf32, #tpu.memory_space<hbm>> -> memref<8x128xf32, #tpu.memory_space<hbm>>
      %dma_start3A_1619 = arith.constant 0 : i32
      %dma_start3A_1620 = arith.constant 0 : i32
      %dma_start3A_1621 = tpu.memref_slice %arg4[%add3A_1611, %dma_start3A_1619, %dma_start3A_1620] : memref<25600x8x128xf32, #tpu.memory_space<hbm>> -> memref<1x8x128xf32, #tpu.memory_space<hbm>>
      %dma_start3A_1622 = tpu.memref_squeeze %dma_start3A_1621 : memref<1x8x128xf32, #tpu.memory_space<hbm>> -> memref<8x128xf32, #tpu.memory_space<hbm>>
      %dma_start3A_1623 = arith.constant 48 : i32
      %dma_start3A_1624 = arith.constant 0 : i32
      %dma_start3A_1625 = tpu.memref_slice %arg10[%dma_start3A_1623, %dma_start3A_1624] : memref<128x129xf32, #tpu.memory_space<vmem>> -> memref<8x128xf32, #tpu.memory_space<vmem>>
      tpu.enqueue_dma source(%dma_start3A_1625 : memref<8x128xf32, #tpu.memory_space<vmem>>) target(%dma_start3A_1622 : memref<8x128xf32, #tpu.memory_space<hbm>>) target_semaphore(%arg14 : memref<!tpu.dma_semaphore, #tpu.memory_space<semaphore_mem>>)
      %mul3A_1626 = arith.constant 4 : i32
      %mul3A_1627 = arith.muli %add3A_1562, %mul3A_1626 : i32
      %add3A_1628 = arith.constant 3 : i32
      %add3A_1629 = arith.addi %mul3A_1627, %add3A_1628 : i32
      %mul3A_1630 = arith.constant 32 : i32
      %mul3A_1631 = arith.muli %add3A_1629, %mul3A_1630 : i32
      %add3A_1632 = arith.addi %mul3A_1631, %select_n3A_1462 : i32
      %dma_start3A_1633 = arith.constant 56 : i32
      %dma_start3A_1634 = arith.constant 0 : i32
      %dma_start3A_1635 = tpu.memref_slice %arg10[%dma_start3A_1633, %dma_start3A_1634] : memref<128x129xf32, #tpu.memory_space<vmem>> -> memref<8x128xf32, #tpu.memory_space<vmem>>
      %dma_start3A_1636 = arith.constant 0 : i32
      %dma_start3A_1637 = arith.constant 0 : i32
      %dma_start3A_1638 = tpu.memref_slice %arg4[%add3A_1632, %dma_start3A_1636, %dma_start3A_1637] : memref<25600x8x128xf32, #tpu.memory_space<hbm>> -> memref<1x8x128xf32, #tpu.memory_space<hbm>>
      %dma_start3A_1639 = tpu.memref_squeeze %dma_start3A_1638 : memref<1x8x128xf32, #tpu.memory_space<hbm>> -> memref<8x128xf32, #tpu.memory_space<hbm>>
      %dma_start3A_1640 = arith.constant 0 : i32
      %dma_start3A_1641 = arith.constant 0 : i32
      %dma_start3A_1642 = tpu.memref_slice %arg4[%add3A_1632, %dma_start3A_1640, %dma_start3A_1641] : memref<25600x8x128xf32, #tpu.memory_space<hbm>> -> memref<1x8x128xf32, #tpu.memory_space<hbm>>
      %dma_start3A_1643 = tpu.memref_squeeze %dma_start3A_1642 : memref<1x8x128xf32, #tpu.memory_space<hbm>> -> memref<8x128xf32, #tpu.memory_space<hbm>>
      %dma_start3A_1644 = arith.constant 56 : i32
      %dma_start3A_1645 = arith.constant 0 : i32
      %dma_start3A_1646 = tpu.memref_slice %arg10[%dma_start3A_1644, %dma_start3A_1645] : memref<128x129xf32, #tpu.memory_space<vmem>> -> memref<8x128xf32, #tpu.memory_space<vmem>>
      tpu.enqueue_dma source(%dma_start3A_1646 : memref<8x128xf32, #tpu.memory_space<vmem>>) target(%dma_start3A_1643 : memref<8x128xf32, #tpu.memory_space<hbm>>) target_semaphore(%arg14 : memref<!tpu.dma_semaphore, #tpu.memory_space<semaphore_mem>>)
      %mul3A_1647 = arith.constant 8 : i32
      %mul3A_1648 = arith.muli %select_n3A_1436, %mul3A_1647 : i32
      %mul3A_1649 = arith.constant 4 : i32
      %mul3A_1650 = arith.muli %rem3A_1464, %mul3A_1649 : i32
      %add3A_1651 = arith.addi %mul3A_1648, %mul3A_1650 : i32
      %add3A_1652 = arith.constant 2 : i32
      %add3A_1653 = arith.addi %add3A_1651, %add3A_1652 : i32
      %mul3A_1654 = arith.constant 4 : i32
      %mul3A_1655 = arith.muli %add3A_1653, %mul3A_1654 : i32
      %add3A_1656 = arith.constant 0 : i32
      %add3A_1657 = arith.addi %mul3A_1655, %add3A_1656 : i32
      %mul3A_1658 = arith.constant 32 : i32
      %mul3A_1659 = arith.muli %add3A_1657, %mul3A_1658 : i32
      %add3A_1660 = arith.addi %mul3A_1659, %select_n3A_1462 : i32
      %dma_start3A_1661 = arith.constant 64 : i32
      %dma_start3A_1662 = arith.constant 0 : i32
      %dma_start3A_1663 = tpu.memref_slice %arg10[%dma_start3A_1661, %dma_start3A_1662] : memref<128x129xf32, #tpu.memory_space<vmem>> -> memref<8x128xf32, #tpu.memory_space<vmem>>
      %dma_start3A_1664 = arith.constant 0 : i32
      %dma_start3A_1665 = arith.constant 0 : i32
      %dma_start3A_1666 = tpu.memref_slice %arg4[%add3A_1660, %dma_start3A_1664, %dma_start3A_1665] : memref<25600x8x128xf32, #tpu.memory_space<hbm>> -> memref<1x8x128xf32, #tpu.memory_space<hbm>>
      %dma_start3A_1667 = tpu.memref_squeeze %dma_start3A_1666 : memref<1x8x128xf32, #tpu.memory_space<hbm>> -> memref<8x128xf32, #tpu.memory_space<hbm>>
      %dma_start3A_1668 = arith.constant 0 : i32
      %dma_start3A_1669 = arith.constant 0 : i32
      %dma_start3A_1670 = tpu.memref_slice %arg4[%add3A_1660, %dma_start3A_1668, %dma_start3A_1669] : memref<25600x8x128xf32, #tpu.memory_space<hbm>> -> memref<1x8x128xf32, #tpu.memory_space<hbm>>
      %dma_start3A_1671 = tpu.memref_squeeze %dma_start3A_1670 : memref<1x8x128xf32, #tpu.memory_space<hbm>> -> memref<8x128xf32, #tpu.memory_space<hbm>>
      %dma_start3A_1672 = arith.constant 64 : i32
      %dma_start3A_1673 = arith.constant 0 : i32
      %dma_start3A_1674 = tpu.memref_slice %arg10[%dma_start3A_1672, %dma_start3A_1673] : memref<128x129xf32, #tpu.memory_space<vmem>> -> memref<8x128xf32, #tpu.memory_space<vmem>>
      tpu.enqueue_dma source(%dma_start3A_1674 : memref<8x128xf32, #tpu.memory_space<vmem>>) target(%dma_start3A_1671 : memref<8x128xf32, #tpu.memory_space<hbm>>) target_semaphore(%arg14 : memref<!tpu.dma_semaphore, #tpu.memory_space<semaphore_mem>>)
      %mul3A_1675 = arith.constant 4 : i32
      %mul3A_1676 = arith.muli %add3A_1653, %mul3A_1675 : i32
      %add3A_1677 = arith.constant 1 : i32
      %add3A_1678 = arith.addi %mul3A_1676, %add3A_1677 : i32
      %mul3A_1679 = arith.constant 32 : i32
      %mul3A_1680 = arith.muli %add3A_1678, %mul3A_1679 : i32
      %add3A_1681 = arith.addi %mul3A_1680, %select_n3A_1462 : i32
      %dma_start3A_1682 = arith.constant 72 : i32
      %dma_start3A_1683 = arith.constant 0 : i32
      %dma_start3A_1684 = tpu.memref_slice %arg10[%dma_start3A_1682, %dma_start3A_1683] : memref<128x129xf32, #tpu.memory_space<vmem>> -> memref<8x128xf32, #tpu.memory_space<vmem>>
      %dma_start3A_1685 = arith.constant 0 : i32
      %dma_start3A_1686 = arith.constant 0 : i32
      %dma_start3A_1687 = tpu.memref_slice %arg4[%add3A_1681, %dma_start3A_1685, %dma_start3A_1686] : memref<25600x8x128xf32, #tpu.memory_space<hbm>> -> memref<1x8x128xf32, #tpu.memory_space<hbm>>
      %dma_start3A_1688 = tpu.memref_squeeze %dma_start3A_1687 : memref<1x8x128xf32, #tpu.memory_space<hbm>> -> memref<8x128xf32, #tpu.memory_space<hbm>>
      %dma_start3A_1689 = arith.constant 0 : i32
      %dma_start3A_1690 = arith.constant 0 : i32
      %dma_start3A_1691 = tpu.memref_slice %arg4[%add3A_1681, %dma_start3A_1689, %dma_start3A_1690] : memref<25600x8x128xf32, #tpu.memory_space<hbm>> -> memref<1x8x128xf32, #tpu.memory_space<hbm>>
      %dma_start3A_1692 = tpu.memref_squeeze %dma_start3A_1691 : memref<1x8x128xf32, #tpu.memory_space<hbm>> -> memref<8x128xf32, #tpu.memory_space<hbm>>
      %dma_start3A_1693 = arith.constant 72 : i32
      %dma_start3A_1694 = arith.constant 0 : i32
      %dma_start3A_1695 = tpu.memref_slice %arg10[%dma_start3A_1693, %dma_start3A_1694] : memref<128x129xf32, #tpu.memory_space<vmem>> -> memref<8x128xf32, #tpu.memory_space<vmem>>
      tpu.enqueue_dma source(%dma_start3A_1695 : memref<8x128xf32, #tpu.memory_space<vmem>>) target(%dma_start3A_1692 : memref<8x128xf32, #tpu.memory_space<hbm>>) target_semaphore(%arg14 : memref<!tpu.dma_semaphore, #tpu.memory_space<semaphore_mem>>)
      %mul3A_1696 = arith.constant 4 : i32
      %mul3A_1697 = arith.muli %add3A_1653, %mul3A_1696 : i32
      %add3A_1698 = arith.constant 2 : i32
      %add3A_1699 = arith.addi %mul3A_1697, %add3A_1698 : i32
      %mul3A_1700 = arith.constant 32 : i32
      %mul3A_1701 = arith.muli %add3A_1699, %mul3A_1700 : i32
      %add3A_1702 = arith.addi %mul3A_1701, %select_n3A_1462 : i32
      %dma_start3A_1703 = arith.constant 80 : i32
      %dma_start3A_1704 = arith.constant 0 : i32
      %dma_start3A_1705 = tpu.memref_slice %arg10[%dma_start3A_1703, %dma_start3A_1704] : memref<128x129xf32, #tpu.memory_space<vmem>> -> memref<8x128xf32, #tpu.memory_space<vmem>>
      %dma_start3A_1706 = arith.constant 0 : i32
      %dma_start3A_1707 = arith.constant 0 : i32
      %dma_start3A_1708 = tpu.memref_slice %arg4[%add3A_1702, %dma_start3A_1706, %dma_start3A_1707] : memref<25600x8x128xf32, #tpu.memory_space<hbm>> -> memref<1x8x128xf32, #tpu.memory_space<hbm>>
      %dma_start3A_1709 = tpu.memref_squeeze %dma_start3A_1708 : memref<1x8x128xf32, #tpu.memory_space<hbm>> -> memref<8x128xf32, #tpu.memory_space<hbm>>
      %dma_start3A_1710 = arith.constant 0 : i32
      %dma_start3A_1711 = arith.constant 0 : i32
      %dma_start3A_1712 = tpu.memref_slice %arg4[%add3A_1702, %dma_start3A_1710, %dma_start3A_1711] : memref<25600x8x128xf32, #tpu.memory_space<hbm>> -> memref<1x8x128xf32, #tpu.memory_space<hbm>>
      %dma_start3A_1713 = tpu.memref_squeeze %dma_start3A_1712 : memref<1x8x128xf32, #tpu.memory_space<hbm>> -> memref<8x128xf32, #tpu.memory_space<hbm>>
      %dma_start3A_1714 = arith.constant 80 : i32
      %dma_start3A_1715 = arith.constant 0 : i32
      %dma_start3A_1716 = tpu.memref_slice %arg10[%dma_start3A_1714, %dma_start3A_1715] : memref<128x129xf32, #tpu.memory_space<vmem>> -> memref<8x128xf32, #tpu.memory_space<vmem>>
      tpu.enqueue_dma source(%dma_start3A_1716 : memref<8x128xf32, #tpu.memory_space<vmem>>) target(%dma_start3A_1713 : memref<8x128xf32, #tpu.memory_space<hbm>>) target_semaphore(%arg14 : memref<!tpu.dma_semaphore, #tpu.memory_space<semaphore_mem>>)
      %mul3A_1717 = arith.constant 4 : i32
      %mul3A_1718 = arith.muli %add3A_1653, %mul3A_1717 : i32
      %add3A_1719 = arith.constant 3 : i32
      %add3A_1720 = arith.addi %mul3A_1718, %add3A_1719 : i32
      %mul3A_1721 = arith.constant 32 : i32
      %mul3A_1722 = arith.muli %add3A_1720, %mul3A_1721 : i32
      %add3A_1723 = arith.addi %mul3A_1722, %select_n3A_1462 : i32
      %dma_start3A_1724 = arith.constant 88 : i32
      %dma_start3A_1725 = arith.constant 0 : i32
      %dma_start3A_1726 = tpu.memref_slice %arg10[%dma_start3A_1724, %dma_start3A_1725] : memref<128x129xf32, #tpu.memory_space<vmem>> -> memref<8x128xf32, #tpu.memory_space<vmem>>
      %dma_start3A_1727 = arith.constant 0 : i32
      %dma_start3A_1728 = arith.constant 0 : i32
      %dma_start3A_1729 = tpu.memref_slice %arg4[%add3A_1723, %dma_start3A_1727, %dma_start3A_1728] : memref<25600x8x128xf32, #tpu.memory_space<hbm>> -> memref<1x8x128xf32, #tpu.memory_space<hbm>>
      %dma_start3A_1730 = tpu.memref_squeeze %dma_start3A_1729 : memref<1x8x128xf32, #tpu.memory_space<hbm>> -> memref<8x128xf32, #tpu.memory_space<hbm>>
      %dma_start3A_1731 = arith.constant 0 : i32
      %dma_start3A_1732 = arith.constant 0 : i32
      %dma_start3A_1733 = tpu.memref_slice %arg4[%add3A_1723, %dma_start3A_1731, %dma_start3A_1732] : memref<25600x8x128xf32, #tpu.memory_space<hbm>> -> memref<1x8x128xf32, #tpu.memory_space<hbm>>
      %dma_start3A_1734 = tpu.memref_squeeze %dma_start3A_1733 : memref<1x8x128xf32, #tpu.memory_space<hbm>> -> memref<8x128xf32, #tpu.memory_space<hbm>>
      %dma_start3A_1735 = arith.constant 88 : i32
      %dma_start3A_1736 = arith.constant 0 : i32
      %dma_start3A_1737 = tpu.memref_slice %arg10[%dma_start3A_1735, %dma_start3A_1736] : memref<128x129xf32, #tpu.memory_space<vmem>> -> memref<8x128xf32, #tpu.memory_space<vmem>>
      tpu.enqueue_dma source(%dma_start3A_1737 : memref<8x128xf32, #tpu.memory_space<vmem>>) target(%dma_start3A_1734 : memref<8x128xf32, #tpu.memory_space<hbm>>) target_semaphore(%arg14 : memref<!tpu.dma_semaphore, #tpu.memory_space<semaphore_mem>>)
      %mul3A_1738 = arith.constant 8 : i32
      %mul3A_1739 = arith.muli %select_n3A_1436, %mul3A_1738 : i32
      %mul3A_1740 = arith.constant 4 : i32
      %mul3A_1741 = arith.muli %rem3A_1464, %mul3A_1740 : i32
      %add3A_1742 = arith.addi %mul3A_1739, %mul3A_1741 : i32
      %add3A_1743 = arith.constant 3 : i32
      %add3A_1744 = arith.addi %add3A_1742, %add3A_1743 : i32
      %mul3A_1745 = arith.constant 4 : i32
      %mul3A_1746 = arith.muli %add3A_1744, %mul3A_1745 : i32
      %add3A_1747 = arith.constant 0 : i32
      %add3A_1748 = arith.addi %mul3A_1746, %add3A_1747 : i32
      %mul3A_1749 = arith.constant 32 : i32
      %mul3A_1750 = arith.muli %add3A_1748, %mul3A_1749 : i32
      %add3A_1751 = arith.addi %mul3A_1750, %select_n3A_1462 : i32
      %dma_start3A_1752 = arith.constant 96 : i32
      %dma_start3A_1753 = arith.constant 0 : i32
      %dma_start3A_1754 = tpu.memref_slice %arg10[%dma_start3A_1752, %dma_start3A_1753] : memref<128x129xf32, #tpu.memory_space<vmem>> -> memref<8x128xf32, #tpu.memory_space<vmem>>
      %dma_start3A_1755 = arith.constant 0 : i32
      %dma_start3A_1756 = arith.constant 0 : i32
      %dma_start3A_1757 = tpu.memref_slice %arg4[%add3A_1751, %dma_start3A_1755, %dma_start3A_1756] : memref<25600x8x128xf32, #tpu.memory_space<hbm>> -> memref<1x8x128xf32, #tpu.memory_space<hbm>>
      %dma_start3A_1758 = tpu.memref_squeeze %dma_start3A_1757 : memref<1x8x128xf32, #tpu.memory_space<hbm>> -> memref<8x128xf32, #tpu.memory_space<hbm>>
      %dma_start3A_1759 = arith.constant 0 : i32
      %dma_start3A_1760 = arith.constant 0 : i32
      %dma_start3A_1761 = tpu.memref_slice %arg4[%add3A_1751, %dma_start3A_1759, %dma_start3A_1760] : memref<25600x8x128xf32, #tpu.memory_space<hbm>> -> memref<1x8x128xf32, #tpu.memory_space<hbm>>
      %dma_start3A_1762 = tpu.memref_squeeze %dma_start3A_1761 : memref<1x8x128xf32, #tpu.memory_space<hbm>> -> memref<8x128xf32, #tpu.memory_space<hbm>>
      %dma_start3A_1763 = arith.constant 96 : i32
      %dma_start3A_1764 = arith.constant 0 : i32
      %dma_start3A_1765 = tpu.memref_slice %arg10[%dma_start3A_1763, %dma_start3A_1764] : memref<128x129xf32, #tpu.memory_space<vmem>> -> memref<8x128xf32, #tpu.memory_space<vmem>>
      tpu.enqueue_dma source(%dma_start3A_1765 : memref<8x128xf32, #tpu.memory_space<vmem>>) target(%dma_start3A_1762 : memref<8x128xf32, #tpu.memory_space<hbm>>) target_semaphore(%arg14 : memref<!tpu.dma_semaphore, #tpu.memory_space<semaphore_mem>>)
      %mul3A_1766 = arith.constant 4 : i32
      %mul3A_1767 = arith.muli %add3A_1744, %mul3A_1766 : i32
      %add3A_1768 = arith.constant 1 : i32
      %add3A_1769 = arith.addi %mul3A_1767, %add3A_1768 : i32
      %mul3A_1770 = arith.constant 32 : i32
      %mul3A_1771 = arith.muli %add3A_1769, %mul3A_1770 : i32
      %add3A_1772 = arith.addi %mul3A_1771, %select_n3A_1462 : i32
      %dma_start3A_1773 = arith.constant 104 : i32
      %dma_start3A_1774 = arith.constant 0 : i32
      %dma_start3A_1775 = tpu.memref_slice %arg10[%dma_start3A_1773, %dma_start3A_1774] : memref<128x129xf32, #tpu.memory_space<vmem>> -> memref<8x128xf32, #tpu.memory_space<vmem>>
      %dma_start3A_1776 = arith.constant 0 : i32
      %dma_start3A_1777 = arith.constant 0 : i32
      %dma_start3A_1778 = tpu.memref_slice %arg4[%add3A_1772, %dma_start3A_1776, %dma_start3A_1777] : memref<25600x8x128xf32, #tpu.memory_space<hbm>> -> memref<1x8x128xf32, #tpu.memory_space<hbm>>
      %dma_start3A_1779 = tpu.memref_squeeze %dma_start3A_1778 : memref<1x8x128xf32, #tpu.memory_space<hbm>> -> memref<8x128xf32, #tpu.memory_space<hbm>>
      %dma_start3A_1780 = arith.constant 0 : i32
      %dma_start3A_1781 = arith.constant 0 : i32
      %dma_start3A_1782 = tpu.memref_slice %arg4[%add3A_1772, %dma_start3A_1780, %dma_start3A_1781] : memref<25600x8x128xf32, #tpu.memory_space<hbm>> -> memref<1x8x128xf32, #tpu.memory_space<hbm>>
      %dma_start3A_1783 = tpu.memref_squeeze %dma_start3A_1782 : memref<1x8x128xf32, #tpu.memory_space<hbm>> -> memref<8x128xf32, #tpu.memory_space<hbm>>
      %dma_start3A_1784 = arith.constant 104 : i32
      %dma_start3A_1785 = arith.constant 0 : i32
      %dma_start3A_1786 = tpu.memref_slice %arg10[%dma_start3A_1784, %dma_start3A_1785] : memref<128x129xf32, #tpu.memory_space<vmem>> -> memref<8x128xf32, #tpu.memory_space<vmem>>
      tpu.enqueue_dma source(%dma_start3A_1786 : memref<8x128xf32, #tpu.memory_space<vmem>>) target(%dma_start3A_1783 : memref<8x128xf32, #tpu.memory_space<hbm>>) target_semaphore(%arg14 : memref<!tpu.dma_semaphore, #tpu.memory_space<semaphore_mem>>)
      %mul3A_1787 = arith.constant 4 : i32
      %mul3A_1788 = arith.muli %add3A_1744, %mul3A_1787 : i32
      %add3A_1789 = arith.constant 2 : i32
      %add3A_1790 = arith.addi %mul3A_1788, %add3A_1789 : i32
      %mul3A_1791 = arith.constant 32 : i32
      %mul3A_1792 = arith.muli %add3A_1790, %mul3A_1791 : i32
      %add3A_1793 = arith.addi %mul3A_1792, %select_n3A_1462 : i32
      %dma_start3A_1794 = arith.constant 112 : i32
      %dma_start3A_1795 = arith.constant 0 : i32
      %dma_start3A_1796 = tpu.memref_slice %arg10[%dma_start3A_1794, %dma_start3A_1795] : memref<128x129xf32, #tpu.memory_space<vmem>> -> memref<8x128xf32, #tpu.memory_space<vmem>>
      %dma_start3A_1797 = arith.constant 0 : i32
      %dma_start3A_1798 = arith.constant 0 : i32
      %dma_start3A_1799 = tpu.memref_slice %arg4[%add3A_1793, %dma_start3A_1797, %dma_start3A_1798] : memref<25600x8x128xf32, #tpu.memory_space<hbm>> -> memref<1x8x128xf32, #tpu.memory_space<hbm>>
      %dma_start3A_1800 = tpu.memref_squeeze %dma_start3A_1799 : memref<1x8x128xf32, #tpu.memory_space<hbm>> -> memref<8x128xf32, #tpu.memory_space<hbm>>
      %dma_start3A_1801 = arith.constant 0 : i32
      %dma_start3A_1802 = arith.constant 0 : i32
      %dma_start3A_1803 = tpu.memref_slice %arg4[%add3A_1793, %dma_start3A_1801, %dma_start3A_1802] : memref<25600x8x128xf32, #tpu.memory_space<hbm>> -> memref<1x8x128xf32, #tpu.memory_space<hbm>>
      %dma_start3A_1804 = tpu.memref_squeeze %dma_start3A_1803 : memref<1x8x128xf32, #tpu.memory_space<hbm>> -> memref<8x128xf32, #tpu.memory_space<hbm>>
      %dma_start3A_1805 = arith.constant 112 : i32
      %dma_start3A_1806 = arith.constant 0 : i32
      %dma_start3A_1807 = tpu.memref_slice %arg10[%dma_start3A_1805, %dma_start3A_1806] : memref<128x129xf32, #tpu.memory_space<vmem>> -> memref<8x128xf32, #tpu.memory_space<vmem>>
      tpu.enqueue_dma source(%dma_start3A_1807 : memref<8x128xf32, #tpu.memory_space<vmem>>) target(%dma_start3A_1804 : memref<8x128xf32, #tpu.memory_space<hbm>>) target_semaphore(%arg14 : memref<!tpu.dma_semaphore, #tpu.memory_space<semaphore_mem>>)
      %mul3A_1808 = arith.constant 4 : i32
      %mul3A_1809 = arith.muli %add3A_1744, %mul3A_1808 : i32
      %add3A_1810 = arith.constant 3 : i32
      %add3A_1811 = arith.addi %mul3A_1809, %add3A_1810 : i32
      %mul3A_1812 = arith.constant 32 : i32
      %mul3A_1813 = arith.muli %add3A_1811, %mul3A_1812 : i32
      %add3A_1814 = arith.addi %mul3A_1813, %select_n3A_1462 : i32
      %dma_start3A_1815 = arith.constant 120 : i32
      %dma_start3A_1816 = arith.constant 0 : i32
      %dma_start3A_1817 = tpu.memref_slice %arg10[%dma_start3A_1815, %dma_start3A_1816] : memref<128x129xf32, #tpu.memory_space<vmem>> -> memref<8x128xf32, #tpu.memory_space<vmem>>
      %dma_start3A_1818 = arith.constant 0 : i32
      %dma_start3A_1819 = arith.constant 0 : i32
      %dma_start3A_1820 = tpu.memref_slice %arg4[%add3A_1814, %dma_start3A_1818, %dma_start3A_1819] : memref<25600x8x128xf32, #tpu.memory_space<hbm>> -> memref<1x8x128xf32, #tpu.memory_space<hbm>>
      %dma_start3A_1821 = tpu.memref_squeeze %dma_start3A_1820 : memref<1x8x128xf32, #tpu.memory_space<hbm>> -> memref<8x128xf32, #tpu.memory_space<hbm>>
      %dma_start3A_1822 = arith.constant 0 : i32
      %dma_start3A_1823 = arith.constant 0 : i32
      %dma_start3A_1824 = tpu.memref_slice %arg4[%add3A_1814, %dma_start3A_1822, %dma_start3A_1823] : memref<25600x8x128xf32, #tpu.memory_space<hbm>> -> memref<1x8x128xf32, #tpu.memory_space<hbm>>
      %dma_start3A_1825 = tpu.memref_squeeze %dma_start3A_1824 : memref<1x8x128xf32, #tpu.memory_space<hbm>> -> memref<8x128xf32, #tpu.memory_space<hbm>>
      %dma_start3A_1826 = arith.constant 120 : i32
      %dma_start3A_1827 = arith.constant 0 : i32
      %dma_start3A_1828 = tpu.memref_slice %arg10[%dma_start3A_1826, %dma_start3A_1827] : memref<128x129xf32, #tpu.memory_space<vmem>> -> memref<8x128xf32, #tpu.memory_space<vmem>>
      tpu.enqueue_dma source(%dma_start3A_1828 : memref<8x128xf32, #tpu.memory_space<vmem>>) target(%dma_start3A_1825 : memref<8x128xf32, #tpu.memory_space<hbm>>) target_semaphore(%arg14 : memref<!tpu.dma_semaphore, #tpu.memory_space<semaphore_mem>>)
    }
    %scan3A_40 = arith.constant 25 : i32
    %add3A_41 = arith.constant 50 : i32
    %add3A_42 = arith.addi %mul3A_2, %add3A_41 : i32
    %sub3A = arith.constant 2 : i32
    %sub3A_43 = arith.subi %add3A_42, %sub3A : i32
    %jit3A = arith.constant 64 : i32
    %div3A = arith.divsi %sub3A_43, %jit3A : i32
    %sign3A = arith.constant 0 : i32
    %sign3A_44 = arith.cmpi sgt, %sub3A_43, %sign3A : i32
    %sign3A_45 = arith.extui %sign3A_44 : i1 to i32
    %sign3A_46 = arith.constant 0 : i32
    %sign3A_47 = arith.cmpi slt, %sub3A_43, %sign3A_46 : i32
    %sign3A_48 = arith.extui %sign3A_47 : i1 to i32
    %sign3A_49 = arith.subi %sign3A_45, %sign3A_48 : i32
    %sign3A_50 = arith.constant 0 : i32
    %sign3A_51 = arith.cmpi sgt, %jit3A, %sign3A_50 : i32
    %sign3A_52 = arith.extui %sign3A_51 : i1 to i32
    %sign3A_53 = arith.constant 0 : i32
    %sign3A_54 = arith.cmpi slt, %jit3A, %sign3A_53 : i32
    %sign3A_55 = arith.extui %sign3A_54 : i1 to i32
    %sign3A_56 = arith.subi %sign3A_52, %sign3A_55 : i32
    %ne3A = arith.cmpi ne, %sign3A_49, %sign3A_56 : i32
    %rem3A = arith.remsi %sub3A_43, %jit3A : i32
    %ne3A_57 = arith.constant 0 : i32
    %ne3A_58 = arith.cmpi ne, %rem3A, %ne3A_57 : i32
    %and3A = arith.andi %ne3A, %ne3A_58 : i1
    %sub3A_59 = arith.constant 1 : i32
    %sub3A_60 = arith.subi %div3A, %sub3A_59 : i32
    %select_n3A = arith.select %and3A, %sub3A_60, %div3A : i32
    %rem3A_61 = arith.constant 64 : i32
    %rem3A_62 = arith.remsi %sub3A_43, %rem3A_61 : i32
    %jit3A_63 = arith.constant 2 : i32
    %div3A_64 = arith.divsi %rem3A_62, %jit3A_63 : i32
    %sign3A_65 = arith.constant 0 : i32
    %sign3A_66 = arith.cmpi sgt, %rem3A_62, %sign3A_65 : i32
    %sign3A_67 = arith.extui %sign3A_66 : i1 to i32
    %sign3A_68 = arith.constant 0 : i32
    %sign3A_69 = arith.cmpi slt, %rem3A_62, %sign3A_68 : i32
    %sign3A_70 = arith.extui %sign3A_69 : i1 to i32
    %sign3A_71 = arith.subi %sign3A_67, %sign3A_70 : i32
    %sign3A_72 = arith.constant 0 : i32
    %sign3A_73 = arith.cmpi sgt, %jit3A_63, %sign3A_72 : i32
    %sign3A_74 = arith.extui %sign3A_73 : i1 to i32
    %sign3A_75 = arith.constant 0 : i32
    %sign3A_76 = arith.cmpi slt, %jit3A_63, %sign3A_75 : i32
    %sign3A_77 = arith.extui %sign3A_76 : i1 to i32
    %sign3A_78 = arith.subi %sign3A_74, %sign3A_77 : i32
    %ne3A_79 = arith.cmpi ne, %sign3A_71, %sign3A_78 : i32
    %rem3A_80 = arith.remsi %rem3A_62, %jit3A_63 : i32
    %ne3A_81 = arith.constant 0 : i32
    %ne3A_82 = arith.cmpi ne, %rem3A_80, %ne3A_81 : i32
    %and3A_83 = arith.andi %ne3A_79, %ne3A_82 : i1
    %sub3A_84 = arith.constant 1 : i32
    %sub3A_85 = arith.subi %div3A_64, %sub3A_84 : i32
    %select_n3A_86 = arith.select %and3A_83, %sub3A_85, %div3A_64 : i32
    %rem3A_87 = arith.constant 2 : i32
    %rem3A_88 = arith.remsi %rem3A_62, %rem3A_87 : i32
    %mul3A_89 = arith.constant 8 : i32
    %mul3A_90 = arith.muli %select_n3A, %mul3A_89 : i32
    %mul3A_91 = arith.constant 4 : i32
    %mul3A_92 = arith.muli %rem3A_88, %mul3A_91 : i32
    %add3A_93 = arith.addi %mul3A_90, %mul3A_92 : i32
    %add3A_94 = arith.constant 0 : i32
    %add3A_95 = arith.addi %add3A_93, %add3A_94 : i32
    %mul3A_96 = arith.constant 4 : i32
    %mul3A_97 = arith.muli %add3A_95, %mul3A_96 : i32
    %add3A_98 = arith.constant 0 : i32
    %add3A_99 = arith.addi %mul3A_97, %add3A_98 : i32
    %mul3A_100 = arith.constant 32 : i32
    %mul3A_101 = arith.muli %add3A_99, %mul3A_100 : i32
    %add3A_102 = arith.addi %mul3A_101, %select_n3A_86 : i32
    %dma_wait3A = arith.constant 0 : i32
    %dma_wait3A_103 = arith.constant 0 : i32
    %dma_wait3A_104 = tpu.memref_slice %arg9[%dma_wait3A, %dma_wait3A_103] : memref<128x129xf32, #tpu.memory_space<vmem>> -> memref<8x128xf32, #tpu.memory_space<vmem>>
    %dma_wait3A_105 = arith.constant 0 : i32
    %dma_wait3A_106 = arith.constant 0 : i32
    %dma_wait3A_107 = tpu.memref_slice %arg4[%add3A_102, %dma_wait3A_105, %dma_wait3A_106] : memref<25600x8x128xf32, #tpu.memory_space<hbm>> -> memref<1x8x128xf32, #tpu.memory_space<hbm>>
    %dma_wait3A_108 = tpu.memref_squeeze %dma_wait3A_107 : memref<1x8x128xf32, #tpu.memory_space<hbm>> -> memref<8x128xf32, #tpu.memory_space<hbm>>
    %dma_wait3A_109 = arith.constant 0 : i32
    %dma_wait3A_110 = arith.constant 0 : i32
    %dma_wait3A_111 = tpu.memref_slice %arg4[%add3A_102, %dma_wait3A_109, %dma_wait3A_110] : memref<25600x8x128xf32, #tpu.memory_space<hbm>> -> memref<1x8x128xf32, #tpu.memory_space<hbm>>
    %dma_wait3A_112 = tpu.memref_squeeze %dma_wait3A_111 : memref<1x8x128xf32, #tpu.memory_space<hbm>> -> memref<8x128xf32, #tpu.memory_space<hbm>>
    %dma_wait3A_113 = arith.constant 0 : i32
    %dma_wait3A_114 = arith.constant 0 : i32
    %dma_wait3A_115 = tpu.memref_slice %arg9[%dma_wait3A_113, %dma_wait3A_114] : memref<128x129xf32, #tpu.memory_space<vmem>> -> memref<8x128xf32, #tpu.memory_space<vmem>>
    tpu.wait_dma2 semaphore(%arg13 : memref<!tpu.dma_semaphore, #tpu.memory_space<semaphore_mem>>) src(%dma_wait3A_115 : memref<8x128xf32, #tpu.memory_space<vmem>>) dst(%dma_wait3A_112 : memref<8x128xf32, #tpu.memory_space<hbm>>)
    %mul3A_116 = arith.constant 4 : i32
    %mul3A_117 = arith.muli %add3A_95, %mul3A_116 : i32
    %add3A_118 = arith.constant 1 : i32
    %add3A_119 = arith.addi %mul3A_117, %add3A_118 : i32
    %mul3A_120 = arith.constant 32 : i32
    %mul3A_121 = arith.muli %add3A_119, %mul3A_120 : i32
    %add3A_122 = arith.addi %mul3A_121, %select_n3A_86 : i32
    %dma_wait3A_123 = arith.constant 8 : i32
    %dma_wait3A_124 = arith.constant 0 : i32
    %dma_wait3A_125 = tpu.memref_slice %arg9[%dma_wait3A_123, %dma_wait3A_124] : memref<128x129xf32, #tpu.memory_space<vmem>> -> memref<8x128xf32, #tpu.memory_space<vmem>>
    %dma_wait3A_126 = arith.constant 0 : i32
    %dma_wait3A_127 = arith.constant 0 : i32
    %dma_wait3A_128 = tpu.memref_slice %arg4[%add3A_122, %dma_wait3A_126, %dma_wait3A_127] : memref<25600x8x128xf32, #tpu.memory_space<hbm>> -> memref<1x8x128xf32, #tpu.memory_space<hbm>>
    %dma_wait3A_129 = tpu.memref_squeeze %dma_wait3A_128 : memref<1x8x128xf32, #tpu.memory_space<hbm>> -> memref<8x128xf32, #tpu.memory_space<hbm>>
    %dma_wait3A_130 = arith.constant 0 : i32
    %dma_wait3A_131 = arith.constant 0 : i32
    %dma_wait3A_132 = tpu.memref_slice %arg4[%add3A_122, %dma_wait3A_130, %dma_wait3A_131] : memref<25600x8x128xf32, #tpu.memory_space<hbm>> -> memref<1x8x128xf32, #tpu.memory_space<hbm>>
    %dma_wait3A_133 = tpu.memref_squeeze %dma_wait3A_132 : memref<1x8x128xf32, #tpu.memory_space<hbm>> -> memref<8x128xf32, #tpu.memory_space<hbm>>
    %dma_wait3A_134 = arith.constant 8 : i32
    %dma_wait3A_135 = arith.constant 0 : i32
    %dma_wait3A_136 = tpu.memref_slice %arg9[%dma_wait3A_134, %dma_wait3A_135] : memref<128x129xf32, #tpu.memory_space<vmem>> -> memref<8x128xf32, #tpu.memory_space<vmem>>
    tpu.wait_dma2 semaphore(%arg13 : memref<!tpu.dma_semaphore, #tpu.memory_space<semaphore_mem>>) src(%dma_wait3A_136 : memref<8x128xf32, #tpu.memory_space<vmem>>) dst(%dma_wait3A_133 : memref<8x128xf32, #tpu.memory_space<hbm>>)
    %mul3A_137 = arith.constant 4 : i32
    %mul3A_138 = arith.muli %add3A_95, %mul3A_137 : i32
    %add3A_139 = arith.constant 2 : i32
    %add3A_140 = arith.addi %mul3A_138, %add3A_139 : i32
    %mul3A_141 = arith.constant 32 : i32
    %mul3A_142 = arith.muli %add3A_140, %mul3A_141 : i32
    %add3A_143 = arith.addi %mul3A_142, %select_n3A_86 : i32
    %dma_wait3A_144 = arith.constant 16 : i32
    %dma_wait3A_145 = arith.constant 0 : i32
    %dma_wait3A_146 = tpu.memref_slice %arg9[%dma_wait3A_144, %dma_wait3A_145] : memref<128x129xf32, #tpu.memory_space<vmem>> -> memref<8x128xf32, #tpu.memory_space<vmem>>
    %dma_wait3A_147 = arith.constant 0 : i32
    %dma_wait3A_148 = arith.constant 0 : i32
    %dma_wait3A_149 = tpu.memref_slice %arg4[%add3A_143, %dma_wait3A_147, %dma_wait3A_148] : memref<25600x8x128xf32, #tpu.memory_space<hbm>> -> memref<1x8x128xf32, #tpu.memory_space<hbm>>
    %dma_wait3A_150 = tpu.memref_squeeze %dma_wait3A_149 : memref<1x8x128xf32, #tpu.memory_space<hbm>> -> memref<8x128xf32, #tpu.memory_space<hbm>>
    %dma_wait3A_151 = arith.constant 0 : i32
    %dma_wait3A_152 = arith.constant 0 : i32
    %dma_wait3A_153 = tpu.memref_slice %arg4[%add3A_143, %dma_wait3A_151, %dma_wait3A_152] : memref<25600x8x128xf32, #tpu.memory_space<hbm>> -> memref<1x8x128xf32, #tpu.memory_space<hbm>>
    %dma_wait3A_154 = tpu.memref_squeeze %dma_wait3A_153 : memref<1x8x128xf32, #tpu.memory_space<hbm>> -> memref<8x128xf32, #tpu.memory_space<hbm>>
    %dma_wait3A_155 = arith.constant 16 : i32
    %dma_wait3A_156 = arith.constant 0 : i32
    %dma_wait3A_157 = tpu.memref_slice %arg9[%dma_wait3A_155, %dma_wait3A_156] : memref<128x129xf32, #tpu.memory_space<vmem>> -> memref<8x128xf32, #tpu.memory_space<vmem>>
    tpu.wait_dma2 semaphore(%arg13 : memref<!tpu.dma_semaphore, #tpu.memory_space<semaphore_mem>>) src(%dma_wait3A_157 : memref<8x128xf32, #tpu.memory_space<vmem>>) dst(%dma_wait3A_154 : memref<8x128xf32, #tpu.memory_space<hbm>>)
    %mul3A_158 = arith.constant 4 : i32
    %mul3A_159 = arith.muli %add3A_95, %mul3A_158 : i32
    %add3A_160 = arith.constant 3 : i32
    %add3A_161 = arith.addi %mul3A_159, %add3A_160 : i32
    %mul3A_162 = arith.constant 32 : i32
    %mul3A_163 = arith.muli %add3A_161, %mul3A_162 : i32
    %add3A_164 = arith.addi %mul3A_163, %select_n3A_86 : i32
    %dma_wait3A_165 = arith.constant 24 : i32
    %dma_wait3A_166 = arith.constant 0 : i32
    %dma_wait3A_167 = tpu.memref_slice %arg9[%dma_wait3A_165, %dma_wait3A_166] : memref<128x129xf32, #tpu.memory_space<vmem>> -> memref<8x128xf32, #tpu.memory_space<vmem>>
    %dma_wait3A_168 = arith.constant 0 : i32
    %dma_wait3A_169 = arith.constant 0 : i32
    %dma_wait3A_170 = tpu.memref_slice %arg4[%add3A_164, %dma_wait3A_168, %dma_wait3A_169] : memref<25600x8x128xf32, #tpu.memory_space<hbm>> -> memref<1x8x128xf32, #tpu.memory_space<hbm>>
    %dma_wait3A_171 = tpu.memref_squeeze %dma_wait3A_170 : memref<1x8x128xf32, #tpu.memory_space<hbm>> -> memref<8x128xf32, #tpu.memory_space<hbm>>
    %dma_wait3A_172 = arith.constant 0 : i32
    %dma_wait3A_173 = arith.constant 0 : i32
    %dma_wait3A_174 = tpu.memref_slice %arg4[%add3A_164, %dma_wait3A_172, %dma_wait3A_173] : memref<25600x8x128xf32, #tpu.memory_space<hbm>> -> memref<1x8x128xf32, #tpu.memory_space<hbm>>
    %dma_wait3A_175 = tpu.memref_squeeze %dma_wait3A_174 : memref<1x8x128xf32, #tpu.memory_space<hbm>> -> memref<8x128xf32, #tpu.memory_space<hbm>>
    %dma_wait3A_176 = arith.constant 24 : i32
    %dma_wait3A_177 = arith.constant 0 : i32
    %dma_wait3A_178 = tpu.memref_slice %arg9[%dma_wait3A_176, %dma_wait3A_177] : memref<128x129xf32, #tpu.memory_space<vmem>> -> memref<8x128xf32, #tpu.memory_space<vmem>>
    tpu.wait_dma2 semaphore(%arg13 : memref<!tpu.dma_semaphore, #tpu.memory_space<semaphore_mem>>) src(%dma_wait3A_178 : memref<8x128xf32, #tpu.memory_space<vmem>>) dst(%dma_wait3A_175 : memref<8x128xf32, #tpu.memory_space<hbm>>)
    %mul3A_179 = arith.constant 8 : i32
    %mul3A_180 = arith.muli %select_n3A, %mul3A_179 : i32
    %mul3A_181 = arith.constant 4 : i32
    %mul3A_182 = arith.muli %rem3A_88, %mul3A_181 : i32
    %add3A_183 = arith.addi %mul3A_180, %mul3A_182 : i32
    %add3A_184 = arith.constant 1 : i32
    %add3A_185 = arith.addi %add3A_183, %add3A_184 : i32
    %mul3A_186 = arith.constant 4 : i32
    %mul3A_187 = arith.muli %add3A_185, %mul3A_186 : i32
    %add3A_188 = arith.constant 0 : i32
    %add3A_189 = arith.addi %mul3A_187, %add3A_188 : i32
    %mul3A_190 = arith.constant 32 : i32
    %mul3A_191 = arith.muli %add3A_189, %mul3A_190 : i32
    %add3A_192 = arith.addi %mul3A_191, %select_n3A_86 : i32
    %dma_wait3A_193 = arith.constant 32 : i32
    %dma_wait3A_194 = arith.constant 0 : i32
    %dma_wait3A_195 = tpu.memref_slice %arg9[%dma_wait3A_193, %dma_wait3A_194] : memref<128x129xf32, #tpu.memory_space<vmem>> -> memref<8x128xf32, #tpu.memory_space<vmem>>
    %dma_wait3A_196 = arith.constant 0 : i32
    %dma_wait3A_197 = arith.constant 0 : i32
    %dma_wait3A_198 = tpu.memref_slice %arg4[%add3A_192, %dma_wait3A_196, %dma_wait3A_197] : memref<25600x8x128xf32, #tpu.memory_space<hbm>> -> memref<1x8x128xf32, #tpu.memory_space<hbm>>
    %dma_wait3A_199 = tpu.memref_squeeze %dma_wait3A_198 : memref<1x8x128xf32, #tpu.memory_space<hbm>> -> memref<8x128xf32, #tpu.memory_space<hbm>>
    %dma_wait3A_200 = arith.constant 0 : i32
    %dma_wait3A_201 = arith.constant 0 : i32
    %dma_wait3A_202 = tpu.memref_slice %arg4[%add3A_192, %dma_wait3A_200, %dma_wait3A_201] : memref<25600x8x128xf32, #tpu.memory_space<hbm>> -> memref<1x8x128xf32, #tpu.memory_space<hbm>>
    %dma_wait3A_203 = tpu.memref_squeeze %dma_wait3A_202 : memref<1x8x128xf32, #tpu.memory_space<hbm>> -> memref<8x128xf32, #tpu.memory_space<hbm>>
    %dma_wait3A_204 = arith.constant 32 : i32
    %dma_wait3A_205 = arith.constant 0 : i32
    %dma_wait3A_206 = tpu.memref_slice %arg9[%dma_wait3A_204, %dma_wait3A_205] : memref<128x129xf32, #tpu.memory_space<vmem>> -> memref<8x128xf32, #tpu.memory_space<vmem>>
    tpu.wait_dma2 semaphore(%arg13 : memref<!tpu.dma_semaphore, #tpu.memory_space<semaphore_mem>>) src(%dma_wait3A_206 : memref<8x128xf32, #tpu.memory_space<vmem>>) dst(%dma_wait3A_203 : memref<8x128xf32, #tpu.memory_space<hbm>>)
    %mul3A_207 = arith.constant 4 : i32
    %mul3A_208 = arith.muli %add3A_185, %mul3A_207 : i32
    %add3A_209 = arith.constant 1 : i32
    %add3A_210 = arith.addi %mul3A_208, %add3A_209 : i32
    %mul3A_211 = arith.constant 32 : i32
    %mul3A_212 = arith.muli %add3A_210, %mul3A_211 : i32
    %add3A_213 = arith.addi %mul3A_212, %select_n3A_86 : i32
    %dma_wait3A_214 = arith.constant 40 : i32
    %dma_wait3A_215 = arith.constant 0 : i32
    %dma_wait3A_216 = tpu.memref_slice %arg9[%dma_wait3A_214, %dma_wait3A_215] : memref<128x129xf32, #tpu.memory_space<vmem>> -> memref<8x128xf32, #tpu.memory_space<vmem>>
    %dma_wait3A_217 = arith.constant 0 : i32
    %dma_wait3A_218 = arith.constant 0 : i32
    %dma_wait3A_219 = tpu.memref_slice %arg4[%add3A_213, %dma_wait3A_217, %dma_wait3A_218] : memref<25600x8x128xf32, #tpu.memory_space<hbm>> -> memref<1x8x128xf32, #tpu.memory_space<hbm>>
    %dma_wait3A_220 = tpu.memref_squeeze %dma_wait3A_219 : memref<1x8x128xf32, #tpu.memory_space<hbm>> -> memref<8x128xf32, #tpu.memory_space<hbm>>
    %dma_wait3A_221 = arith.constant 0 : i32
    %dma_wait3A_222 = arith.constant 0 : i32
    %dma_wait3A_223 = tpu.memref_slice %arg4[%add3A_213, %dma_wait3A_221, %dma_wait3A_222] : memref<25600x8x128xf32, #tpu.memory_space<hbm>> -> memref<1x8x128xf32, #tpu.memory_space<hbm>>
    %dma_wait3A_224 = tpu.memref_squeeze %dma_wait3A_223 : memref<1x8x128xf32, #tpu.memory_space<hbm>> -> memref<8x128xf32, #tpu.memory_space<hbm>>
    %dma_wait3A_225 = arith.constant 40 : i32
    %dma_wait3A_226 = arith.constant 0 : i32
    %dma_wait3A_227 = tpu.memref_slice %arg9[%dma_wait3A_225, %dma_wait3A_226] : memref<128x129xf32, #tpu.memory_space<vmem>> -> memref<8x128xf32, #tpu.memory_space<vmem>>
    tpu.wait_dma2 semaphore(%arg13 : memref<!tpu.dma_semaphore, #tpu.memory_space<semaphore_mem>>) src(%dma_wait3A_227 : memref<8x128xf32, #tpu.memory_space<vmem>>) dst(%dma_wait3A_224 : memref<8x128xf32, #tpu.memory_space<hbm>>)
    %mul3A_228 = arith.constant 4 : i32
    %mul3A_229 = arith.muli %add3A_185, %mul3A_228 : i32
    %add3A_230 = arith.constant 2 : i32
    %add3A_231 = arith.addi %mul3A_229, %add3A_230 : i32
    %mul3A_232 = arith.constant 32 : i32
    %mul3A_233 = arith.muli %add3A_231, %mul3A_232 : i32
    %add3A_234 = arith.addi %mul3A_233, %select_n3A_86 : i32
    %dma_wait3A_235 = arith.constant 48 : i32
    %dma_wait3A_236 = arith.constant 0 : i32
    %dma_wait3A_237 = tpu.memref_slice %arg9[%dma_wait3A_235, %dma_wait3A_236] : memref<128x129xf32, #tpu.memory_space<vmem>> -> memref<8x128xf32, #tpu.memory_space<vmem>>
    %dma_wait3A_238 = arith.constant 0 : i32
    %dma_wait3A_239 = arith.constant 0 : i32
    %dma_wait3A_240 = tpu.memref_slice %arg4[%add3A_234, %dma_wait3A_238, %dma_wait3A_239] : memref<25600x8x128xf32, #tpu.memory_space<hbm>> -> memref<1x8x128xf32, #tpu.memory_space<hbm>>
    %dma_wait3A_241 = tpu.memref_squeeze %dma_wait3A_240 : memref<1x8x128xf32, #tpu.memory_space<hbm>> -> memref<8x128xf32, #tpu.memory_space<hbm>>
    %dma_wait3A_242 = arith.constant 0 : i32
    %dma_wait3A_243 = arith.constant 0 : i32
    %dma_wait3A_244 = tpu.memref_slice %arg4[%add3A_234, %dma_wait3A_242, %dma_wait3A_243] : memref<25600x8x128xf32, #tpu.memory_space<hbm>> -> memref<1x8x128xf32, #tpu.memory_space<hbm>>
    %dma_wait3A_245 = tpu.memref_squeeze %dma_wait3A_244 : memref<1x8x128xf32, #tpu.memory_space<hbm>> -> memref<8x128xf32, #tpu.memory_space<hbm>>
    %dma_wait3A_246 = arith.constant 48 : i32
    %dma_wait3A_247 = arith.constant 0 : i32
    %dma_wait3A_248 = tpu.memref_slice %arg9[%dma_wait3A_246, %dma_wait3A_247] : memref<128x129xf32, #tpu.memory_space<vmem>> -> memref<8x128xf32, #tpu.memory_space<vmem>>
    tpu.wait_dma2 semaphore(%arg13 : memref<!tpu.dma_semaphore, #tpu.memory_space<semaphore_mem>>) src(%dma_wait3A_248 : memref<8x128xf32, #tpu.memory_space<vmem>>) dst(%dma_wait3A_245 : memref<8x128xf32, #tpu.memory_space<hbm>>)
    %mul3A_249 = arith.constant 4 : i32
    %mul3A_250 = arith.muli %add3A_185, %mul3A_249 : i32
    %add3A_251 = arith.constant 3 : i32
    %add3A_252 = arith.addi %mul3A_250, %add3A_251 : i32
    %mul3A_253 = arith.constant 32 : i32
    %mul3A_254 = arith.muli %add3A_252, %mul3A_253 : i32
    %add3A_255 = arith.addi %mul3A_254, %select_n3A_86 : i32
    %dma_wait3A_256 = arith.constant 56 : i32
    %dma_wait3A_257 = arith.constant 0 : i32
    %dma_wait3A_258 = tpu.memref_slice %arg9[%dma_wait3A_256, %dma_wait3A_257] : memref<128x129xf32, #tpu.memory_space<vmem>> -> memref<8x128xf32, #tpu.memory_space<vmem>>
    %dma_wait3A_259 = arith.constant 0 : i32
    %dma_wait3A_260 = arith.constant 0 : i32
    %dma_wait3A_261 = tpu.memref_slice %arg4[%add3A_255, %dma_wait3A_259, %dma_wait3A_260] : memref<25600x8x128xf32, #tpu.memory_space<hbm>> -> memref<1x8x128xf32, #tpu.memory_space<hbm>>
    %dma_wait3A_262 = tpu.memref_squeeze %dma_wait3A_261 : memref<1x8x128xf32, #tpu.memory_space<hbm>> -> memref<8x128xf32, #tpu.memory_space<hbm>>
    %dma_wait3A_263 = arith.constant 0 : i32
    %dma_wait3A_264 = arith.constant 0 : i32
    %dma_wait3A_265 = tpu.memref_slice %arg4[%add3A_255, %dma_wait3A_263, %dma_wait3A_264] : memref<25600x8x128xf32, #tpu.memory_space<hbm>> -> memref<1x8x128xf32, #tpu.memory_space<hbm>>
    %dma_wait3A_266 = tpu.memref_squeeze %dma_wait3A_265 : memref<1x8x128xf32, #tpu.memory_space<hbm>> -> memref<8x128xf32, #tpu.memory_space<hbm>>
    %dma_wait3A_267 = arith.constant 56 : i32
    %dma_wait3A_268 = arith.constant 0 : i32
    %dma_wait3A_269 = tpu.memref_slice %arg9[%dma_wait3A_267, %dma_wait3A_268] : memref<128x129xf32, #tpu.memory_space<vmem>> -> memref<8x128xf32, #tpu.memory_space<vmem>>
    tpu.wait_dma2 semaphore(%arg13 : memref<!tpu.dma_semaphore, #tpu.memory_space<semaphore_mem>>) src(%dma_wait3A_269 : memref<8x128xf32, #tpu.memory_space<vmem>>) dst(%dma_wait3A_266 : memref<8x128xf32, #tpu.memory_space<hbm>>)
    %mul3A_270 = arith.constant 8 : i32
    %mul3A_271 = arith.muli %select_n3A, %mul3A_270 : i32
    %mul3A_272 = arith.constant 4 : i32
    %mul3A_273 = arith.muli %rem3A_88, %mul3A_272 : i32
    %add3A_274 = arith.addi %mul3A_271, %mul3A_273 : i32
    %add3A_275 = arith.constant 2 : i32
    %add3A_276 = arith.addi %add3A_274, %add3A_275 : i32
    %mul3A_277 = arith.constant 4 : i32
    %mul3A_278 = arith.muli %add3A_276, %mul3A_277 : i32
    %add3A_279 = arith.constant 0 : i32
    %add3A_280 = arith.addi %mul3A_278, %add3A_279 : i32
    %mul3A_281 = arith.constant 32 : i32
    %mul3A_282 = arith.muli %add3A_280, %mul3A_281 : i32
    %add3A_283 = arith.addi %mul3A_282, %select_n3A_86 : i32
    %dma_wait3A_284 = arith.constant 64 : i32
    %dma_wait3A_285 = arith.constant 0 : i32
    %dma_wait3A_286 = tpu.memref_slice %arg9[%dma_wait3A_284, %dma_wait3A_285] : memref<128x129xf32, #tpu.memory_space<vmem>> -> memref<8x128xf32, #tpu.memory_space<vmem>>
    %dma_wait3A_287 = arith.constant 0 : i32
    %dma_wait3A_288 = arith.constant 0 : i32
    %dma_wait3A_289 = tpu.memref_slice %arg4[%add3A_283, %dma_wait3A_287, %dma_wait3A_288] : memref<25600x8x128xf32, #tpu.memory_space<hbm>> -> memref<1x8x128xf32, #tpu.memory_space<hbm>>
    %dma_wait3A_290 = tpu.memref_squeeze %dma_wait3A_289 : memref<1x8x128xf32, #tpu.memory_space<hbm>> -> memref<8x128xf32, #tpu.memory_space<hbm>>
    %dma_wait3A_291 = arith.constant 0 : i32
    %dma_wait3A_292 = arith.constant 0 : i32
    %dma_wait3A_293 = tpu.memref_slice %arg4[%add3A_283, %dma_wait3A_291, %dma_wait3A_292] : memref<25600x8x128xf32, #tpu.memory_space<hbm>> -> memref<1x8x128xf32, #tpu.memory_space<hbm>>
    %dma_wait3A_294 = tpu.memref_squeeze %dma_wait3A_293 : memref<1x8x128xf32, #tpu.memory_space<hbm>> -> memref<8x128xf32, #tpu.memory_space<hbm>>
    %dma_wait3A_295 = arith.constant 64 : i32
    %dma_wait3A_296 = arith.constant 0 : i32
    %dma_wait3A_297 = tpu.memref_slice %arg9[%dma_wait3A_295, %dma_wait3A_296] : memref<128x129xf32, #tpu.memory_space<vmem>> -> memref<8x128xf32, #tpu.memory_space<vmem>>
    tpu.wait_dma2 semaphore(%arg13 : memref<!tpu.dma_semaphore, #tpu.memory_space<semaphore_mem>>) src(%dma_wait3A_297 : memref<8x128xf32, #tpu.memory_space<vmem>>) dst(%dma_wait3A_294 : memref<8x128xf32, #tpu.memory_space<hbm>>)
    %mul3A_298 = arith.constant 4 : i32
    %mul3A_299 = arith.muli %add3A_276, %mul3A_298 : i32
    %add3A_300 = arith.constant 1 : i32
    %add3A_301 = arith.addi %mul3A_299, %add3A_300 : i32
    %mul3A_302 = arith.constant 32 : i32
    %mul3A_303 = arith.muli %add3A_301, %mul3A_302 : i32
    %add3A_304 = arith.addi %mul3A_303, %select_n3A_86 : i32
    %dma_wait3A_305 = arith.constant 72 : i32
    %dma_wait3A_306 = arith.constant 0 : i32
    %dma_wait3A_307 = tpu.memref_slice %arg9[%dma_wait3A_305, %dma_wait3A_306] : memref<128x129xf32, #tpu.memory_space<vmem>> -> memref<8x128xf32, #tpu.memory_space<vmem>>
    %dma_wait3A_308 = arith.constant 0 : i32
    %dma_wait3A_309 = arith.constant 0 : i32
    %dma_wait3A_310 = tpu.memref_slice %arg4[%add3A_304, %dma_wait3A_308, %dma_wait3A_309] : memref<25600x8x128xf32, #tpu.memory_space<hbm>> -> memref<1x8x128xf32, #tpu.memory_space<hbm>>
    %dma_wait3A_311 = tpu.memref_squeeze %dma_wait3A_310 : memref<1x8x128xf32, #tpu.memory_space<hbm>> -> memref<8x128xf32, #tpu.memory_space<hbm>>
    %dma_wait3A_312 = arith.constant 0 : i32
    %dma_wait3A_313 = arith.constant 0 : i32
    %dma_wait3A_314 = tpu.memref_slice %arg4[%add3A_304, %dma_wait3A_312, %dma_wait3A_313] : memref<25600x8x128xf32, #tpu.memory_space<hbm>> -> memref<1x8x128xf32, #tpu.memory_space<hbm>>
    %dma_wait3A_315 = tpu.memref_squeeze %dma_wait3A_314 : memref<1x8x128xf32, #tpu.memory_space<hbm>> -> memref<8x128xf32, #tpu.memory_space<hbm>>
    %dma_wait3A_316 = arith.constant 72 : i32
    %dma_wait3A_317 = arith.constant 0 : i32
    %dma_wait3A_318 = tpu.memref_slice %arg9[%dma_wait3A_316, %dma_wait3A_317] : memref<128x129xf32, #tpu.memory_space<vmem>> -> memref<8x128xf32, #tpu.memory_space<vmem>>
    tpu.wait_dma2 semaphore(%arg13 : memref<!tpu.dma_semaphore, #tpu.memory_space<semaphore_mem>>) src(%dma_wait3A_318 : memref<8x128xf32, #tpu.memory_space<vmem>>) dst(%dma_wait3A_315 : memref<8x128xf32, #tpu.memory_space<hbm>>)
    %mul3A_319 = arith.constant 4 : i32
    %mul3A_320 = arith.muli %add3A_276, %mul3A_319 : i32
    %add3A_321 = arith.constant 2 : i32
    %add3A_322 = arith.addi %mul3A_320, %add3A_321 : i32
    %mul3A_323 = arith.constant 32 : i32
    %mul3A_324 = arith.muli %add3A_322, %mul3A_323 : i32
    %add3A_325 = arith.addi %mul3A_324, %select_n3A_86 : i32
    %dma_wait3A_326 = arith.constant 80 : i32
    %dma_wait3A_327 = arith.constant 0 : i32
    %dma_wait3A_328 = tpu.memref_slice %arg9[%dma_wait3A_326, %dma_wait3A_327] : memref<128x129xf32, #tpu.memory_space<vmem>> -> memref<8x128xf32, #tpu.memory_space<vmem>>
    %dma_wait3A_329 = arith.constant 0 : i32
    %dma_wait3A_330 = arith.constant 0 : i32
    %dma_wait3A_331 = tpu.memref_slice %arg4[%add3A_325, %dma_wait3A_329, %dma_wait3A_330] : memref<25600x8x128xf32, #tpu.memory_space<hbm>> -> memref<1x8x128xf32, #tpu.memory_space<hbm>>
    %dma_wait3A_332 = tpu.memref_squeeze %dma_wait3A_331 : memref<1x8x128xf32, #tpu.memory_space<hbm>> -> memref<8x128xf32, #tpu.memory_space<hbm>>
    %dma_wait3A_333 = arith.constant 0 : i32
    %dma_wait3A_334 = arith.constant 0 : i32
    %dma_wait3A_335 = tpu.memref_slice %arg4[%add3A_325, %dma_wait3A_333, %dma_wait3A_334] : memref<25600x8x128xf32, #tpu.memory_space<hbm>> -> memref<1x8x128xf32, #tpu.memory_space<hbm>>
    %dma_wait3A_336 = tpu.memref_squeeze %dma_wait3A_335 : memref<1x8x128xf32, #tpu.memory_space<hbm>> -> memref<8x128xf32, #tpu.memory_space<hbm>>
    %dma_wait3A_337 = arith.constant 80 : i32
    %dma_wait3A_338 = arith.constant 0 : i32
    %dma_wait3A_339 = tpu.memref_slice %arg9[%dma_wait3A_337, %dma_wait3A_338] : memref<128x129xf32, #tpu.memory_space<vmem>> -> memref<8x128xf32, #tpu.memory_space<vmem>>
    tpu.wait_dma2 semaphore(%arg13 : memref<!tpu.dma_semaphore, #tpu.memory_space<semaphore_mem>>) src(%dma_wait3A_339 : memref<8x128xf32, #tpu.memory_space<vmem>>) dst(%dma_wait3A_336 : memref<8x128xf32, #tpu.memory_space<hbm>>)
    %mul3A_340 = arith.constant 4 : i32
    %mul3A_341 = arith.muli %add3A_276, %mul3A_340 : i32
    %add3A_342 = arith.constant 3 : i32
    %add3A_343 = arith.addi %mul3A_341, %add3A_342 : i32
    %mul3A_344 = arith.constant 32 : i32
    %mul3A_345 = arith.muli %add3A_343, %mul3A_344 : i32
    %add3A_346 = arith.addi %mul3A_345, %select_n3A_86 : i32
    %dma_wait3A_347 = arith.constant 88 : i32
    %dma_wait3A_348 = arith.constant 0 : i32
    %dma_wait3A_349 = tpu.memref_slice %arg9[%dma_wait3A_347, %dma_wait3A_348] : memref<128x129xf32, #tpu.memory_space<vmem>> -> memref<8x128xf32, #tpu.memory_space<vmem>>
    %dma_wait3A_350 = arith.constant 0 : i32
    %dma_wait3A_351 = arith.constant 0 : i32
    %dma_wait3A_352 = tpu.memref_slice %arg4[%add3A_346, %dma_wait3A_350, %dma_wait3A_351] : memref<25600x8x128xf32, #tpu.memory_space<hbm>> -> memref<1x8x128xf32, #tpu.memory_space<hbm>>
    %dma_wait3A_353 = tpu.memref_squeeze %dma_wait3A_352 : memref<1x8x128xf32, #tpu.memory_space<hbm>> -> memref<8x128xf32, #tpu.memory_space<hbm>>
    %dma_wait3A_354 = arith.constant 0 : i32
    %dma_wait3A_355 = arith.constant 0 : i32
    %dma_wait3A_356 = tpu.memref_slice %arg4[%add3A_346, %dma_wait3A_354, %dma_wait3A_355] : memref<25600x8x128xf32, #tpu.memory_space<hbm>> -> memref<1x8x128xf32, #tpu.memory_space<hbm>>
    %dma_wait3A_357 = tpu.memref_squeeze %dma_wait3A_356 : memref<1x8x128xf32, #tpu.memory_space<hbm>> -> memref<8x128xf32, #tpu.memory_space<hbm>>
    %dma_wait3A_358 = arith.constant 88 : i32
    %dma_wait3A_359 = arith.constant 0 : i32
    %dma_wait3A_360 = tpu.memref_slice %arg9[%dma_wait3A_358, %dma_wait3A_359] : memref<128x129xf32, #tpu.memory_space<vmem>> -> memref<8x128xf32, #tpu.memory_space<vmem>>
    tpu.wait_dma2 semaphore(%arg13 : memref<!tpu.dma_semaphore, #tpu.memory_space<semaphore_mem>>) src(%dma_wait3A_360 : memref<8x128xf32, #tpu.memory_space<vmem>>) dst(%dma_wait3A_357 : memref<8x128xf32, #tpu.memory_space<hbm>>)
    %mul3A_361 = arith.constant 8 : i32
    %mul3A_362 = arith.muli %select_n3A, %mul3A_361 : i32
    %mul3A_363 = arith.constant 4 : i32
    %mul3A_364 = arith.muli %rem3A_88, %mul3A_363 : i32
    %add3A_365 = arith.addi %mul3A_362, %mul3A_364 : i32
    %add3A_366 = arith.constant 3 : i32
    %add3A_367 = arith.addi %add3A_365, %add3A_366 : i32
    %mul3A_368 = arith.constant 4 : i32
    %mul3A_369 = arith.muli %add3A_367, %mul3A_368 : i32
    %add3A_370 = arith.constant 0 : i32
    %add3A_371 = arith.addi %mul3A_369, %add3A_370 : i32
    %mul3A_372 = arith.constant 32 : i32
    %mul3A_373 = arith.muli %add3A_371, %mul3A_372 : i32
    %add3A_374 = arith.addi %mul3A_373, %select_n3A_86 : i32
    %dma_wait3A_375 = arith.constant 96 : i32
    %dma_wait3A_376 = arith.constant 0 : i32
    %dma_wait3A_377 = tpu.memref_slice %arg9[%dma_wait3A_375, %dma_wait3A_376] : memref<128x129xf32, #tpu.memory_space<vmem>> -> memref<8x128xf32, #tpu.memory_space<vmem>>
    %dma_wait3A_378 = arith.constant 0 : i32
    %dma_wait3A_379 = arith.constant 0 : i32
    %dma_wait3A_380 = tpu.memref_slice %arg4[%add3A_374, %dma_wait3A_378, %dma_wait3A_379] : memref<25600x8x128xf32, #tpu.memory_space<hbm>> -> memref<1x8x128xf32, #tpu.memory_space<hbm>>
    %dma_wait3A_381 = tpu.memref_squeeze %dma_wait3A_380 : memref<1x8x128xf32, #tpu.memory_space<hbm>> -> memref<8x128xf32, #tpu.memory_space<hbm>>
    %dma_wait3A_382 = arith.constant 0 : i32
    %dma_wait3A_383 = arith.constant 0 : i32
    %dma_wait3A_384 = tpu.memref_slice %arg4[%add3A_374, %dma_wait3A_382, %dma_wait3A_383] : memref<25600x8x128xf32, #tpu.memory_space<hbm>> -> memref<1x8x128xf32, #tpu.memory_space<hbm>>
    %dma_wait3A_385 = tpu.memref_squeeze %dma_wait3A_384 : memref<1x8x128xf32, #tpu.memory_space<hbm>> -> memref<8x128xf32, #tpu.memory_space<hbm>>
    %dma_wait3A_386 = arith.constant 96 : i32
    %dma_wait3A_387 = arith.constant 0 : i32
    %dma_wait3A_388 = tpu.memref_slice %arg9[%dma_wait3A_386, %dma_wait3A_387] : memref<128x129xf32, #tpu.memory_space<vmem>> -> memref<8x128xf32, #tpu.memory_space<vmem>>
    tpu.wait_dma2 semaphore(%arg13 : memref<!tpu.dma_semaphore, #tpu.memory_space<semaphore_mem>>) src(%dma_wait3A_388 : memref<8x128xf32, #tpu.memory_space<vmem>>) dst(%dma_wait3A_385 : memref<8x128xf32, #tpu.memory_space<hbm>>)
    %mul3A_389 = arith.constant 4 : i32
    %mul3A_390 = arith.muli %add3A_367, %mul3A_389 : i32
    %add3A_391 = arith.constant 1 : i32
    %add3A_392 = arith.addi %mul3A_390, %add3A_391 : i32
    %mul3A_393 = arith.constant 32 : i32
    %mul3A_394 = arith.muli %add3A_392, %mul3A_393 : i32
    %add3A_395 = arith.addi %mul3A_394, %select_n3A_86 : i32
    %dma_wait3A_396 = arith.constant 104 : i32
    %dma_wait3A_397 = arith.constant 0 : i32
    %dma_wait3A_398 = tpu.memref_slice %arg9[%dma_wait3A_396, %dma_wait3A_397] : memref<128x129xf32, #tpu.memory_space<vmem>> -> memref<8x128xf32, #tpu.memory_space<vmem>>
    %dma_wait3A_399 = arith.constant 0 : i32
    %dma_wait3A_400 = arith.constant 0 : i32
    %dma_wait3A_401 = tpu.memref_slice %arg4[%add3A_395, %dma_wait3A_399, %dma_wait3A_400] : memref<25600x8x128xf32, #tpu.memory_space<hbm>> -> memref<1x8x128xf32, #tpu.memory_space<hbm>>
    %dma_wait3A_402 = tpu.memref_squeeze %dma_wait3A_401 : memref<1x8x128xf32, #tpu.memory_space<hbm>> -> memref<8x128xf32, #tpu.memory_space<hbm>>
    %dma_wait3A_403 = arith.constant 0 : i32
    %dma_wait3A_404 = arith.constant 0 : i32
    %dma_wait3A_405 = tpu.memref_slice %arg4[%add3A_395, %dma_wait3A_403, %dma_wait3A_404] : memref<25600x8x128xf32, #tpu.memory_space<hbm>> -> memref<1x8x128xf32, #tpu.memory_space<hbm>>
    %dma_wait3A_406 = tpu.memref_squeeze %dma_wait3A_405 : memref<1x8x128xf32, #tpu.memory_space<hbm>> -> memref<8x128xf32, #tpu.memory_space<hbm>>
    %dma_wait3A_407 = arith.constant 104 : i32
    %dma_wait3A_408 = arith.constant 0 : i32
    %dma_wait3A_409 = tpu.memref_slice %arg9[%dma_wait3A_407, %dma_wait3A_408] : memref<128x129xf32, #tpu.memory_space<vmem>> -> memref<8x128xf32, #tpu.memory_space<vmem>>
    tpu.wait_dma2 semaphore(%arg13 : memref<!tpu.dma_semaphore, #tpu.memory_space<semaphore_mem>>) src(%dma_wait3A_409 : memref<8x128xf32, #tpu.memory_space<vmem>>) dst(%dma_wait3A_406 : memref<8x128xf32, #tpu.memory_space<hbm>>)
    %mul3A_410 = arith.constant 4 : i32
    %mul3A_411 = arith.muli %add3A_367, %mul3A_410 : i32
    %add3A_412 = arith.constant 2 : i32
    %add3A_413 = arith.addi %mul3A_411, %add3A_412 : i32
    %mul3A_414 = arith.constant 32 : i32
    %mul3A_415 = arith.muli %add3A_413, %mul3A_414 : i32
    %add3A_416 = arith.addi %mul3A_415, %select_n3A_86 : i32
    %dma_wait3A_417 = arith.constant 112 : i32
    %dma_wait3A_418 = arith.constant 0 : i32
    %dma_wait3A_419 = tpu.memref_slice %arg9[%dma_wait3A_417, %dma_wait3A_418] : memref<128x129xf32, #tpu.memory_space<vmem>> -> memref<8x128xf32, #tpu.memory_space<vmem>>
    %dma_wait3A_420 = arith.constant 0 : i32
    %dma_wait3A_421 = arith.constant 0 : i32
    %dma_wait3A_422 = tpu.memref_slice %arg4[%add3A_416, %dma_wait3A_420, %dma_wait3A_421] : memref<25600x8x128xf32, #tpu.memory_space<hbm>> -> memref<1x8x128xf32, #tpu.memory_space<hbm>>
    %dma_wait3A_423 = tpu.memref_squeeze %dma_wait3A_422 : memref<1x8x128xf32, #tpu.memory_space<hbm>> -> memref<8x128xf32, #tpu.memory_space<hbm>>
    %dma_wait3A_424 = arith.constant 0 : i32
    %dma_wait3A_425 = arith.constant 0 : i32
    %dma_wait3A_426 = tpu.memref_slice %arg4[%add3A_416, %dma_wait3A_424, %dma_wait3A_425] : memref<25600x8x128xf32, #tpu.memory_space<hbm>> -> memref<1x8x128xf32, #tpu.memory_space<hbm>>
    %dma_wait3A_427 = tpu.memref_squeeze %dma_wait3A_426 : memref<1x8x128xf32, #tpu.memory_space<hbm>> -> memref<8x128xf32, #tpu.memory_space<hbm>>
    %dma_wait3A_428 = arith.constant 112 : i32
    %dma_wait3A_429 = arith.constant 0 : i32
    %dma_wait3A_430 = tpu.memref_slice %arg9[%dma_wait3A_428, %dma_wait3A_429] : memref<128x129xf32, #tpu.memory_space<vmem>> -> memref<8x128xf32, #tpu.memory_space<vmem>>
    tpu.wait_dma2 semaphore(%arg13 : memref<!tpu.dma_semaphore, #tpu.memory_space<semaphore_mem>>) src(%dma_wait3A_430 : memref<8x128xf32, #tpu.memory_space<vmem>>) dst(%dma_wait3A_427 : memref<8x128xf32, #tpu.memory_space<hbm>>)
    %mul3A_431 = arith.constant 4 : i32
    %mul3A_432 = arith.muli %add3A_367, %mul3A_431 : i32
    %add3A_433 = arith.constant 3 : i32
    %add3A_434 = arith.addi %mul3A_432, %add3A_433 : i32
    %mul3A_435 = arith.constant 32 : i32
    %mul3A_436 = arith.muli %add3A_434, %mul3A_435 : i32
    %add3A_437 = arith.addi %mul3A_436, %select_n3A_86 : i32
    %dma_wait3A_438 = arith.constant 120 : i32
    %dma_wait3A_439 = arith.constant 0 : i32
    %dma_wait3A_440 = tpu.memref_slice %arg9[%dma_wait3A_438, %dma_wait3A_439] : memref<128x129xf32, #tpu.memory_space<vmem>> -> memref<8x128xf32, #tpu.memory_space<vmem>>
    %dma_wait3A_441 = arith.constant 0 : i32
    %dma_wait3A_442 = arith.constant 0 : i32
    %dma_wait3A_443 = tpu.memref_slice %arg4[%add3A_437, %dma_wait3A_441, %dma_wait3A_442] : memref<25600x8x128xf32, #tpu.memory_space<hbm>> -> memref<1x8x128xf32, #tpu.memory_space<hbm>>
    %dma_wait3A_444 = tpu.memref_squeeze %dma_wait3A_443 : memref<1x8x128xf32, #tpu.memory_space<hbm>> -> memref<8x128xf32, #tpu.memory_space<hbm>>
    %dma_wait3A_445 = arith.constant 0 : i32
    %dma_wait3A_446 = arith.constant 0 : i32
    %dma_wait3A_447 = tpu.memref_slice %arg4[%add3A_437, %dma_wait3A_445, %dma_wait3A_446] : memref<25600x8x128xf32, #tpu.memory_space<hbm>> -> memref<1x8x128xf32, #tpu.memory_space<hbm>>
    %dma_wait3A_448 = tpu.memref_squeeze %dma_wait3A_447 : memref<1x8x128xf32, #tpu.memory_space<hbm>> -> memref<8x128xf32, #tpu.memory_space<hbm>>
    %dma_wait3A_449 = arith.constant 120 : i32
    %dma_wait3A_450 = arith.constant 0 : i32
    %dma_wait3A_451 = tpu.memref_slice %arg9[%dma_wait3A_449, %dma_wait3A_450] : memref<128x129xf32, #tpu.memory_space<vmem>> -> memref<8x128xf32, #tpu.memory_space<vmem>>
    tpu.wait_dma2 semaphore(%arg13 : memref<!tpu.dma_semaphore, #tpu.memory_space<semaphore_mem>>) src(%dma_wait3A_451 : memref<8x128xf32, #tpu.memory_space<vmem>>) dst(%dma_wait3A_448 : memref<8x128xf32, #tpu.memory_space<hbm>>)
    %add3A_452 = arith.constant 50 : i32
    %add3A_453 = arith.addi %mul3A_2, %add3A_452 : i32
    %sub3A_454 = arith.constant 1 : i32
    %sub3A_455 = arith.subi %add3A_453, %sub3A_454 : i32
    %jit3A_456 = arith.constant 64 : i32
    %div3A_457 = arith.divsi %sub3A_455, %jit3A_456 : i32
    %sign3A_458 = arith.constant 0 : i32
    %sign3A_459 = arith.cmpi sgt, %sub3A_455, %sign3A_458 : i32
    %sign3A_460 = arith.extui %sign3A_459 : i1 to i32
    %sign3A_461 = arith.constant 0 : i32
    %sign3A_462 = arith.cmpi slt, %sub3A_455, %sign3A_461 : i32
    %sign3A_463 = arith.extui %sign3A_462 : i1 to i32
    %sign3A_464 = arith.subi %sign3A_460, %sign3A_463 : i32
    %sign3A_465 = arith.constant 0 : i32
    %sign3A_466 = arith.cmpi sgt, %jit3A_456, %sign3A_465 : i32
    %sign3A_467 = arith.extui %sign3A_466 : i1 to i32
    %sign3A_468 = arith.constant 0 : i32
    %sign3A_469 = arith.cmpi slt, %jit3A_456, %sign3A_468 : i32
    %sign3A_470 = arith.extui %sign3A_469 : i1 to i32
    %sign3A_471 = arith.subi %sign3A_467, %sign3A_470 : i32
    %ne3A_472 = arith.cmpi ne, %sign3A_464, %sign3A_471 : i32
    %rem3A_473 = arith.remsi %sub3A_455, %jit3A_456 : i32
    %ne3A_474 = arith.constant 0 : i32
    %ne3A_475 = arith.cmpi ne, %rem3A_473, %ne3A_474 : i32
    %and3A_476 = arith.andi %ne3A_472, %ne3A_475 : i1
    %sub3A_477 = arith.constant 1 : i32
    %sub3A_478 = arith.subi %div3A_457, %sub3A_477 : i32
    %select_n3A_479 = arith.select %and3A_476, %sub3A_478, %div3A_457 : i32
    %rem3A_480 = arith.constant 64 : i32
    %rem3A_481 = arith.remsi %sub3A_455, %rem3A_480 : i32
    %jit3A_482 = arith.constant 2 : i32
    %div3A_483 = arith.divsi %rem3A_481, %jit3A_482 : i32
    %sign3A_484 = arith.constant 0 : i32
    %sign3A_485 = arith.cmpi sgt, %rem3A_481, %sign3A_484 : i32
    %sign3A_486 = arith.extui %sign3A_485 : i1 to i32
    %sign3A_487 = arith.constant 0 : i32
    %sign3A_488 = arith.cmpi slt, %rem3A_481, %sign3A_487 : i32
    %sign3A_489 = arith.extui %sign3A_488 : i1 to i32
    %sign3A_490 = arith.subi %sign3A_486, %sign3A_489 : i32
    %sign3A_491 = arith.constant 0 : i32
    %sign3A_492 = arith.cmpi sgt, %jit3A_482, %sign3A_491 : i32
    %sign3A_493 = arith.extui %sign3A_492 : i1 to i32
    %sign3A_494 = arith.constant 0 : i32
    %sign3A_495 = arith.cmpi slt, %jit3A_482, %sign3A_494 : i32
    %sign3A_496 = arith.extui %sign3A_495 : i1 to i32
    %sign3A_497 = arith.subi %sign3A_493, %sign3A_496 : i32
    %ne3A_498 = arith.cmpi ne, %sign3A_490, %sign3A_497 : i32
    %rem3A_499 = arith.remsi %rem3A_481, %jit3A_482 : i32
    %ne3A_500 = arith.constant 0 : i32
    %ne3A_501 = arith.cmpi ne, %rem3A_499, %ne3A_500 : i32
    %and3A_502 = arith.andi %ne3A_498, %ne3A_501 : i1
    %sub3A_503 = arith.constant 1 : i32
    %sub3A_504 = arith.subi %div3A_483, %sub3A_503 : i32
    %select_n3A_505 = arith.select %and3A_502, %sub3A_504, %div3A_483 : i32
    %rem3A_506 = arith.constant 2 : i32
    %rem3A_507 = arith.remsi %rem3A_481, %rem3A_506 : i32
    %mul3A_508 = arith.constant 8 : i32
    %mul3A_509 = arith.muli %select_n3A_479, %mul3A_508 : i32
    %mul3A_510 = arith.constant 4 : i32
    %mul3A_511 = arith.muli %rem3A_507, %mul3A_510 : i32
    %add3A_512 = arith.addi %mul3A_509, %mul3A_511 : i32
    %add3A_513 = arith.constant 0 : i32
    %add3A_514 = arith.addi %add3A_512, %add3A_513 : i32
    %mul3A_515 = arith.constant 4 : i32
    %mul3A_516 = arith.muli %add3A_514, %mul3A_515 : i32
    %add3A_517 = arith.constant 0 : i32
    %add3A_518 = arith.addi %mul3A_516, %add3A_517 : i32
    %mul3A_519 = arith.constant 32 : i32
    %mul3A_520 = arith.muli %add3A_518, %mul3A_519 : i32
    %add3A_521 = arith.addi %mul3A_520, %select_n3A_505 : i32
    %dma_wait3A_522 = arith.constant 0 : i32
    %dma_wait3A_523 = arith.constant 0 : i32
    %dma_wait3A_524 = tpu.memref_slice %arg10[%dma_wait3A_522, %dma_wait3A_523] : memref<128x129xf32, #tpu.memory_space<vmem>> -> memref<8x128xf32, #tpu.memory_space<vmem>>
    %dma_wait3A_525 = arith.constant 0 : i32
    %dma_wait3A_526 = arith.constant 0 : i32
    %dma_wait3A_527 = tpu.memref_slice %arg4[%add3A_521, %dma_wait3A_525, %dma_wait3A_526] : memref<25600x8x128xf32, #tpu.memory_space<hbm>> -> memref<1x8x128xf32, #tpu.memory_space<hbm>>
    %dma_wait3A_528 = tpu.memref_squeeze %dma_wait3A_527 : memref<1x8x128xf32, #tpu.memory_space<hbm>> -> memref<8x128xf32, #tpu.memory_space<hbm>>
    %dma_wait3A_529 = arith.constant 0 : i32
    %dma_wait3A_530 = arith.constant 0 : i32
    %dma_wait3A_531 = tpu.memref_slice %arg4[%add3A_521, %dma_wait3A_529, %dma_wait3A_530] : memref<25600x8x128xf32, #tpu.memory_space<hbm>> -> memref<1x8x128xf32, #tpu.memory_space<hbm>>
    %dma_wait3A_532 = tpu.memref_squeeze %dma_wait3A_531 : memref<1x8x128xf32, #tpu.memory_space<hbm>> -> memref<8x128xf32, #tpu.memory_space<hbm>>
    %dma_wait3A_533 = arith.constant 0 : i32
    %dma_wait3A_534 = arith.constant 0 : i32
    %dma_wait3A_535 = tpu.memref_slice %arg10[%dma_wait3A_533, %dma_wait3A_534] : memref<128x129xf32, #tpu.memory_space<vmem>> -> memref<8x128xf32, #tpu.memory_space<vmem>>
    tpu.wait_dma2 semaphore(%arg14 : memref<!tpu.dma_semaphore, #tpu.memory_space<semaphore_mem>>) src(%dma_wait3A_535 : memref<8x128xf32, #tpu.memory_space<vmem>>) dst(%dma_wait3A_532 : memref<8x128xf32, #tpu.memory_space<hbm>>)
    %mul3A_536 = arith.constant 4 : i32
    %mul3A_537 = arith.muli %add3A_514, %mul3A_536 : i32
    %add3A_538 = arith.constant 1 : i32
    %add3A_539 = arith.addi %mul3A_537, %add3A_538 : i32
    %mul3A_540 = arith.constant 32 : i32
    %mul3A_541 = arith.muli %add3A_539, %mul3A_540 : i32
    %add3A_542 = arith.addi %mul3A_541, %select_n3A_505 : i32
    %dma_wait3A_543 = arith.constant 8 : i32
    %dma_wait3A_544 = arith.constant 0 : i32
    %dma_wait3A_545 = tpu.memref_slice %arg10[%dma_wait3A_543, %dma_wait3A_544] : memref<128x129xf32, #tpu.memory_space<vmem>> -> memref<8x128xf32, #tpu.memory_space<vmem>>
    %dma_wait3A_546 = arith.constant 0 : i32
    %dma_wait3A_547 = arith.constant 0 : i32
    %dma_wait3A_548 = tpu.memref_slice %arg4[%add3A_542, %dma_wait3A_546, %dma_wait3A_547] : memref<25600x8x128xf32, #tpu.memory_space<hbm>> -> memref<1x8x128xf32, #tpu.memory_space<hbm>>
    %dma_wait3A_549 = tpu.memref_squeeze %dma_wait3A_548 : memref<1x8x128xf32, #tpu.memory_space<hbm>> -> memref<8x128xf32, #tpu.memory_space<hbm>>
    %dma_wait3A_550 = arith.constant 0 : i32
    %dma_wait3A_551 = arith.constant 0 : i32
    %dma_wait3A_552 = tpu.memref_slice %arg4[%add3A_542, %dma_wait3A_550, %dma_wait3A_551] : memref<25600x8x128xf32, #tpu.memory_space<hbm>> -> memref<1x8x128xf32, #tpu.memory_space<hbm>>
    %dma_wait3A_553 = tpu.memref_squeeze %dma_wait3A_552 : memref<1x8x128xf32, #tpu.memory_space<hbm>> -> memref<8x128xf32, #tpu.memory_space<hbm>>
    %dma_wait3A_554 = arith.constant 8 : i32
    %dma_wait3A_555 = arith.constant 0 : i32
    %dma_wait3A_556 = tpu.memref_slice %arg10[%dma_wait3A_554, %dma_wait3A_555] : memref<128x129xf32, #tpu.memory_space<vmem>> -> memref<8x128xf32, #tpu.memory_space<vmem>>
    tpu.wait_dma2 semaphore(%arg14 : memref<!tpu.dma_semaphore, #tpu.memory_space<semaphore_mem>>) src(%dma_wait3A_556 : memref<8x128xf32, #tpu.memory_space<vmem>>) dst(%dma_wait3A_553 : memref<8x128xf32, #tpu.memory_space<hbm>>)
    %mul3A_557 = arith.constant 4 : i32
    %mul3A_558 = arith.muli %add3A_514, %mul3A_557 : i32
    %add3A_559 = arith.constant 2 : i32
    %add3A_560 = arith.addi %mul3A_558, %add3A_559 : i32
    %mul3A_561 = arith.constant 32 : i32
    %mul3A_562 = arith.muli %add3A_560, %mul3A_561 : i32
    %add3A_563 = arith.addi %mul3A_562, %select_n3A_505 : i32
    %dma_wait3A_564 = arith.constant 16 : i32
    %dma_wait3A_565 = arith.constant 0 : i32
    %dma_wait3A_566 = tpu.memref_slice %arg10[%dma_wait3A_564, %dma_wait3A_565] : memref<128x129xf32, #tpu.memory_space<vmem>> -> memref<8x128xf32, #tpu.memory_space<vmem>>
    %dma_wait3A_567 = arith.constant 0 : i32
    %dma_wait3A_568 = arith.constant 0 : i32
    %dma_wait3A_569 = tpu.memref_slice %arg4[%add3A_563, %dma_wait3A_567, %dma_wait3A_568] : memref<25600x8x128xf32, #tpu.memory_space<hbm>> -> memref<1x8x128xf32, #tpu.memory_space<hbm>>
    %dma_wait3A_570 = tpu.memref_squeeze %dma_wait3A_569 : memref<1x8x128xf32, #tpu.memory_space<hbm>> -> memref<8x128xf32, #tpu.memory_space<hbm>>
    %dma_wait3A_571 = arith.constant 0 : i32
    %dma_wait3A_572 = arith.constant 0 : i32
    %dma_wait3A_573 = tpu.memref_slice %arg4[%add3A_563, %dma_wait3A_571, %dma_wait3A_572] : memref<25600x8x128xf32, #tpu.memory_space<hbm>> -> memref<1x8x128xf32, #tpu.memory_space<hbm>>
    %dma_wait3A_574 = tpu.memref_squeeze %dma_wait3A_573 : memref<1x8x128xf32, #tpu.memory_space<hbm>> -> memref<8x128xf32, #tpu.memory_space<hbm>>
    %dma_wait3A_575 = arith.constant 16 : i32
    %dma_wait3A_576 = arith.constant 0 : i32
    %dma_wait3A_577 = tpu.memref_slice %arg10[%dma_wait3A_575, %dma_wait3A_576] : memref<128x129xf32, #tpu.memory_space<vmem>> -> memref<8x128xf32, #tpu.memory_space<vmem>>
    tpu.wait_dma2 semaphore(%arg14 : memref<!tpu.dma_semaphore, #tpu.memory_space<semaphore_mem>>) src(%dma_wait3A_577 : memref<8x128xf32, #tpu.memory_space<vmem>>) dst(%dma_wait3A_574 : memref<8x128xf32, #tpu.memory_space<hbm>>)
    %mul3A_578 = arith.constant 4 : i32
    %mul3A_579 = arith.muli %add3A_514, %mul3A_578 : i32
    %add3A_580 = arith.constant 3 : i32
    %add3A_581 = arith.addi %mul3A_579, %add3A_580 : i32
    %mul3A_582 = arith.constant 32 : i32
    %mul3A_583 = arith.muli %add3A_581, %mul3A_582 : i32
    %add3A_584 = arith.addi %mul3A_583, %select_n3A_505 : i32
    %dma_wait3A_585 = arith.constant 24 : i32
    %dma_wait3A_586 = arith.constant 0 : i32
    %dma_wait3A_587 = tpu.memref_slice %arg10[%dma_wait3A_585, %dma_wait3A_586] : memref<128x129xf32, #tpu.memory_space<vmem>> -> memref<8x128xf32, #tpu.memory_space<vmem>>
    %dma_wait3A_588 = arith.constant 0 : i32
    %dma_wait3A_589 = arith.constant 0 : i32
    %dma_wait3A_590 = tpu.memref_slice %arg4[%add3A_584, %dma_wait3A_588, %dma_wait3A_589] : memref<25600x8x128xf32, #tpu.memory_space<hbm>> -> memref<1x8x128xf32, #tpu.memory_space<hbm>>
    %dma_wait3A_591 = tpu.memref_squeeze %dma_wait3A_590 : memref<1x8x128xf32, #tpu.memory_space<hbm>> -> memref<8x128xf32, #tpu.memory_space<hbm>>
    %dma_wait3A_592 = arith.constant 0 : i32
    %dma_wait3A_593 = arith.constant 0 : i32
    %dma_wait3A_594 = tpu.memref_slice %arg4[%add3A_584, %dma_wait3A_592, %dma_wait3A_593] : memref<25600x8x128xf32, #tpu.memory_space<hbm>> -> memref<1x8x128xf32, #tpu.memory_space<hbm>>
    %dma_wait3A_595 = tpu.memref_squeeze %dma_wait3A_594 : memref<1x8x128xf32, #tpu.memory_space<hbm>> -> memref<8x128xf32, #tpu.memory_space<hbm>>
    %dma_wait3A_596 = arith.constant 24 : i32
    %dma_wait3A_597 = arith.constant 0 : i32
    %dma_wait3A_598 = tpu.memref_slice %arg10[%dma_wait3A_596, %dma_wait3A_597] : memref<128x129xf32, #tpu.memory_space<vmem>> -> memref<8x128xf32, #tpu.memory_space<vmem>>
    tpu.wait_dma2 semaphore(%arg14 : memref<!tpu.dma_semaphore, #tpu.memory_space<semaphore_mem>>) src(%dma_wait3A_598 : memref<8x128xf32, #tpu.memory_space<vmem>>) dst(%dma_wait3A_595 : memref<8x128xf32, #tpu.memory_space<hbm>>)
    %mul3A_599 = arith.constant 8 : i32
    %mul3A_600 = arith.muli %select_n3A_479, %mul3A_599 : i32
    %mul3A_601 = arith.constant 4 : i32
    %mul3A_602 = arith.muli %rem3A_507, %mul3A_601 : i32
    %add3A_603 = arith.addi %mul3A_600, %mul3A_602 : i32
    %add3A_604 = arith.constant 1 : i32
    %add3A_605 = arith.addi %add3A_603, %add3A_604 : i32
    %mul3A_606 = arith.constant 4 : i32
    %mul3A_607 = arith.muli %add3A_605, %mul3A_606 : i32
    %add3A_608 = arith.constant 0 : i32
    %add3A_609 = arith.addi %mul3A_607, %add3A_608 : i32
    %mul3A_610 = arith.constant 32 : i32
    %mul3A_611 = arith.muli %add3A_609, %mul3A_610 : i32
    %add3A_612 = arith.addi %mul3A_611, %select_n3A_505 : i32
    %dma_wait3A_613 = arith.constant 32 : i32
    %dma_wait3A_614 = arith.constant 0 : i32
    %dma_wait3A_615 = tpu.memref_slice %arg10[%dma_wait3A_613, %dma_wait3A_614] : memref<128x129xf32, #tpu.memory_space<vmem>> -> memref<8x128xf32, #tpu.memory_space<vmem>>
    %dma_wait3A_616 = arith.constant 0 : i32
    %dma_wait3A_617 = arith.constant 0 : i32
    %dma_wait3A_618 = tpu.memref_slice %arg4[%add3A_612, %dma_wait3A_616, %dma_wait3A_617] : memref<25600x8x128xf32, #tpu.memory_space<hbm>> -> memref<1x8x128xf32, #tpu.memory_space<hbm>>
    %dma_wait3A_619 = tpu.memref_squeeze %dma_wait3A_618 : memref<1x8x128xf32, #tpu.memory_space<hbm>> -> memref<8x128xf32, #tpu.memory_space<hbm>>
    %dma_wait3A_620 = arith.constant 0 : i32
    %dma_wait3A_621 = arith.constant 0 : i32
    %dma_wait3A_622 = tpu.memref_slice %arg4[%add3A_612, %dma_wait3A_620, %dma_wait3A_621] : memref<25600x8x128xf32, #tpu.memory_space<hbm>> -> memref<1x8x128xf32, #tpu.memory_space<hbm>>
    %dma_wait3A_623 = tpu.memref_squeeze %dma_wait3A_622 : memref<1x8x128xf32, #tpu.memory_space<hbm>> -> memref<8x128xf32, #tpu.memory_space<hbm>>
    %dma_wait3A_624 = arith.constant 32 : i32
    %dma_wait3A_625 = arith.constant 0 : i32
    %dma_wait3A_626 = tpu.memref_slice %arg10[%dma_wait3A_624, %dma_wait3A_625] : memref<128x129xf32, #tpu.memory_space<vmem>> -> memref<8x128xf32, #tpu.memory_space<vmem>>
    tpu.wait_dma2 semaphore(%arg14 : memref<!tpu.dma_semaphore, #tpu.memory_space<semaphore_mem>>) src(%dma_wait3A_626 : memref<8x128xf32, #tpu.memory_space<vmem>>) dst(%dma_wait3A_623 : memref<8x128xf32, #tpu.memory_space<hbm>>)
    %mul3A_627 = arith.constant 4 : i32
    %mul3A_628 = arith.muli %add3A_605, %mul3A_627 : i32
    %add3A_629 = arith.constant 1 : i32
    %add3A_630 = arith.addi %mul3A_628, %add3A_629 : i32
    %mul3A_631 = arith.constant 32 : i32
    %mul3A_632 = arith.muli %add3A_630, %mul3A_631 : i32
    %add3A_633 = arith.addi %mul3A_632, %select_n3A_505 : i32
    %dma_wait3A_634 = arith.constant 40 : i32
    %dma_wait3A_635 = arith.constant 0 : i32
    %dma_wait3A_636 = tpu.memref_slice %arg10[%dma_wait3A_634, %dma_wait3A_635] : memref<128x129xf32, #tpu.memory_space<vmem>> -> memref<8x128xf32, #tpu.memory_space<vmem>>
    %dma_wait3A_637 = arith.constant 0 : i32
    %dma_wait3A_638 = arith.constant 0 : i32
    %dma_wait3A_639 = tpu.memref_slice %arg4[%add3A_633, %dma_wait3A_637, %dma_wait3A_638] : memref<25600x8x128xf32, #tpu.memory_space<hbm>> -> memref<1x8x128xf32, #tpu.memory_space<hbm>>
    %dma_wait3A_640 = tpu.memref_squeeze %dma_wait3A_639 : memref<1x8x128xf32, #tpu.memory_space<hbm>> -> memref<8x128xf32, #tpu.memory_space<hbm>>
    %dma_wait3A_641 = arith.constant 0 : i32
    %dma_wait3A_642 = arith.constant 0 : i32
    %dma_wait3A_643 = tpu.memref_slice %arg4[%add3A_633, %dma_wait3A_641, %dma_wait3A_642] : memref<25600x8x128xf32, #tpu.memory_space<hbm>> -> memref<1x8x128xf32, #tpu.memory_space<hbm>>
    %dma_wait3A_644 = tpu.memref_squeeze %dma_wait3A_643 : memref<1x8x128xf32, #tpu.memory_space<hbm>> -> memref<8x128xf32, #tpu.memory_space<hbm>>
    %dma_wait3A_645 = arith.constant 40 : i32
    %dma_wait3A_646 = arith.constant 0 : i32
    %dma_wait3A_647 = tpu.memref_slice %arg10[%dma_wait3A_645, %dma_wait3A_646] : memref<128x129xf32, #tpu.memory_space<vmem>> -> memref<8x128xf32, #tpu.memory_space<vmem>>
    tpu.wait_dma2 semaphore(%arg14 : memref<!tpu.dma_semaphore, #tpu.memory_space<semaphore_mem>>) src(%dma_wait3A_647 : memref<8x128xf32, #tpu.memory_space<vmem>>) dst(%dma_wait3A_644 : memref<8x128xf32, #tpu.memory_space<hbm>>)
    %mul3A_648 = arith.constant 4 : i32
    %mul3A_649 = arith.muli %add3A_605, %mul3A_648 : i32
    %add3A_650 = arith.constant 2 : i32
    %add3A_651 = arith.addi %mul3A_649, %add3A_650 : i32
    %mul3A_652 = arith.constant 32 : i32
    %mul3A_653 = arith.muli %add3A_651, %mul3A_652 : i32
    %add3A_654 = arith.addi %mul3A_653, %select_n3A_505 : i32
    %dma_wait3A_655 = arith.constant 48 : i32
    %dma_wait3A_656 = arith.constant 0 : i32
    %dma_wait3A_657 = tpu.memref_slice %arg10[%dma_wait3A_655, %dma_wait3A_656] : memref<128x129xf32, #tpu.memory_space<vmem>> -> memref<8x128xf32, #tpu.memory_space<vmem>>
    %dma_wait3A_658 = arith.constant 0 : i32
    %dma_wait3A_659 = arith.constant 0 : i32
    %dma_wait3A_660 = tpu.memref_slice %arg4[%add3A_654, %dma_wait3A_658, %dma_wait3A_659] : memref<25600x8x128xf32, #tpu.memory_space<hbm>> -> memref<1x8x128xf32, #tpu.memory_space<hbm>>
    %dma_wait3A_661 = tpu.memref_squeeze %dma_wait3A_660 : memref<1x8x128xf32, #tpu.memory_space<hbm>> -> memref<8x128xf32, #tpu.memory_space<hbm>>
    %dma_wait3A_662 = arith.constant 0 : i32
    %dma_wait3A_663 = arith.constant 0 : i32
    %dma_wait3A_664 = tpu.memref_slice %arg4[%add3A_654, %dma_wait3A_662, %dma_wait3A_663] : memref<25600x8x128xf32, #tpu.memory_space<hbm>> -> memref<1x8x128xf32, #tpu.memory_space<hbm>>
    %dma_wait3A_665 = tpu.memref_squeeze %dma_wait3A_664 : memref<1x8x128xf32, #tpu.memory_space<hbm>> -> memref<8x128xf32, #tpu.memory_space<hbm>>
    %dma_wait3A_666 = arith.constant 48 : i32
    %dma_wait3A_667 = arith.constant 0 : i32
    %dma_wait3A_668 = tpu.memref_slice %arg10[%dma_wait3A_666, %dma_wait3A_667] : memref<128x129xf32, #tpu.memory_space<vmem>> -> memref<8x128xf32, #tpu.memory_space<vmem>>
    tpu.wait_dma2 semaphore(%arg14 : memref<!tpu.dma_semaphore, #tpu.memory_space<semaphore_mem>>) src(%dma_wait3A_668 : memref<8x128xf32, #tpu.memory_space<vmem>>) dst(%dma_wait3A_665 : memref<8x128xf32, #tpu.memory_space<hbm>>)
    %mul3A_669 = arith.constant 4 : i32
    %mul3A_670 = arith.muli %add3A_605, %mul3A_669 : i32
    %add3A_671 = arith.constant 3 : i32
    %add3A_672 = arith.addi %mul3A_670, %add3A_671 : i32
    %mul3A_673 = arith.constant 32 : i32
    %mul3A_674 = arith.muli %add3A_672, %mul3A_673 : i32
    %add3A_675 = arith.addi %mul3A_674, %select_n3A_505 : i32
    %dma_wait3A_676 = arith.constant 56 : i32
    %dma_wait3A_677 = arith.constant 0 : i32
    %dma_wait3A_678 = tpu.memref_slice %arg10[%dma_wait3A_676, %dma_wait3A_677] : memref<128x129xf32, #tpu.memory_space<vmem>> -> memref<8x128xf32, #tpu.memory_space<vmem>>
    %dma_wait3A_679 = arith.constant 0 : i32
    %dma_wait3A_680 = arith.constant 0 : i32
    %dma_wait3A_681 = tpu.memref_slice %arg4[%add3A_675, %dma_wait3A_679, %dma_wait3A_680] : memref<25600x8x128xf32, #tpu.memory_space<hbm>> -> memref<1x8x128xf32, #tpu.memory_space<hbm>>
    %dma_wait3A_682 = tpu.memref_squeeze %dma_wait3A_681 : memref<1x8x128xf32, #tpu.memory_space<hbm>> -> memref<8x128xf32, #tpu.memory_space<hbm>>
    %dma_wait3A_683 = arith.constant 0 : i32
    %dma_wait3A_684 = arith.constant 0 : i32
    %dma_wait3A_685 = tpu.memref_slice %arg4[%add3A_675, %dma_wait3A_683, %dma_wait3A_684] : memref<25600x8x128xf32, #tpu.memory_space<hbm>> -> memref<1x8x128xf32, #tpu.memory_space<hbm>>
    %dma_wait3A_686 = tpu.memref_squeeze %dma_wait3A_685 : memref<1x8x128xf32, #tpu.memory_space<hbm>> -> memref<8x128xf32, #tpu.memory_space<hbm>>
    %dma_wait3A_687 = arith.constant 56 : i32
    %dma_wait3A_688 = arith.constant 0 : i32
    %dma_wait3A_689 = tpu.memref_slice %arg10[%dma_wait3A_687, %dma_wait3A_688] : memref<128x129xf32, #tpu.memory_space<vmem>> -> memref<8x128xf32, #tpu.memory_space<vmem>>
    tpu.wait_dma2 semaphore(%arg14 : memref<!tpu.dma_semaphore, #tpu.memory_space<semaphore_mem>>) src(%dma_wait3A_689 : memref<8x128xf32, #tpu.memory_space<vmem>>) dst(%dma_wait3A_686 : memref<8x128xf32, #tpu.memory_space<hbm>>)
    %mul3A_690 = arith.constant 8 : i32
    %mul3A_691 = arith.muli %select_n3A_479, %mul3A_690 : i32
    %mul3A_692 = arith.constant 4 : i32
    %mul3A_693 = arith.muli %rem3A_507, %mul3A_692 : i32
    %add3A_694 = arith.addi %mul3A_691, %mul3A_693 : i32
    %add3A_695 = arith.constant 2 : i32
    %add3A_696 = arith.addi %add3A_694, %add3A_695 : i32
    %mul3A_697 = arith.constant 4 : i32
    %mul3A_698 = arith.muli %add3A_696, %mul3A_697 : i32
    %add3A_699 = arith.constant 0 : i32
    %add3A_700 = arith.addi %mul3A_698, %add3A_699 : i32
    %mul3A_701 = arith.constant 32 : i32
    %mul3A_702 = arith.muli %add3A_700, %mul3A_701 : i32
    %add3A_703 = arith.addi %mul3A_702, %select_n3A_505 : i32
    %dma_wait3A_704 = arith.constant 64 : i32
    %dma_wait3A_705 = arith.constant 0 : i32
    %dma_wait3A_706 = tpu.memref_slice %arg10[%dma_wait3A_704, %dma_wait3A_705] : memref<128x129xf32, #tpu.memory_space<vmem>> -> memref<8x128xf32, #tpu.memory_space<vmem>>
    %dma_wait3A_707 = arith.constant 0 : i32
    %dma_wait3A_708 = arith.constant 0 : i32
    %dma_wait3A_709 = tpu.memref_slice %arg4[%add3A_703, %dma_wait3A_707, %dma_wait3A_708] : memref<25600x8x128xf32, #tpu.memory_space<hbm>> -> memref<1x8x128xf32, #tpu.memory_space<hbm>>
    %dma_wait3A_710 = tpu.memref_squeeze %dma_wait3A_709 : memref<1x8x128xf32, #tpu.memory_space<hbm>> -> memref<8x128xf32, #tpu.memory_space<hbm>>
    %dma_wait3A_711 = arith.constant 0 : i32
    %dma_wait3A_712 = arith.constant 0 : i32
    %dma_wait3A_713 = tpu.memref_slice %arg4[%add3A_703, %dma_wait3A_711, %dma_wait3A_712] : memref<25600x8x128xf32, #tpu.memory_space<hbm>> -> memref<1x8x128xf32, #tpu.memory_space<hbm>>
    %dma_wait3A_714 = tpu.memref_squeeze %dma_wait3A_713 : memref<1x8x128xf32, #tpu.memory_space<hbm>> -> memref<8x128xf32, #tpu.memory_space<hbm>>
    %dma_wait3A_715 = arith.constant 64 : i32
    %dma_wait3A_716 = arith.constant 0 : i32
    %dma_wait3A_717 = tpu.memref_slice %arg10[%dma_wait3A_715, %dma_wait3A_716] : memref<128x129xf32, #tpu.memory_space<vmem>> -> memref<8x128xf32, #tpu.memory_space<vmem>>
    tpu.wait_dma2 semaphore(%arg14 : memref<!tpu.dma_semaphore, #tpu.memory_space<semaphore_mem>>) src(%dma_wait3A_717 : memref<8x128xf32, #tpu.memory_space<vmem>>) dst(%dma_wait3A_714 : memref<8x128xf32, #tpu.memory_space<hbm>>)
    %mul3A_718 = arith.constant 4 : i32
    %mul3A_719 = arith.muli %add3A_696, %mul3A_718 : i32
    %add3A_720 = arith.constant 1 : i32
    %add3A_721 = arith.addi %mul3A_719, %add3A_720 : i32
    %mul3A_722 = arith.constant 32 : i32
    %mul3A_723 = arith.muli %add3A_721, %mul3A_722 : i32
    %add3A_724 = arith.addi %mul3A_723, %select_n3A_505 : i32
    %dma_wait3A_725 = arith.constant 72 : i32
    %dma_wait3A_726 = arith.constant 0 : i32
    %dma_wait3A_727 = tpu.memref_slice %arg10[%dma_wait3A_725, %dma_wait3A_726] : memref<128x129xf32, #tpu.memory_space<vmem>> -> memref<8x128xf32, #tpu.memory_space<vmem>>
    %dma_wait3A_728 = arith.constant 0 : i32
    %dma_wait3A_729 = arith.constant 0 : i32
    %dma_wait3A_730 = tpu.memref_slice %arg4[%add3A_724, %dma_wait3A_728, %dma_wait3A_729] : memref<25600x8x128xf32, #tpu.memory_space<hbm>> -> memref<1x8x128xf32, #tpu.memory_space<hbm>>
    %dma_wait3A_731 = tpu.memref_squeeze %dma_wait3A_730 : memref<1x8x128xf32, #tpu.memory_space<hbm>> -> memref<8x128xf32, #tpu.memory_space<hbm>>
    %dma_wait3A_732 = arith.constant 0 : i32
    %dma_wait3A_733 = arith.constant 0 : i32
    %dma_wait3A_734 = tpu.memref_slice %arg4[%add3A_724, %dma_wait3A_732, %dma_wait3A_733] : memref<25600x8x128xf32, #tpu.memory_space<hbm>> -> memref<1x8x128xf32, #tpu.memory_space<hbm>>
    %dma_wait3A_735 = tpu.memref_squeeze %dma_wait3A_734 : memref<1x8x128xf32, #tpu.memory_space<hbm>> -> memref<8x128xf32, #tpu.memory_space<hbm>>
    %dma_wait3A_736 = arith.constant 72 : i32
    %dma_wait3A_737 = arith.constant 0 : i32
    %dma_wait3A_738 = tpu.memref_slice %arg10[%dma_wait3A_736, %dma_wait3A_737] : memref<128x129xf32, #tpu.memory_space<vmem>> -> memref<8x128xf32, #tpu.memory_space<vmem>>
    tpu.wait_dma2 semaphore(%arg14 : memref<!tpu.dma_semaphore, #tpu.memory_space<semaphore_mem>>) src(%dma_wait3A_738 : memref<8x128xf32, #tpu.memory_space<vmem>>) dst(%dma_wait3A_735 : memref<8x128xf32, #tpu.memory_space<hbm>>)
    %mul3A_739 = arith.constant 4 : i32
    %mul3A_740 = arith.muli %add3A_696, %mul3A_739 : i32
    %add3A_741 = arith.constant 2 : i32
    %add3A_742 = arith.addi %mul3A_740, %add3A_741 : i32
    %mul3A_743 = arith.constant 32 : i32
    %mul3A_744 = arith.muli %add3A_742, %mul3A_743 : i32
    %add3A_745 = arith.addi %mul3A_744, %select_n3A_505 : i32
    %dma_wait3A_746 = arith.constant 80 : i32
    %dma_wait3A_747 = arith.constant 0 : i32
    %dma_wait3A_748 = tpu.memref_slice %arg10[%dma_wait3A_746, %dma_wait3A_747] : memref<128x129xf32, #tpu.memory_space<vmem>> -> memref<8x128xf32, #tpu.memory_space<vmem>>
    %dma_wait3A_749 = arith.constant 0 : i32
    %dma_wait3A_750 = arith.constant 0 : i32
    %dma_wait3A_751 = tpu.memref_slice %arg4[%add3A_745, %dma_wait3A_749, %dma_wait3A_750] : memref<25600x8x128xf32, #tpu.memory_space<hbm>> -> memref<1x8x128xf32, #tpu.memory_space<hbm>>
    %dma_wait3A_752 = tpu.memref_squeeze %dma_wait3A_751 : memref<1x8x128xf32, #tpu.memory_space<hbm>> -> memref<8x128xf32, #tpu.memory_space<hbm>>
    %dma_wait3A_753 = arith.constant 0 : i32
    %dma_wait3A_754 = arith.constant 0 : i32
    %dma_wait3A_755 = tpu.memref_slice %arg4[%add3A_745, %dma_wait3A_753, %dma_wait3A_754] : memref<25600x8x128xf32, #tpu.memory_space<hbm>> -> memref<1x8x128xf32, #tpu.memory_space<hbm>>
    %dma_wait3A_756 = tpu.memref_squeeze %dma_wait3A_755 : memref<1x8x128xf32, #tpu.memory_space<hbm>> -> memref<8x128xf32, #tpu.memory_space<hbm>>
    %dma_wait3A_757 = arith.constant 80 : i32
    %dma_wait3A_758 = arith.constant 0 : i32
    %dma_wait3A_759 = tpu.memref_slice %arg10[%dma_wait3A_757, %dma_wait3A_758] : memref<128x129xf32, #tpu.memory_space<vmem>> -> memref<8x128xf32, #tpu.memory_space<vmem>>
    tpu.wait_dma2 semaphore(%arg14 : memref<!tpu.dma_semaphore, #tpu.memory_space<semaphore_mem>>) src(%dma_wait3A_759 : memref<8x128xf32, #tpu.memory_space<vmem>>) dst(%dma_wait3A_756 : memref<8x128xf32, #tpu.memory_space<hbm>>)
    %mul3A_760 = arith.constant 4 : i32
    %mul3A_761 = arith.muli %add3A_696, %mul3A_760 : i32
    %add3A_762 = arith.constant 3 : i32
    %add3A_763 = arith.addi %mul3A_761, %add3A_762 : i32
    %mul3A_764 = arith.constant 32 : i32
    %mul3A_765 = arith.muli %add3A_763, %mul3A_764 : i32
    %add3A_766 = arith.addi %mul3A_765, %select_n3A_505 : i32
    %dma_wait3A_767 = arith.constant 88 : i32
    %dma_wait3A_768 = arith.constant 0 : i32
    %dma_wait3A_769 = tpu.memref_slice %arg10[%dma_wait3A_767, %dma_wait3A_768] : memref<128x129xf32, #tpu.memory_space<vmem>> -> memref<8x128xf32, #tpu.memory_space<vmem>>
    %dma_wait3A_770 = arith.constant 0 : i32
    %dma_wait3A_771 = arith.constant 0 : i32
    %dma_wait3A_772 = tpu.memref_slice %arg4[%add3A_766, %dma_wait3A_770, %dma_wait3A_771] : memref<25600x8x128xf32, #tpu.memory_space<hbm>> -> memref<1x8x128xf32, #tpu.memory_space<hbm>>
    %dma_wait3A_773 = tpu.memref_squeeze %dma_wait3A_772 : memref<1x8x128xf32, #tpu.memory_space<hbm>> -> memref<8x128xf32, #tpu.memory_space<hbm>>
    %dma_wait3A_774 = arith.constant 0 : i32
    %dma_wait3A_775 = arith.constant 0 : i32
    %dma_wait3A_776 = tpu.memref_slice %arg4[%add3A_766, %dma_wait3A_774, %dma_wait3A_775] : memref<25600x8x128xf32, #tpu.memory_space<hbm>> -> memref<1x8x128xf32, #tpu.memory_space<hbm>>
    %dma_wait3A_777 = tpu.memref_squeeze %dma_wait3A_776 : memref<1x8x128xf32, #tpu.memory_space<hbm>> -> memref<8x128xf32, #tpu.memory_space<hbm>>
    %dma_wait3A_778 = arith.constant 88 : i32
    %dma_wait3A_779 = arith.constant 0 : i32
    %dma_wait3A_780 = tpu.memref_slice %arg10[%dma_wait3A_778, %dma_wait3A_779] : memref<128x129xf32, #tpu.memory_space<vmem>> -> memref<8x128xf32, #tpu.memory_space<vmem>>
    tpu.wait_dma2 semaphore(%arg14 : memref<!tpu.dma_semaphore, #tpu.memory_space<semaphore_mem>>) src(%dma_wait3A_780 : memref<8x128xf32, #tpu.memory_space<vmem>>) dst(%dma_wait3A_777 : memref<8x128xf32, #tpu.memory_space<hbm>>)
    %mul3A_781 = arith.constant 8 : i32
    %mul3A_782 = arith.muli %select_n3A_479, %mul3A_781 : i32
    %mul3A_783 = arith.constant 4 : i32
    %mul3A_784 = arith.muli %rem3A_507, %mul3A_783 : i32
    %add3A_785 = arith.addi %mul3A_782, %mul3A_784 : i32
    %add3A_786 = arith.constant 3 : i32
    %add3A_787 = arith.addi %add3A_785, %add3A_786 : i32
    %mul3A_788 = arith.constant 4 : i32
    %mul3A_789 = arith.muli %add3A_787, %mul3A_788 : i32
    %add3A_790 = arith.constant 0 : i32
    %add3A_791 = arith.addi %mul3A_789, %add3A_790 : i32
    %mul3A_792 = arith.constant 32 : i32
    %mul3A_793 = arith.muli %add3A_791, %mul3A_792 : i32
    %add3A_794 = arith.addi %mul3A_793, %select_n3A_505 : i32
    %dma_wait3A_795 = arith.constant 96 : i32
    %dma_wait3A_796 = arith.constant 0 : i32
    %dma_wait3A_797 = tpu.memref_slice %arg10[%dma_wait3A_795, %dma_wait3A_796] : memref<128x129xf32, #tpu.memory_space<vmem>> -> memref<8x128xf32, #tpu.memory_space<vmem>>
    %dma_wait3A_798 = arith.constant 0 : i32
    %dma_wait3A_799 = arith.constant 0 : i32
    %dma_wait3A_800 = tpu.memref_slice %arg4[%add3A_794, %dma_wait3A_798, %dma_wait3A_799] : memref<25600x8x128xf32, #tpu.memory_space<hbm>> -> memref<1x8x128xf32, #tpu.memory_space<hbm>>
    %dma_wait3A_801 = tpu.memref_squeeze %dma_wait3A_800 : memref<1x8x128xf32, #tpu.memory_space<hbm>> -> memref<8x128xf32, #tpu.memory_space<hbm>>
    %dma_wait3A_802 = arith.constant 0 : i32
    %dma_wait3A_803 = arith.constant 0 : i32
    %dma_wait3A_804 = tpu.memref_slice %arg4[%add3A_794, %dma_wait3A_802, %dma_wait3A_803] : memref<25600x8x128xf32, #tpu.memory_space<hbm>> -> memref<1x8x128xf32, #tpu.memory_space<hbm>>
    %dma_wait3A_805 = tpu.memref_squeeze %dma_wait3A_804 : memref<1x8x128xf32, #tpu.memory_space<hbm>> -> memref<8x128xf32, #tpu.memory_space<hbm>>
    %dma_wait3A_806 = arith.constant 96 : i32
    %dma_wait3A_807 = arith.constant 0 : i32
    %dma_wait3A_808 = tpu.memref_slice %arg10[%dma_wait3A_806, %dma_wait3A_807] : memref<128x129xf32, #tpu.memory_space<vmem>> -> memref<8x128xf32, #tpu.memory_space<vmem>>
    tpu.wait_dma2 semaphore(%arg14 : memref<!tpu.dma_semaphore, #tpu.memory_space<semaphore_mem>>) src(%dma_wait3A_808 : memref<8x128xf32, #tpu.memory_space<vmem>>) dst(%dma_wait3A_805 : memref<8x128xf32, #tpu.memory_space<hbm>>)
    %mul3A_809 = arith.constant 4 : i32
    %mul3A_810 = arith.muli %add3A_787, %mul3A_809 : i32
    %add3A_811 = arith.constant 1 : i32
    %add3A_812 = arith.addi %mul3A_810, %add3A_811 : i32
    %mul3A_813 = arith.constant 32 : i32
    %mul3A_814 = arith.muli %add3A_812, %mul3A_813 : i32
    %add3A_815 = arith.addi %mul3A_814, %select_n3A_505 : i32
    %dma_wait3A_816 = arith.constant 104 : i32
    %dma_wait3A_817 = arith.constant 0 : i32
    %dma_wait3A_818 = tpu.memref_slice %arg10[%dma_wait3A_816, %dma_wait3A_817] : memref<128x129xf32, #tpu.memory_space<vmem>> -> memref<8x128xf32, #tpu.memory_space<vmem>>
    %dma_wait3A_819 = arith.constant 0 : i32
    %dma_wait3A_820 = arith.constant 0 : i32
    %dma_wait3A_821 = tpu.memref_slice %arg4[%add3A_815, %dma_wait3A_819, %dma_wait3A_820] : memref<25600x8x128xf32, #tpu.memory_space<hbm>> -> memref<1x8x128xf32, #tpu.memory_space<hbm>>
    %dma_wait3A_822 = tpu.memref_squeeze %dma_wait3A_821 : memref<1x8x128xf32, #tpu.memory_space<hbm>> -> memref<8x128xf32, #tpu.memory_space<hbm>>
    %dma_wait3A_823 = arith.constant 0 : i32
    %dma_wait3A_824 = arith.constant 0 : i32
    %dma_wait3A_825 = tpu.memref_slice %arg4[%add3A_815, %dma_wait3A_823, %dma_wait3A_824] : memref<25600x8x128xf32, #tpu.memory_space<hbm>> -> memref<1x8x128xf32, #tpu.memory_space<hbm>>
    %dma_wait3A_826 = tpu.memref_squeeze %dma_wait3A_825 : memref<1x8x128xf32, #tpu.memory_space<hbm>> -> memref<8x128xf32, #tpu.memory_space<hbm>>
    %dma_wait3A_827 = arith.constant 104 : i32
    %dma_wait3A_828 = arith.constant 0 : i32
    %dma_wait3A_829 = tpu.memref_slice %arg10[%dma_wait3A_827, %dma_wait3A_828] : memref<128x129xf32, #tpu.memory_space<vmem>> -> memref<8x128xf32, #tpu.memory_space<vmem>>
    tpu.wait_dma2 semaphore(%arg14 : memref<!tpu.dma_semaphore, #tpu.memory_space<semaphore_mem>>) src(%dma_wait3A_829 : memref<8x128xf32, #tpu.memory_space<vmem>>) dst(%dma_wait3A_826 : memref<8x128xf32, #tpu.memory_space<hbm>>)
    %mul3A_830 = arith.constant 4 : i32
    %mul3A_831 = arith.muli %add3A_787, %mul3A_830 : i32
    %add3A_832 = arith.constant 2 : i32
    %add3A_833 = arith.addi %mul3A_831, %add3A_832 : i32
    %mul3A_834 = arith.constant 32 : i32
    %mul3A_835 = arith.muli %add3A_833, %mul3A_834 : i32
    %add3A_836 = arith.addi %mul3A_835, %select_n3A_505 : i32
    %dma_wait3A_837 = arith.constant 112 : i32
    %dma_wait3A_838 = arith.constant 0 : i32
    %dma_wait3A_839 = tpu.memref_slice %arg10[%dma_wait3A_837, %dma_wait3A_838] : memref<128x129xf32, #tpu.memory_space<vmem>> -> memref<8x128xf32, #tpu.memory_space<vmem>>
    %dma_wait3A_840 = arith.constant 0 : i32
    %dma_wait3A_841 = arith.constant 0 : i32
    %dma_wait3A_842 = tpu.memref_slice %arg4[%add3A_836, %dma_wait3A_840, %dma_wait3A_841] : memref<25600x8x128xf32, #tpu.memory_space<hbm>> -> memref<1x8x128xf32, #tpu.memory_space<hbm>>
    %dma_wait3A_843 = tpu.memref_squeeze %dma_wait3A_842 : memref<1x8x128xf32, #tpu.memory_space<hbm>> -> memref<8x128xf32, #tpu.memory_space<hbm>>
    %dma_wait3A_844 = arith.constant 0 : i32
    %dma_wait3A_845 = arith.constant 0 : i32
    %dma_wait3A_846 = tpu.memref_slice %arg4[%add3A_836, %dma_wait3A_844, %dma_wait3A_845] : memref<25600x8x128xf32, #tpu.memory_space<hbm>> -> memref<1x8x128xf32, #tpu.memory_space<hbm>>
    %dma_wait3A_847 = tpu.memref_squeeze %dma_wait3A_846 : memref<1x8x128xf32, #tpu.memory_space<hbm>> -> memref<8x128xf32, #tpu.memory_space<hbm>>
    %dma_wait3A_848 = arith.constant 112 : i32
    %dma_wait3A_849 = arith.constant 0 : i32
    %dma_wait3A_850 = tpu.memref_slice %arg10[%dma_wait3A_848, %dma_wait3A_849] : memref<128x129xf32, #tpu.memory_space<vmem>> -> memref<8x128xf32, #tpu.memory_space<vmem>>
    tpu.wait_dma2 semaphore(%arg14 : memref<!tpu.dma_semaphore, #tpu.memory_space<semaphore_mem>>) src(%dma_wait3A_850 : memref<8x128xf32, #tpu.memory_space<vmem>>) dst(%dma_wait3A_847 : memref<8x128xf32, #tpu.memory_space<hbm>>)
    %mul3A_851 = arith.constant 4 : i32
    %mul3A_852 = arith.muli %add3A_787, %mul3A_851 : i32
    %add3A_853 = arith.constant 3 : i32
    %add3A_854 = arith.addi %mul3A_852, %add3A_853 : i32
    %mul3A_855 = arith.constant 32 : i32
    %mul3A_856 = arith.muli %add3A_854, %mul3A_855 : i32
    %add3A_857 = arith.addi %mul3A_856, %select_n3A_505 : i32
    %dma_wait3A_858 = arith.constant 120 : i32
    %dma_wait3A_859 = arith.constant 0 : i32
    %dma_wait3A_860 = tpu.memref_slice %arg10[%dma_wait3A_858, %dma_wait3A_859] : memref<128x129xf32, #tpu.memory_space<vmem>> -> memref<8x128xf32, #tpu.memory_space<vmem>>
    %dma_wait3A_861 = arith.constant 0 : i32
    %dma_wait3A_862 = arith.constant 0 : i32
    %dma_wait3A_863 = tpu.memref_slice %arg4[%add3A_857, %dma_wait3A_861, %dma_wait3A_862] : memref<25600x8x128xf32, #tpu.memory_space<hbm>> -> memref<1x8x128xf32, #tpu.memory_space<hbm>>
    %dma_wait3A_864 = tpu.memref_squeeze %dma_wait3A_863 : memref<1x8x128xf32, #tpu.memory_space<hbm>> -> memref<8x128xf32, #tpu.memory_space<hbm>>
    %dma_wait3A_865 = arith.constant 0 : i32
    %dma_wait3A_866 = arith.constant 0 : i32
    %dma_wait3A_867 = tpu.memref_slice %arg4[%add3A_857, %dma_wait3A_865, %dma_wait3A_866] : memref<25600x8x128xf32, #tpu.memory_space<hbm>> -> memref<1x8x128xf32, #tpu.memory_space<hbm>>
    %dma_wait3A_868 = tpu.memref_squeeze %dma_wait3A_867 : memref<1x8x128xf32, #tpu.memory_space<hbm>> -> memref<8x128xf32, #tpu.memory_space<hbm>>
    %dma_wait3A_869 = arith.constant 120 : i32
    %dma_wait3A_870 = arith.constant 0 : i32
    %dma_wait3A_871 = tpu.memref_slice %arg10[%dma_wait3A_869, %dma_wait3A_870] : memref<128x129xf32, #tpu.memory_space<vmem>> -> memref<8x128xf32, #tpu.memory_space<vmem>>
    tpu.wait_dma2 semaphore(%arg14 : memref<!tpu.dma_semaphore, #tpu.memory_space<semaphore_mem>>) src(%dma_wait3A_871 : memref<8x128xf32, #tpu.memory_space<vmem>>) dst(%dma_wait3A_868 : memref<8x128xf32, #tpu.memory_space<hbm>>)
    return
  }
}

#map = affine_map<(d0, d1) -> (0, 0)>
#map1 = affine_map<(d0, d1) -> (0)>
module attributes {stable_mosaic.version = 14 : i64} {
  func.func @k(%arg0: i32, %arg1: i32, %arg2: memref<32x1000000xf32, #tpu.memory_space<hbm>>, %arg3: memref<32002048xf32, #tpu.memory_space<hbm>>, %arg4: memref<32x897xf32, #tpu.memory_space<vmem>>, %arg5: memref<32x897xf32, #tpu.memory_space<vmem>>, %arg6: memref<28672xf32, #tpu.memory_space<vmem>>, %arg7: memref<28672xf32, #tpu.memory_space<vmem>>, %arg8: memref<!tpu.dma_semaphore, #tpu.memory_space<semaphore_mem>>, %arg9: memref<!tpu.dma_semaphore, #tpu.memory_space<semaphore_mem>>, %arg10: memref<!tpu.dma_semaphore, #tpu.memory_space<semaphore_mem>>, %arg11: memref<!tpu.dma_semaphore, #tpu.memory_space<semaphore_mem>>) attributes {dimension_semantics = [#tpu.dimension_semantics<core_parallel>, #tpu.dimension_semantics<subcore_parallel>], iteration_bounds = array<i64: 2, 16>, scalar_prefetch = 0 : i64, scratch_operands = 8 : i64, tpu.core_type = #tpu.core_type<sc_vector_subcore>, window_params = [{transform_indices = #map}, {transform_indices = #map1}]} {
    %mul3A = arith.constant 2 : i32
    %mul3A_0 = arith.muli %arg1, %mul3A : i32
    %add3A = arith.addi %mul3A_0, %arg0 : i32
    %mul3A_1 = arith.constant 36 : i32
    %mul3A_2 = arith.muli %add3A, %mul3A_1 : i32
    %iota3A = tpu.iota {dimensions = array<i32: 0>} : vector<16xi32>
    %add3A_3 = arith.constant 16 : i32
    %add3A_4 = vector.broadcast %add3A_3 : i32 to vector<16xi32>
    %add3A_5 = arith.addi %iota3A, %add3A_4 : vector<16xi32>
    %mul3A_6 = arith.constant 896 : i32
    %mul3A_7 = arith.muli %mul3A_2, %mul3A_6 : i32
    %min3A = arith.constant 999168 : i32
    %min3A_8 = arith.minsi %mul3A_7, %min3A : i32
    %dma_start3A = arith.constant 0 : i32
    %dma_start3A_9 = arith.constant 0 : i32
    %dma_start3A_10 = tpu.memref_slice %arg4[%dma_start3A, %dma_start3A_9] : memref<32x897xf32, #tpu.memory_space<vmem>> -> memref<8x896xf32, #tpu.memory_space<vmem>>
    %dma_start3A_11 = arith.constant 0 : i32
    %dma_start3A_12 = tpu.memref_slice %arg2[%dma_start3A_11, %min3A_8] : memref<32x1000000xf32, #tpu.memory_space<hbm>> -> memref<8x896xf32, #tpu.memory_space<hbm>>
    %dma_start3A_13 = arith.constant 0 : i32
    %dma_start3A_14 = arith.constant 0 : i32
    %dma_start3A_15 = tpu.memref_slice %arg4[%dma_start3A_13, %dma_start3A_14] : memref<32x897xf32, #tpu.memory_space<vmem>> -> memref<8x896xf32, #tpu.memory_space<vmem>>
    %dma_start3A_16 = arith.constant 0 : i32
    %dma_start3A_17 = tpu.memref_slice %arg2[%dma_start3A_16, %min3A_8] : memref<32x1000000xf32, #tpu.memory_space<hbm>> -> memref<8x896xf32, #tpu.memory_space<hbm>>
    tpu.enqueue_dma source(%dma_start3A_17 : memref<8x896xf32, #tpu.memory_space<hbm>>) target(%dma_start3A_15 : memref<8x896xf32, #tpu.memory_space<vmem>>) target_semaphore(%arg8 : memref<!tpu.dma_semaphore, #tpu.memory_space<semaphore_mem>>)
    %dma_start3A_18 = arith.constant 8 : i32
    %dma_start3A_19 = arith.constant 0 : i32
    %dma_start3A_20 = tpu.memref_slice %arg4[%dma_start3A_18, %dma_start3A_19] : memref<32x897xf32, #tpu.memory_space<vmem>> -> memref<8x896xf32, #tpu.memory_space<vmem>>
    %dma_start3A_21 = arith.constant 8 : i32
    %dma_start3A_22 = tpu.memref_slice %arg2[%dma_start3A_21, %min3A_8] : memref<32x1000000xf32, #tpu.memory_space<hbm>> -> memref<8x896xf32, #tpu.memory_space<hbm>>
    %dma_start3A_23 = arith.constant 8 : i32
    %dma_start3A_24 = arith.constant 0 : i32
    %dma_start3A_25 = tpu.memref_slice %arg4[%dma_start3A_23, %dma_start3A_24] : memref<32x897xf32, #tpu.memory_space<vmem>> -> memref<8x896xf32, #tpu.memory_space<vmem>>
    %dma_start3A_26 = arith.constant 8 : i32
    %dma_start3A_27 = tpu.memref_slice %arg2[%dma_start3A_26, %min3A_8] : memref<32x1000000xf32, #tpu.memory_space<hbm>> -> memref<8x896xf32, #tpu.memory_space<hbm>>
    tpu.enqueue_dma source(%dma_start3A_27 : memref<8x896xf32, #tpu.memory_space<hbm>>) target(%dma_start3A_25 : memref<8x896xf32, #tpu.memory_space<vmem>>) target_semaphore(%arg8 : memref<!tpu.dma_semaphore, #tpu.memory_space<semaphore_mem>>)
    %dma_start3A_28 = arith.constant 16 : i32
    %dma_start3A_29 = arith.constant 0 : i32
    %dma_start3A_30 = tpu.memref_slice %arg4[%dma_start3A_28, %dma_start3A_29] : memref<32x897xf32, #tpu.memory_space<vmem>> -> memref<8x896xf32, #tpu.memory_space<vmem>>
    %dma_start3A_31 = arith.constant 16 : i32
    %dma_start3A_32 = tpu.memref_slice %arg2[%dma_start3A_31, %min3A_8] : memref<32x1000000xf32, #tpu.memory_space<hbm>> -> memref<8x896xf32, #tpu.memory_space<hbm>>
    %dma_start3A_33 = arith.constant 16 : i32
    %dma_start3A_34 = arith.constant 0 : i32
    %dma_start3A_35 = tpu.memref_slice %arg4[%dma_start3A_33, %dma_start3A_34] : memref<32x897xf32, #tpu.memory_space<vmem>> -> memref<8x896xf32, #tpu.memory_space<vmem>>
    %dma_start3A_36 = arith.constant 16 : i32
    %dma_start3A_37 = tpu.memref_slice %arg2[%dma_start3A_36, %min3A_8] : memref<32x1000000xf32, #tpu.memory_space<hbm>> -> memref<8x896xf32, #tpu.memory_space<hbm>>
    tpu.enqueue_dma source(%dma_start3A_37 : memref<8x896xf32, #tpu.memory_space<hbm>>) target(%dma_start3A_35 : memref<8x896xf32, #tpu.memory_space<vmem>>) target_semaphore(%arg8 : memref<!tpu.dma_semaphore, #tpu.memory_space<semaphore_mem>>)
    %dma_start3A_38 = arith.constant 24 : i32
    %dma_start3A_39 = arith.constant 0 : i32
    %dma_start3A_40 = tpu.memref_slice %arg4[%dma_start3A_38, %dma_start3A_39] : memref<32x897xf32, #tpu.memory_space<vmem>> -> memref<8x896xf32, #tpu.memory_space<vmem>>
    %dma_start3A_41 = arith.constant 24 : i32
    %dma_start3A_42 = tpu.memref_slice %arg2[%dma_start3A_41, %min3A_8] : memref<32x1000000xf32, #tpu.memory_space<hbm>> -> memref<8x896xf32, #tpu.memory_space<hbm>>
    %dma_start3A_43 = arith.constant 24 : i32
    %dma_start3A_44 = arith.constant 0 : i32
    %dma_start3A_45 = tpu.memref_slice %arg4[%dma_start3A_43, %dma_start3A_44] : memref<32x897xf32, #tpu.memory_space<vmem>> -> memref<8x896xf32, #tpu.memory_space<vmem>>
    %dma_start3A_46 = arith.constant 24 : i32
    %dma_start3A_47 = tpu.memref_slice %arg2[%dma_start3A_46, %min3A_8] : memref<32x1000000xf32, #tpu.memory_space<hbm>> -> memref<8x896xf32, #tpu.memory_space<hbm>>
    tpu.enqueue_dma source(%dma_start3A_47 : memref<8x896xf32, #tpu.memory_space<hbm>>) target(%dma_start3A_45 : memref<8x896xf32, #tpu.memory_space<vmem>>) target_semaphore(%arg8 : memref<!tpu.dma_semaphore, #tpu.memory_space<semaphore_mem>>)
    %scan3A = arith.constant 0 : i32
    %scan3A_48 = arith.constant 0 : i32
    %scan3A_49 = arith.constant 18 : i32
    %scan3A_50 = arith.addi %scan3A_48, %scan3A_49 : i32
    %scan3A_51 = arith.constant 1 : i32
    scf.for %scan3A_75 = %scan3A_48 to %scan3A_50 step %scan3A_51  : i32 {
      %mul3A_76 = arith.constant 2 : i32
      %mul3A_77 = arith.muli %mul3A_76, %scan3A_75 : i32
      %add3A_78 = arith.addi %mul3A_2, %mul3A_77 : i32
      %add3A_79 = arith.constant 1 : i32
      %add3A_80 = arith.addi %add3A_78, %add3A_79 : i32
      %gt3A = arith.constant 0 : i32
      %gt3A_81 = arith.cmpi sgt, %scan3A_75, %gt3A : i32
      %convert_element_type3A = arith.extui %gt3A_81 : i1 to i32
      %cond3A = arith.constant 0 : i32
      %cond3A_82 = arith.cmpi ne, %convert_element_type3A, %cond3A : i32
      scf.if %cond3A_82 {
        %sub3A_250 = arith.constant 2 : i32
        %sub3A_251 = arith.subi %add3A_80, %sub3A_250 : i32
        %mul3A_252 = arith.constant 896 : i32
        %mul3A_253 = arith.muli %sub3A_251, %mul3A_252 : i32
        %min3A_254 = arith.constant 999168 : i32
        %min3A_255 = arith.minsi %mul3A_253, %min3A_254 : i32
        %mul3A_256 = arith.constant 32 : i32
        %mul3A_257 = arith.muli %min3A_255, %mul3A_256 : i32
        %dma_wait3A_258 = tpu.memref_slice %arg3[%mul3A_257] : memref<32002048xf32, #tpu.memory_space<hbm>> -> memref<28672xf32, #tpu.memory_space<hbm>>
        %dma_wait3A_259 = tpu.memref_slice %arg3[%mul3A_257] : memref<32002048xf32, #tpu.memory_space<hbm>> -> memref<28672xf32, #tpu.memory_space<hbm>>
        tpu.wait_dma2 semaphore(%arg11 : memref<!tpu.dma_semaphore, #tpu.memory_space<semaphore_mem>>) src(%arg7 : memref<28672xf32, #tpu.memory_space<vmem>>) dst(%dma_wait3A_259 : memref<28672xf32, #tpu.memory_space<hbm>>)
      } else {
      }
      %mul3A_83 = arith.constant 896 : i32
      %mul3A_84 = arith.muli %add3A_80, %mul3A_83 : i32
      %min3A_85 = arith.constant 999168 : i32
      %min3A_86 = arith.minsi %mul3A_84, %min3A_85 : i32
      %dma_start3A_87 = arith.constant 0 : i32
      %dma_start3A_88 = arith.constant 0 : i32
      %dma_start3A_89 = tpu.memref_slice %arg5[%dma_start3A_87, %dma_start3A_88] : memref<32x897xf32, #tpu.memory_space<vmem>> -> memref<8x896xf32, #tpu.memory_space<vmem>>
      %dma_start3A_90 = arith.constant 0 : i32
      %dma_start3A_91 = tpu.memref_slice %arg2[%dma_start3A_90, %min3A_86] : memref<32x1000000xf32, #tpu.memory_space<hbm>> -> memref<8x896xf32, #tpu.memory_space<hbm>>
      %dma_start3A_92 = arith.constant 0 : i32
      %dma_start3A_93 = arith.constant 0 : i32
      %dma_start3A_94 = tpu.memref_slice %arg5[%dma_start3A_92, %dma_start3A_93] : memref<32x897xf32, #tpu.memory_space<vmem>> -> memref<8x896xf32, #tpu.memory_space<vmem>>
      %dma_start3A_95 = arith.constant 0 : i32
      %dma_start3A_96 = tpu.memref_slice %arg2[%dma_start3A_95, %min3A_86] : memref<32x1000000xf32, #tpu.memory_space<hbm>> -> memref<8x896xf32, #tpu.memory_space<hbm>>
      tpu.enqueue_dma source(%dma_start3A_96 : memref<8x896xf32, #tpu.memory_space<hbm>>) target(%dma_start3A_94 : memref<8x896xf32, #tpu.memory_space<vmem>>) target_semaphore(%arg9 : memref<!tpu.dma_semaphore, #tpu.memory_space<semaphore_mem>>)
      %dma_start3A_97 = arith.constant 8 : i32
      %dma_start3A_98 = arith.constant 0 : i32
      %dma_start3A_99 = tpu.memref_slice %arg5[%dma_start3A_97, %dma_start3A_98] : memref<32x897xf32, #tpu.memory_space<vmem>> -> memref<8x896xf32, #tpu.memory_space<vmem>>
      %dma_start3A_100 = arith.constant 8 : i32
      %dma_start3A_101 = tpu.memref_slice %arg2[%dma_start3A_100, %min3A_86] : memref<32x1000000xf32, #tpu.memory_space<hbm>> -> memref<8x896xf32, #tpu.memory_space<hbm>>
      %dma_start3A_102 = arith.constant 8 : i32
      %dma_start3A_103 = arith.constant 0 : i32
      %dma_start3A_104 = tpu.memref_slice %arg5[%dma_start3A_102, %dma_start3A_103] : memref<32x897xf32, #tpu.memory_space<vmem>> -> memref<8x896xf32, #tpu.memory_space<vmem>>
      %dma_start3A_105 = arith.constant 8 : i32
      %dma_start3A_106 = tpu.memref_slice %arg2[%dma_start3A_105, %min3A_86] : memref<32x1000000xf32, #tpu.memory_space<hbm>> -> memref<8x896xf32, #tpu.memory_space<hbm>>
      tpu.enqueue_dma source(%dma_start3A_106 : memref<8x896xf32, #tpu.memory_space<hbm>>) target(%dma_start3A_104 : memref<8x896xf32, #tpu.memory_space<vmem>>) target_semaphore(%arg9 : memref<!tpu.dma_semaphore, #tpu.memory_space<semaphore_mem>>)
      %dma_start3A_107 = arith.constant 16 : i32
      %dma_start3A_108 = arith.constant 0 : i32
      %dma_start3A_109 = tpu.memref_slice %arg5[%dma_start3A_107, %dma_start3A_108] : memref<32x897xf32, #tpu.memory_space<vmem>> -> memref<8x896xf32, #tpu.memory_space<vmem>>
      %dma_start3A_110 = arith.constant 16 : i32
      %dma_start3A_111 = tpu.memref_slice %arg2[%dma_start3A_110, %min3A_86] : memref<32x1000000xf32, #tpu.memory_space<hbm>> -> memref<8x896xf32, #tpu.memory_space<hbm>>
      %dma_start3A_112 = arith.constant 16 : i32
      %dma_start3A_113 = arith.constant 0 : i32
      %dma_start3A_114 = tpu.memref_slice %arg5[%dma_start3A_112, %dma_start3A_113] : memref<32x897xf32, #tpu.memory_space<vmem>> -> memref<8x896xf32, #tpu.memory_space<vmem>>
      %dma_start3A_115 = arith.constant 16 : i32
      %dma_start3A_116 = tpu.memref_slice %arg2[%dma_start3A_115, %min3A_86] : memref<32x1000000xf32, #tpu.memory_space<hbm>> -> memref<8x896xf32, #tpu.memory_space<hbm>>
      tpu.enqueue_dma source(%dma_start3A_116 : memref<8x896xf32, #tpu.memory_space<hbm>>) target(%dma_start3A_114 : memref<8x896xf32, #tpu.memory_space<vmem>>) target_semaphore(%arg9 : memref<!tpu.dma_semaphore, #tpu.memory_space<semaphore_mem>>)
      %dma_start3A_117 = arith.constant 24 : i32
      %dma_start3A_118 = arith.constant 0 : i32
      %dma_start3A_119 = tpu.memref_slice %arg5[%dma_start3A_117, %dma_start3A_118] : memref<32x897xf32, #tpu.memory_space<vmem>> -> memref<8x896xf32, #tpu.memory_space<vmem>>
      %dma_start3A_120 = arith.constant 24 : i32
      %dma_start3A_121 = tpu.memref_slice %arg2[%dma_start3A_120, %min3A_86] : memref<32x1000000xf32, #tpu.memory_space<hbm>> -> memref<8x896xf32, #tpu.memory_space<hbm>>
      %dma_start3A_122 = arith.constant 24 : i32
      %dma_start3A_123 = arith.constant 0 : i32
      %dma_start3A_124 = tpu.memref_slice %arg5[%dma_start3A_122, %dma_start3A_123] : memref<32x897xf32, #tpu.memory_space<vmem>> -> memref<8x896xf32, #tpu.memory_space<vmem>>
      %dma_start3A_125 = arith.constant 24 : i32
      %dma_start3A_126 = tpu.memref_slice %arg2[%dma_start3A_125, %min3A_86] : memref<32x1000000xf32, #tpu.memory_space<hbm>> -> memref<8x896xf32, #tpu.memory_space<hbm>>
      tpu.enqueue_dma source(%dma_start3A_126 : memref<8x896xf32, #tpu.memory_space<hbm>>) target(%dma_start3A_124 : memref<8x896xf32, #tpu.memory_space<vmem>>) target_semaphore(%arg9 : memref<!tpu.dma_semaphore, #tpu.memory_space<semaphore_mem>>)
      %gt3A_127 = arith.constant 0 : i32
      %gt3A_128 = arith.cmpi sgt, %scan3A_75, %gt3A_127 : i32
      %convert_element_type3A_129 = arith.extui %gt3A_128 : i1 to i32
      %cond3A_130 = arith.constant 0 : i32
      %cond3A_131 = arith.cmpi ne, %convert_element_type3A_129, %cond3A_130 : i32
      scf.if %cond3A_131 {
        %sub3A_250 = arith.constant 2 : i32
        %sub3A_251 = arith.subi %add3A_78, %sub3A_250 : i32
        %mul3A_252 = arith.constant 896 : i32
        %mul3A_253 = arith.muli %sub3A_251, %mul3A_252 : i32
        %min3A_254 = arith.constant 999168 : i32
        %min3A_255 = arith.minsi %mul3A_253, %min3A_254 : i32
        %mul3A_256 = arith.constant 32 : i32
        %mul3A_257 = arith.muli %min3A_255, %mul3A_256 : i32
        %dma_wait3A_258 = tpu.memref_slice %arg3[%mul3A_257] : memref<32002048xf32, #tpu.memory_space<hbm>> -> memref<28672xf32, #tpu.memory_space<hbm>>
        %dma_wait3A_259 = tpu.memref_slice %arg3[%mul3A_257] : memref<32002048xf32, #tpu.memory_space<hbm>> -> memref<28672xf32, #tpu.memory_space<hbm>>
        tpu.wait_dma2 semaphore(%arg10 : memref<!tpu.dma_semaphore, #tpu.memory_space<semaphore_mem>>) src(%arg6 : memref<28672xf32, #tpu.memory_space<vmem>>) dst(%dma_wait3A_259 : memref<28672xf32, #tpu.memory_space<hbm>>)
      } else {
      }
      %mul3A_132 = arith.constant 896 : i32
      %mul3A_133 = arith.muli %add3A_78, %mul3A_132 : i32
      %min3A_134 = arith.constant 999168 : i32
      %min3A_135 = arith.minsi %mul3A_133, %min3A_134 : i32
      %dma_wait3A_136 = arith.constant 0 : i32
      %dma_wait3A_137 = arith.constant 0 : i32
      %dma_wait3A_138 = tpu.memref_slice %arg4[%dma_wait3A_136, %dma_wait3A_137] : memref<32x897xf32, #tpu.memory_space<vmem>> -> memref<8x896xf32, #tpu.memory_space<vmem>>
      %dma_wait3A_139 = arith.constant 0 : i32
      %dma_wait3A_140 = tpu.memref_slice %arg2[%dma_wait3A_139, %min3A_135] : memref<32x1000000xf32, #tpu.memory_space<hbm>> -> memref<8x896xf32, #tpu.memory_space<hbm>>
      %dma_wait3A_141 = arith.constant 0 : i32
      %dma_wait3A_142 = arith.constant 0 : i32
      %dma_wait3A_143 = tpu.memref_slice %arg4[%dma_wait3A_141, %dma_wait3A_142] : memref<32x897xf32, #tpu.memory_space<vmem>> -> memref<8x896xf32, #tpu.memory_space<vmem>>
      %dma_wait3A_144 = arith.constant 0 : i32
      %dma_wait3A_145 = tpu.memref_slice %arg2[%dma_wait3A_144, %min3A_135] : memref<32x1000000xf32, #tpu.memory_space<hbm>> -> memref<8x896xf32, #tpu.memory_space<hbm>>
      tpu.wait_dma2 semaphore(%arg8 : memref<!tpu.dma_semaphore, #tpu.memory_space<semaphore_mem>>) src(%dma_wait3A_145 : memref<8x896xf32, #tpu.memory_space<hbm>>) dst(%dma_wait3A_143 : memref<8x896xf32, #tpu.memory_space<vmem>>)
      %dma_wait3A_146 = arith.constant 8 : i32
      %dma_wait3A_147 = arith.constant 0 : i32
      %dma_wait3A_148 = tpu.memref_slice %arg4[%dma_wait3A_146, %dma_wait3A_147] : memref<32x897xf32, #tpu.memory_space<vmem>> -> memref<8x896xf32, #tpu.memory_space<vmem>>
      %dma_wait3A_149 = arith.constant 8 : i32
      %dma_wait3A_150 = tpu.memref_slice %arg2[%dma_wait3A_149, %min3A_135] : memref<32x1000000xf32, #tpu.memory_space<hbm>> -> memref<8x896xf32, #tpu.memory_space<hbm>>
      %dma_wait3A_151 = arith.constant 8 : i32
      %dma_wait3A_152 = arith.constant 0 : i32
      %dma_wait3A_153 = tpu.memref_slice %arg4[%dma_wait3A_151, %dma_wait3A_152] : memref<32x897xf32, #tpu.memory_space<vmem>> -> memref<8x896xf32, #tpu.memory_space<vmem>>
      %dma_wait3A_154 = arith.constant 8 : i32
      %dma_wait3A_155 = tpu.memref_slice %arg2[%dma_wait3A_154, %min3A_135] : memref<32x1000000xf32, #tpu.memory_space<hbm>> -> memref<8x896xf32, #tpu.memory_space<hbm>>
      tpu.wait_dma2 semaphore(%arg8 : memref<!tpu.dma_semaphore, #tpu.memory_space<semaphore_mem>>) src(%dma_wait3A_155 : memref<8x896xf32, #tpu.memory_space<hbm>>) dst(%dma_wait3A_153 : memref<8x896xf32, #tpu.memory_space<vmem>>)
      %dma_wait3A_156 = arith.constant 16 : i32
      %dma_wait3A_157 = arith.constant 0 : i32
      %dma_wait3A_158 = tpu.memref_slice %arg4[%dma_wait3A_156, %dma_wait3A_157] : memref<32x897xf32, #tpu.memory_space<vmem>> -> memref<8x896xf32, #tpu.memory_space<vmem>>
      %dma_wait3A_159 = arith.constant 16 : i32
      %dma_wait3A_160 = tpu.memref_slice %arg2[%dma_wait3A_159, %min3A_135] : memref<32x1000000xf32, #tpu.memory_space<hbm>> -> memref<8x896xf32, #tpu.memory_space<hbm>>
      %dma_wait3A_161 = arith.constant 16 : i32
      %dma_wait3A_162 = arith.constant 0 : i32
      %dma_wait3A_163 = tpu.memref_slice %arg4[%dma_wait3A_161, %dma_wait3A_162] : memref<32x897xf32, #tpu.memory_space<vmem>> -> memref<8x896xf32, #tpu.memory_space<vmem>>
      %dma_wait3A_164 = arith.constant 16 : i32
      %dma_wait3A_165 = tpu.memref_slice %arg2[%dma_wait3A_164, %min3A_135] : memref<32x1000000xf32, #tpu.memory_space<hbm>> -> memref<8x896xf32, #tpu.memory_space<hbm>>
      tpu.wait_dma2 semaphore(%arg8 : memref<!tpu.dma_semaphore, #tpu.memory_space<semaphore_mem>>) src(%dma_wait3A_165 : memref<8x896xf32, #tpu.memory_space<hbm>>) dst(%dma_wait3A_163 : memref<8x896xf32, #tpu.memory_space<vmem>>)
      %dma_wait3A_166 = arith.constant 24 : i32
      %dma_wait3A_167 = arith.constant 0 : i32
      %dma_wait3A_168 = tpu.memref_slice %arg4[%dma_wait3A_166, %dma_wait3A_167] : memref<32x897xf32, #tpu.memory_space<vmem>> -> memref<8x896xf32, #tpu.memory_space<vmem>>
      %dma_wait3A_169 = arith.constant 24 : i32
      %dma_wait3A_170 = tpu.memref_slice %arg2[%dma_wait3A_169, %min3A_135] : memref<32x1000000xf32, #tpu.memory_space<hbm>> -> memref<8x896xf32, #tpu.memory_space<hbm>>
      %dma_wait3A_171 = arith.constant 24 : i32
      %dma_wait3A_172 = arith.constant 0 : i32
      %dma_wait3A_173 = tpu.memref_slice %arg4[%dma_wait3A_171, %dma_wait3A_172] : memref<32x897xf32, #tpu.memory_space<vmem>> -> memref<8x896xf32, #tpu.memory_space<vmem>>
      %dma_wait3A_174 = arith.constant 24 : i32
      %dma_wait3A_175 = tpu.memref_slice %arg2[%dma_wait3A_174, %min3A_135] : memref<32x1000000xf32, #tpu.memory_space<hbm>> -> memref<8x896xf32, #tpu.memory_space<hbm>>
      tpu.wait_dma2 semaphore(%arg8 : memref<!tpu.dma_semaphore, #tpu.memory_space<semaphore_mem>>) src(%dma_wait3A_175 : memref<8x896xf32, #tpu.memory_space<hbm>>) dst(%dma_wait3A_173 : memref<8x896xf32, #tpu.memory_space<vmem>>)
      %broadcast_in_dim3A = arith.constant 0 : i32
      %broadcast_in_dim3A_176 = vector.broadcast %broadcast_in_dim3A : i32 to vector<16xi32>
      %parallel_loop3A = arith.constant 0 : i32
      %parallel_loop3A_177 = arith.constant 896 : i32
      %parallel_loop3A_178 = arith.constant 1 : i32
      %parallel_loop3A_179 = scf.for %parallel_loop3A_250 = %parallel_loop3A to %parallel_loop3A_177 step %parallel_loop3A_178 iter_args(%parallel_loop3A_251 = %broadcast_in_dim3A_176) -> (vector<16xi32>)  : i32 {
        %parallel_loop3A_252 = tpu.vector_load_idx %arg4[%iota3A, %parallel_loop3A_251] : memref<32x897xf32, #tpu.memory_space<vmem>>[vector<16xi32>, vector<16xi32>], vector<16xf32>,
        %parallel_loop3A_253 = arith.constant 32 : i32
        %parallel_loop3A_254 = arith.muli %parallel_loop3A_250, %parallel_loop3A_253 : i32
        %parallel_loop3A_255 = arith.constant 0 : i32
        %parallel_loop3A_256 = arith.addi %parallel_loop3A_254, %parallel_loop3A_255 : i32
        %parallel_loop3A_257 = arith.index_cast %parallel_loop3A_256 : i32 to index
        %parallel_loop3A_258 = tpu.vector_load %arg6[%parallel_loop3A_257] {strides = array<i32>} : memref<28672xf32, #tpu.memory_space<vmem>>, vector<16xf32>,
        tpu.vector_store %arg6[%parallel_loop3A_257], %parallel_loop3A_252 {strides = array<i32>} : memref<28672xf32, #tpu.memory_space<vmem>>, vector<16xf32>,
        %parallel_loop3A_259 = tpu.vector_load_idx %arg4[%add3A_5, %parallel_loop3A_251] : memref<32x897xf32, #tpu.memory_space<vmem>>[vector<16xi32>, vector<16xi32>], vector<16xf32>,
        %parallel_loop3A_260 = arith.constant 32 : i32
        %parallel_loop3A_261 = arith.muli %parallel_loop3A_250, %parallel_loop3A_260 : i32
        %parallel_loop3A_262 = arith.constant 16 : i32
        %parallel_loop3A_263 = arith.addi %parallel_loop3A_261, %parallel_loop3A_262 : i32
        %parallel_loop3A_264 = arith.index_cast %parallel_loop3A_263 : i32 to index
        %parallel_loop3A_265 = tpu.vector_load %arg6[%parallel_loop3A_264] {strides = array<i32>} : memref<28672xf32, #tpu.memory_space<vmem>>, vector<16xf32>,
        tpu.vector_store %arg6[%parallel_loop3A_264], %parallel_loop3A_259 {strides = array<i32>} : memref<28672xf32, #tpu.memory_space<vmem>>, vector<16xf32>,
        %parallel_loop3A_266 = arith.constant 1 : i32
        %parallel_loop3A_267 = vector.broadcast %parallel_loop3A_266 : i32 to vector<16xi32>
        %parallel_loop3A_268 = arith.addi %parallel_loop3A_251, %parallel_loop3A_267 : vector<16xi32>
        scf.yield %parallel_loop3A_268 : vector<16xi32>
      } {sc.loop_unroll_factor = 4 : i64, sc.parallel_access}
      %mul3A_180 = arith.constant 896 : i32
      %mul3A_181 = arith.muli %add3A_78, %mul3A_180 : i32
      %min3A_182 = arith.constant 999168 : i32
      %min3A_183 = arith.minsi %mul3A_181, %min3A_182 : i32
      %mul3A_184 = arith.constant 32 : i32
      %mul3A_185 = arith.muli %min3A_183, %mul3A_184 : i32
      %dma_start3A_186 = tpu.memref_slice %arg3[%mul3A_185] : memref<32002048xf32, #tpu.memory_space<hbm>> -> memref<28672xf32, #tpu.memory_space<hbm>>
      %dma_start3A_187 = tpu.memref_slice %arg3[%mul3A_185] : memref<32002048xf32, #tpu.memory_space<hbm>> -> memref<28672xf32, #tpu.memory_space<hbm>>
      tpu.enqueue_dma source(%arg6 : memref<28672xf32, #tpu.memory_space<vmem>>) target(%dma_start3A_187 : memref<28672xf32, #tpu.memory_space<hbm>>) target_semaphore(%arg10 : memref<!tpu.dma_semaphore, #tpu.memory_space<semaphore_mem>>)
      %mul3A_188 = arith.constant 896 : i32
      %mul3A_189 = arith.muli %add3A_80, %mul3A_188 : i32
      %min3A_190 = arith.constant 999168 : i32
      %min3A_191 = arith.minsi %mul3A_189, %min3A_190 : i32
      %dma_wait3A_192 = arith.constant 0 : i32
      %dma_wait3A_193 = arith.constant 0 : i32
      %dma_wait3A_194 = tpu.memref_slice %arg5[%dma_wait3A_192, %dma_wait3A_193] : memref<32x897xf32, #tpu.memory_space<vmem>> -> memref<8x896xf32, #tpu.memory_space<vmem>>
      %dma_wait3A_195 = arith.constant 0 : i32
      %dma_wait3A_196 = tpu.memref_slice %arg2[%dma_wait3A_195, %min3A_191] : memref<32x1000000xf32, #tpu.memory_space<hbm>> -> memref<8x896xf32, #tpu.memory_space<hbm>>
      %dma_wait3A_197 = arith.constant 0 : i32
      %dma_wait3A_198 = arith.constant 0 : i32
      %dma_wait3A_199 = tpu.memref_slice %arg5[%dma_wait3A_197, %dma_wait3A_198] : memref<32x897xf32, #tpu.memory_space<vmem>> -> memref<8x896xf32, #tpu.memory_space<vmem>>
      %dma_wait3A_200 = arith.constant 0 : i32
      %dma_wait3A_201 = tpu.memref_slice %arg2[%dma_wait3A_200, %min3A_191] : memref<32x1000000xf32, #tpu.memory_space<hbm>> -> memref<8x896xf32, #tpu.memory_space<hbm>>
      tpu.wait_dma2 semaphore(%arg9 : memref<!tpu.dma_semaphore, #tpu.memory_space<semaphore_mem>>) src(%dma_wait3A_201 : memref<8x896xf32, #tpu.memory_space<hbm>>) dst(%dma_wait3A_199 : memref<8x896xf32, #tpu.memory_space<vmem>>)
      %dma_wait3A_202 = arith.constant 8 : i32
      %dma_wait3A_203 = arith.constant 0 : i32
      %dma_wait3A_204 = tpu.memref_slice %arg5[%dma_wait3A_202, %dma_wait3A_203] : memref<32x897xf32, #tpu.memory_space<vmem>> -> memref<8x896xf32, #tpu.memory_space<vmem>>
      %dma_wait3A_205 = arith.constant 8 : i32
      %dma_wait3A_206 = tpu.memref_slice %arg2[%dma_wait3A_205, %min3A_191] : memref<32x1000000xf32, #tpu.memory_space<hbm>> -> memref<8x896xf32, #tpu.memory_space<hbm>>
      %dma_wait3A_207 = arith.constant 8 : i32
      %dma_wait3A_208 = arith.constant 0 : i32
      %dma_wait3A_209 = tpu.memref_slice %arg5[%dma_wait3A_207, %dma_wait3A_208] : memref<32x897xf32, #tpu.memory_space<vmem>> -> memref<8x896xf32, #tpu.memory_space<vmem>>
      %dma_wait3A_210 = arith.constant 8 : i32
      %dma_wait3A_211 = tpu.memref_slice %arg2[%dma_wait3A_210, %min3A_191] : memref<32x1000000xf32, #tpu.memory_space<hbm>> -> memref<8x896xf32, #tpu.memory_space<hbm>>
      tpu.wait_dma2 semaphore(%arg9 : memref<!tpu.dma_semaphore, #tpu.memory_space<semaphore_mem>>) src(%dma_wait3A_211 : memref<8x896xf32, #tpu.memory_space<hbm>>) dst(%dma_wait3A_209 : memref<8x896xf32, #tpu.memory_space<vmem>>)
      %dma_wait3A_212 = arith.constant 16 : i32
      %dma_wait3A_213 = arith.constant 0 : i32
      %dma_wait3A_214 = tpu.memref_slice %arg5[%dma_wait3A_212, %dma_wait3A_213] : memref<32x897xf32, #tpu.memory_space<vmem>> -> memref<8x896xf32, #tpu.memory_space<vmem>>
      %dma_wait3A_215 = arith.constant 16 : i32
      %dma_wait3A_216 = tpu.memref_slice %arg2[%dma_wait3A_215, %min3A_191] : memref<32x1000000xf32, #tpu.memory_space<hbm>> -> memref<8x896xf32, #tpu.memory_space<hbm>>
      %dma_wait3A_217 = arith.constant 16 : i32
      %dma_wait3A_218 = arith.constant 0 : i32
      %dma_wait3A_219 = tpu.memref_slice %arg5[%dma_wait3A_217, %dma_wait3A_218] : memref<32x897xf32, #tpu.memory_space<vmem>> -> memref<8x896xf32, #tpu.memory_space<vmem>>
      %dma_wait3A_220 = arith.constant 16 : i32
      %dma_wait3A_221 = tpu.memref_slice %arg2[%dma_wait3A_220, %min3A_191] : memref<32x1000000xf32, #tpu.memory_space<hbm>> -> memref<8x896xf32, #tpu.memory_space<hbm>>
      tpu.wait_dma2 semaphore(%arg9 : memref<!tpu.dma_semaphore, #tpu.memory_space<semaphore_mem>>) src(%dma_wait3A_221 : memref<8x896xf32, #tpu.memory_space<hbm>>) dst(%dma_wait3A_219 : memref<8x896xf32, #tpu.memory_space<vmem>>)
      %dma_wait3A_222 = arith.constant 24 : i32
      %dma_wait3A_223 = arith.constant 0 : i32
      %dma_wait3A_224 = tpu.memref_slice %arg5[%dma_wait3A_222, %dma_wait3A_223] : memref<32x897xf32, #tpu.memory_space<vmem>> -> memref<8x896xf32, #tpu.memory_space<vmem>>
      %dma_wait3A_225 = arith.constant 24 : i32
      %dma_wait3A_226 = tpu.memref_slice %arg2[%dma_wait3A_225, %min3A_191] : memref<32x1000000xf32, #tpu.memory_space<hbm>> -> memref<8x896xf32, #tpu.memory_space<hbm>>
      %dma_wait3A_227 = arith.constant 24 : i32
      %dma_wait3A_228 = arith.constant 0 : i32
      %dma_wait3A_229 = tpu.memref_slice %arg5[%dma_wait3A_227, %dma_wait3A_228] : memref<32x897xf32, #tpu.memory_space<vmem>> -> memref<8x896xf32, #tpu.memory_space<vmem>>
      %dma_wait3A_230 = arith.constant 24 : i32
      %dma_wait3A_231 = tpu.memref_slice %arg2[%dma_wait3A_230, %min3A_191] : memref<32x1000000xf32, #tpu.memory_space<hbm>> -> memref<8x896xf32, #tpu.memory_space<hbm>>
      tpu.wait_dma2 semaphore(%arg9 : memref<!tpu.dma_semaphore, #tpu.memory_space<semaphore_mem>>) src(%dma_wait3A_231 : memref<8x896xf32, #tpu.memory_space<hbm>>) dst(%dma_wait3A_229 : memref<8x896xf32, #tpu.memory_space<vmem>>)
      %broadcast_in_dim3A_232 = arith.constant 0 : i32
      %broadcast_in_dim3A_233 = vector.broadcast %broadcast_in_dim3A_232 : i32 to vector<16xi32>
      %parallel_loop3A_234 = arith.constant 0 : i32
      %parallel_loop3A_235 = arith.constant 896 : i32
      %parallel_loop3A_236 = arith.constant 1 : i32
      %parallel_loop3A_237 = scf.for %parallel_loop3A_250 = %parallel_loop3A_234 to %parallel_loop3A_235 step %parallel_loop3A_236 iter_args(%parallel_loop3A_251 = %broadcast_in_dim3A_233) -> (vector<16xi32>)  : i32 {
        %parallel_loop3A_252 = tpu.vector_load_idx %arg5[%iota3A, %parallel_loop3A_251] : memref<32x897xf32, #tpu.memory_space<vmem>>[vector<16xi32>, vector<16xi32>], vector<16xf32>,
        %parallel_loop3A_253 = arith.constant 32 : i32
        %parallel_loop3A_254 = arith.muli %parallel_loop3A_250, %parallel_loop3A_253 : i32
        %parallel_loop3A_255 = arith.constant 0 : i32
        %parallel_loop3A_256 = arith.addi %parallel_loop3A_254, %parallel_loop3A_255 : i32
        %parallel_loop3A_257 = arith.index_cast %parallel_loop3A_256 : i32 to index
        %parallel_loop3A_258 = tpu.vector_load %arg7[%parallel_loop3A_257] {strides = array<i32>} : memref<28672xf32, #tpu.memory_space<vmem>>, vector<16xf32>,
        tpu.vector_store %arg7[%parallel_loop3A_257], %parallel_loop3A_252 {strides = array<i32>} : memref<28672xf32, #tpu.memory_space<vmem>>, vector<16xf32>,
        %parallel_loop3A_259 = tpu.vector_load_idx %arg5[%add3A_5, %parallel_loop3A_251] : memref<32x897xf32, #tpu.memory_space<vmem>>[vector<16xi32>, vector<16xi32>], vector<16xf32>,
        %parallel_loop3A_260 = arith.constant 32 : i32
        %parallel_loop3A_261 = arith.muli %parallel_loop3A_250, %parallel_loop3A_260 : i32
        %parallel_loop3A_262 = arith.constant 16 : i32
        %parallel_loop3A_263 = arith.addi %parallel_loop3A_261, %parallel_loop3A_262 : i32
        %parallel_loop3A_264 = arith.index_cast %parallel_loop3A_263 : i32 to index
        %parallel_loop3A_265 = tpu.vector_load %arg7[%parallel_loop3A_264] {strides = array<i32>} : memref<28672xf32, #tpu.memory_space<vmem>>, vector<16xf32>,
        tpu.vector_store %arg7[%parallel_loop3A_264], %parallel_loop3A_259 {strides = array<i32>} : memref<28672xf32, #tpu.memory_space<vmem>>, vector<16xf32>,
        %parallel_loop3A_266 = arith.constant 1 : i32
        %parallel_loop3A_267 = vector.broadcast %parallel_loop3A_266 : i32 to vector<16xi32>
        %parallel_loop3A_268 = arith.addi %parallel_loop3A_251, %parallel_loop3A_267 : vector<16xi32>
        scf.yield %parallel_loop3A_268 : vector<16xi32>
      } {sc.loop_unroll_factor = 4 : i64, sc.parallel_access}
      %lt3A = arith.constant 17 : i32
      %lt3A_238 = arith.cmpi slt, %scan3A_75, %lt3A : i32
      %convert_element_type3A_239 = arith.extui %lt3A_238 : i1 to i32
      %cond3A_240 = arith.constant 0 : i32
      %cond3A_241 = arith.cmpi ne, %convert_element_type3A_239, %cond3A_240 : i32
      scf.if %cond3A_241 {
        %add3A_250 = arith.constant 2 : i32
        %add3A_251 = arith.addi %add3A_78, %add3A_250 : i32
        %mul3A_252 = arith.constant 896 : i32
        %mul3A_253 = arith.muli %add3A_251, %mul3A_252 : i32
        %min3A_254 = arith.constant 999168 : i32
        %min3A_255 = arith.minsi %mul3A_253, %min3A_254 : i32
        %dma_start3A_256 = arith.constant 0 : i32
        %dma_start3A_257 = arith.constant 0 : i32
        %dma_start3A_258 = tpu.memref_slice %arg4[%dma_start3A_256, %dma_start3A_257] : memref<32x897xf32, #tpu.memory_space<vmem>> -> memref<8x896xf32, #tpu.memory_space<vmem>>
        %dma_start3A_259 = arith.constant 0 : i32
        %dma_start3A_260 = tpu.memref_slice %arg2[%dma_start3A_259, %min3A_255] : memref<32x1000000xf32, #tpu.memory_space<hbm>> -> memref<8x896xf32, #tpu.memory_space<hbm>>
        %dma_start3A_261 = arith.constant 0 : i32
        %dma_start3A_262 = arith.constant 0 : i32
        %dma_start3A_263 = tpu.memref_slice %arg4[%dma_start3A_261, %dma_start3A_262] : memref<32x897xf32, #tpu.memory_space<vmem>> -> memref<8x896xf32, #tpu.memory_space<vmem>>
        %dma_start3A_264 = arith.constant 0 : i32
        %dma_start3A_265 = tpu.memref_slice %arg2[%dma_start3A_264, %min3A_255] : memref<32x1000000xf32, #tpu.memory_space<hbm>> -> memref<8x896xf32, #tpu.memory_space<hbm>>
        tpu.enqueue_dma source(%dma_start3A_265 : memref<8x896xf32, #tpu.memory_space<hbm>>) target(%dma_start3A_263 : memref<8x896xf32, #tpu.memory_space<vmem>>) target_semaphore(%arg8 : memref<!tpu.dma_semaphore, #tpu.memory_space<semaphore_mem>>)
        %dma_start3A_266 = arith.constant 8 : i32
        %dma_start3A_267 = arith.constant 0 : i32
        %dma_start3A_268 = tpu.memref_slice %arg4[%dma_start3A_266, %dma_start3A_267] : memref<32x897xf32, #tpu.memory_space<vmem>> -> memref<8x896xf32, #tpu.memory_space<vmem>>
        %dma_start3A_269 = arith.constant 8 : i32
        %dma_start3A_270 = tpu.memref_slice %arg2[%dma_start3A_269, %min3A_255] : memref<32x1000000xf32, #tpu.memory_space<hbm>> -> memref<8x896xf32, #tpu.memory_space<hbm>>
        %dma_start3A_271 = arith.constant 8 : i32
        %dma_start3A_272 = arith.constant 0 : i32
        %dma_start3A_273 = tpu.memref_slice %arg4[%dma_start3A_271, %dma_start3A_272] : memref<32x897xf32, #tpu.memory_space<vmem>> -> memref<8x896xf32, #tpu.memory_space<vmem>>
        %dma_start3A_274 = arith.constant 8 : i32
        %dma_start3A_275 = tpu.memref_slice %arg2[%dma_start3A_274, %min3A_255] : memref<32x1000000xf32, #tpu.memory_space<hbm>> -> memref<8x896xf32, #tpu.memory_space<hbm>>
        tpu.enqueue_dma source(%dma_start3A_275 : memref<8x896xf32, #tpu.memory_space<hbm>>) target(%dma_start3A_273 : memref<8x896xf32, #tpu.memory_space<vmem>>) target_semaphore(%arg8 : memref<!tpu.dma_semaphore, #tpu.memory_space<semaphore_mem>>)
        %dma_start3A_276 = arith.constant 16 : i32
        %dma_start3A_277 = arith.constant 0 : i32
        %dma_start3A_278 = tpu.memref_slice %arg4[%dma_start3A_276, %dma_start3A_277] : memref<32x897xf32, #tpu.memory_space<vmem>> -> memref<8x896xf32, #tpu.memory_space<vmem>>
        %dma_start3A_279 = arith.constant 16 : i32
        %dma_start3A_280 = tpu.memref_slice %arg2[%dma_start3A_279, %min3A_255] : memref<32x1000000xf32, #tpu.memory_space<hbm>> -> memref<8x896xf32, #tpu.memory_space<hbm>>
        %dma_start3A_281 = arith.constant 16 : i32
        %dma_start3A_282 = arith.constant 0 : i32
        %dma_start3A_283 = tpu.memref_slice %arg4[%dma_start3A_281, %dma_start3A_282] : memref<32x897xf32, #tpu.memory_space<vmem>> -> memref<8x896xf32, #tpu.memory_space<vmem>>
        %dma_start3A_284 = arith.constant 16 : i32
        %dma_start3A_285 = tpu.memref_slice %arg2[%dma_start3A_284, %min3A_255] : memref<32x1000000xf32, #tpu.memory_space<hbm>> -> memref<8x896xf32, #tpu.memory_space<hbm>>
        tpu.enqueue_dma source(%dma_start3A_285 : memref<8x896xf32, #tpu.memory_space<hbm>>) target(%dma_start3A_283 : memref<8x896xf32, #tpu.memory_space<vmem>>) target_semaphore(%arg8 : memref<!tpu.dma_semaphore, #tpu.memory_space<semaphore_mem>>)
        %dma_start3A_286 = arith.constant 24 : i32
        %dma_start3A_287 = arith.constant 0 : i32
        %dma_start3A_288 = tpu.memref_slice %arg4[%dma_start3A_286, %dma_start3A_287] : memref<32x897xf32, #tpu.memory_space<vmem>> -> memref<8x896xf32, #tpu.memory_space<vmem>>
        %dma_start3A_289 = arith.constant 24 : i32
        %dma_start3A_290 = tpu.memref_slice %arg2[%dma_start3A_289, %min3A_255] : memref<32x1000000xf32, #tpu.memory_space<hbm>> -> memref<8x896xf32, #tpu.memory_space<hbm>>
        %dma_start3A_291 = arith.constant 24 : i32
        %dma_start3A_292 = arith.constant 0 : i32
        %dma_start3A_293 = tpu.memref_slice %arg4[%dma_start3A_291, %dma_start3A_292] : memref<32x897xf32, #tpu.memory_space<vmem>> -> memref<8x896xf32, #tpu.memory_space<vmem>>
        %dma_start3A_294 = arith.constant 24 : i32
        %dma_start3A_295 = tpu.memref_slice %arg2[%dma_start3A_294, %min3A_255] : memref<32x1000000xf32, #tpu.memory_space<hbm>> -> memref<8x896xf32, #tpu.memory_space<hbm>>
        tpu.enqueue_dma source(%dma_start3A_295 : memref<8x896xf32, #tpu.memory_space<hbm>>) target(%dma_start3A_293 : memref<8x896xf32, #tpu.memory_space<vmem>>) target_semaphore(%arg8 : memref<!tpu.dma_semaphore, #tpu.memory_space<semaphore_mem>>)
      } else {
      }
      %mul3A_242 = arith.constant 896 : i32
      %mul3A_243 = arith.muli %add3A_80, %mul3A_242 : i32
      %min3A_244 = arith.constant 999168 : i32
      %min3A_245 = arith.minsi %mul3A_243, %min3A_244 : i32
      %mul3A_246 = arith.constant 32 : i32
      %mul3A_247 = arith.muli %min3A_245, %mul3A_246 : i32
      %dma_start3A_248 = tpu.memref_slice %arg3[%mul3A_247] : memref<32002048xf32, #tpu.memory_space<hbm>> -> memref<28672xf32, #tpu.memory_space<hbm>>
      %dma_start3A_249 = tpu.memref_slice %arg3[%mul3A_247] : memref<32002048xf32, #tpu.memory_space<hbm>> -> memref<28672xf32, #tpu.memory_space<hbm>>
      tpu.enqueue_dma source(%arg7 : memref<28672xf32, #tpu.memory_space<vmem>>) target(%dma_start3A_249 : memref<28672xf32, #tpu.memory_space<hbm>>) target_semaphore(%arg11 : memref<!tpu.dma_semaphore, #tpu.memory_space<semaphore_mem>>)
    }
    %scan3A_52 = arith.constant 18 : i32
    %add3A_53 = arith.constant 36 : i32
    %add3A_54 = arith.addi %mul3A_2, %add3A_53 : i32
    %sub3A = arith.constant 2 : i32
    %sub3A_55 = arith.subi %add3A_54, %sub3A : i32
    %mul3A_56 = arith.constant 896 : i32
    %mul3A_57 = arith.muli %sub3A_55, %mul3A_56 : i32
    %min3A_58 = arith.constant 999168 : i32
    %min3A_59 = arith.minsi %mul3A_57, %min3A_58 : i32
    %mul3A_60 = arith.constant 32 : i32
    %mul3A_61 = arith.muli %min3A_59, %mul3A_60 : i32
    %dma_wait3A = tpu.memref_slice %arg3[%mul3A_61] : memref<32002048xf32, #tpu.memory_space<hbm>> -> memref<28672xf32, #tpu.memory_space<hbm>>
    %dma_wait3A_62 = tpu.memref_slice %arg3[%mul3A_61] : memref<32002048xf32, #tpu.memory_space<hbm>> -> memref<28672xf32, #tpu.memory_space<hbm>>
    tpu.wait_dma2 semaphore(%arg10 : memref<!tpu.dma_semaphore, #tpu.memory_space<semaphore_mem>>) src(%arg6 : memref<28672xf32, #tpu.memory_space<vmem>>) dst(%dma_wait3A_62 : memref<28672xf32, #tpu.memory_space<hbm>>)
    %add3A_63 = arith.constant 36 : i32
    %add3A_64 = arith.addi %mul3A_2, %add3A_63 : i32
    %sub3A_65 = arith.constant 1 : i32
    %sub3A_66 = arith.subi %add3A_64, %sub3A_65 : i32
    %mul3A_67 = arith.constant 896 : i32
    %mul3A_68 = arith.muli %sub3A_66, %mul3A_67 : i32
    %min3A_69 = arith.constant 999168 : i32
    %min3A_70 = arith.minsi %mul3A_68, %min3A_69 : i32
    %mul3A_71 = arith.constant 32 : i32
    %mul3A_72 = arith.muli %min3A_70, %mul3A_71 : i32
    %dma_wait3A_73 = tpu.memref_slice %arg3[%mul3A_72] : memref<32002048xf32, #tpu.memory_space<hbm>> -> memref<28672xf32, #tpu.memory_space<hbm>>
    %dma_wait3A_74 = tpu.memref_slice %arg3[%mul3A_72] : memref<32002048xf32, #tpu.memory_space<hbm>> -> memref<28672xf32, #tpu.memory_space<hbm>>
    tpu.wait_dma2 semaphore(%arg11 : memref<!tpu.dma_semaphore, #tpu.memory_space<semaphore_mem>>) src(%arg7 : memref<28672xf32, #tpu.memory_space<vmem>>) dst(%dma_wait3A_74 : memref<28672xf32, #tpu.memory_space<hbm>>)
    return
  }
}

</mosaic_0001>

<sc_bundles>
// kernel: _embed_native.4.cloned.1.call-start
scs
__scs_entry_jumppad:
0x0: {  	(pc) =	sbr.rel $0x88, $3  }
0x1: {  	(tag) =	ssettag $0x0;
	lr =	simm.s32 $0x1  }
0x2: {  	[smem:$0x3F9F] =	sst lr;
	_ =	strace $0xD0000000  }
0x3: {  	_ = 	snop  }
0x4: {  	_ = 	snop  }
0x5: {  	_ = 	snop  }
0x6: {  	_ = 	snop  }
0x7: {  	_ = 	snop  }
__scs_overlays_trampoline_lowered:
0x8: {  	[smem:$0x3FAE] =	sst s0  }
0x9: {  	[smem:$0x3FAF] =	sst s1  }
0xa: {  	[smem:$0x3FB0] =	sst s2  }
0xb: {  	[smem:$0x3FB1] =	sst s3  }
0xc: {  	[smem:$0x3FB2] =	sst s4  }
0xd: {  	[smem:$0x3FB3] =	sst s5  }
0xe: {  	[smem:$0x3FB4] =	sst s6  }
0xf: {  	[smem:$0x3FB5] =	sst s7  }
0x10: {  	[smem:$0x3FB6] =	sst s8  }
0x11: {  	[smem:$0x3FB7] =	sst s9;
	s0 =	simm.s32 @!p0 $0x0  }
0x12: {  	s1 =	sld [smem:$0x3F9D];
	s0 =	simm.s32 @p0 $0x1  }
0x13: {  	[smem:$0x3FB8] =	sst s0;
	s0 =	simm.s32 @!p1 $0x0  }
0x14: {  	s2 =	sld [smem:$0x3F9C];
	s0 =	simm.s32 @p1 $0x1  }
0x15: {  	[smem:$0x3FB9] =	sst s0;
	s0 =	simm.s32 @!p2 $0x0  }
0x16: {  	s3 =	sld [smem:$0x3FDB];
	s0 =	simm.s32 @p2 $0x1  }
0x17: {  	s4 =	simm.s32 $0x1BF5;
	[smem:$0x3FBB] =	sst s0  }
0x18: {  	s0 =	sld [smem:$0x3F9E];
	_ =	swait.ge [sflag:s4], $0x0  }
0x19: {  	s7 =	sld [smem:$0x3F9F]  }
0x1a: {  	s8 =	sadd.s32 $0xFFFFE003, lr  }
0x1b: {  	s9 =	sadd.s32 $0xFFFFFEF7, lr;
	s5 =	simm.s32 $0xFFFFFFFF;
	p2 =	slt.u32 s8, $0xFFFFF086  }
0x1c: {  	p1 =	slt.u32 s9, $0xF7A;
	s5 =	simm.s32 @!p2 $0x0  }
0x1d: {  	s5 =	simm.s32 @p1 $0x1;
	p0 =	seq.s32 s7, s2  }
0x1e: {  	s7 =	smul.u32 @!p0 $0xF7A, s2;
	p2 =	seq.s32 @!p0 s5, $0x0  }
0x1f: {  	s9 =	smul.u32 $0xF7A, s1;
	s8 =	simm.s32 @!p0 $0x1BF5;
	p2 =	por !p2, p0  }
0x20: {  	[sflag:s8] =	ssyncset.s32 @!p0 $0xFFFFF086;
	s6 =	sadd.s32 @!p0 s3, s7;
	s7 =	simm.s32 @!p0 $0x108  }
0x21: {  	s3 =	sadd.s32 s3, s9;
	s6 =	sadd.s32 @!p0 $0x88, s6;
	s7 =	simm.s32 @p2 $0x1082  }
0x22: {  	[simem:s7], [sflag:s8] =	dma.local @!p0 [hbm:s6], $0xF7A  }
0x23: {  	s9 =	sor.u32 $0xD0000000, s2;
	s6 =	simm.s32 $0x108;
	_ =	swait.ge @!p0 [sflag:s8], $0x0  }
0x24: {  	s3 =	sadd.s32 $0x88, s3;
	s6 =	simm.s32 @!p1 $0x1082;
	[sflag:s4] =	ssyncset.s32 $0xFFFFF086  }
0x25: {  	[simem:s6], [sflag:s4] =	dma.local [hbm:s3], $0xF7A  }
0x26: {  	[smem:$0x3F9F] =	sst s1;
	(tag) =	ssettag s2;
	_ =	strace s9  }
0x27: {  	s1 =	sld [smem:$0x3FAF]  }
0x28: {  	s2 =	sld [smem:$0x3FB0]  }
0x29: {  	s4 =	sld [smem:$0x3FB2]  }
0x2a: {  	p0 =	seq.s32 s5, $0x0;
	s5 =	sld [smem:$0x3FB3]  }
0x2b: {  	s6 =	sld [smem:$0x3FB4]  }
0x2c: {  	s7 =	sld [smem:$0x3FB5]  }
0x2d: {  	s3 =	simm.s32 $0x108;
	s8 =	sld [smem:$0x3FB6]  }
0x2e: {  	s3 =	simm.s32 @!p0 $0x1082;
	s9 =	sld [smem:$0x3FB7]  }
0x2f: {  	lr =	sadd.s32 s0, s3;
	s0 =	sld [smem:$0x3FAE]  }
0x30: {  	s3 =	sld [smem:$0x3FB1]  }
0x31: {  	[smem:$0x3FBA] =	sst s10  }
0x32: {  	s10 =	sld [smem:$0x3FB8];
	_ =	sdelay $0x3  }
0x33: {  	p0 =	seq.s32 s10, $0x1;
	s10 =	sld [smem:$0x3FBA];
	_ =	sdelay $0x3  }
0x34: {  	[smem:$0x3FBA] =	sst s10  }
0x35: {  	s10 =	sld [smem:$0x3FB9];
	_ =	sdelay $0x3  }
0x36: {  	p1 =	seq.s32 s10, $0x1;
	s10 =	sld [smem:$0x3FBA];
	_ =	sdelay $0x3  }
0x37: {  	[smem:$0x3FBA] =	sst s10  }
0x38: {  	s10 =	sld [smem:$0x3FBB]  }
0x39: {  	_ = 	snop;
	(pc) =	sbr.ind lr, $3  }
0x3a: {  	_ = 	snop  }
0x3b: {  	_ = 	snop  }
0x3c: {  	p2 =	seq.s32 s10, $0x1;
	s10 =	sld [smem:$0x3FBA]  }
0x3d: {  	_ =	shalt  }
0x3e: {  	_ =	shalt  }
0x3f: {  	_ =	shalt  }
0x40: {  	_ =	shalt  }
0x41: {  	_ =	shalt  }
0x42: {  	_ =	shalt  }
0x43: {  	_ =	shalt  }
0x44: {  	_ =	shalt  }
0x45: {  	_ =	shalt  }
0x46: {  	_ =	shalt  }
0x47: {  	_ =	shalt  }
0x48: {  	_ =	shalt  }
0x49: {  	_ =	shalt  }
0x4a: {  	_ =	shalt  }
0x4b: {  	_ =	shalt  }
0x4c: {  	_ =	shalt  }
0x4d: {  	_ =	shalt  }
0x4e: {  	_ =	shalt  }
0x4f: {  	_ =	shalt  }
0x50: {  	_ =	shalt  }
0x51: {  	_ =	shalt  }
0x52: {  	_ =	shalt  }
0x53: {  	_ =	shalt  }
0x54: {  	_ =	shalt  }
0x55: {  	_ =	shalt  }
0x56: {  	_ =	shalt  }
0x57: {  	_ =	shalt  }
0x58: {  	_ =	shalt  }
0x59: {  	_ =	shalt  }
0x5a: {  	_ =	shalt  }
0x5b: {  	_ =	shalt  }
0x5c: {  	_ =	shalt  }
0x5d: {  	_ =	shalt  }
0x5e: {  	_ =	shalt  }
0x5f: {  	_ =	shalt  }
0x60: {  	_ =	shalt  }
0x61: {  	_ =	shalt  }
0x62: {  	_ =	shalt  }
0x63: {  	_ =	shalt  }
0x64: {  	_ =	shalt  }
0x65: {  	_ =	shalt  }
0x66: {  	_ =	shalt  }
0x67: {  	_ =	shalt  }
0x68: {  	_ =	shalt  }
0x69: {  	_ =	shalt  }
0x6a: {  	_ =	shalt  }
0x6b: {  	_ =	shalt  }
0x6c: {  	_ =	shalt  }
0x6d: {  	_ =	shalt  }
0x6e: {  	_ =	shalt  }
0x6f: {  	_ =	shalt  }
0x70: {  	_ =	shalt  }
0x71: {  	_ =	shalt  }
0x72: {  	_ =	shalt  }
0x73: {  	_ =	shalt  }
0x74: {  	_ =	shalt  }
0x75: {  	_ =	shalt  }
0x76: {  	_ =	shalt  }
0x77: {  	_ =	shalt  }
0x78: {  	_ =	shalt  }
0x79: {  	_ =	shalt  }
0x7a: {  	_ =	shalt  }
0x7b: {  	_ =	shalt  }
0x7c: {  	_ =	shalt  }
0x7d: {  	_ =	shalt  }
0x7e: {  	_ =	shalt  }
0x7f: {  	_ =	shalt  }
0x80: {  	_ =	shalt  }
0x81: {  	_ =	shalt  }
0x82: {  	_ =	shalt  }
0x83: {  	_ =	shalt  }
0x84: {  	_ =	shalt  }
0x85: {  	_ =	shalt  }
0x86: {  	_ =	shalt  }
0x87: {  	_ =	shalt  }
.Lfunc_end0:
.L_simem_size_0:
called_computation_lowered:
.L_overlay_start_0:
0x88: {  	s2 =	sld [smem:$0x3FD9]  }
0x89: {  	s3 =	sld [smem:$0x3FFE];
	_ =	sdelay $0x1  }
0x8a: {  	s1 =	srdreg.scid  }
0x8b: {  	s0 =	sand.u32 $0x1, s1  }
0x8c: {  	s17 =	sshll.u32 s0, $0xA;
	s2 =	sadd.s32 s3, s2  }
0x8d: {  	s2 =	sadd.s32 s2, s17  }
0x8e: {  	[smem:$0x3FC6] =	sst s2  }
0x8f: {  	_ = 	snop  }
0x90: {  	s2 =	sld [smem:$0x3FC8];
	(tm) =	ssettm $0x1  }
0x91: {  	s18 =	sld [smem:$0x3FFB];
	_ =	sdelay $0x3  }
0x92: {  	_ =	strace s18  }
0x93: {  	s3 =	sld [smem:$0x3FFC];
	_ =	sdelay $0x3  }
0x94: {  	_ =	strace s3  }
0x95: {  	s3 =	sld [smem:$0x3FFD];
	_ =	sdelay $0x3  }
0x96: {  	_ =	strace s3  }
0x97: {  	_ =	strace $0x8FFFFFFF  }
0x98: {  	s19 =	sld [smem:$0x3FDB];
	_ =	sdelay $0x1  }
0x99: {  	s4 =	simm.s32 $_scs_section_size  }
0x9a: {  	s5 =	simm.s32 $_size__tile_overlayer_lowered;
	s6 =	simm.s32 $_tile_overlayer_lowered  }
0x9b: {  	s22 =	simm.s32 $0x1BFF;
	s21 =	sshll.u32 s6, $0x1;
	s3 =	sadd.s32 s4, s19  }
0x9c: {  	s7 =	simm.s32 $0x0;
	s20 =	sshll.u32 s5, $0x1;
	s5 =	sadd.s32 s21, s3  }
0x9d: {  	[timem:s7], [sflag:s22] =	dma.local [hbm:s5], s20  }
0x9e: {  	_ =	swait.ge [sflag:s22], s20  }
0x9f: {  	s4 =	ssub.s32 $0x0, s20;
	[sflag:s22] =	ssyncset.done $0x0  }
0xa0: {  	[sflag:s22] =	ssyncadd.s32 s4;
	_ =	sdelay $0x1  }
0xa1: {  	s23 =	simm.s32 $0x1B8B  }
0xa2: {  	_ =	swait.ge [sflag:s23], $0x1  }
0xa3: {  	[sflag:s23] =	ssyncset.done $0x0  }
0xa4: {  	s25 =	simm.s32 $0x1B8E;
	s24 =	sld [smem:$0x3FFE];
	[sflag:s23] =	ssyncadd.s32 $0xFFFFFFFF  }
0xa5: {  	s26 =	simm.s32 $execute0_lowered;
	[smem:$0x3FD2] =	sst s25  }
0xa6: {  	s5 =	sshll.u32 s26, $0x1;
	_ =	strace $0x80000046;
	[dreg:$0x1] =	wrdreg $0xFFFFFFFF  }
0xa7: {  	s28 =	simm.s32 $_size_execute0_lowered;
	s3 =	sadd.s32 s3, s5;
	[dreg:$0x0] =	wrdreg $0x0  }
0xa8: {  	s5 =	sshll.u32 s28, $0x1;
	[dreg:$0x2] =	wrdreg s3  }
0xa9: {  	[dreg:$0x3] =	wrdreg s5  }
0xaa: {  	[dreg:$0x4] =	wrdreg $0xC0  }
0xab: {  	_ =	task [dreg:s7], $0x5FFFF  }
0xac: {  	[dreg:$0x1] =	wrdreg $0xFFFFFFFF  }
0xad: {  	[dreg:$0x0] =	wrdreg $0x60  }
0xae: {  	[dreg:$0x2] =	wrdreg s2  }
0xaf: {  	[dreg:$0x3] =	wrdreg s24  }
0xb0: {  	[dreg:$0x4] =	wrdreg $0x9  }
0xb1: {  	_ =	task.clear_ibuf [dreg:s7], $0x5FFFF;
	_ =	strace $0x90000046  }
0xb2: {  	s29 =	simm.s32 $0x9;
	_ =	strace $0x80000048  }
0xb3: {  	_ =	swait.ge [sflag:s29], $0x1  }
0xb4: {  	[sflag:s29] =	ssyncadd.s32 $0xFFFFFFFF  }
0xb5: {  	_ =	strace $0x90000048  }
0xb6: {  	_ =	sfence  }
0xb7: {  	s30 =	sld [smem:$0x0];
	_ =	sdelay $0x2  }
0xb8: {  	s31 =	sshll.u32 s1, $0xD;
	s1 =	sshrl.u32 s1, $0x2  }
0xb9: {  	s3 =	sand.u32 $0x4000, s31;
	s1 =	sadd.s32 s1, s30  }
0xba: {  	s0 =	sor.u32 s3, s0;
	s1 =	sshll.u32 s1, $0x11  }
0xbb: {  	s0 =	sor.u32 s1, s0  }
0xbc: {  	s0 =	sadd.s32 $0x8F2B, s0  }
0xbd: {  	[sflag:s0] =	ssyncadd.remote.s32 $0x1  }
0xbe: {  	_ =	sfence.sel $0xFFFF  }
0xbf: {  	[dreg:$0x0] =	wrdreg $0xFFFFFFFF;
	(pc) =	sbr.abs _section_cstart, $3  }
0xc0: {  	[dreg:$0x1] =	wrdreg $0xFFFFFFFF  }
0xc1: {  	_ =	task.clear_ibuf [dreg:s7], $0x2FFFF;
	_ =	strace $0x9FFFFFFF  }
0xc2: {  	(tm) =	ssettm $0x7FFFFFFF  }
0xc3: {  	_ =	shalt  }
tec
execute0_lowered:
.L_overlay_start_1:
0x0: {  	(tag) =	ssettag $0x1  }
0x1: {  	v0 =	vimm.s32 $0x2380  }
0x2: {  	vm0 =	vcmask $0x300;
	v1 =	vimm.s32 $0x6380;
	vm1 =	vcmask $0x704  }
0x3: {  	vm15 =	vcmask $0xB08;
	vm4 =	vcmask $0xF0C;
	vm5 =	vcmask $0x1310  }
0x4: {  	s0 =	srdreg.scid;
	vm6 =	vcmask $0x1714;
	v0 =	vsel vm0, $0x0, v0;
	v1 =	vsel vm0, $0x4000, v1  }
0x5: {  	s1 =	stileid.u32;
	s5 =	rddreg [dreg:$0x1];
	vm7 =	vcmask $0x1B18;
	v0 =	vsel vm1, $0x80, v0;
	v1 =	vsel vm1, $0x4080, v1  }
0x6: {  	s3 =	simm.s32 $0x0;
	vm8 =	vcmask $0x1F1C;
	s21 =	simm.s32 $0x8000;
	s22 =	simm.s32 $0xA000;
	v0 =	vsel vm15, $0x100, v0;
	v1 =	vsel vm15, $0x4100, v1  }
0x7: {  	vm9 =	vcmask $0x2320;
	s23 =	simm.s32 $0xC000;
	s24 =	simm.s32 $0xE000;
	s28 =	simm.s32 $0x2;
	v0 =	vsel vm4, $0x180, v0;
	v1 =	vsel vm4, $0x4180, v1  }
0x8: {  	vm10 =	vcmask $0x2724;
	s29 =	simm.s32 $0x17000;
	s30 =	simm.s32 $0x3;
	s31 =	simm.s32 $0x4;
	v0 =	vsel vm5, $0x200, v0;
	v1 =	vsel vm5, $0x4200, v1  }
0x9: {  	vm11 =	vcmask $0x2B28;
	s0 =	sand.u32 $0x1, s0;
	s2 =	sshll.u32 s1, $0x1;
	s1 =	rddreg [dreg:$0x0];
	v0 =	vsel vm6, $0x280, v0;
	v1 =	vsel vm6, $0x4280, v1  }
0xa: {  	vm12 =	vcmask $0x2F2C;
	[smem:$0x7FF] =	sst s3;
	s5 =	sadd.s32 $0x800, s5;
	s2 =	sor.u32 s0, s2;
	v0 =	vsel vm7, $0x300, v0;
	v1 =	vsel vm7, $0x4300, v1  }
0xb: {  	_ =	strace $0x80000047;
	s10 =	sadd.s32 $0x1E8880, s1;
	s0 =	ssub.s32 $0x2, s0;
	v0 =	vsel vm8, $0x380, v0;
	v1 =	vsel vm8, $0x4380, v1  }
0xc: {  	s11 =	sadd.s32 $0xF4600, s1;
	s12 =	sadd.s32 $0x2DCB00, s1;
	s4 =	smul.u32 $0x7E00, s2;
	v0 =	vsel vm9, $0x2000, v0;
	v1 =	vsel vm9, $0x6000, v1  }
0xd: {  	s13 =	sadd.s32 $0x700, s1;
	s14 =	sadd.s32 $0x1E8C00, s1;
	s15 =	sadd.s32 $0xF4980, s1;
	v0 =	vsel vm10, $0x2080, v0;
	v1 =	vsel vm10, $0x6080, v1  }
0xe: {  	s16 =	sadd.s32 $0x2DCE80, s1;
	s7 =	smul.u32 $0x24, s2;
	s4 =	smin.u32 s4, $0xF3F00;
	v0 =	vsel vm11, $0x2100, v0;
	v1 =	vsel vm11, $0x6100, v1  }
0xf: {  	vm13 =	vcmask $0x3330;
	s26 =	sshrl.u32 s0, $0x1;
	s2 =	simm.s32 $0x0;
	s4 =	sadd.s32 s1, s4;
	v0 =	vsel vm12, $0x2180, v0;
	v1 =	vsel vm12, $0x6180, v1  }
0x10: {  	vm14 =	vcmask $0x3734;
	s0 =	ssub.s32 s0, s26;
	s26 =	simm.s32 $0x10000;
	s6 =	sadd.s32 $0x1E8500, s4;
	v0 =	vsel vm13, $0x2200, v0;
	v1 =	vsel vm13, $0x6200, v1  }
0x11: {  	vm15 =	vcmask $0x3B38;
	s17 =	smax.u32 s0, $0x1;
	s25 =	sadd.s32 $0x2DC780, s4;
	[dreg:$0x3] =	wrdreg s6;
	v0 =	vsel vm14, $0x2280, v0;
	v1 =	vsel vm14, $0x6280, v1  }
0x12: {  	s9 =	sadd.s32 $0xF4280, s4;
	[dreg:$0x4] =	wrdreg s25;
	s25 =	simm.s32 $0x1;
	v0 =	vsel vm15, $0x2300, v0;
	v1 =	vsel vm15, $0x6300, v1  }
.LBB2_1:
0x13: {  	[tilespmem:s3], [sflag:$0x1] =	stream.linear.gather [hbm4b:s4+s3], $0x1C00, $0x38;
	[tilespmem:$0x1E000] =	vst v63  }
0x14: {  	s0 =	simm.s32 $0x2000  }
0x15: {  	[tilespmem:s0], [sflag:$0x1] =	stream.linear.gather [hbm4b:s9+s3], $0x1C00, $0x38;
	[tilespmem:$0x1E000] =	vst v63  }
0x16: {  	s18 =	rddreg [dreg:$0x3];
	s6 =	simm.s32 $0x4000  }
0x17: {  	[tilespmem:s6], [sflag:$0x1] =	stream.linear.gather [hbm4b:s18+s3], $0x1C00, $0x38;
	[tilespmem:$0x1E000] =	vst v63  }
0x18: {  	s19 =	rddreg [dreg:$0x4];
	s20 =	simm.s32 $0x6000;
	s0 =	simm.s32 $0x0  }
0x19: {  	[tilespmem:s20], [sflag:$0x1] =	stream.linear.gather [hbm4b:s19+s3], $0x1C00, $0x38;
	[tilespmem:$0x1E000] =	vst v63  }
.LBB2_2:
0x1a: {  	s6 =	sshll.u32 s0, $0x1  }
0x1b: {  	s6 =	sadd.s32 s7, s6  }
0x1c: {  	p0 =	seq.s32 s0, $0x0;
	s19 =	smul.u32 $0x380, s6  }
0x1d: {  	s6 =	simm.s32 @!p0 $0x4  }
0x1e: {  	_ =	swait.ge @!p0 [sflag:s6], $0x7000;
	s8 =	smin.u32 s19, $0xF3B80  }
0x1f: {  	[sflag:s6] =	ssyncset.done @!p0 $0x0;
	s18 =	sadd.s32 $0x380, s8  }
0x20: {  	[sflag:s6] =	ssyncadd.s32 @!p0 $0xFFFF9000;
	s20 =	sadd.s32 s1, s18  }
0x21: {  	[tilespmem:s21], [sflag:$0x2] =	stream.linear.gather [hbm4b:s20+s3], $0x1C00, $0x38;
	[tilespmem:$0x1E000] =	vst v63  }
0x22: {  	s20 =	sadd.s32 s8, s11  }
0x23: {  	[tilespmem:s22], [sflag:$0x2] =	stream.linear.gather [hbm4b:s20+s3], $0x1C00, $0x38;
	[tilespmem:$0x1E000] =	vst v63  }
0x24: {  	s20 =	sadd.s32 s8, s10  }
0x25: {  	[tilespmem:s23], [sflag:$0x2] =	stream.linear.gather [hbm4b:s20+s3], $0x1C00, $0x38;
	[tilespmem:$0x1E000] =	vst v63  }
0x26: {  	s6 =	simm.s32 @!p0 $0x3;
	s20 =	sadd.s32 s8, s12  }
0x27: {  	[tilespmem:s24], [sflag:$0x2] =	stream.linear.gather [hbm4b:s20+s3], $0x1C00, $0x38;
	[tilespmem:$0x1E000] =	vst v63  }
0x28: {  	_ =	swait.ge @!p0 [sflag:s6], $0x7000  }
0x29: {  	[sflag:s6] =	ssyncset.done @!p0 $0x0  }
0x2a: {  	[sflag:s6] =	ssyncadd.s32 @!p0 $0xFFFF9000  }
0x2b: {  	_ =	swait.ge [sflag:s25], $0x1C00  }
0x2c: {  	[sflag:s25] =	ssyncset.done $0x0  }
0x2d: {  	[sflag:s25] =	ssyncadd.s32 $0xFFFFE400  }
0x2e: {  	v2 =	vimm.s32 $0x0;
	_ =	swait.ge [sflag:s25], $0x1C00  }
0x2f: {  	v3 =	vshll.u32 v2, $0x3;
	[sflag:s25] =	ssyncset.done $0x0  }
0x30: {  	v4 =	vand.u32 $0x7C, v2;
	v3 =	vand.u32 $0xFFFFFC00, v3;
	[sflag:s25] =	ssyncadd.s32 $0xFFFFE400  }
0x31: {  	v6 =	vor.u32 $0x3, v4;
	v5 =	vadd.s32 v0, v3;
	_ =	swait.ge [sflag:s25], $0x1C00  }
0x32: {  	v7 =	vor.u32 v6, v5;
	[sflag:s25] =	ssyncset.done $0x0  }
0x33: {  	v2 =	vadd.s32 $0x4, v2;
	v8 =	vor.u32 $0x1, v4;
	[sflag:s25] =	ssyncadd.s32 $0xFFFFE400  }
0x34: {  	v10 =	vor.u32 $0x2, v4;
	v12 =	vshll.u32 v2, $0x3;
	v9 =	vor.u32 v4, v5;
	_ =	swait.ge [sflag:s25], $0x1C00  }
0x35: {  	v14 =	vand.u32 $0x7C, v2;
	v12 =	vand.u32 $0xFFFFFC00, v12;
	v11 =	vor.u32 v8, v5;
	[sflag:s25] =	ssyncset.done $0x0  }
0x36: {  	v15 =	vor.u32 $0x3, v14;
	v5 =	vor.u32 v10, v5;
	v13 =	vadd.s32 v0, v12;
	[sflag:s25] =	ssyncadd.s32 $0xFFFFE400  }
0x37: {  	v3 =	vadd.s32 v1, v3;
	v16 =	vor.u32 v15, v13;
	v7 =	vld.idx.msk [tilespmem:v7+s3+$0x0], $0xffff  }
0x38: {  	v19 =	vor.u32 $0x1, v14;
	v6 =	vor.u32 v6, v3  }
0x39: {  	v18 =	vor.u32 v19, v13;
	v9 =	vld.idx.msk [tilespmem:v9+s3+$0x0], $0xffff  }
0x3a: {  	v20 =	vor.u32 $0x2, v14;
	v17 =	vor.u32 v14, v13;
	v11 =	vld.idx.msk [tilespmem:v11+s3+$0x0], $0xffff  }
0x3b: {  	v13 =	vor.u32 v20, v13;
	s20 =	simm.s32 $0x10040;
	v5 =	vld.idx.msk [tilespmem:v5+s3+$0x0], $0xffff  }
0x3c: {  	v21 =	vadd.s32 $0x4, v2;
	v16 =	vld.idx.msk [tilespmem:v16+s3+$0x0], $0xffff;
	[tilespmem:s20+$0x20] =	vst v7;
	v7 =	vor.u32 v4, v3  }
0x3d: {  	v8 =	vor.u32 v8, v3;
	v10 =	vor.u32 v10, v3;
	v3 =	vshll.u32 v21, $0x3;
	v6 =	vld.idx.msk [tilespmem:v6+s3+$0x0], $0xffff  }
0x3e: {  	v2 =	vand.u32 $0x7C, v21;
	v22 =	vadd.s32 v1, v12;
	v23 =	vld.idx.msk [tilespmem:v18+s3+$0x0], $0xffff;
	[tilespmem:s20+$0xFFFFFFC0] =	vst v9;
	v3 =	vand.u32 $0xFFFFFC00, v3  }
0x3f: {  	v24 =	vor.u32 v15, v22;
	v9 =	vld.idx.msk [tilespmem:v17+s3+$0x0], $0xffff;
	[tilespmem:s20+$0xFFFFFFE0] =	vst v11;
	v4 =	vor.u32 $0x3, v2;
	v11 =	vadd.s32 v0, v3  }
0x40: {  	s6 =	simm.s32 $0x100C0;
	v25 =	vld.idx.msk [tilespmem:v13+s3+$0x0], $0xffff;
	[tilespmem:s20+$0x0] =	vst v5;
	v26 =	vor.u32 v4, v11  }
0x41: {  	v5 =	vor.u32 $0x1, v2;
	[tilespmem:s6+$0x20] =	vst v16;
	v18 =	vor.u32 v2, v11;
	v12 =	vld.idx.msk [tilespmem:v7+s3+$0x0], $0xffff  }
0x42: {  	v13 =	vld.idx.msk [tilespmem:v8+s3+$0x0], $0xffff;
	v17 =	vor.u32 v5, v11;
	[tilespmem:s20+$0x30] =	vst v6;
	v6 =	vor.u32 $0x2, v2  }
0x43: {  	[tilespmem:s6+$0xFFFFFFE0] =	vst v23;
	v15 =	vld.idx.msk [tilespmem:v10+s3+$0x0], $0xffff;
	v11 =	vor.u32 v6, v11  }
0x44: {  	[tilespmem:s6+$0xFFFFFFC0] =	vst v9;
	v9 =	vor.u32 v14, v22;
	v14 =	vld.idx.msk [tilespmem:v24+s3+$0x0], $0xffff  }
0x45: {  	s8 =	simm.s32 $0x8;
	v16 =	vadd.s32 $0x4, v21;
	[tilespmem:s6+$0x0] =	vst v25;
	v8 =	vor.u32 v19, v22;
	v7 =	vor.u32 v20, v22;
	v10 =	vld.idx.msk [tilespmem:v26+s3+$0x0], $0xffff  }
.LBB2_3:
0x46: {  	v19 =	vshll.u32 v16, $0x3;
	s8 =	sadd.s32 $0x4, s8;
	v20 =	vld.idx.msk [tilespmem:v18+s3+$0x0], $0xffff;
	v21 =	vadd.s32 v1, v3;
	[tilespmem:s20+$0xFFFFFFD0] =	vst v12  }
0x47: {  	v22 =	vand.u32 $0x7C, v16;
	v3 =	vand.u32 $0xFFFFFC00, v19;
	p0 =	slt.u32 s8, $0x37C;
	v19 =	vld.idx.msk [tilespmem:v17+s3+$0x0], $0xffff;
	v23 =	vor.u32 v4, v21;
	[tilespmem:s20+$0xFFFFFFF0] =	vst v13  }
0x48: {  	v24 =	vor.u32 $0x1, v22;
	v4 =	vor.u32 $0x3, v22;
	v13 =	vadd.s32 v0, v3;
	v25 =	vld.idx.msk [tilespmem:v11+s3+$0x0], $0xffff;
	[tilespmem:s20+$0x10] =	vst v15;
	s20 =	smov.u32 s6  }
0x49: {  	v26 =	vor.u32 $0x2, v22;
	v18 =	vor.u32 v22, v13;
	v27 =	vor.u32 v4, v13;
	v12 =	vld.idx.msk [tilespmem:v9+s3+$0x0], $0xffff;
	[tilespmem:s6+$0x30] =	vst v14  }
.Ltmp0:
0x4a: {  	v17 =	vor.u32 v24, v13;
	v11 =	vor.u32 v26, v13;
	v9 =	vor.u32 v2, v21;
	s6 =	sadd.s32 $0x80, s6;
	v13 =	vld.idx.msk [tilespmem:v8+s3+$0x0], $0xffff;
	(pc) =	sbr.rel @p0 .LBB2_3-.Ltmp0, $4  }
0x4b: {  	v2 =	vmov v22;
	v8 =	vor.u32 v5, v21;
	[tilespmem:s6+$0x20] =	vst v10;
	v15 =	vld.idx.msk [tilespmem:v7+s3+$0x0], $0xffff;
	v7 =	vor.u32 v6, v21  }
0x4c: {  	v5 =	vmov v24;
	v6 =	vmov v26;
	[tilespmem:s6+$0xFFFFFFC0] =	vst v20;
	v14 =	vld.idx.msk [tilespmem:v23+s3+$0x0], $0xffff  }
0x4d: {  	[tilespmem:s6+$0xFFFFFFE0] =	vst v19  }
0x4e: {  	v16 =	vadd.s32 $0x4, v16;
	v10 =	vld.idx.msk [tilespmem:v27+s3+$0x0], $0xffff;
	[tilespmem:s6+$0x0] =	vst v25  }
0x4f: {  	_ =	sdelay $0x3  }
0x50: {  	v16 =	vld.idx.msk [tilespmem:v18+s3+$0x0], $0xffff;
	v3 =	vadd.s32 v1, v3;
	[tilespmem:s20+$0xFFFFFFD0] =	vst v12  }
0x51: {  	v12 =	vld.idx.msk [tilespmem:v17+s3+$0x0], $0xffff;
	[tilespmem:s20+$0xFFFFFFF0] =	vst v13;
	v4 =	vor.u32 v4, v3  }
0x52: {  	v11 =	vld.idx.msk [tilespmem:v11+s3+$0x0], $0xffff;
	[tilespmem:s20+$0x10] =	vst v15;
	v2 =	vor.u32 v2, v3  }
0x53: {  	v9 =	vld.idx.msk [tilespmem:v9+s3+$0x0], $0xffff;
	s8 =	sadd.s32 $0x80, s6;
	v5 =	vor.u32 v5, v3;
	[tilespmem:s6+$0x30] =	vst v14  }
0x54: {  	v8 =	vld.idx.msk [tilespmem:v8+s3+$0x0], $0xffff;
	v3 =	vor.u32 v6, v3;
	[tilespmem:s8+$0x20] =	vst v10  }
0x55: {  	v6 =	vld.idx.msk [tilespmem:v7+s3+$0x0], $0xffff;
	[tilespmem:s8+$0xFFFFFFC0] =	vst v16  }
0x56: {  	[tilespmem:s8+$0xFFFFFFE0] =	vst v12;
	v4 =	vld.idx.msk [tilespmem:v4+s3+$0x0], $0xffff  }
0x57: {  	[tilespmem:s8+$0x0] =	vst v11;
	v2 =	vld.idx.msk [tilespmem:v2+s3+$0x0], $0xffff  }
0x58: {  	[tilespmem:s6+$0xFFFFFFD0] =	vst v9;
	v5 =	vld.idx.msk [tilespmem:v5+s3+$0x0], $0xffff  }
0x59: {  	[tilespmem:s6+$0xFFFFFFF0] =	vst v8;
	v3 =	vld.idx.msk [tilespmem:v3+s3+$0x0], $0xffff  }
0x5a: {  	[tilespmem:s6+$0x10] =	vst v6  }
0x5b: {  	[tilespmem:s8+$0x30] =	vst v4  }
0x5c: {  	s20 =	smin.u32 s19, $0xF3F00;
	[tilespmem:s8+$0xFFFFFFD0] =	vst v2  }
0x5d: {  	s6 =	sshll.u32 s20, $0x2;
	[tilespmem:s8+$0xFFFFFFF0] =	vst v5  }
0x5e: {  	s6 =	sadd.s32 s5, s6;
	[tilespmem:s8+$0x10] =	vst v3  }
0x5f: {  	[hbm4b:s6+s3] =	stream.linear.scatter [tilespmem:s26], [sflag:$0x3], $0x7000, $0x38;
	[tilespmem:$0x1E000] =	vst v63  }
0x60: {  	_ =	swait.ge [sflag:s28], $0x1C00  }
0x61: {  	[sflag:s28] =	ssyncset.done $0x0  }
0x62: {  	[sflag:s28] =	ssyncadd.s32 $0xFFFFE400  }
0x63: {  	v2 =	vimm.s32 $0x0;
	_ =	swait.ge [sflag:s28], $0x1C00  }
0x64: {  	v3 =	vshll.u32 v2, $0x3;
	[sflag:s28] =	ssyncset.done $0x0  }
0x65: {  	v4 =	vand.u32 $0x7C, v2;
	v3 =	vand.u32 $0xFFFFFC00, v3;
	[sflag:s28] =	ssyncadd.s32 $0xFFFFE400  }
0x66: {  	v6 =	vor.u32 $0x3, v4;
	v5 =	vadd.s32 v0, v3;
	_ =	swait.ge [sflag:s28], $0x1C00  }
0x67: {  	v7 =	vor.u32 v6, v5;
	[sflag:s28] =	ssyncset.done $0x0  }
0x68: {  	v2 =	vadd.s32 $0x4, v2;
	v8 =	vor.u32 $0x1, v4;
	[sflag:s28] =	ssyncadd.s32 $0xFFFFE400  }
0x69: {  	v10 =	vor.u32 $0x2, v4;
	v12 =	vshll.u32 v2, $0x3;
	v9 =	vor.u32 v4, v5;
	_ =	swait.ge [sflag:s28], $0x1C00  }
0x6a: {  	v14 =	vand.u32 $0x7C, v2;
	v12 =	vand.u32 $0xFFFFFC00, v12;
	v11 =	vor.u32 v8, v5;
	[sflag:s28] =	ssyncset.done $0x0  }
0x6b: {  	v15 =	vor.u32 $0x3, v14;
	v5 =	vor.u32 v10, v5;
	v13 =	vadd.s32 v0, v12;
	[sflag:s28] =	ssyncadd.s32 $0xFFFFE400  }
0x6c: {  	v3 =	vadd.s32 v1, v3;
	v16 =	vor.u32 v15, v13;
	v7 =	vld.idx.msk [tilespmem:v7+s21+$0x0], $0xffff  }
0x6d: {  	v19 =	vor.u32 $0x1, v14;
	v6 =	vor.u32 v6, v3  }
0x6e: {  	v18 =	vor.u32 v19, v13;
	v9 =	vld.idx.msk [tilespmem:v9+s21+$0x0], $0xffff  }
0x6f: {  	v20 =	vor.u32 $0x2, v14;
	v17 =	vor.u32 v14, v13;
	v11 =	vld.idx.msk [tilespmem:v11+s21+$0x0], $0xffff  }
0x70: {  	s20 =	simm.s32 $0x17040;
	v13 =	vor.u32 v20, v13;
	v5 =	vld.idx.msk [tilespmem:v5+s21+$0x0], $0xffff  }
0x71: {  	v21 =	vadd.s32 $0x4, v2;
	v16 =	vld.idx.msk [tilespmem:v16+s21+$0x0], $0xffff;
	[tilespmem:s20+$0x20] =	vst v7;
	v7 =	vor.u32 v4, v3  }
0x72: {  	v8 =	vor.u32 v8, v3;
	v10 =	vor.u32 v10, v3;
	v3 =	vshll.u32 v21, $0x3;
	v6 =	vld.idx.msk [tilespmem:v6+s21+$0x0], $0xffff  }
0x73: {  	v2 =	vand.u32 $0x7C, v21;
	v22 =	vadd.s32 v1, v12;
	v23 =	vld.idx.msk [tilespmem:v18+s21+$0x0], $0xffff;
	[tilespmem:s20+$0xFFFFFFC0] =	vst v9;
	v3 =	vand.u32 $0xFFFFFC00, v3  }
0x74: {  	v24 =	vor.u32 v15, v22;
	v9 =	vld.idx.msk [tilespmem:v17+s21+$0x0], $0xffff;
	[tilespmem:s20+$0xFFFFFFE0] =	vst v11;
	v4 =	vor.u32 $0x3, v2;
	v11 =	vadd.s32 v0, v3  }
0x75: {  	s6 =	simm.s32 $0x170C0;
	v25 =	vld.idx.msk [tilespmem:v13+s21+$0x0], $0xffff;
	[tilespmem:s20+$0x0] =	vst v5;
	v26 =	vor.u32 v4, v11  }
0x76: {  	v5 =	vor.u32 $0x1, v2;
	[tilespmem:s6+$0x20] =	vst v16;
	v18 =	vor.u32 v2, v11;
	v12 =	vld.idx.msk [tilespmem:v7+s21+$0x0], $0xffff  }
0x77: {  	v13 =	vld.idx.msk [tilespmem:v8+s21+$0x0], $0xffff;
	v17 =	vor.u32 v5, v11;
	[tilespmem:s20+$0x30] =	vst v6;
	v6 =	vor.u32 $0x2, v2  }
0x78: {  	[tilespmem:s6+$0xFFFFFFE0] =	vst v23;
	v15 =	vld.idx.msk [tilespmem:v10+s21+$0x0], $0xffff;
	v11 =	vor.u32 v6, v11  }
0x79: {  	[tilespmem:s6+$0xFFFFFFC0] =	vst v9;
	v9 =	vor.u32 v14, v22;
	v14 =	vld.idx.msk [tilespmem:v24+s21+$0x0], $0xffff  }
0x7a: {  	s8 =	simm.s32 $0x8;
	v16 =	vadd.s32 $0x4, v21;
	[tilespmem:s6+$0x0] =	vst v25;
	v8 =	vor.u32 v19, v22;
	v7 =	vor.u32 v20, v22;
	v10 =	vld.idx.msk [tilespmem:v26+s21+$0x0], $0xffff  }
.LBB2_5:
0x7b: {  	v19 =	vshll.u32 v16, $0x3;
	s8 =	sadd.s32 $0x4, s8;
	v20 =	vld.idx.msk [tilespmem:v18+s21+$0x0], $0xffff;
	v21 =	vadd.s32 v1, v3;
	[tilespmem:s20+$0xFFFFFFD0] =	vst v12  }
0x7c: {  	v22 =	vand.u32 $0x7C, v16;
	v3 =	vand.u32 $0xFFFFFC00, v19;
	p0 =	slt.u32 s8, $0x37C;
	v19 =	vld.idx.msk [tilespmem:v17+s21+$0x0], $0xffff;
	v23 =	vor.u32 v4, v21;
	[tilespmem:s20+$0xFFFFFFF0] =	vst v13  }
0x7d: {  	v24 =	vor.u32 $0x1, v22;
	v4 =	vor.u32 $0x3, v22;
	v13 =	vadd.s32 v0, v3;
	v25 =	vld.idx.msk [tilespmem:v11+s21+$0x0], $0xffff;
	[tilespmem:s20+$0x10] =	vst v15;
	s20 =	smov.u32 s6  }
0x7e: {  	v26 =	vor.u32 $0x2, v22;
	v18 =	vor.u32 v22, v13;
	v27 =	vor.u32 v4, v13;
	v12 =	vld.idx.msk [tilespmem:v9+s21+$0x0], $0xffff;
	[tilespmem:s6+$0x30] =	vst v14  }
.Ltmp1:
0x7f: {  	v17 =	vor.u32 v24, v13;
	v11 =	vor.u32 v26, v13;
	v9 =	vor.u32 v2, v21;
	s6 =	sadd.s32 $0x80, s6;
	v13 =	vld.idx.msk [tilespmem:v8+s21+$0x0], $0xffff;
	(pc) =	sbr.rel @p0 .LBB2_5-.Ltmp1, $4  }
0x80: {  	v2 =	vmov v22;
	v8 =	vor.u32 v5, v21;
	[tilespmem:s6+$0x20] =	vst v10;
	v15 =	vld.idx.msk [tilespmem:v7+s21+$0x0], $0xffff;
	v7 =	vor.u32 v6, v21  }
0x81: {  	v5 =	vmov v24;
	v6 =	vmov v26;
	[tilespmem:s6+$0xFFFFFFC0] =	vst v20;
	v14 =	vld.idx.msk [tilespmem:v23+s21+$0x0], $0xffff  }
0x82: {  	[tilespmem:s6+$0xFFFFFFE0] =	vst v19  }
0x83: {  	v16 =	vadd.s32 $0x4, v16;
	v10 =	vld.idx.msk [tilespmem:v27+s21+$0x0], $0xffff;
	[tilespmem:s6+$0x0] =	vst v25  }
0x84: {  	_ =	sdelay $0x3  }
0x85: {  	v16 =	vld.idx.msk [tilespmem:v18+s21+$0x0], $0xffff;
	v3 =	vadd.s32 v1, v3;
	[tilespmem:s20+$0xFFFFFFD0] =	vst v12  }
0x86: {  	v62 =	vld.idx.msk [tilespmem:v17+s21+$0x0], $0xffff;
	[tilespmem:s20+$0xFFFFFFF0] =	vst v13;
	v4 =	vor.u32 v4, v3  }
0x87: {  	v11 =	vld.idx.msk [tilespmem:v11+s21+$0x0], $0xffff;
	[tilespmem:s20+$0x10] =	vst v15;
	v2 =	vor.u32 v2, v3  }
0x88: {  	v9 =	vld.idx.msk [tilespmem:v9+s21+$0x0], $0xffff;
	s8 =	sadd.s32 $0x80, s6;
	v5 =	vor.u32 v5, v3;
	[tilespmem:s6+$0x30] =	vst v14  }
0x89: {  	v8 =	vld.idx.msk [tilespmem:v8+s21+$0x0], $0xffff;
	v3 =	vor.u32 v6, v3;
	[tilespmem:s8+$0x20] =	vst v10  }
0x8a: {  	v63 =	vld.idx.msk [tilespmem:v7+s21+$0x0], $0xffff;
	[tilespmem:s8+$0xFFFFFFC0] =	vst v16  }
0x8b: {  	[tilespmem:s8+$0xFFFFFFE0] =	vst v62;
	v4 =	vld.idx.msk [tilespmem:v4+s21+$0x0], $0xffff  }
0x8c: {  	[tilespmem:s8+$0x0] =	vst v11;
	v2 =	vld.idx.msk [tilespmem:v2+s21+$0x0], $0xffff  }
0x8d: {  	[tilespmem:s6+$0xFFFFFFD0] =	vst v9;
	v5 =	vld.idx.msk [tilespmem:v5+s21+$0x0], $0xffff  }
0x8e: {  	[tilespmem:s6+$0xFFFFFFF0] =	vst v8;
	v3 =	vld.idx.msk [tilespmem:v3+s21+$0x0], $0xffff  }
0x8f: {  	[tilespmem:s6+$0x10] =	vst v63  }
0x90: {  	[tilespmem:s8+$0x30] =	vst v4  }
0x91: {  	p0 =	seq.s32 s0, $0x11;
	[tilespmem:s8+$0xFFFFFFD0] =	vst v2  }
0x92: {  	s6 =	smin.u32 @!p0 s19, $0xF3800;
	[tilespmem:s8+$0xFFFFFFF0] =	vst v5  }
0x93: {  	s19 =	simm.s32 @!p0 $0x0;
	[tilespmem:s8+$0x10] =	vst v3;
	s8 =	sadd.s32 @!p0 s6, s13  }
0x94: {  	[tilespmem:s19], [sflag:$0x1] =	stream.linear.gather @!p0 [hbm4b:s8+s19], $0x1C00, $0x38;
	[tilespmem:$0x1E000] =	vst v63  }
0x95: {  	s20 =	simm.s32 @!p0 $0x2000;
	s8 =	sadd.s32 @!p0 s6, s15  }
0x96: {  	[tilespmem:s20], [sflag:$0x1] =	stream.linear.gather @!p0 [hbm4b:s8+s19], $0x1C00, $0x38;
	[tilespmem:$0x1E000] =	vst v63  }
0x97: {  	s8 =	sadd.s32 @!p0 s6, s14;
	s20 =	simm.s32 @!p0 $0x4000  }
0x98: {  	[tilespmem:s20], [sflag:$0x1] =	stream.linear.gather @!p0 [hbm4b:s8+s19], $0x1C00, $0x38;
	[tilespmem:$0x1E000] =	vst v63  }
0x99: {  	s0 =	sadd.s32 $0x1, s0;
	s6 =	sadd.s32 @!p0 s6, s16;
	s8 =	simm.s32 @!p0 $0x6000  }
0x9a: {  	[tilespmem:s8], [sflag:$0x1] =	stream.linear.gather @!p0 [hbm4b:s6+s19], $0x1C00, $0x38;
	[tilespmem:$0x1E000] =	vst v63  }
0x9b: {  	p0 =	sne.s32 s0, $0x12  }
.Ltmp2:
0x9c: {  	_ = 	snop;
	(pc) =	sbr.rel @p0 .LBB2_2-.Ltmp2, $4  }
0x9d: {  	_ = 	snop  }
0x9e: {  	s20 =	sshll.u32 s18, $0x2  }
0x9f: {  	s6 =	sadd.s32 s5, s20  }
0xa0: {  	[hbm4b:s6+s3] =	stream.linear.scatter [tilespmem:s29], [sflag:$0x4], $0x7000, $0x38;
	[tilespmem:$0x1E000] =	vst v63  }
0xa1: {  	s2 =	sadd.s32 $0x1, s2  }
0xa2: {  	_ =	swait.ge [sflag:s30], $0x7000;
	p0 =	sne.s32 s2, s17  }
.Ltmp3:
0xa3: {  	[sflag:s30] =	ssyncset.done $0x0;
	(pc) =	sbr.rel @p0 .LBB2_1-.Ltmp3, $4  }
0xa4: {  	[sflag:s30] =	ssyncadd.s32 $0xFFFF9000  }
0xa5: {  	_ =	swait.ge [sflag:s31], $0x7000  }
0xa6: {  	[sflag:s31] =	ssyncset.done $0x0  }
0xa7: {  	[sflag:s31] =	ssyncadd.s32 $0xFFFF9000  }
0xa8: {  	_ =	sfence.sel $0x180000  }
0xa9: {  	[bflag:$0x0] =	sbarrier.arrive $0xFFFF  }
0xaa: {  	_ =	strace $0x90000047  }
0xab: {  	s0 =	stileid.u32;
	[bflag:$0x2] =	sbarrier.arrive $0xFFFF  }
0xac: {  	p0 =	sne.s32 s0, $0x0;
	s0 =	rddreg [dreg:$0x2]  }
0xad: {  	s0 =	sadd.s32 @!p0 $0x100000, s0  }
0xae: {  	[sflag:s0] =	ssyncadd.tile.s32 @!p0 $0x1;
	_ =	shalt  }
.Lfunc_end2:
_tile_overlayer_lowered:
.L_overlay_start_2:
0xaf: {  	(tag) =	ssettag $0x2  }
0xb0: {  	s0 =	rddreg [dreg:$0x0];
	s2 =	stileid.u32  }
0xb1: {  	s1 =	rddreg [dreg:$0x1];
	p0 =	sne.s32 s2, $0x0  }
0xb2: {  	s3 =	rddreg [dreg:$0x2];
	[bflag:$0x3] =	sbarrier.arrive $0xFFFF;
	s2 =	simm.s32 @!p0 $0x1C05  }
0xb3: {  	[timem:s3], [sflag:s2] =	dma.local @!p0 [hbm:s0], s1  }
0xb4: {  	s0 =	simm.s32 @!p0 $0x5  }
0xb5: {  	_ =	swait.ge @!p0 [sflag:s0], s1  }
0xb6: {  	s1 =	ssub.s32 @!p0 $0x0, s1;
	[sflag:s0] =	ssyncset.done @!p0 $0x0  }
0xb7: {  	[sflag:s0] =	ssyncadd.s32 @!p0 s1  }
0xb8: {  	[bflag:$0x3] =	sbarrier.arrive $0xFFFF  }
0xb9: {  	_ =	shalt  }

// kernel: _embed_native.7.cloned.1.call-start
scs
__scs_entry_jumppad:
0x0: {  	(pc) =	sbr.rel $0x88, $3  }
0x1: {  	(tag) =	ssettag $0x0;
	lr =	simm.s32 $0x1  }
0x2: {  	[smem:$0x3F9F] =	sst lr;
	_ =	strace $0xD0000000  }
0x3: {  	_ = 	snop  }
0x4: {  	_ = 	snop  }
0x5: {  	_ = 	snop  }
0x6: {  	_ = 	snop  }
0x7: {  	_ = 	snop  }
__scs_overlays_trampoline_lowered:
0x8: {  	[smem:$0x3FAE] =	sst s0  }
0x9: {  	[smem:$0x3FAF] =	sst s1  }
0xa: {  	[smem:$0x3FB0] =	sst s2  }
0xb: {  	[smem:$0x3FB1] =	sst s3  }
0xc: {  	[smem:$0x3FB2] =	sst s4  }
0xd: {  	[smem:$0x3FB3] =	sst s5  }
0xe: {  	[smem:$0x3FB4] =	sst s6  }
0xf: {  	[smem:$0x3FB5] =	sst s7  }
0x10: {  	[smem:$0x3FB6] =	sst s8  }
0x11: {  	[smem:$0x3FB7] =	sst s9;
	s0 =	simm.s32 @!p0 $0x0  }
0x12: {  	s1 =	sld [smem:$0x3F9D];
	s0 =	simm.s32 @p0 $0x1  }
0x13: {  	[smem:$0x3FB8] =	sst s0;
	s0 =	simm.s32 @!p1 $0x0  }
0x14: {  	s2 =	sld [smem:$0x3F9C];
	s0 =	simm.s32 @p1 $0x1  }
0x15: {  	[smem:$0x3FB9] =	sst s0;
	s0 =	simm.s32 @!p2 $0x0  }
0x16: {  	s3 =	sld [smem:$0x3FDB];
	s0 =	simm.s32 @p2 $0x1  }
0x17: {  	s4 =	simm.s32 $0x1BF5;
	[smem:$0x3FBB] =	sst s0  }
0x18: {  	s0 =	sld [smem:$0x3F9E];
	_ =	swait.ge [sflag:s4], $0x0  }
0x19: {  	s7 =	sld [smem:$0x3F9F]  }
0x1a: {  	s8 =	sadd.s32 $0xFFFFE003, lr  }
0x1b: {  	s9 =	sadd.s32 $0xFFFFFEF7, lr;
	s5 =	simm.s32 $0xFFFFFFFF;
	p2 =	slt.u32 s8, $0xFFFFF086  }
0x1c: {  	p1 =	slt.u32 s9, $0xF7A;
	s5 =	simm.s32 @!p2 $0x0  }
0x1d: {  	s5 =	simm.s32 @p1 $0x1;
	p0 =	seq.s32 s7, s2  }
0x1e: {  	s7 =	smul.u32 @!p0 $0xF7A, s2;
	p2 =	seq.s32 @!p0 s5, $0x0  }
0x1f: {  	s9 =	smul.u32 $0xF7A, s1;
	s8 =	simm.s32 @!p0 $0x1BF5;
	p2 =	por !p2, p0  }
0x20: {  	[sflag:s8] =	ssyncset.s32 @!p0 $0xFFFFF086;
	s6 =	sadd.s32 @!p0 s3, s7;
	s7 =	simm.s32 @!p0 $0x108  }
0x21: {  	s3 =	sadd.s32 s3, s9;
	s6 =	sadd.s32 @!p0 $0x88, s6;
	s7 =	simm.s32 @p2 $0x1082  }
0x22: {  	[simem:s7], [sflag:s8] =	dma.local @!p0 [hbm:s6], $0xF7A  }
0x23: {  	s9 =	sor.u32 $0xD0000000, s2;
	s6 =	simm.s32 $0x108;
	_ =	swait.ge @!p0 [sflag:s8], $0x0  }
0x24: {  	s3 =	sadd.s32 $0x88, s3;
	s6 =	simm.s32 @!p1 $0x1082;
	[sflag:s4] =	ssyncset.s32 $0xFFFFF086  }
0x25: {  	[simem:s6], [sflag:s4] =	dma.local [hbm:s3], $0xF7A  }
0x26: {  	[smem:$0x3F9F] =	sst s1;
	(tag) =	ssettag s2;
	_ =	strace s9  }
0x27: {  	s1 =	sld [smem:$0x3FAF]  }
0x28: {  	s2 =	sld [smem:$0x3FB0]  }
0x29: {  	s4 =	sld [smem:$0x3FB2]  }
0x2a: {  	p0 =	seq.s32 s5, $0x0;
	s5 =	sld [smem:$0x3FB3]  }
0x2b: {  	s6 =	sld [smem:$0x3FB4]  }
0x2c: {  	s7 =	sld [smem:$0x3FB5]  }
0x2d: {  	s3 =	simm.s32 $0x108;
	s8 =	sld [smem:$0x3FB6]  }
0x2e: {  	s3 =	simm.s32 @!p0 $0x1082;
	s9 =	sld [smem:$0x3FB7]  }
0x2f: {  	lr =	sadd.s32 s0, s3;
	s0 =	sld [smem:$0x3FAE]  }
0x30: {  	s3 =	sld [smem:$0x3FB1]  }
0x31: {  	[smem:$0x3FBA] =	sst s10  }
0x32: {  	s10 =	sld [smem:$0x3FB8];
	_ =	sdelay $0x3  }
0x33: {  	p0 =	seq.s32 s10, $0x1;
	s10 =	sld [smem:$0x3FBA];
	_ =	sdelay $0x3  }
0x34: {  	[smem:$0x3FBA] =	sst s10  }
0x35: {  	s10 =	sld [smem:$0x3FB9];
	_ =	sdelay $0x3  }
0x36: {  	p1 =	seq.s32 s10, $0x1;
	s10 =	sld [smem:$0x3FBA];
	_ =	sdelay $0x3  }
0x37: {  	[smem:$0x3FBA] =	sst s10  }
0x38: {  	s10 =	sld [smem:$0x3FBB]  }
0x39: {  	_ = 	snop;
	(pc) =	sbr.ind lr, $3  }
0x3a: {  	_ = 	snop  }
0x3b: {  	_ = 	snop  }
0x3c: {  	p2 =	seq.s32 s10, $0x1;
	s10 =	sld [smem:$0x3FBA]  }
0x3d: {  	_ =	shalt  }
0x3e: {  	_ =	shalt  }
0x3f: {  	_ =	shalt  }
0x40: {  	_ =	shalt  }
0x41: {  	_ =	shalt  }
0x42: {  	_ =	shalt  }
0x43: {  	_ =	shalt  }
0x44: {  	_ =	shalt  }
0x45: {  	_ =	shalt  }
0x46: {  	_ =	shalt  }
0x47: {  	_ =	shalt  }
0x48: {  	_ =	shalt  }
0x49: {  	_ =	shalt  }
0x4a: {  	_ =	shalt  }
0x4b: {  	_ =	shalt  }
0x4c: {  	_ =	shalt  }
0x4d: {  	_ =	shalt  }
0x4e: {  	_ =	shalt  }
0x4f: {  	_ =	shalt  }
0x50: {  	_ =	shalt  }
0x51: {  	_ =	shalt  }
0x52: {  	_ =	shalt  }
0x53: {  	_ =	shalt  }
0x54: {  	_ =	shalt  }
0x55: {  	_ =	shalt  }
0x56: {  	_ =	shalt  }
0x57: {  	_ =	shalt  }
0x58: {  	_ =	shalt  }
0x59: {  	_ =	shalt  }
0x5a: {  	_ =	shalt  }
0x5b: {  	_ =	shalt  }
0x5c: {  	_ =	shalt  }
0x5d: {  	_ =	shalt  }
0x5e: {  	_ =	shalt  }
0x5f: {  	_ =	shalt  }
0x60: {  	_ =	shalt  }
0x61: {  	_ =	shalt  }
0x62: {  	_ =	shalt  }
0x63: {  	_ =	shalt  }
0x64: {  	_ =	shalt  }
0x65: {  	_ =	shalt  }
0x66: {  	_ =	shalt  }
0x67: {  	_ =	shalt  }
0x68: {  	_ =	shalt  }
0x69: {  	_ =	shalt  }
0x6a: {  	_ =	shalt  }
0x6b: {  	_ =	shalt  }
0x6c: {  	_ =	shalt  }
0x6d: {  	_ =	shalt  }
0x6e: {  	_ =	shalt  }
0x6f: {  	_ =	shalt  }
0x70: {  	_ =	shalt  }
0x71: {  	_ =	shalt  }
0x72: {  	_ =	shalt  }
0x73: {  	_ =	shalt  }
0x74: {  	_ =	shalt  }
0x75: {  	_ =	shalt  }
0x76: {  	_ =	shalt  }
0x77: {  	_ =	shalt  }
0x78: {  	_ =	shalt  }
0x79: {  	_ =	shalt  }
0x7a: {  	_ =	shalt  }
0x7b: {  	_ =	shalt  }
0x7c: {  	_ =	shalt  }
0x7d: {  	_ =	shalt  }
0x7e: {  	_ =	shalt  }
0x7f: {  	_ =	shalt  }
0x80: {  	_ =	shalt  }
0x81: {  	_ =	shalt  }
0x82: {  	_ =	shalt  }
0x83: {  	_ =	shalt  }
0x84: {  	_ =	shalt  }
0x85: {  	_ =	shalt  }
0x86: {  	_ =	shalt  }
0x87: {  	_ =	shalt  }
.Lfunc_end0:
.L_simem_size_0:
called_computation.1_lowered:
.L_overlay_start_0:
0x88: {  	s2 =	sld [smem:$0x3FD9]  }
0x89: {  	s3 =	sld [smem:$0x3FFE];
	_ =	sdelay $0x1  }
0x8a: {  	s1 =	srdreg.scid  }
0x8b: {  	s0 =	sand.u32 $0x1, s1  }
0x8c: {  	s17 =	sshll.u32 s0, $0xA;
	s2 =	sadd.s32 s3, s2  }
0x8d: {  	s2 =	sadd.s32 s2, s17  }
0x8e: {  	[smem:$0x3FC6] =	sst s2  }
0x8f: {  	_ = 	snop  }
0x90: {  	s2 =	sld [smem:$0x3FC9]  }
0x91: {  	s18 =	sld [smem:$0x3FD0];
	(tm) =	ssettm $0x1  }
0x92: {  	s4 =	sld [smem:$0x3FFB];
	_ =	sdelay $0x3  }
0x93: {  	_ =	strace s4  }
0x94: {  	s4 =	sld [smem:$0x3FFC];
	_ =	sdelay $0x3  }
0x95: {  	_ =	strace s4  }
0x96: {  	s4 =	sld [smem:$0x3FFD];
	_ =	sdelay $0x3  }
0x97: {  	_ =	strace s4  }
0x98: {  	_ =	strace $0x8FFFFFFF  }
0x99: {  	s19 =	sld [smem:$0x3FDB];
	_ =	sdelay $0x1  }
0x9a: {  	s5 =	simm.s32 $_scs_section_size  }
0x9b: {  	s6 =	simm.s32 $_size__tile_overlayer_lowered;
	s7 =	simm.s32 $_tile_overlayer_lowered  }
0x9c: {  	s22 =	simm.s32 $0x1BFF;
	s21 =	sshll.u32 s7, $0x1;
	s4 =	sadd.s32 s5, s19  }
0x9d: {  	s8 =	simm.s32 $0x0;
	s20 =	sshll.u32 s6, $0x1;
	s6 =	sadd.s32 s21, s4  }
0x9e: {  	[timem:s8], [sflag:s22] =	dma.local [hbm:s6], s20  }
0x9f: {  	_ =	swait.ge [sflag:s22], s20  }
0xa0: {  	s5 =	ssub.s32 $0x0, s20;
	[sflag:s22] =	ssyncset.done $0x0  }
0xa1: {  	[sflag:s22] =	ssyncadd.s32 s5;
	_ =	sdelay $0x1  }
0xa2: {  	s23 =	simm.s32 $0x1B8B  }
0xa3: {  	_ =	swait.ge [sflag:s23], $0x1  }
0xa4: {  	[sflag:s23] =	ssyncset.done $0x0  }
0xa5: {  	s25 =	simm.s32 $0x1B8E;
	s24 =	sld [smem:$0x3FFE];
	[sflag:s23] =	ssyncadd.s32 $0xFFFFFFFF  }
0xa6: {  	s26 =	simm.s32 $execute0_lowered;
	[smem:$0x3FD2] =	sst s25  }
0xa7: {  	s6 =	sshll.u32 s26, $0x1;
	_ =	strace $0x80000049;
	[dreg:$0x1] =	wrdreg $0xFFFFFFFF  }
0xa8: {  	s28 =	simm.s32 $_size_execute0_lowered;
	s4 =	sadd.s32 s4, s6;
	[dreg:$0x0] =	wrdreg $0x0  }
0xa9: {  	s6 =	sshll.u32 s28, $0x1;
	[dreg:$0x2] =	wrdreg s4  }
0xaa: {  	[dreg:$0x3] =	wrdreg s6  }
0xab: {  	[dreg:$0x4] =	wrdreg $0xC0  }
0xac: {  	_ =	task [dreg:s8], $0x5FFFF  }
0xad: {  	[dreg:$0x1] =	wrdreg $0xFFFFFFFF  }
0xae: {  	[dreg:$0x0] =	wrdreg $0x60  }
0xaf: {  	[dreg:$0x2] =	wrdreg s2  }
0xb0: {  	[dreg:$0x3] =	wrdreg s24  }
0xb1: {  	[dreg:$0x4] =	wrdreg s18  }
0xb2: {  	[dreg:$0x5] =	wrdreg $0x9  }
0xb3: {  	_ =	task.clear_ibuf [dreg:s8], $0x6FFFF;
	_ =	strace $0x90000049  }
0xb4: {  	s29 =	simm.s32 $0x9;
	_ =	strace $0x8000004B  }
0xb5: {  	_ =	swait.ge [sflag:s29], $0x1  }
0xb6: {  	[sflag:s29] =	ssyncadd.s32 $0xFFFFFFFF  }
0xb7: {  	_ =	strace $0x9000004B  }
0xb8: {  	_ =	sfence  }
0xb9: {  	s30 =	sld [smem:$0x0];
	_ =	sdelay $0x2  }
0xba: {  	s31 =	sshll.u32 s1, $0xD;
	s1 =	sshrl.u32 s1, $0x2  }
0xbb: {  	s3 =	sand.u32 $0x4000, s31;
	s1 =	sadd.s32 s1, s30  }
0xbc: {  	s0 =	sor.u32 s3, s0;
	s1 =	sshll.u32 s1, $0x11  }
0xbd: {  	s0 =	sor.u32 s1, s0  }
0xbe: {  	s0 =	sadd.s32 $0x8F2B, s0  }
0xbf: {  	[sflag:s0] =	ssyncadd.remote.s32 $0x1  }
0xc0: {  	_ =	sfence.sel $0xFFFF  }
0xc1: {  	[dreg:$0x0] =	wrdreg $0xFFFFFFFF;
	(pc) =	sbr.abs _section_cstart, $3  }
0xc2: {  	[dreg:$0x1] =	wrdreg $0xFFFFFFFF  }
0xc3: {  	_ =	task.clear_ibuf [dreg:s8], $0x2FFFF;
	_ =	strace $0x9FFFFFFF  }
0xc4: {  	(tm) =	ssettm $0x7FFFFFFF  }
0xc5: {  	_ =	shalt  }
tec
execute0_lowered:
.L_overlay_start_1:
0x0: {  	(tag) =	ssettag $0x1  }
0x1: {  	s0 =	rddreg [dreg:$0x0]  }
0x2: {  	s1 =	rddreg [dreg:$0x1]  }
0x3: {  	s2 =	rddreg [dreg:$0x2]  }
0x4: {  	s3 =	srdreg.scid;
	s5 =	stileid.u32;
	s13 =	simm.s32 $0x5  }
0x5: {  	s14 =	simm.s32 $0x80;
	s21 =	simm.s32 $0x200;
	s30 =	simm.s32 $0x1  }
0x6: {  	s31 =	simm.s32 $0x8400;
	s12 =	simm.s32 $0xC800;
	s28 =	simm.s32 $0x10848  }
0x7: {  	v0 =	vlaneseq.u32;
	s29 =	simm.s32 $0x108D0;
	s16 =	simm.s32 $0x0;
	s4 =	sand.u32 $0x1, s3  }
0x8: {  	s5 =	sshll.u32 s5, $0x1;
	s3 =	simm.s32 $0x0;
	s9 =	sadd.s32 $0x2000, s2;
	v63 =	vmul.u32 $0x88, v0  }
0x9: {  	s10 =	sadd.s32 $0x3000, s2;
	s11 =	sadd.s32 $0x80, s0;
	[smem:$0x7FF] =	sst s3  }
0xa: {  	s6 =	ssub.s32 $0x2, s4;
	s5 =	sor.u32 s4, s5;
	_ =	strace $0x8000004A;
	v7 =	vadd.s32 $0x2200, v63;
	[tilespmem:$0x1FFF0] =	vst v63  }
0xb: {  	s4 =	sadd.s32 $0x800, s1;
	s7 =	sshrl.u32 s6, $0x1;
	s8 =	smul.u32 $0xC80, s5;
	v60 =	vadd.s32 $0x3300, v63;
	[tilespmem:$0x1FFA0] =	vst v7  }
0xc: {  	s1 =	simm.s32 $0x4;
	s5 =	smul.u32 $0x32, s5;
	v59 =	vadd.s32 $0x2A80, v63;
	s24 =	ssub.s32 s6, s7;
	[tilespmem:$0x1FFB0] =	vst v60  }
0xd: {  	v3 =	vadd.s32 $0x1100, v63;
	s7 =	sadd.s32 $0x40, s0;
	s6 =	simm.s32 $0x2;
	[tilespmem:$0x1FFC0] =	vst v59;
	s25 =	sadd.s32 s0, s8  }
0xe: {  	v62 =	vadd.s32 $0x880, v63;
	[tilespmem:$0x1FFD0] =	vst v3;
	s8 =	sadd.s32 $0x1000, s2;
	s26 =	smax.u32 s24, $0x1;
	[dreg:$0x4] =	wrdreg s25  }
0xf: {  	v6 =	vadd.s32 $0x1980, v63;
	v61 =	vadd.s32 $0x3B80, v63;
	[tilespmem:$0x1FFE0] =	vst v62;
	s0 =	simm.s32 $0x3;
	[dreg:$0x5] =	wrdreg s26;
	s26 =	simm.s32 $0x107C0  }
.LBB2_1:
0x10: {  	[dreg:$0x6] =	wrdreg s16  }
0x11: {  	s15 =	rddreg [dreg:$0x4]  }
0x12: {  	[tilespmem:s3], [sflag:$0x5] =	stream.linear.gather [hbm4b:s15+s3], $0x200, $0x38;
	[tilespmem:$0x10C00] =	vst v63  }
0x13: {  	_ =	swait.ge [sflag:s13], $0x200  }
0x14: {  	[sflag:s13] =	ssyncset.done $0x0  }
0x15: {  	s19 =	simm.s32 $0x400;
	[sflag:s13] =	ssyncadd.s32 $0xFFFFFE00  }
0x16: {  	[tilespmem:s19], [sflag:$0x1] =	stream.indirect.gather [hbm4b:s4+s14], $0x20, s3, s14, $0xb8;
	[tilespmem:$0x10C00] =	vst v63  }
0x17: {  	s20 =	simm.s32 $0x1400  }
0x18: {  	[tilespmem:s20], [sflag:$0x1] =	stream.indirect.gather [hbm4b:s4+s14], $0x20, s14, s14, $0xb8;
	[tilespmem:$0x10C00] =	vst v63  }
0x19: {  	s22 =	simm.s32 $0x100;
	s23 =	simm.s32 $0x2400  }
0x1a: {  	[tilespmem:s23], [sflag:$0x1] =	stream.indirect.gather [hbm4b:s4+s14], $0x20, s22, s14, $0xb8;
	[tilespmem:$0x10C00] =	vst v63  }
0x1b: {  	s24 =	simm.s32 $0x180;
	s25 =	simm.s32 $0x3400;
	s15 =	simm.s32 $0x0  }
0x1c: {  	[tilespmem:s25], [sflag:$0x1] =	stream.indirect.gather [hbm4b:s4+s14], $0x20, s24, s14, $0xb8;
	[tilespmem:$0x10C00] =	vst v63  }
.LBB2_2:
0x1d: {  	p0 =	seq.s32 s15, $0x0  }
0x1e: {  	s18 =	simm.s32 @!p0 $0x4  }
0x1f: {  	_ =	swait.ge @!p0 [sflag:s18], $0x400  }
0x20: {  	[sflag:s18] =	ssyncset.done @!p0 $0x0  }
0x21: {  	[sflag:s18] =	ssyncadd.s32 @!p0 $0xFFFFFC00  }
0x22: {  	_ =	swait.ge @!p0 [sflag:s18], $0x400  }
0x23: {  	[sflag:s18] =	ssyncset.done @!p0 $0x0  }
0x24: {  	[sflag:s18] =	ssyncadd.s32 @!p0 $0xFFFFFC00  }
0x25: {  	_ =	swait.ge @!p0 [sflag:s18], $0x400  }
0x26: {  	[sflag:s18] =	ssyncset.done @!p0 $0x0  }
0x27: {  	[sflag:s18] =	ssyncadd.s32 @!p0 $0xFFFFFC00  }
0x28: {  	_ =	swait.ge @!p0 [sflag:s18], $0x400  }
0x29: {  	[sflag:s18] =	ssyncset.done @!p0 $0x0  }
0x2a: {  	[sflag:s18] =	ssyncadd.s32 @!p0 $0xFFFFFC00  }
0x2b: {  	_ =	swait.ge @!p0 [sflag:s18], $0x400  }
0x2c: {  	[sflag:s18] =	ssyncset.done @!p0 $0x0  }
0x2d: {  	[sflag:s18] =	ssyncadd.s32 @!p0 $0xFFFFFC00  }
0x2e: {  	_ =	swait.ge @!p0 [sflag:s18], $0x400  }
0x2f: {  	[sflag:s18] =	ssyncset.done @!p0 $0x0  }
0x30: {  	[sflag:s18] =	ssyncadd.s32 @!p0 $0xFFFFFC00  }
0x31: {  	_ =	swait.ge @!p0 [sflag:s18], $0x400  }
0x32: {  	[sflag:s18] =	ssyncset.done @!p0 $0x0  }
0x33: {  	[sflag:s18] =	ssyncadd.s32 @!p0 $0xFFFFFC00  }
0x34: {  	_ =	swait.ge @!p0 [sflag:s18], $0x400  }
0x35: {  	[sflag:s18] =	ssyncset.done @!p0 $0x0  }
0x36: {  	[sflag:s18] =	ssyncadd.s32 @!p0 $0xFFFFFC00  }
0x37: {  	_ =	swait.ge @!p0 [sflag:s18], $0x400  }
0x38: {  	[sflag:s18] =	ssyncset.done @!p0 $0x0  }
0x39: {  	[sflag:s18] =	ssyncadd.s32 @!p0 $0xFFFFFC00  }
0x3a: {  	_ =	swait.ge @!p0 [sflag:s18], $0x400  }
0x3b: {  	[sflag:s18] =	ssyncset.done @!p0 $0x0  }
0x3c: {  	[sflag:s18] =	ssyncadd.s32 @!p0 $0xFFFFFC00  }
0x3d: {  	_ =	swait.ge @!p0 [sflag:s18], $0x400  }
0x3e: {  	[sflag:s18] =	ssyncset.done @!p0 $0x0  }
0x3f: {  	[sflag:s18] =	ssyncadd.s32 @!p0 $0xFFFFFC00  }
0x40: {  	_ =	swait.ge @!p0 [sflag:s18], $0x400  }
0x41: {  	[sflag:s18] =	ssyncset.done @!p0 $0x0  }
0x42: {  	[sflag:s18] =	ssyncadd.s32 @!p0 $0xFFFFFC00  }
0x43: {  	_ =	swait.ge @!p0 [sflag:s18], $0x400  }
0x44: {  	[sflag:s18] =	ssyncset.done @!p0 $0x0  }
0x45: {  	[sflag:s18] =	ssyncadd.s32 @!p0 $0xFFFFFC00  }
0x46: {  	_ =	swait.ge @!p0 [sflag:s18], $0x400  }
0x47: {  	[sflag:s18] =	ssyncset.done @!p0 $0x0  }
0x48: {  	[sflag:s18] =	ssyncadd.s32 @!p0 $0xFFFFFC00  }
0x49: {  	_ =	swait.ge @!p0 [sflag:s18], $0x400  }
0x4a: {  	[sflag:s18] =	ssyncset.done @!p0 $0x0  }
0x4b: {  	s16 =	sshll.u32 s15, $0x1;
	[sflag:s18] =	ssyncadd.s32 @!p0 $0xFFFFFC00  }
0x4c: {  	s16 =	sadd.s32 s5, s16;
	_ =	swait.ge @!p0 [sflag:s18], $0x400  }
0x4d: {  	s17 =	sshll.u32 s16, $0x6;
	[sflag:s18] =	ssyncset.done @!p0 $0x0  }
0x4e: {  	s25 =	sadd.s32 s17, s7;
	[sflag:s18] =	ssyncadd.s32 @!p0 $0xFFFFFC00  }
0x4f: {  	[tilespmem:s21], [sflag:$0x5] =	stream.linear.gather [hbm4b:s25+s3], $0x200, $0x38;
	[tilespmem:$0x10C00] =	vst v63  }
0x50: {  	_ =	swait.ge [sflag:s13], $0x200  }
0x51: {  	[sflag:s13] =	ssyncset.done $0x0  }
0x52: {  	s19 =	simm.s32 $0x4400;
	[sflag:s13] =	ssyncadd.s32 $0xFFFFFE00  }
0x53: {  	[tilespmem:s19], [sflag:$0x2] =	stream.indirect.gather [hbm4b:s4+s14], $0x20, s21, s14, $0xb8;
	[tilespmem:$0x10C00] =	vst v63  }
0x54: {  	s20 =	simm.s32 $0x280;
	s19 =	simm.s32 $0x5400  }
0x55: {  	[tilespmem:s19], [sflag:$0x2] =	stream.indirect.gather [hbm4b:s4+s14], $0x20, s20, s14, $0xb8;
	[tilespmem:$0x10C00] =	vst v63  }
0x56: {  	s22 =	simm.s32 $0x300;
	s23 =	simm.s32 $0x6400  }
0x57: {  	[tilespmem:s23], [sflag:$0x2] =	stream.indirect.gather [hbm4b:s4+s14], $0x20, s22, s14, $0xb8;
	[tilespmem:$0x10C00] =	vst v63  }
0x58: {  	s24 =	simm.s32 $0x380;
	s18 =	simm.s32 @!p0 $0x3;
	s25 =	simm.s32 $0x7400  }
0x59: {  	[tilespmem:s25], [sflag:$0x2] =	stream.indirect.gather [hbm4b:s4+s14], $0x20, s24, s14, $0xb8;
	[tilespmem:$0x10C00] =	vst v63  }
0x5a: {  	_ =	swait.ge @!p0 [sflag:s18], $0x400  }
0x5b: {  	[sflag:s18] =	ssyncset.done @!p0 $0x0  }
0x5c: {  	[sflag:s18] =	ssyncadd.s32 @!p0 $0xFFFFFC00  }
0x5d: {  	_ =	swait.ge @!p0 [sflag:s18], $0x400  }
0x5e: {  	[sflag:s18] =	ssyncset.done @!p0 $0x0  }
0x5f: {  	[sflag:s18] =	ssyncadd.s32 @!p0 $0xFFFFFC00  }
0x60: {  	_ =	swait.ge @!p0 [sflag:s18], $0x400  }
0x61: {  	[sflag:s18] =	ssyncset.done @!p0 $0x0  }
0x62: {  	[sflag:s18] =	ssyncadd.s32 @!p0 $0xFFFFFC00  }
0x63: {  	_ =	swait.ge @!p0 [sflag:s18], $0x400  }
0x64: {  	[sflag:s18] =	ssyncset.done @!p0 $0x0  }
0x65: {  	[sflag:s18] =	ssyncadd.s32 @!p0 $0xFFFFFC00  }
0x66: {  	_ =	swait.ge @!p0 [sflag:s18], $0x400  }
0x67: {  	[sflag:s18] =	ssyncset.done @!p0 $0x0  }
0x68: {  	[sflag:s18] =	ssyncadd.s32 @!p0 $0xFFFFFC00  }
0x69: {  	_ =	swait.ge @!p0 [sflag:s18], $0x400  }
0x6a: {  	[sflag:s18] =	ssyncset.done @!p0 $0x0  }
0x6b: {  	[sflag:s18] =	ssyncadd.s32 @!p0 $0xFFFFFC00  }
0x6c: {  	_ =	swait.ge @!p0 [sflag:s18], $0x400  }
0x6d: {  	[sflag:s18] =	ssyncset.done @!p0 $0x0  }
0x6e: {  	[sflag:s18] =	ssyncadd.s32 @!p0 $0xFFFFFC00  }
0x6f: {  	_ =	swait.ge @!p0 [sflag:s18], $0x400  }
0x70: {  	[sflag:s18] =	ssyncset.done @!p0 $0x0  }
0x71: {  	[sflag:s18] =	ssyncadd.s32 @!p0 $0xFFFFFC00  }
0x72: {  	_ =	swait.ge @!p0 [sflag:s18], $0x400  }
0x73: {  	[sflag:s18] =	ssyncset.done @!p0 $0x0  }
0x74: {  	[sflag:s18] =	ssyncadd.s32 @!p0 $0xFFFFFC00  }
0x75: {  	_ =	swait.ge @!p0 [sflag:s18], $0x400  }
0x76: {  	[sflag:s18] =	ssyncset.done @!p0 $0x0  }
0x77: {  	[sflag:s18] =	ssyncadd.s32 @!p0 $0xFFFFFC00  }
0x78: {  	_ =	swait.ge @!p0 [sflag:s18], $0x400  }
0x79: {  	[sflag:s18] =	ssyncset.done @!p0 $0x0  }
0x7a: {  	[sflag:s18] =	ssyncadd.s32 @!p0 $0xFFFFFC00  }
0x7b: {  	_ =	swait.ge @!p0 [sflag:s18], $0x400  }
0x7c: {  	[sflag:s18] =	ssyncset.done @!p0 $0x0  }
0x7d: {  	[sflag:s18] =	ssyncadd.s32 @!p0 $0xFFFFFC00  }
0x7e: {  	_ =	swait.ge @!p0 [sflag:s18], $0x400  }
0x7f: {  	[sflag:s18] =	ssyncset.done @!p0 $0x0  }
0x80: {  	[sflag:s18] =	ssyncadd.s32 @!p0 $0xFFFFFC00  }
0x81: {  	_ =	swait.ge @!p0 [sflag:s18], $0x400  }
0x82: {  	[sflag:s18] =	ssyncset.done @!p0 $0x0  }
0x83: {  	[sflag:s18] =	ssyncadd.s32 @!p0 $0xFFFFFC00  }
0x84: {  	_ =	swait.ge @!p0 [sflag:s18], $0x400  }
0x85: {  	[sflag:s18] =	ssyncset.done @!p0 $0x0  }
0x86: {  	[sflag:s18] =	ssyncadd.s32 @!p0 $0xFFFFFC00  }
0x87: {  	_ =	swait.ge @!p0 [sflag:s18], $0x400  }
0x88: {  	[sflag:s18] =	ssyncset.done @!p0 $0x0  }
0x89: {  	[sflag:s18] =	ssyncadd.s32 @!p0 $0xFFFFFC00  }
0x8a: {  	_ =	swait.ge [sflag:s30], $0x1000  }
0x8b: {  	[sflag:s30] =	ssyncset.done $0x0  }
0x8c: {  	[sflag:s30] =	ssyncadd.s32 $0xFFFFF000  }
0x8d: {  	_ =	swait.ge [sflag:s30], $0x1000  }
0x8e: {  	[sflag:s30] =	ssyncset.done $0x0  }
0x8f: {  	[sflag:s30] =	ssyncadd.s32 $0xFFFFF000  }
0x90: {  	_ =	swait.ge [sflag:s30], $0x1000  }
0x91: {  	[sflag:s30] =	ssyncset.done $0x0  }
0x92: {  	[sflag:s30] =	ssyncadd.s32 $0xFFFFF000  }
0x93: {  	_ =	swait.ge [sflag:s30], $0x1000  }
0x94: {  	[sflag:s30] =	ssyncset.done $0x0  }
0x95: {  	v8 =	vimm.s32 $0x0;
	s19 =	simm.s32 $0x2400;
	[sflag:s30] =	ssyncadd.s32 $0xFFFFF000  }
0x96: {  	v36 =	vand.u32 $0xFFFFFFF8, v8;
	v34 =	vand.u32 $0x4, v8;
	v9 =	vld [tilespmem:s19+$0xFFFFE020]  }
0x97: {  	v10 =	vadd.s32 v63, v36;
	v37 =	vor.u32 $0x1, v34  }
0x98: {  	v12 =	vor.u32 v37, v10;
	v11 =	vld [tilespmem:s19+$0xFFFFE060]  }
0x99: {  	v38 =	vor.u32 $0x3, v34  }
0x9a: {  	v13 =	vor.u32 v38, v10  }
0x9b: {  	v9 =	vmul.f32 $5.656854150e+00, v9;
	_ =	sdelay $0x1  }
0x9c: {  	v14 =	vld [tilespmem:s19+$0xFFFFE040];
	[tilespmem:v12+s31+$0x0] =	vst.idx.msk $0xffff, v9;
	v9 =	vmul.f32 $5.656854150e+00, v11  }
0x9d: {  	v43 =	vor.u32 $0x2, v34;
	v11 =	vld [tilespmem:s19+$0xFFFFE030]  }
0x9e: {  	v12 =	vor.u32 v43, v10;
	[tilespmem:v13+s31+$0x0] =	vst.idx.msk $0xffff, v9;
	v9 =	vadd.s32 v62, v36  }
0x9f: {  	v13 =	vor.u32 v37, v9;
	v15 =	vld [tilespmem:s19+$0xFFFFE070]  }
0xa0: {  	v16 =	vld [tilespmem:s19+$0xFFFFE000]  }
0xa1: {  	v14 =	vmul.f32 $5.656854150e+00, v14;
	v17 =	vor.u32 v38, v9  }
0xa2: {  	v10 =	vor.u32 v34, v10;
	v11 =	vmul.f32 $5.656854150e+00, v11  }
0xa3: {  	[tilespmem:v12+s31+$0x0] =	vst.idx.msk $0xffff, v14  }
0xa4: {  	v12 =	vld [tilespmem:s19+$0xFFFFE050];
	[tilespmem:v13+s31+$0x0] =	vst.idx.msk $0xffff, v11;
	v11 =	vmul.f32 $5.656854150e+00, v15  }
0xa5: {  	v13 =	vmul.f32 $5.656854150e+00, v16;
	v14 =	vld [tilespmem:s19+$0xFFFFF020]  }
0xa6: {  	v15 =	vor.u32 v43, v9;
	v16 =	vadd.s32 v3, v36;
	[tilespmem:v17+s31+$0x0] =	vst.idx.msk $0xffff, v11  }
0xa7: {  	[tilespmem:v10+s31+$0x0] =	vst.idx.msk $0xffff, v13;
	v11 =	vor.u32 v37, v16;
	v13 =	vld [tilespmem:s19+$0xFFFFF060]  }
0xa8: {  	v19 =	vadd.s32 $0x4, v8;
	v17 =	vld [tilespmem:s19+$0xFFFFE010]  }
0xa9: {  	s18 =	simm.s32 $0x2480;
	v18 =	vor.u32 v34, v9;
	v20 =	vor.u32 v38, v16;
	v12 =	vmul.f32 $5.656854150e+00, v12  }
0xaa: {  	v21 =	vld [tilespmem:s18+$0xFFFFE040];
	v9 =	vand.u32 $0xFFFFFFF8, v19;
	v10 =	vand.u32 $0x4, v19;
	v14 =	vmul.f32 $5.656854150e+00, v14  }
0xab: {  	v22 =	vld [tilespmem:s18+$0xFFFFE020];
	v8 =	vor.u32 $0x2, v10;
	[tilespmem:v15+s31+$0x0] =	vst.idx.msk $0xffff, v12;
	v15 =	vadd.s32 v63, v9  }
0xac: {  	v12 =	vor.u32 $0x1, v10;
	v23 =	vld [tilespmem:s19+$0xFFFFF040];
	v24 =	vor.u32 v8, v15;
	[tilespmem:v11+s31+$0x0] =	vst.idx.msk $0xffff, v14;
	v11 =	vmul.f32 $5.656854150e+00, v13  }
0xad: {  	v13 =	vmul.f32 $5.656854150e+00, v17;
	v14 =	vor.u32 v12, v15;
	v17 =	vld [tilespmem:s19+$0xFFFFF030]  }
0xae: {  	v27 =	vadd.s32 v6, v36;
	v26 =	vld [tilespmem:s18+$0xFFFFE000];
	v25 =	vor.u32 v43, v16;
	[tilespmem:v20+s31+$0x0] =	vst.idx.msk $0xffff, v11  }
0xaf: {  	[tilespmem:v18+s31+$0x0] =	vst.idx.msk $0xffff, v13;
	v11 =	vmul.f32 $5.656854150e+00, v21;
	v13 =	vor.u32 v37, v27;
	v18 =	vld [tilespmem:s19+$0xFFFFF070]  }
0xb0: {  	v28 =	vadd.s32 v59, v36;
	v22 =	vmul.f32 $5.656854150e+00, v22;
	v20 =	vor.u32 v10, v15;
	v21 =	vld [tilespmem:s19+$0xFFFFF000]  }
0xb1: {  	v30 =	vadd.s32 v60, v36;
	v29 =	vld [tilespmem:s18+$0xFFFFE060];
	v23 =	vmul.f32 $5.656854150e+00, v23;
	[tilespmem:v24+s31+$0x0] =	vst.idx.msk $0xffff, v11;
	v24 =	vor.u32 v38, v27  }
0xb2: {  	v16 =	vor.u32 v34, v16;
	v11 =	vor.u32 $0x3, v10;
	[tilespmem:v14+s31+$0x0] =	vst.idx.msk $0xffff, v22;
	v14 =	vld [tilespmem:s18+$0xFFFFE050];
	v17 =	vmul.f32 $5.656854150e+00, v17  }
0xb3: {  	v15 =	vor.u32 v11, v15;
	[tilespmem:v25+s31+$0x0] =	vst.idx.msk $0xffff, v23;
	v23 =	vmul.f32 $5.656854150e+00, v26;
	v25 =	vadd.s32 v62, v9  }
0xb4: {  	v32 =	vor.u32 v37, v28;
	v22 =	vld [tilespmem:s18+$0xFFFFE030];
	[tilespmem:v13+s31+$0x0] =	vst.idx.msk $0xffff, v17;
	v17 =	vmul.f32 $5.656854150e+00, v18;
	v18 =	vor.u32 v8, v25  }
0xb5: {  	v33 =	vor.u32 v43, v28;
	v41 =	vor.u32 v38, v28;
	s20 =	simm.s32 $0x2500;
	[tilespmem:v20+s31+$0x0] =	vst.idx.msk $0xffff, v23;
	v13 =	vld [tilespmem:s19+$0xFFFFF050];
	v20 =	vmul.f32 $5.656854150e+00, v21  }
0xb6: {  	v40 =	vor.u32 v37, v30;
	v45 =	vld [tilespmem:s20+$0xFFFFE060];
	v23 =	vmul.f32 $5.656854150e+00, v29;
	v21 =	vor.u32 v12, v25;
	[tilespmem:v24+s31+$0x0] =	vst.idx.msk $0xffff, v17  }
0xb7: {  	v42 =	vor.u32 v43, v30;
	v48 =	vld [tilespmem:s20+$0xFFFFE040];
	v29 =	vor.u32 v43, v27;
	v14 =	vmul.f32 $5.656854150e+00, v14;
	[tilespmem:v16+s31+$0x0] =	vst.idx.msk $0xffff, v20  }
0xb8: {  	v44 =	vor.u32 v34, v30;
	v0 =	vor.u32 v38, v30;
	v31 =	vld [tilespmem:s19+$0x20];
	[tilespmem:v15+s31+$0x0] =	vst.idx.msk $0xffff, v23  }
0xb9: {  	v26 =	vor.u32 v34, v28;
	v16 =	vmul.f32 $5.656854150e+00, v22;
	v22 =	vadd.s32 v7, v36;
	[tilespmem:v18+s31+$0x0] =	vst.idx.msk $0xffff, v14;
	v14 =	vld [tilespmem:s18+$0xFFFFE070]  }
0xba: {  	v27 =	vor.u32 v34, v27;
	v17 =	vld [tilespmem:s19+$0x60];
	v18 =	vor.u32 v37, v22;
	v13 =	vmul.f32 $5.656854150e+00, v13  }
0xbb: {  	v4 =	vmov v61;
	v20 =	vor.u32 v11, v25;
	v25 =	vor.u32 v10, v25;
	v15 =	vld [tilespmem:s19+$0xFFFFF010];
	[tilespmem:v21+s31+$0x0] =	vst.idx.msk $0xffff, v16  }
0xbc: {  	v47 =	vadd.s32 $0x4, v19;
	v39 =	vld [tilespmem:s18+$0xFFFFE010];
	v36 =	vadd.s32 v4, v36;
	[tilespmem:v29+s31+$0x0] =	vst.idx.msk $0xffff, v13;
	v29 =	vor.u32 v38, v22  }
0xbd: {  	v30 =	vor.u32 v43, v22;
	v2 =	vor.u32 v34, v22;
	v24 =	vld [tilespmem:s18+$0xFFFFF020];
	v13 =	vmul.f32 $5.656854150e+00, v31  }
0xbe: {  	v16 =	vand.u32 $0xFFFFFFF8, v47;
	v31 =	vadd.s32 v3, v9;
	v28 =	vld [tilespmem:s19+$0x40];
	v19 =	vmul.f32 $5.656854150e+00, v14  }
0xbf: {  	v55 =	vld [tilespmem:s20+$0xFFFFE000];
	v46 =	vor.u32 v12, v31;
	v17 =	vmul.f32 $5.656854150e+00, v17;
	[tilespmem:v18+s31+$0x0] =	vst.idx.msk $0xffff, v13;
	v13 =	vand.u32 $0x4, v47  }
0xc0: {  	v50 =	vadd.s32 v63, v16;
	v18 =	vmul.f32 $5.656854150e+00, v15;
	v49 =	vld [tilespmem:s19+$0x30];
	v14 =	vor.u32 $0x2, v13;
	[tilespmem:v20+s31+$0x0] =	vst.idx.msk $0xffff, v19  }
0xc1: {  	v39 =	vmul.f32 $5.656854150e+00, v39;
	v19 =	vld [tilespmem:s20+$0xFFFFE020];
	v51 =	vor.u32 v14, v50;
	[tilespmem:v29+s31+$0x0] =	vst.idx.msk $0xffff, v17;
	v17 =	vor.u32 $0x3, v13  }
0xc2: {  	v15 =	vor.u32 $0x1, v13;
	[tilespmem:v27+s31+$0x0] =	vst.idx.msk $0xffff, v18;
	v18 =	vmul.f32 $5.656854150e+00, v24;
	v24 =	vld [tilespmem:s18+$0xFFFFF060];
	v63 =	vor.u32 v17, v50  }
0xc3: {  	v21 =	vadd.s32 v59, v9;
	[tilespmem:v25+s31+$0x0] =	vst.idx.msk $0xffff, v39;
	v1 =	vor.u32 v15, v50;
	v25 =	vmul.f32 $5.656854150e+00, v28;
	v28 =	vld [tilespmem:s19+$0x0]  }
0xc4: {  	v23 =	vld [tilespmem:s18+$0xFFFFF040];
	v22 =	vmul.f32 $5.656854150e+00, v48;
	v48 =	vadd.s32 v6, v9;
	v52 =	vor.u32 v11, v31;
	[tilespmem:v46+s31+$0x0] =	vst.idx.msk $0xffff, v18  }
0xc5: {  	v45 =	vmul.f32 $5.656854150e+00, v45;
	v35 =	vor.u32 v12, v48;
	v27 =	vadd.s32 v60, v9;
	[tilespmem:v30+s31+$0x0] =	vst.idx.msk $0xffff, v25;
	v30 =	vld [tilespmem:s18+$0xFFFFF030]  }
0xc6: {  	v20 =	vor.u32 v12, v21;
	v29 =	vor.u32 v8, v31;
	v54 =	vld [tilespmem:s19+$0x50];
	v19 =	vmul.f32 $5.656854150e+00, v19;
	[tilespmem:v51+s31+$0x0] =	vst.idx.msk $0xffff, v22  }
0xc7: {  	v53 =	vld [tilespmem:s18+$0xFFFFF000];
	v18 =	vor.u32 v8, v21;
	v46 =	vor.u32 v10, v31;
	v22 =	vmul.f32 $5.656854150e+00, v24;
	[tilespmem:v63+s31+$0x0] =	vst.idx.msk $0xffff, v45  }
0xc8: {  	v25 =	vor.u32 v10, v21;
	v49 =	vmul.f32 $5.656854150e+00, v49;
	v56 =	vld [tilespmem:s20+$0xFFFFE050];
	[tilespmem:v1+s31+$0x0] =	vst.idx.msk $0xffff, v19;
	v19 =	vmul.f32 $5.656854150e+00, v28  }
0xc9: {  	v24 =	vor.u32 v11, v21;
	v21 =	vor.u32 v12, v27;
	v28 =	vmul.f32 $5.656854150e+00, v23;
	[tilespmem:v52+s31+$0x0] =	vst.idx.msk $0xffff, v22;
	v52 =	vld [tilespmem:s19+$0x70]  }
0xca: {  	v23 =	vor.u32 v10, v27;
	v22 =	vor.u32 v8, v27;
	v30 =	vmul.f32 $5.656854150e+00, v30;
	v57 =	vld [tilespmem:s18+$0xFFFFF070];
	[tilespmem:v2+s31+$0x0] =	vst.idx.msk $0xffff, v19  }
0xcb: {  	v19 =	vor.u32 v11, v27;
	v27 =	vor.u32 v13, v50;
	[tilespmem:v29+s31+$0x0] =	vst.idx.msk $0xffff, v28;
	v29 =	vmul.f32 $5.656854150e+00, v54;
	v54 =	vld [tilespmem:s20+$0xFFFFE030]  }
0xcc: {  	v43 =	vor.u32 v43, v36;
	[tilespmem:v32+s31+$0x0] =	vst.idx.msk $0xffff, v49;
	v28 =	vld [tilespmem:s19+$0x10]  }
0xcd: {  	v53 =	vmul.f32 $5.656854150e+00, v53;
	v51 =	vadd.s32 v60, v16;
	v1 =	vor.u32 v11, v48;
	[tilespmem:v35+s31+$0x0] =	vst.idx.msk $0xffff, v30;
	v60 =	vld [tilespmem:s18+$0xFFFFF050]  }
0xce: {  	v55 =	vmul.f32 $5.656854150e+00, v55;
	v39 =	vor.u32 v10, v48;
	v49 =	vadd.s32 v62, v16;
	v58 =	vld [tilespmem:s18+$0x20];
	[tilespmem:v33+s31+$0x0] =	vst.idx.msk $0xffff, v29  }
0xcf: {  	[tilespmem:v46+s31+$0x0] =	vst.idx.msk $0xffff, v53;
	v45 =	vor.u32 v17, v49;
	v46 =	vor.u32 v13, v49;
	v2 =	vld [tilespmem:s19+$0x1040];
	v35 =	vmul.f32 $5.656854150e+00, v52  }
0xd0: {  	v30 =	vadd.s32 v59, v16;
	v52 =	vor.u32 v15, v49;
	v57 =	vmul.f32 $5.656854150e+00, v57;
	[tilespmem:v27+s31+$0x0] =	vst.idx.msk $0xffff, v55;
	v55 =	vld [tilespmem:s19+$0x1020]  }
0xd1: {  	v59 =	vor.u32 v8, v48;
	v48 =	vor.u32 v14, v49;
	v27 =	vmul.f32 $5.656854150e+00, v28;
	v61 =	vld [tilespmem:s20+$0xFFFFE010];
	[tilespmem:v41+s31+$0x0] =	vst.idx.msk $0xffff, v35  }
0xd2: {  	v31 =	vor.u32 v15, v30;
	v29 =	vor.u32 v14, v30;
	[tilespmem:v1+s31+$0x0] =	vst.idx.msk $0xffff, v57;
	v62 =	vld [tilespmem:s19+$0x1060]  }
0xd3: {  	v33 =	vor.u32 v13, v30;
	v32 =	vor.u32 v17, v30;
	v35 =	vmul.f32 $5.656854150e+00, v54;
	v57 =	vld [tilespmem:s18+$0x60];
	[tilespmem:v26+s31+$0x0] =	vst.idx.msk $0xffff, v27  }
0xd4: {  	v30 =	vor.u32 v13, v51;
	v1 =	vmul.f32 $5.656854150e+00, v2;
	v2 =	vmul.f32 $5.656854150e+00, v56;
	v53 =	vld [tilespmem:s19+$0x1000]  }
0xd5: {  	v28 =	vor.u32 v15, v51;
	v54 =	vadd.s32 v7, v9;
	v56 =	vld [tilespmem:s18+$0xFFFFF010];
	[tilespmem:v52+s31+$0x0] =	vst.idx.msk $0xffff, v35  }
0xd6: {  	v27 =	vor.u32 v14, v51;
	v26 =	vor.u32 v17, v51;
	v51 =	vld [tilespmem:s20+$0xFFFFE070];
	[tilespmem:v48+s31+$0x0] =	vst.idx.msk $0xffff, v2;
	v48 =	vmul.f32 $5.656854150e+00, v55  }
0xd7: {  	v50 =	vor.u32 v12, v54;
	v63 =	vor.u32 v11, v54;
	[tilespmem:v42+s31+$0x0] =	vst.idx.msk $0xffff, v1;
	v1 =	vmul.f32 $5.656854150e+00, v60;
	v35 =	vld [tilespmem:s20+$0xFFFFF040]  }
0xd8: {  	v41 =	vor.u32 v10, v54;
	v52 =	vor.u32 v37, v36;
	v49 =	vld [tilespmem:s20+$0xFFFFF020];
	[tilespmem:v40+s31+$0x0] =	vst.idx.msk $0xffff, v48;
	v62 =	vmul.f32 $5.656854150e+00, v62  }
0xd9: {  	v37 =	vor.u32 v38, v36;
	v42 =	vor.u32 v8, v54;
	v38 =	vld [tilespmem:s19+$0x1050];
	[tilespmem:v59+s31+$0x0] =	vst.idx.msk $0xffff, v1;
	v60 =	vmul.f32 $5.656854150e+00, v53  }
0xda: {  	v40 =	vadd.s32 $0x4, v47;
	v2 =	vmul.f32 $5.656854150e+00, v57;
	v48 =	vmul.f32 $5.656854150e+00, v56;
	v54 =	vld [tilespmem:s19+$0x1030];
	[tilespmem:v0+s31+$0x0] =	vst.idx.msk $0xffff, v62  }
0xdb: {  	v5 =	vmovc v6;
	v56 =	vmul.f32 $5.656854150e+00, v58;
	v47 =	vld [tilespmem:s18+$0x40];
	v57 =	vmul.f32 $5.656854150e+00, v51;
	v51 =	vor.u32 v34, v36;
	[tilespmem:v44+s31+$0x0] =	vst.idx.msk $0xffff, v60  }
0xdc: {  	s22 =	simm.s32 $0x8;
	s23 =	simm.s32 $0x2580;
	v6 =	vmovc v4;
	v58 =	vmul.f32 $5.656854150e+00, v61;
	v53 =	vadd.s32 v3, v16;
	[tilespmem:v63+s31+$0x0] =	vst.idx.msk $0xffff, v2;
	v44 =	vmul.f32 $5.656854150e+00, v35;
	v55 =	vld [tilespmem:s19+$0x1010]  }
.LBB2_3:
0xdd: {  	v0 =	vld [tilespmem:$0x1FFF0]  }
0xde: {  	v61 =	vld [tilespmem:s23+$0xFFFFE060]  }
0xdf: {  	[tilespmem:v50+s31+$0x0] =	vst.idx.msk $0xffff, v56;
	v50 =	vld [tilespmem:s19+$0x1070]  }
0xe0: {  	v34 =	vand.u32 $0xFFFFFFF8, v40;
	s19 =	smov.u32 s18;
	[tilespmem:v45+s31+$0x0] =	vst.idx.msk $0xffff, v57;
	v57 =	vld [tilespmem:s23+$0xFFFFE040]  }
0xe1: {  	v36 =	vand.u32 $0x4, v40;
	v59 =	vor.u32 v15, v53;
	v35 =	vmovc v10;
	s18 =	smov.u32 s20;
	[tilespmem:v46+s31+$0x0] =	vst.idx.msk $0xffff, v58;
	v63 =	vld [tilespmem:s19+$0x30];
	v2 =	vmul.f32 $5.656854150e+00, v47  }
0xe2: {  	v10 =	vmovc v13;
	v60 =	vor.u32 $0x2, v36;
	[tilespmem:v39+s31+$0x0] =	vst.idx.msk $0xffff, v48;
	v48 =	vld [tilespmem:s18+$0xFFFFF060];
	v1 =	vmul.f32 $5.656854150e+00, v54;
	v0 =	vadd.s32 v0, v34  }
0xe3: {  	v13 =	vmovc v36;
	v55 =	vmul.f32 $5.656854150e+00, v55;
	v47 =	vmul.f32 $5.656854150e+00, v49;
	v54 =	vor.u32 v36, v0;
	[tilespmem:v42+s31+$0x0] =	vst.idx.msk $0xffff, v2;
	v42 =	vld [tilespmem:$0x1FFC0]  }
0xe4: {  	v62 =	vor.u32 v60, v0;
	[tilespmem:v52+s31+$0x0] =	vst.idx.msk $0xffff, v1;
	v36 =	vmovc v8;
	v8 =	vmov v14;
	v14 =	vmov v60;
	v60 =	vld [tilespmem:$0x1FFB0]  }
0xe5: {  	v49 =	vor.u32 v17, v53;
	v39 =	vmul.f32 $5.656854150e+00, v38;
	[tilespmem:v51+s31+$0x0] =	vst.idx.msk $0xffff, v55;
	v45 =	vld [tilespmem:s23+$0xFFFFE020]  }
0xe6: {  	v46 =	vor.u32 $0x1, v13;
	v55 =	vld [tilespmem:s19+$0x0];
	[tilespmem:v59+s31+$0x0] =	vst.idx.msk $0xffff, v47  }
0xe7: {  	v58 =	vor.u32 $0x3, v13;
	v52 =	vor.u32 v46, v0;
	v50 =	vmul.f32 $5.656854150e+00, v50;
	[tilespmem:v43+s31+$0x0] =	vst.idx.msk $0xffff, v39;
	v59 =	vld [tilespmem:s18+$0xFFFFF030]  }
0xe8: {  	v38 =	vmovc v12;
	v12 =	vmov v15;
	v56 =	vor.u32 v58, v0;
	v48 =	vmul.f32 $5.656854150e+00, v48;
	v1 =	vld [tilespmem:s19+$0x50]  }
0xe9: {  	v51 =	vor.u32 v10, v53;
	v3 =	vmul.f32 $5.656854150e+00, v57;
	v53 =	vor.u32 v8, v53;
	[tilespmem:v37+s31+$0x0] =	vst.idx.msk $0xffff, v50  }
0xea: {  	v0 =	vld [tilespmem:s18+$0xFFFFF000];
	[tilespmem:v49+s31+$0x0] =	vst.idx.msk $0xffff, v48;
	v42 =	vadd.s32 v42, v34;
	v60 =	vadd.s32 v60, v34;
	v39 =	vmul.f32 $5.656854150e+00, v45  }
0xeb: {  	v37 =	vld [tilespmem:s23+$0xFFFFE000];
	[tilespmem:v62+s31+$0x0] =	vst.idx.msk $0xffff, v3;
	v47 =	vor.u32 v46, v42;
	v57 =	vor.u32 v14, v42;
	v55 =	vmul.f32 $5.656854150e+00, v55  }
0xec: {  	v43 =	vor.u32 v13, v42;
	v45 =	vadd.s32 v5, v16;
	v49 =	vmul.f32 $5.656854150e+00, v59;
	v59 =	vld [tilespmem:s18+$0xFFFFF070];
	[tilespmem:v52+s31+$0x0] =	vst.idx.msk $0xffff, v39  }
0xed: {  	v50 =	vor.u32 v15, v45;
	v62 =	vor.u32 v17, v45;
	v4 =	vmul.f32 $5.656854150e+00, v1;
	v52 =	vld [tilespmem:s23+$0xFFFFE050];
	[tilespmem:v41+s31+$0x0] =	vst.idx.msk $0xffff, v55  }
0xee: {  	v61 =	vmul.f32 $5.656854150e+00, v61;
	v2 =	vor.u32 v8, v45;
	v39 =	vor.u32 v10, v45;
	v45 =	vld [tilespmem:s19+$0x70];
	[tilespmem:v53+s31+$0x0] =	vst.idx.msk $0xffff, v44  }
0xef: {  	v42 =	vor.u32 v58, v42;
	v48 =	vor.u32 v14, v60;
	v15 =	vmov v46;
	[tilespmem:v18+s31+$0x0] =	vst.idx.msk $0xffff, v4;
	v4 =	vld [tilespmem:$0x1FFE0]  }
0xf0: {  	v1 =	vmovc v23;
	v37 =	vmul.f32 $5.656854150e+00, v37;
	v46 =	vor.u32 v15, v60;
	v41 =	vor.u32 v13, v60;
	v44 =	vld [tilespmem:s19+$0x10]  }
0xf1: {  	v23 =	vmovc v30;
	v55 =	vor.u32 v58, v60;
	v60 =	vmov v11;
	v11 =	vmov v17;
	[tilespmem:v56+s31+$0x0] =	vst.idx.msk $0xffff, v61;
	v53 =	vld [tilespmem:s23+$0xFFFFE030]  }
0xf2: {  	v17 =	vmovc v58;
	v58 =	vmovc v28;
	v28 =	vmov v46;
	v46 =	vmul.f32 $5.656854150e+00, v63;
	v30 =	vmov v41;
	[tilespmem:v54+s31+$0x0] =	vst.idx.msk $0xffff, v37;
	v41 =	vld [tilespmem:s18+$0xFFFFF050]  }
0xf3: {  	v0 =	vmul.f32 $5.656854150e+00, v0;
	v61 =	vmov v19;
	[tilespmem:v50+s31+$0x0] =	vst.idx.msk $0xffff, v49;
	v49 =	vld [tilespmem:s19+$0x1040];
	v50 =	vmul.f32 $5.656854150e+00, v59  }
0xf4: {  	v19 =	vmovc v26;
	v26 =	vmov v55;
	v3 =	vld [tilespmem:s18+$0x20];
	[tilespmem:v20+s31+$0x0] =	vst.idx.msk $0xffff, v46;
	v54 =	vmul.f32 $5.656854150e+00, v45;
	v63 =	vadd.s32 v4, v34  }
0xf5: {  	v59 =	vld [tilespmem:s23+$0xFFFFE010];
	v44 =	vmul.f32 $5.656854150e+00, v44;
	[tilespmem:v62+s31+$0x0] =	vst.idx.msk $0xffff, v50;
	v55 =	vor.u32 v14, v63;
	v45 =	vor.u32 v17, v63  }
0xf6: {  	v46 =	vor.u32 v13, v63;
	v37 =	vor.u32 v15, v63;
	v63 =	vmul.f32 $5.656854150e+00, v52;
	v52 =	vld [tilespmem:s18+$0x60];
	[tilespmem:v24+s31+$0x0] =	vst.idx.msk $0xffff, v54  }
0xf7: {  	v20 =	vmov v31;
	v31 =	vmov v47;
	v47 =	vld [tilespmem:s19+$0x1020];
	[tilespmem:v25+s31+$0x0] =	vst.idx.msk $0xffff, v44  }
0xf8: {  	v44 =	vld [tilespmem:s19+$0x1060];
	[tilespmem:v51+s31+$0x0] =	vst.idx.msk $0xffff, v0;
	v56 =	vmul.f32 $5.656854150e+00, v49  }
0xf9: {  	v24 =	vmov v32;
	v0 =	vld [tilespmem:s19+$0x1000]  }
0xfa: {  	v32 =	vmovc v42;
	v42 =	vmul.f32 $5.656854150e+00, v53;
	v53 =	vmul.f32 $5.656854150e+00, v41;
	v25 =	vmovc v33;
	v33 =	vmov v43;
	v43 =	vld [tilespmem:s18+$0xFFFFF010];
	[tilespmem:v22+s31+$0x0] =	vst.idx.msk $0xffff, v56  }
0xfb: {  	v18 =	vmov v29;
	v29 =	vmov v57;
	v57 =	vadd.s32 v7, v16;
	[tilespmem:v55+s31+$0x0] =	vst.idx.msk $0xffff, v63;
	v55 =	vld [tilespmem:s23+$0xFFFFE070]  }
0xfc: {  	s22 =	sadd.s32 $0x4, s22;
	v62 =	vor.u32 v11, v57;
	v47 =	vmul.f32 $5.656854150e+00, v47;
	v63 =	vld [tilespmem:s23+$0xFFFFF040];
	[tilespmem:v2+s31+$0x0] =	vst.idx.msk $0xffff, v53;
	v2 =	vadd.s32 v6, v9  }
0xfd: {  	p0 =	slt.u32 s22, $0x7C;
	v50 =	vor.u32 v12, v57;
	[tilespmem:v37+s31+$0x0] =	vst.idx.msk $0xffff, v42;
	v37 =	vor.u32 v60, v2;
	v60 =	vld [tilespmem:$0x1FFD0]  }
.Ltmp0:
0xfe: {  	v40 =	vadd.s32 $0x4, v40;
	v41 =	vor.u32 v10, v57;
	v22 =	vmovc v27;
	v49 =	vld [tilespmem:s23+$0xFFFFF020];
	[tilespmem:v21+s31+$0x0] =	vst.idx.msk $0xffff, v47;
	v0 =	vmul.f32 $5.656854150e+00, v0;
	(pc) =	sbr.rel @p0 .LBB2_3-.Ltmp0, $4  }
0xff: {  	v27 =	vmovc v48;
	v56 =	vmul.f32 $5.656854150e+00, v3;
	v42 =	vor.u32 v8, v57;
	v4 =	vmul.f32 $5.656854150e+00, v52;
	v21 =	vmovc v58;
	v54 =	vld [tilespmem:s19+$0x1030]  }
0x100: {  	v9 =	vmovc v16;
	v58 =	vmul.f32 $5.656854150e+00, v59;
	v47 =	vld [tilespmem:s18+$0x40];
	v52 =	vor.u32 v38, v2;
	[tilespmem:v1+s31+$0x0] =	vst.idx.msk $0xffff, v0;
	v0 =	vmul.f32 $5.656854150e+00, v44  }
0x101: {  	[tilespmem:v62+s31+$0x0] =	vst.idx.msk $0xffff, v4;
	v51 =	vor.u32 v35, v2;
	v38 =	vld [tilespmem:s19+$0x1050];
	v48 =	vmul.f32 $5.656854150e+00, v43;
	v43 =	vor.u32 v36, v2  }
0x102: {  	s20 =	smov.u32 s23;
	s23 =	sadd.s32 $0x80, s23;
	v16 =	vmovc v34;
	v57 =	vmul.f32 $5.656854150e+00, v55;
	v55 =	vld [tilespmem:s19+$0x1010];
	v44 =	vmul.f32 $5.656854150e+00, v63;
	v53 =	vadd.s32 v60, v34;
	[tilespmem:v61+s31+$0x0] =	vst.idx.msk $0xffff, v0  }
0x103: {  	_ =	sdelay $0x3  }
0x104: {  	[tilespmem:v46+s31+$0x0] =	vst.idx.msk $0xffff, v58  }
0x105: {  	v0 =	vld [tilespmem:s20+$0xFFFFF000]  }
0x106: {  	v1 =	vor.u32 v15, v53;
	[tilespmem:v45+s31+$0x0] =	vst.idx.msk $0xffff, v57  }
0x107: {  	v3 =	vor.u32 v13, v53;
	v2 =	vld [tilespmem:s20+$0xFFFFF060]  }
0x108: {  	v4 =	vor.u32 v14, v53  }
0x109: {  	v34 =	vmul.f32 $5.656854150e+00, v49;
	v35 =	vor.u32 v17, v53  }
0x10a: {  	v0 =	vmul.f32 $5.656854150e+00, v0  }
0x10b: {  	[tilespmem:v1+s31+$0x0] =	vst.idx.msk $0xffff, v34  }
0x10c: {  	v1 =	vld [tilespmem:s20+$0xFFFFF030];
	v2 =	vmul.f32 $5.656854150e+00, v2;
	[tilespmem:v3+s31+$0x0] =	vst.idx.msk $0xffff, v0  }
0x10d: {  	v59 =	vadd.s32 v5, v16;
	[tilespmem:v4+s31+$0x0] =	vst.idx.msk $0xffff, v44;
	v3 =	vld [tilespmem:s20+$0xFFFFF010]  }
0x10e: {  	v4 =	vor.u32 v15, v59;
	v60 =	vld [tilespmem:s20+$0xFFFFF050];
	[tilespmem:v35+s31+$0x0] =	vst.idx.msk $0xffff, v2  }
0x10f: {  	[tilespmem:v50+s31+$0x0] =	vst.idx.msk $0xffff, v56;
	v61 =	vmul.f32 $5.656854150e+00, v54;
	v62 =	vor.u32 v13, v59;
	v36 =	vld [tilespmem:s20+$0xFFFFF070]  }
0x110: {  	[tilespmem:v39+s31+$0x0] =	vst.idx.msk $0xffff, v48;
	v63 =	vor.u32 v14, v59;
	v40 =	vmul.f32 $5.656854150e+00, v55  }
0x111: {  	[tilespmem:v52+s31+$0x0] =	vst.idx.msk $0xffff, v61;
	v44 =	vld [tilespmem:s18+$0x0];
	v0 =	vor.u32 v17, v59;
	v1 =	vmul.f32 $5.656854150e+00, v1  }
0x112: {  	[tilespmem:v51+s31+$0x0] =	vst.idx.msk $0xffff, v40;
	v3 =	vmul.f32 $5.656854150e+00, v3  }
0x113: {  	v45 =	vld [tilespmem:s19+$0x1070];
	v46 =	vmul.f32 $5.656854150e+00, v60;
	[tilespmem:v4+s31+$0x0] =	vst.idx.msk $0xffff, v1  }
0x114: {  	v48 =	vld [tilespmem:s20+$0x20];
	v4 =	vmul.f32 $5.656854150e+00, v36;
	[tilespmem:v62+s31+$0x0] =	vst.idx.msk $0xffff, v3  }
0x115: {  	v50 =	vadd.s32 v7, v16;
	v49 =	vmul.f32 $5.656854150e+00, v47;
	[tilespmem:v63+s31+$0x0] =	vst.idx.msk $0xffff, v46;
	v51 =	vld [tilespmem:s20+$0x0]  }
0x116: {  	v52 =	vor.u32 v15, v50;
	v34 =	vmul.f32 $5.656854150e+00, v44;
	[tilespmem:v0+s31+$0x0] =	vst.idx.msk $0xffff, v4;
	v4 =	vld [tilespmem:s20+$0x40]  }
0x117: {  	v53 =	vmul.f32 $5.656854150e+00, v38;
	[tilespmem:v42+s31+$0x0] =	vst.idx.msk $0xffff, v49;
	v55 =	vor.u32 v13, v50;
	v54 =	vld [tilespmem:s20+$0x60]  }
0x118: {  	v56 =	vld [tilespmem:s18+$0x30];
	v57 =	vor.u32 v14, v50;
	v40 =	vmul.f32 $5.656854150e+00, v45;
	[tilespmem:v41+s31+$0x0] =	vst.idx.msk $0xffff, v34  }
0x119: {  	[tilespmem:v43+s31+$0x0] =	vst.idx.msk $0xffff, v53;
	v35 =	vor.u32 v17, v50;
	v58 =	vld [tilespmem:s18+$0x10];
	v2 =	vmul.f32 $5.656854150e+00, v48  }
0x11a: {  	[tilespmem:v37+s31+$0x0] =	vst.idx.msk $0xffff, v40;
	v60 =	vld [tilespmem:s18+$0x50];
	v1 =	vmul.f32 $5.656854150e+00, v51  }
0x11b: {  	v61 =	vld [tilespmem:s18+$0x70];
	[tilespmem:v52+s31+$0x0] =	vst.idx.msk $0xffff, v2;
	v62 =	vmul.f32 $5.656854150e+00, v4  }
0x11c: {  	v4 =	vld [tilespmem:s20+$0x30];
	v63 =	vmul.f32 $5.656854150e+00, v54;
	[tilespmem:v55+s31+$0x0] =	vst.idx.msk $0xffff, v1  }
0x11d: {  	v36 =	vmul.f32 $5.656854150e+00, v56;
	[tilespmem:v57+s31+$0x0] =	vst.idx.msk $0xffff, v62;
	v38 =	vld [tilespmem:s20+$0x10]  }
0x11e: {  	v3 =	vmul.f32 $5.656854150e+00, v58;
	[tilespmem:v35+s31+$0x0] =	vst.idx.msk $0xffff, v63;
	v39 =	vld [tilespmem:s20+$0x50]  }
0x11f: {  	v40 =	vmul.f32 $5.656854150e+00, v60;
	[tilespmem:v20+s31+$0x0] =	vst.idx.msk $0xffff, v36;
	v41 =	vld [tilespmem:s20+$0x70]  }
0x120: {  	v42 =	vmul.f32 $5.656854150e+00, v61;
	v20 =	vld [tilespmem:s18+$0x1020];
	[tilespmem:v25+s31+$0x0] =	vst.idx.msk $0xffff, v3  }
0x121: {  	[tilespmem:v18+s31+$0x0] =	vst.idx.msk $0xffff, v40;
	v3 =	vld [tilespmem:s18+$0x1000];
	v4 =	vmul.f32 $5.656854150e+00, v4  }
0x122: {  	[tilespmem:v24+s31+$0x0] =	vst.idx.msk $0xffff, v42;
	v18 =	vld [tilespmem:s18+$0x1040];
	v0 =	vmul.f32 $5.656854150e+00, v38  }
0x123: {  	v24 =	vld [tilespmem:s18+$0x1060];
	[tilespmem:v31+s31+$0x0] =	vst.idx.msk $0xffff, v4;
	v2 =	vmul.f32 $5.656854150e+00, v39  }
0x124: {  	v4 =	vld [tilespmem:s20+$0x1020];
	v1 =	vmul.f32 $5.656854150e+00, v41;
	[tilespmem:v33+s31+$0x0] =	vst.idx.msk $0xffff, v0  }
0x125: {  	v43 =	vmul.f32 $5.656854150e+00, v20;
	[tilespmem:v29+s31+$0x0] =	vst.idx.msk $0xffff, v2;
	v44 =	vld [tilespmem:s20+$0x1000]  }
0x126: {  	v3 =	vmul.f32 $5.656854150e+00, v3;
	v20 =	vld [tilespmem:s20+$0x1040];
	[tilespmem:v32+s31+$0x0] =	vst.idx.msk $0xffff, v1  }
0x127: {  	v45 =	vmul.f32 $5.656854150e+00, v18;
	[tilespmem:v21+s31+$0x0] =	vst.idx.msk $0xffff, v43;
	v46 =	vld [tilespmem:s20+$0x1060]  }
0x128: {  	v47 =	vmul.f32 $5.656854150e+00, v24;
	v18 =	vld [tilespmem:s18+$0x1030];
	[tilespmem:v23+s31+$0x0] =	vst.idx.msk $0xffff, v3  }
0x129: {  	v48 =	vadd.s32 v6, v9;
	[tilespmem:v22+s31+$0x0] =	vst.idx.msk $0xffff, v45;
	v9 =	vld [tilespmem:s18+$0x1010];
	v4 =	vmul.f32 $5.656854150e+00, v4  }
0x12a: {  	[tilespmem:v19+s31+$0x0] =	vst.idx.msk $0xffff, v47;
	v12 =	vor.u32 v12, v48;
	v21 =	vld [tilespmem:s18+$0x1050];
	v2 =	vmul.f32 $5.656854150e+00, v44  }
0x12b: {  	v49 =	vor.u32 v10, v48;
	v10 =	vld [tilespmem:s18+$0x1070];
	[tilespmem:v28+s31+$0x0] =	vst.idx.msk $0xffff, v4;
	v19 =	vmul.f32 $5.656854150e+00, v20  }
0x12c: {  	v4 =	vor.u32 v8, v48;
	v8 =	vld [tilespmem:s20+$0x1030];
	v0 =	vmul.f32 $5.656854150e+00, v46;
	[tilespmem:v30+s31+$0x0] =	vst.idx.msk $0xffff, v2  }
0x12d: {  	v50 =	vmul.f32 $5.656854150e+00, v18;
	v1 =	vor.u32 v11, v48;
	v11 =	vadd.s32 v6, v16;
	[tilespmem:v27+s31+$0x0] =	vst.idx.msk $0xffff, v19;
	v16 =	vld [tilespmem:s20+$0x1010]  }
0x12e: {  	v9 =	vmul.f32 $5.656854150e+00, v9;
	v15 =	vor.u32 v15, v11;
	v18 =	vld [tilespmem:s20+$0x1050];
	[tilespmem:v26+s31+$0x0] =	vst.idx.msk $0xffff, v0  }
0x12f: {  	v51 =	vmul.f32 $5.656854150e+00, v21;
	[tilespmem:v12+s31+$0x0] =	vst.idx.msk $0xffff, v50;
	v52 =	vor.u32 v13, v11;
	v12 =	vld [tilespmem:s20+$0x1070]  }
0x130: {  	v53 =	vmul.f32 $5.656854150e+00, v10;
	[tilespmem:v49+s31+$0x0] =	vst.idx.msk $0xffff, v9;
	v9 =	vor.u32 v14, v11  }
0x131: {  	v54 =	vor.u32 v17, v11;
	[tilespmem:v4+s31+$0x0] =	vst.idx.msk $0xffff, v51;
	v4 =	vmul.f32 $5.656854150e+00, v8  }
0x132: {  	[tilespmem:v1+s31+$0x0] =	vst.idx.msk $0xffff, v53;
	v55 =	vmul.f32 $5.656854150e+00, v16  }
0x133: {  	s20 =	sand.u32 $0x3E, s16;
	[tilespmem:v15+s31+$0x0] =	vst.idx.msk $0xffff, v4;
	v56 =	vmul.f32 $5.656854150e+00, v18  }
0x134: {  	s19 =	sshrl.u32 s16, $0x6;
	s18 =	sshll.u32 s20, $0x6;
	v57 =	vmul.f32 $5.656854150e+00, v12;
	[tilespmem:v52+s31+$0x0] =	vst.idx.msk $0xffff, v55  }
0x135: {  	s22 =	sshll.u32 s19, $0x11;
	s23 =	sadd.s32 s2, s18;
	[tilespmem:v9+s31+$0x0] =	vst.idx.msk $0xffff, v56  }
0x136: {  	s23 =	sadd.s32 s22, s23;
	[tilespmem:v54+s31+$0x0] =	vst.idx.msk $0xffff, v57  }
0x137: {  	[hbm4b:s23+s3] =	stream.linear.scatter [tilespmem:s31], [sflag:$0x3], $0x80, $0x38;
	[tilespmem:$0x10C00] =	vst v63  }
0x138: {  	s25 =	simm.s32 $0x8488;
	s24 =	sadd.s32 $0x10, s23  }
0x139: {  	[hbm4b:s24+s3] =	stream.linear.scatter [tilespmem:s25], [sflag:$0x3], $0x80, $0x38;
	[tilespmem:$0x10C00] =	vst v63  }
0x13a: {  	s24 =	sadd.s32 $0x20, s23;
	s25 =	simm.s32 $0x8510  }
0x13b: {  	[hbm4b:s24+s3] =	stream.linear.scatter [tilespmem:s25], [sflag:$0x3], $0x80, $0x38;
	[tilespmem:$0x10C00] =	vst v63  }
0x13c: {  	s24 =	sadd.s32 $0x30, s23;
	s25 =	simm.s32 $0x8598  }
0x13d: {  	[hbm4b:s24+s3] =	stream.linear.scatter [tilespmem:s25], [sflag:$0x3], $0x80, $0x38;
	[tilespmem:$0x10C00] =	vst v63  }
0x13e: {  	s24 =	sadd.s32 $0x40, s23;
	s25 =	simm.s32 $0x8620  }
0x13f: {  	[hbm4b:s24+s3] =	stream.linear.scatter [tilespmem:s25], [sflag:$0x3], $0x80, $0x38;
	[tilespmem:$0x10C00] =	vst v63  }
0x140: {  	s24 =	sadd.s32 $0x50, s23;
	s25 =	simm.s32 $0x86A8  }
0x141: {  	[hbm4b:s24+s3] =	stream.linear.scatter [tilespmem:s25], [sflag:$0x3], $0x80, $0x38;
	[tilespmem:$0x10C00] =	vst v63  }
0x142: {  	s22 =	sand.u32 $0x1FFE0000, s22;
	s24 =	sadd.s32 $0x60, s23;
	s25 =	simm.s32 $0x8730  }
0x143: {  	[hbm4b:s24+s3] =	stream.linear.scatter [tilespmem:s25], [sflag:$0x3], $0x80, $0x38;
	[tilespmem:$0x10C00] =	vst v63  }
0x144: {  	s22 =	sor.u32 s18, s22;
	s23 =	sadd.s32 $0x70, s23;
	s25 =	simm.s32 $0x87B8  }
0x145: {  	[hbm4b:s23+s3] =	stream.linear.scatter [tilespmem:s25], [sflag:$0x3], $0x80, $0x38;
	[tilespmem:$0x10C00] =	vst v63  }
0x146: {  	s23 =	sadd.s32 s22, s8;
	s25 =	simm.s32 $0x8840  }
0x147: {  	[hbm4b:s23+s3] =	stream.linear.scatter [tilespmem:s25], [sflag:$0x3], $0x80, $0x38;
	[tilespmem:$0x10C00] =	vst v63  }
0x148: {  	s24 =	sadd.s32 $0x10, s23;
	s25 =	simm.s32 $0x88C8  }
0x149: {  	[hbm4b:s24+s3] =	stream.linear.scatter [tilespmem:s25], [sflag:$0x3], $0x80, $0x38;
	[tilespmem:$0x10C00] =	vst v63  }
0x14a: {  	s24 =	sadd.s32 $0x20, s23;
	s25 =	simm.s32 $0x8950  }
0x14b: {  	[hbm4b:s24+s3] =	stream.linear.scatter [tilespmem:s25], [sflag:$0x3], $0x80, $0x38;
	[tilespmem:$0x10C00] =	vst v63  }
0x14c: {  	s24 =	sadd.s32 $0x30, s23;
	s25 =	simm.s32 $0x89D8  }
0x14d: {  	[hbm4b:s24+s3] =	stream.linear.scatter [tilespmem:s25], [sflag:$0x3], $0x80, $0x38;
	[tilespmem:$0x10C00] =	vst v63  }
0x14e: {  	s24 =	sadd.s32 $0x40, s23;
	s25 =	simm.s32 $0x8A60  }
0x14f: {  	[hbm4b:s24+s3] =	stream.linear.scatter [tilespmem:s25], [sflag:$0x3], $0x80, $0x38;
	[tilespmem:$0x10C00] =	vst v63  }
0x150: {  	s24 =	sadd.s32 $0x50, s23;
	s25 =	simm.s32 $0x8AE8  }
0x151: {  	[hbm4b:s24+s3] =	stream.linear.scatter [tilespmem:s25], [sflag:$0x3], $0x80, $0x38;
	[tilespmem:$0x10C00] =	vst v63  }
0x152: {  	s24 =	sadd.s32 $0x60, s23;
	s25 =	simm.s32 $0x8B70  }
0x153: {  	[hbm4b:s24+s3] =	stream.linear.scatter [tilespmem:s25], [sflag:$0x3], $0x80, $0x38;
	[tilespmem:$0x10C00] =	vst v63  }
0x154: {  	s23 =	sadd.s32 $0x70, s23;
	s25 =	simm.s32 $0x8BF8  }
0x155: {  	[hbm4b:s23+s3] =	stream.linear.scatter [tilespmem:s25], [sflag:$0x3], $0x80, $0x38;
	[tilespmem:$0x10C00] =	vst v63  }
0x156: {  	s23 =	sadd.s32 s22, s9;
	s25 =	simm.s32 $0x8C80  }
0x157: {  	[hbm4b:s23+s3] =	stream.linear.scatter [tilespmem:s25], [sflag:$0x3], $0x80, $0x38;
	[tilespmem:$0x10C00] =	vst v63  }
0x158: {  	s24 =	sadd.s32 $0x10, s23;
	s25 =	simm.s32 $0x8D08  }
0x159: {  	[hbm4b:s24+s3] =	stream.linear.scatter [tilespmem:s25], [sflag:$0x3], $0x80, $0x38;
	[tilespmem:$0x10C00] =	vst v63  }
0x15a: {  	s24 =	sadd.s32 $0x20, s23;
	s25 =	simm.s32 $0x8D90  }
0x15b: {  	[hbm4b:s24+s3] =	stream.linear.scatter [tilespmem:s25], [sflag:$0x3], $0x80, $0x38;
	[tilespmem:$0x10C00] =	vst v63  }
0x15c: {  	s24 =	sadd.s32 $0x30, s23;
	s25 =	simm.s32 $0x8E18  }
0x15d: {  	[hbm4b:s24+s3] =	stream.linear.scatter [tilespmem:s25], [sflag:$0x3], $0x80, $0x38;
	[tilespmem:$0x10C00] =	vst v63  }
0x15e: {  	s24 =	sadd.s32 $0x40, s23;
	s25 =	simm.s32 $0x8EA0  }
0x15f: {  	[hbm4b:s24+s3] =	stream.linear.scatter [tilespmem:s25], [sflag:$0x3], $0x80, $0x38;
	[tilespmem:$0x10C00] =	vst v63  }
0x160: {  	s24 =	sadd.s32 $0x50, s23;
	s25 =	simm.s32 $0x8F28  }
0x161: {  	[hbm4b:s24+s3] =	stream.linear.scatter [tilespmem:s25], [sflag:$0x3], $0x80, $0x38;
	[tilespmem:$0x10C00] =	vst v63  }
0x162: {  	s24 =	sadd.s32 $0x60, s23;
	s25 =	simm.s32 $0x8FB0  }
0x163: {  	[hbm4b:s24+s3] =	stream.linear.scatter [tilespmem:s25], [sflag:$0x3], $0x80, $0x38;
	[tilespmem:$0x10C00] =	vst v63  }
0x164: {  	s23 =	sadd.s32 $0x70, s23;
	s25 =	simm.s32 $0x9038  }
0x165: {  	[hbm4b:s23+s3] =	stream.linear.scatter [tilespmem:s25], [sflag:$0x3], $0x80, $0x38;
	[tilespmem:$0x10C00] =	vst v63  }
0x166: {  	s22 =	sadd.s32 s22, s10;
	s25 =	simm.s32 $0x90C0  }
0x167: {  	[hbm4b:s22+s3] =	stream.linear.scatter [tilespmem:s25], [sflag:$0x3], $0x80, $0x38;
	[tilespmem:$0x10C00] =	vst v63  }
0x168: {  	s24 =	sadd.s32 $0x10, s22;
	s25 =	simm.s32 $0x9148  }
0x169: {  	[hbm4b:s24+s3] =	stream.linear.scatter [tilespmem:s25], [sflag:$0x3], $0x80, $0x38;
	[tilespmem:$0x10C00] =	vst v63  }
0x16a: {  	s24 =	sadd.s32 $0x20, s22;
	s25 =	simm.s32 $0x91D0  }
0x16b: {  	[hbm4b:s24+s3] =	stream.linear.scatter [tilespmem:s25], [sflag:$0x3], $0x80, $0x38;
	[tilespmem:$0x10C00] =	vst v63  }
0x16c: {  	s24 =	sadd.s32 $0x30, s22;
	s25 =	simm.s32 $0x9258  }
0x16d: {  	[hbm4b:s24+s3] =	stream.linear.scatter [tilespmem:s25], [sflag:$0x3], $0x80, $0x38;
	[tilespmem:$0x10C00] =	vst v63  }
0x16e: {  	s24 =	sadd.s32 $0x40, s22;
	s25 =	simm.s32 $0x92E0  }
0x16f: {  	[hbm4b:s24+s3] =	stream.linear.scatter [tilespmem:s25], [sflag:$0x3], $0x80, $0x38;
	[tilespmem:$0x10C00] =	vst v63  }
0x170: {  	s24 =	sadd.s32 $0x50, s22;
	s25 =	simm.s32 $0x9368  }
0x171: {  	[hbm4b:s24+s3] =	stream.linear.scatter [tilespmem:s25], [sflag:$0x3], $0x80, $0x38;
	[tilespmem:$0x10C00] =	vst v63  }
0x172: {  	s24 =	sadd.s32 $0x60, s22;
	s25 =	simm.s32 $0x93F0  }
0x173: {  	[hbm4b:s24+s3] =	stream.linear.scatter [tilespmem:s25], [sflag:$0x3], $0x80, $0x38;
	[tilespmem:$0x10C00] =	vst v63  }
0x174: {  	s19 =	sshll.u32 s19, $0x3;
	s22 =	sadd.s32 $0x70, s22;
	s25 =	simm.s32 $0x9478  }
0x175: {  	[hbm4b:s22+s3] =	stream.linear.scatter [tilespmem:s25], [sflag:$0x3], $0x80, $0x38;
	[tilespmem:$0x10C00] =	vst v63  }
0x176: {  	s22 =	sor.u32 $0x1, s19  }
0x177: {  	s20 =	sshll.u32 s20, $0x9;
	s24 =	sshll.u32 s22, $0x11  }
0x178: {  	s23 =	sor.u32 s20, s24  }
0x179: {  	s23 =	sshrl.u32 s23, $0x3  }
0x17a: {  	s25 =	simm.s32 $0x9500;
	s23 =	sadd.s32 s2, s23  }
0x17b: {  	[hbm4b:s23+s3] =	stream.linear.scatter [tilespmem:s25], [sflag:$0x3], $0x80, $0x38;
	[tilespmem:$0x10C00] =	vst v63  }
0x17c: {  	s24 =	sadd.s32 $0x10, s23;
	s25 =	simm.s32 $0x9588  }
0x17d: {  	[hbm4b:s24+s3] =	stream.linear.scatter [tilespmem:s25], [sflag:$0x3], $0x80, $0x38;
	[tilespmem:$0x10C00] =	vst v63  }
0x17e: {  	s24 =	sadd.s32 $0x20, s23;
	s25 =	simm.s32 $0x9610  }
0x17f: {  	[hbm4b:s24+s3] =	stream.linear.scatter [tilespmem:s25], [sflag:$0x3], $0x80, $0x38;
	[tilespmem:$0x10C00] =	vst v63  }
0x180: {  	s24 =	sadd.s32 $0x30, s23;
	s25 =	simm.s32 $0x9698  }
0x181: {  	[hbm4b:s24+s3] =	stream.linear.scatter [tilespmem:s25], [sflag:$0x3], $0x80, $0x38;
	[tilespmem:$0x10C00] =	vst v63  }
0x182: {  	s24 =	sadd.s32 $0x40, s23;
	s25 =	simm.s32 $0x9720  }
0x183: {  	[hbm4b:s24+s3] =	stream.linear.scatter [tilespmem:s25], [sflag:$0x3], $0x80, $0x38;
	[tilespmem:$0x10C00] =	vst v63  }
0x184: {  	s22 =	sshll.u32 s22, $0xE;
	s24 =	sadd.s32 $0x50, s23;
	s25 =	simm.s32 $0x97A8  }
0x185: {  	[hbm4b:s24+s3] =	stream.linear.scatter [tilespmem:s25], [sflag:$0x3], $0x80, $0x38;
	[tilespmem:$0x10C00] =	vst v63  }
0x186: {  	s22 =	sand.u32 $0x1FFE4000, s22;
	s24 =	sadd.s32 $0x60, s23;
	s25 =	simm.s32 $0x9830  }
0x187: {  	[hbm4b:s24+s3] =	stream.linear.scatter [tilespmem:s25], [sflag:$0x3], $0x80, $0x38;
	[tilespmem:$0x10C00] =	vst v63  }
0x188: {  	s22 =	sor.u32 s18, s22;
	s23 =	sadd.s32 $0x70, s23;
	s25 =	simm.s32 $0x98B8  }
0x189: {  	[hbm4b:s23+s3] =	stream.linear.scatter [tilespmem:s25], [sflag:$0x3], $0x80, $0x38;
	[tilespmem:$0x10C00] =	vst v63  }
0x18a: {  	s23 =	sadd.s32 s22, s8;
	s25 =	simm.s32 $0x9940  }
0x18b: {  	[hbm4b:s23+s3] =	stream.linear.scatter [tilespmem:s25], [sflag:$0x3], $0x80, $0x38;
	[tilespmem:$0x10C00] =	vst v63  }
0x18c: {  	s24 =	sadd.s32 $0x10, s23;
	s25 =	simm.s32 $0x99C8  }
0x18d: {  	[hbm4b:s24+s3] =	stream.linear.scatter [tilespmem:s25], [sflag:$0x3], $0x80, $0x38;
	[tilespmem:$0x10C00] =	vst v63  }
0x18e: {  	s24 =	sadd.s32 $0x20, s23;
	s25 =	simm.s32 $0x9A50  }
0x18f: {  	[hbm4b:s24+s3] =	stream.linear.scatter [tilespmem:s25], [sflag:$0x3], $0x80, $0x38;
	[tilespmem:$0x10C00] =	vst v63  }
0x190: {  	s24 =	sadd.s32 $0x30, s23;
	s25 =	simm.s32 $0x9AD8  }
0x191: {  	[hbm4b:s24+s3] =	stream.linear.scatter [tilespmem:s25], [sflag:$0x3], $0x80, $0x38;
	[tilespmem:$0x10C00] =	vst v63  }
0x192: {  	s24 =	sadd.s32 $0x40, s23;
	s25 =	simm.s32 $0x9B60  }
0x193: {  	[hbm4b:s24+s3] =	stream.linear.scatter [tilespmem:s25], [sflag:$0x3], $0x80, $0x38;
	[tilespmem:$0x10C00] =	vst v63  }
0x194: {  	s24 =	sadd.s32 $0x50, s23;
	s25 =	simm.s32 $0x9BE8  }
0x195: {  	[hbm4b:s24+s3] =	stream.linear.scatter [tilespmem:s25], [sflag:$0x3], $0x80, $0x38;
	[tilespmem:$0x10C00] =	vst v63  }
0x196: {  	s24 =	sadd.s32 $0x60, s23;
	s25 =	simm.s32 $0x9C70  }
0x197: {  	[hbm4b:s24+s3] =	stream.linear.scatter [tilespmem:s25], [sflag:$0x3], $0x80, $0x38;
	[tilespmem:$0x10C00] =	vst v63  }
0x198: {  	s23 =	sadd.s32 $0x70, s23;
	s25 =	simm.s32 $0x9CF8  }
0x199: {  	[hbm4b:s23+s3] =	stream.linear.scatter [tilespmem:s25], [sflag:$0x3], $0x80, $0x38;
	[tilespmem:$0x10C00] =	vst v63  }
0x19a: {  	s23 =	sadd.s32 s22, s9;
	s25 =	simm.s32 $0x9D80  }
0x19b: {  	[hbm4b:s23+s3] =	stream.linear.scatter [tilespmem:s25], [sflag:$0x3], $0x80, $0x38;
	[tilespmem:$0x10C00] =	vst v63  }
0x19c: {  	s24 =	sadd.s32 $0x10, s23;
	s25 =	simm.s32 $0x9E08  }
0x19d: {  	[hbm4b:s24+s3] =	stream.linear.scatter [tilespmem:s25], [sflag:$0x3], $0x80, $0x38;
	[tilespmem:$0x10C00] =	vst v63  }
0x19e: {  	s24 =	sadd.s32 $0x20, s23;
	s25 =	simm.s32 $0x9E90  }
0x19f: {  	[hbm4b:s24+s3] =	stream.linear.scatter [tilespmem:s25], [sflag:$0x3], $0x80, $0x38;
	[tilespmem:$0x10C00] =	vst v63  }
0x1a0: {  	s24 =	sadd.s32 $0x30, s23;
	s25 =	simm.s32 $0x9F18  }
0x1a1: {  	[hbm4b:s24+s3] =	stream.linear.scatter [tilespmem:s25], [sflag:$0x3], $0x80, $0x38;
	[tilespmem:$0x10C00] =	vst v63  }
0x1a2: {  	s24 =	sadd.s32 $0x40, s23;
	s25 =	simm.s32 $0x9FA0  }
0x1a3: {  	[hbm4b:s24+s3] =	stream.linear.scatter [tilespmem:s25], [sflag:$0x3], $0x80, $0x38;
	[tilespmem:$0x10C00] =	vst v63  }
0x1a4: {  	s24 =	sadd.s32 $0x50, s23;
	s25 =	simm.s32 $0xA028  }
0x1a5: {  	[hbm4b:s24+s3] =	stream.linear.scatter [tilespmem:s25], [sflag:$0x3], $0x80, $0x38;
	[tilespmem:$0x10C00] =	vst v63  }
0x1a6: {  	s24 =	sadd.s32 $0x60, s23;
	s25 =	simm.s32 $0xA0B0  }
0x1a7: {  	[hbm4b:s24+s3] =	stream.linear.scatter [tilespmem:s25], [sflag:$0x3], $0x80, $0x38;
	[tilespmem:$0x10C00] =	vst v63  }
0x1a8: {  	s23 =	sadd.s32 $0x70, s23;
	s25 =	simm.s32 $0xA138  }
0x1a9: {  	[hbm4b:s23+s3] =	stream.linear.scatter [tilespmem:s25], [sflag:$0x3], $0x80, $0x38;
	[tilespmem:$0x10C00] =	vst v63  }
0x1aa: {  	s22 =	sadd.s32 s22, s10;
	s25 =	simm.s32 $0xA1C0  }
0x1ab: {  	[hbm4b:s22+s3] =	stream.linear.scatter [tilespmem:s25], [sflag:$0x3], $0x80, $0x38;
	[tilespmem:$0x10C00] =	vst v63  }
0x1ac: {  	s24 =	sadd.s32 $0x10, s22;
	s25 =	simm.s32 $0xA248  }
0x1ad: {  	[hbm4b:s24+s3] =	stream.linear.scatter [tilespmem:s25], [sflag:$0x3], $0x80, $0x38;
	[tilespmem:$0x10C00] =	vst v63  }
0x1ae: {  	s24 =	sadd.s32 $0x20, s22;
	s25 =	simm.s32 $0xA2D0  }
0x1af: {  	[hbm4b:s24+s3] =	stream.linear.scatter [tilespmem:s25], [sflag:$0x3], $0x80, $0x38;
	[tilespmem:$0x10C00] =	vst v63  }
0x1b0: {  	s24 =	sadd.s32 $0x30, s22;
	s25 =	simm.s32 $0xA358  }
0x1b1: {  	[hbm4b:s24+s3] =	stream.linear.scatter [tilespmem:s25], [sflag:$0x3], $0x80, $0x38;
	[tilespmem:$0x10C00] =	vst v63  }
0x1b2: {  	s24 =	sadd.s32 $0x40, s22;
	s25 =	simm.s32 $0xA3E0  }
0x1b3: {  	[hbm4b:s24+s3] =	stream.linear.scatter [tilespmem:s25], [sflag:$0x3], $0x80, $0x38;
	[tilespmem:$0x10C00] =	vst v63  }
0x1b4: {  	s24 =	sadd.s32 $0x50, s22;
	s25 =	simm.s32 $0xA468  }
0x1b5: {  	[hbm4b:s24+s3] =	stream.linear.scatter [tilespmem:s25], [sflag:$0x3], $0x80, $0x38;
	[tilespmem:$0x10C00] =	vst v63  }
0x1b6: {  	s24 =	sadd.s32 $0x60, s22;
	s25 =	simm.s32 $0xA4F0  }
0x1b7: {  	[hbm4b:s24+s3] =	stream.linear.scatter [tilespmem:s25], [sflag:$0x3], $0x80, $0x38;
	[tilespmem:$0x10C00] =	vst v63  }
0x1b8: {  	s22 =	sadd.s32 $0x70, s22;
	s25 =	simm.s32 $0xA578  }
0x1b9: {  	[hbm4b:s22+s3] =	stream.linear.scatter [tilespmem:s25], [sflag:$0x3], $0x80, $0x38;
	[tilespmem:$0x10C00] =	vst v63  }
0x1ba: {  	s22 =	sor.u32 $0x2, s19  }
0x1bb: {  	s24 =	sshll.u32 s22, $0x11  }
0x1bc: {  	s23 =	sor.u32 s20, s24  }
0x1bd: {  	s23 =	sshrl.u32 s23, $0x3  }
0x1be: {  	s25 =	simm.s32 $0xA600;
	s23 =	sadd.s32 s2, s23  }
0x1bf: {  	[hbm4b:s23+s3] =	stream.linear.scatter [tilespmem:s25], [sflag:$0x3], $0x80, $0x38;
	[tilespmem:$0x10C00] =	vst v63  }
0x1c0: {  	s24 =	sadd.s32 $0x10, s23;
	s25 =	simm.s32 $0xA688  }
0x1c1: {  	[hbm4b:s24+s3] =	stream.linear.scatter [tilespmem:s25], [sflag:$0x3], $0x80, $0x38;
	[tilespmem:$0x10C00] =	vst v63  }
0x1c2: {  	s24 =	sadd.s32 $0x20, s23;
	s25 =	simm.s32 $0xA710  }
0x1c3: {  	[hbm4b:s24+s3] =	stream.linear.scatter [tilespmem:s25], [sflag:$0x3], $0x80, $0x38;
	[tilespmem:$0x10C00] =	vst v63  }
0x1c4: {  	s24 =	sadd.s32 $0x30, s23;
	s25 =	simm.s32 $0xA798  }
0x1c5: {  	[hbm4b:s24+s3] =	stream.linear.scatter [tilespmem:s25], [sflag:$0x3], $0x80, $0x38;
	[tilespmem:$0x10C00] =	vst v63  }
0x1c6: {  	s24 =	sadd.s32 $0x40, s23;
	s25 =	simm.s32 $0xA820  }
0x1c7: {  	[hbm4b:s24+s3] =	stream.linear.scatter [tilespmem:s25], [sflag:$0x3], $0x80, $0x38;
	[tilespmem:$0x10C00] =	vst v63  }
0x1c8: {  	s22 =	sshll.u32 s22, $0xE;
	s24 =	sadd.s32 $0x50, s23;
	s25 =	simm.s32 $0xA8A8  }
0x1c9: {  	[hbm4b:s24+s3] =	stream.linear.scatter [tilespmem:s25], [sflag:$0x3], $0x80, $0x38;
	[tilespmem:$0x10C00] =	vst v63  }
0x1ca: {  	s22 =	sand.u32 $0x1FFE8000, s22;
	s24 =	sadd.s32 $0x60, s23;
	s25 =	simm.s32 $0xA930  }
0x1cb: {  	[hbm4b:s24+s3] =	stream.linear.scatter [tilespmem:s25], [sflag:$0x3], $0x80, $0x38;
	[tilespmem:$0x10C00] =	vst v63  }
0x1cc: {  	s22 =	sor.u32 s18, s22;
	s23 =	sadd.s32 $0x70, s23;
	s25 =	simm.s32 $0xA9B8  }
0x1cd: {  	[hbm4b:s23+s3] =	stream.linear.scatter [tilespmem:s25], [sflag:$0x3], $0x80, $0x38;
	[tilespmem:$0x10C00] =	vst v63  }
0x1ce: {  	s23 =	sadd.s32 s22, s8;
	s25 =	simm.s32 $0xAA40  }
0x1cf: {  	[hbm4b:s23+s3] =	stream.linear.scatter [tilespmem:s25], [sflag:$0x3], $0x80, $0x38;
	[tilespmem:$0x10C00] =	vst v63  }
0x1d0: {  	s24 =	sadd.s32 $0x10, s23;
	s25 =	simm.s32 $0xAAC8  }
0x1d1: {  	[hbm4b:s24+s3] =	stream.linear.scatter [tilespmem:s25], [sflag:$0x3], $0x80, $0x38;
	[tilespmem:$0x10C00] =	vst v63  }
0x1d2: {  	s24 =	sadd.s32 $0x20, s23;
	s25 =	simm.s32 $0xAB50  }
0x1d3: {  	[hbm4b:s24+s3] =	stream.linear.scatter [tilespmem:s25], [sflag:$0x3], $0x80, $0x38;
	[tilespmem:$0x10C00] =	vst v63  }
0x1d4: {  	s24 =	sadd.s32 $0x30, s23;
	s25 =	simm.s32 $0xABD8  }
0x1d5: {  	[hbm4b:s24+s3] =	stream.linear.scatter [tilespmem:s25], [sflag:$0x3], $0x80, $0x38;
	[tilespmem:$0x10C00] =	vst v63  }
0x1d6: {  	s24 =	sadd.s32 $0x40, s23;
	s25 =	simm.s32 $0xAC60  }
0x1d7: {  	[hbm4b:s24+s3] =	stream.linear.scatter [tilespmem:s25], [sflag:$0x3], $0x80, $0x38;
	[tilespmem:$0x10C00] =	vst v63  }
0x1d8: {  	s24 =	sadd.s32 $0x50, s23;
	s25 =	simm.s32 $0xACE8  }
0x1d9: {  	[hbm4b:s24+s3] =	stream.linear.scatter [tilespmem:s25], [sflag:$0x3], $0x80, $0x38;
	[tilespmem:$0x10C00] =	vst v63  }
0x1da: {  	s24 =	sadd.s32 $0x60, s23;
	s25 =	simm.s32 $0xAD70  }
0x1db: {  	[hbm4b:s24+s3] =	stream.linear.scatter [tilespmem:s25], [sflag:$0x3], $0x80, $0x38;
	[tilespmem:$0x10C00] =	vst v63  }
0x1dc: {  	s23 =	sadd.s32 $0x70, s23;
	s25 =	simm.s32 $0xADF8  }
0x1dd: {  	[hbm4b:s23+s3] =	stream.linear.scatter [tilespmem:s25], [sflag:$0x3], $0x80, $0x38;
	[tilespmem:$0x10C00] =	vst v63  }
0x1de: {  	s23 =	sadd.s32 s22, s9;
	s25 =	simm.s32 $0xAE80  }
0x1df: {  	[hbm4b:s23+s3] =	stream.linear.scatter [tilespmem:s25], [sflag:$0x3], $0x80, $0x38;
	[tilespmem:$0x10C00] =	vst v63  }
0x1e0: {  	s24 =	sadd.s32 $0x10, s23;
	s25 =	simm.s32 $0xAF08  }
0x1e1: {  	[hbm4b:s24+s3] =	stream.linear.scatter [tilespmem:s25], [sflag:$0x3], $0x80, $0x38;
	[tilespmem:$0x10C00] =	vst v63  }
0x1e2: {  	s24 =	sadd.s32 $0x20, s23;
	s25 =	simm.s32 $0xAF90  }
0x1e3: {  	[hbm4b:s24+s3] =	stream.linear.scatter [tilespmem:s25], [sflag:$0x3], $0x80, $0x38;
	[tilespmem:$0x10C00] =	vst v63  }
0x1e4: {  	s24 =	sadd.s32 $0x30, s23;
	s25 =	simm.s32 $0xB018  }
0x1e5: {  	[hbm4b:s24+s3] =	stream.linear.scatter [tilespmem:s25], [sflag:$0x3], $0x80, $0x38;
	[tilespmem:$0x10C00] =	vst v63  }
0x1e6: {  	s24 =	sadd.s32 $0x40, s23;
	s25 =	simm.s32 $0xB0A0  }
0x1e7: {  	[hbm4b:s24+s3] =	stream.linear.scatter [tilespmem:s25], [sflag:$0x3], $0x80, $0x38;
	[tilespmem:$0x10C00] =	vst v63  }
0x1e8: {  	s24 =	sadd.s32 $0x50, s23;
	s25 =	simm.s32 $0xB128  }
0x1e9: {  	[hbm4b:s24+s3] =	stream.linear.scatter [tilespmem:s25], [sflag:$0x3], $0x80, $0x38;
	[tilespmem:$0x10C00] =	vst v63  }
0x1ea: {  	s24 =	sadd.s32 $0x60, s23;
	s25 =	simm.s32 $0xB1B0  }
0x1eb: {  	[hbm4b:s24+s3] =	stream.linear.scatter [tilespmem:s25], [sflag:$0x3], $0x80, $0x38;
	[tilespmem:$0x10C00] =	vst v63  }
0x1ec: {  	s23 =	sadd.s32 $0x70, s23;
	s25 =	simm.s32 $0xB238  }
0x1ed: {  	[hbm4b:s23+s3] =	stream.linear.scatter [tilespmem:s25], [sflag:$0x3], $0x80, $0x38;
	[tilespmem:$0x10C00] =	vst v63  }
0x1ee: {  	s22 =	sadd.s32 s22, s10;
	s25 =	simm.s32 $0xB2C0  }
0x1ef: {  	[hbm4b:s22+s3] =	stream.linear.scatter [tilespmem:s25], [sflag:$0x3], $0x80, $0x38;
	[tilespmem:$0x10C00] =	vst v63  }
0x1f0: {  	s24 =	sadd.s32 $0x10, s22;
	s25 =	simm.s32 $0xB348  }
0x1f1: {  	[hbm4b:s24+s3] =	stream.linear.scatter [tilespmem:s25], [sflag:$0x3], $0x80, $0x38;
	[tilespmem:$0x10C00] =	vst v63  }
0x1f2: {  	s24 =	sadd.s32 $0x20, s22;
	s25 =	simm.s32 $0xB3D0  }
0x1f3: {  	[hbm4b:s24+s3] =	stream.linear.scatter [tilespmem:s25], [sflag:$0x3], $0x80, $0x38;
	[tilespmem:$0x10C00] =	vst v63  }
0x1f4: {  	s24 =	sadd.s32 $0x30, s22;
	s25 =	simm.s32 $0xB458  }
0x1f5: {  	[hbm4b:s24+s3] =	stream.linear.scatter [tilespmem:s25], [sflag:$0x3], $0x80, $0x38;
	[tilespmem:$0x10C00] =	vst v63  }
0x1f6: {  	s24 =	sadd.s32 $0x40, s22;
	s25 =	simm.s32 $0xB4E0  }
0x1f7: {  	[hbm4b:s24+s3] =	stream.linear.scatter [tilespmem:s25], [sflag:$0x3], $0x80, $0x38;
	[tilespmem:$0x10C00] =	vst v63  }
0x1f8: {  	s24 =	sadd.s32 $0x50, s22;
	s25 =	simm.s32 $0xB568  }
0x1f9: {  	[hbm4b:s24+s3] =	stream.linear.scatter [tilespmem:s25], [sflag:$0x3], $0x80, $0x38;
	[tilespmem:$0x10C00] =	vst v63  }
0x1fa: {  	s19 =	sor.u32 $0x3, s19;
	s24 =	sadd.s32 $0x60, s22;
	s25 =	simm.s32 $0xB5F0  }
0x1fb: {  	[hbm4b:s24+s3] =	stream.linear.scatter [tilespmem:s25], [sflag:$0x3], $0x80, $0x38;
	[tilespmem:$0x10C00] =	vst v63  }
0x1fc: {  	s25 =	sshll.u32 s19, $0x11  }
0x1fd: {  	s22 =	sadd.s32 $0x70, s22;
	s24 =	simm.s32 $0xB678;
	s20 =	sor.u32 s20, s25  }
0x1fe: {  	[hbm4b:s22+s3] =	stream.linear.scatter [tilespmem:s24], [sflag:$0x3], $0x80, $0x38;
	[tilespmem:$0x10C00] =	vst v63  }
0x1ff: {  	s20 =	sshrl.u32 s20, $0x3  }
0x200: {  	s23 =	simm.s32 $0xB700;
	s20 =	sadd.s32 s2, s20  }
0x201: {  	[hbm4b:s20+s3] =	stream.linear.scatter [tilespmem:s23], [sflag:$0x3], $0x80, $0x38;
	[tilespmem:$0x10C00] =	vst v63  }
0x202: {  	s25 =	simm.s32 $0xB788;
	s24 =	sadd.s32 $0x10, s20  }
0x203: {  	[hbm4b:s24+s3] =	stream.linear.scatter [tilespmem:s25], [sflag:$0x3], $0x80, $0x38;
	[tilespmem:$0x10C00] =	vst v63  }
0x204: {  	s24 =	sadd.s32 $0x20, s20;
	s25 =	simm.s32 $0xB810  }
0x205: {  	[hbm4b:s24+s3] =	stream.linear.scatter [tilespmem:s25], [sflag:$0x3], $0x80, $0x38;
	[tilespmem:$0x10C00] =	vst v63  }
0x206: {  	s24 =	sadd.s32 $0x30, s20;
	s25 =	simm.s32 $0xB898  }
0x207: {  	[hbm4b:s24+s3] =	stream.linear.scatter [tilespmem:s25], [sflag:$0x3], $0x80, $0x38;
	[tilespmem:$0x10C00] =	vst v63  }
0x208: {  	s24 =	sadd.s32 $0x40, s20;
	s25 =	simm.s32 $0xB920  }
0x209: {  	[hbm4b:s24+s3] =	stream.linear.scatter [tilespmem:s25], [sflag:$0x3], $0x80, $0x38;
	[tilespmem:$0x10C00] =	vst v63  }
0x20a: {  	s19 =	sshll.u32 s19, $0xE;
	s24 =	sadd.s32 $0x50, s20;
	s25 =	simm.s32 $0xB9A8  }
0x20b: {  	[hbm4b:s24+s3] =	stream.linear.scatter [tilespmem:s25], [sflag:$0x3], $0x80, $0x38;
	[tilespmem:$0x10C00] =	vst v63  }
0x20c: {  	s19 =	sand.u32 $0x1FFEC000, s19;
	s24 =	sadd.s32 $0x60, s20;
	s25 =	simm.s32 $0xBA30  }
0x20d: {  	[hbm4b:s24+s3] =	stream.linear.scatter [tilespmem:s25], [sflag:$0x3], $0x80, $0x38;
	[tilespmem:$0x10C00] =	vst v63  }
0x20e: {  	s18 =	sor.u32 s18, s19;
	s20 =	sadd.s32 $0x70, s20;
	s24 =	simm.s32 $0xBAB8  }
0x20f: {  	[hbm4b:s20+s3] =	stream.linear.scatter [tilespmem:s24], [sflag:$0x3], $0x80, $0x38;
	[tilespmem:$0x10C00] =	vst v63  }
0x210: {  	s19 =	sadd.s32 s18, s8;
	s25 =	simm.s32 $0xBB40  }
0x211: {  	[hbm4b:s19+s3] =	stream.linear.scatter [tilespmem:s25], [sflag:$0x3], $0x80, $0x38;
	[tilespmem:$0x10C00] =	vst v63  }
0x212: {  	s22 =	sadd.s32 $0x10, s19;
	s23 =	simm.s32 $0xBBC8  }
0x213: {  	[hbm4b:s22+s3] =	stream.linear.scatter [tilespmem:s23], [sflag:$0x3], $0x80, $0x38;
	[tilespmem:$0x10C00] =	vst v63  }
0x214: {  	s24 =	sadd.s32 $0x20, s19;
	s25 =	simm.s32 $0xBC50  }
0x215: {  	[hbm4b:s24+s3] =	stream.linear.scatter [tilespmem:s25], [sflag:$0x3], $0x80, $0x38;
	[tilespmem:$0x10C00] =	vst v63  }
0x216: {  	s22 =	sadd.s32 $0x30, s19;
	s23 =	simm.s32 $0xBCD8  }
0x217: {  	[hbm4b:s22+s3] =	stream.linear.scatter [tilespmem:s23], [sflag:$0x3], $0x80, $0x38;
	[tilespmem:$0x10C00] =	vst v63  }
0x218: {  	s24 =	sadd.s32 $0x40, s19;
	s25 =	simm.s32 $0xBD60  }
0x219: {  	[hbm4b:s24+s3] =	stream.linear.scatter [tilespmem:s25], [sflag:$0x3], $0x80, $0x38;
	[tilespmem:$0x10C00] =	vst v63  }
0x21a: {  	s22 =	sadd.s32 $0x50, s19;
	s23 =	simm.s32 $0xBDE8  }
0x21b: {  	[hbm4b:s22+s3] =	stream.linear.scatter [tilespmem:s23], [sflag:$0x3], $0x80, $0x38;
	[tilespmem:$0x10C00] =	vst v63  }
0x21c: {  	s24 =	sadd.s32 $0x60, s19;
	s25 =	simm.s32 $0xBE70  }
0x21d: {  	[hbm4b:s24+s3] =	stream.linear.scatter [tilespmem:s25], [sflag:$0x3], $0x80, $0x38;
	[tilespmem:$0x10C00] =	vst v63  }
0x21e: {  	s19 =	sadd.s32 $0x70, s19;
	s22 =	simm.s32 $0xBEF8  }
0x21f: {  	[hbm4b:s19+s3] =	stream.linear.scatter [tilespmem:s22], [sflag:$0x3], $0x80, $0x38;
	[tilespmem:$0x10C00] =	vst v63  }
0x220: {  	s23 =	simm.s32 $0xBF80;
	s19 =	sadd.s32 s18, s9  }
0x221: {  	[hbm4b:s19+s3] =	stream.linear.scatter [tilespmem:s23], [sflag:$0x3], $0x80, $0x38;
	[tilespmem:$0x10C00] =	vst v63  }
0x222: {  	s25 =	simm.s32 $0xC008;
	s24 =	sadd.s32 $0x10, s19  }
0x223: {  	[hbm4b:s24+s3] =	stream.linear.scatter [tilespmem:s25], [sflag:$0x3], $0x80, $0x38;
	[tilespmem:$0x10C00] =	vst v63  }
0x224: {  	s22 =	sadd.s32 $0x20, s19;
	s23 =	simm.s32 $0xC090  }
0x225: {  	[hbm4b:s22+s3] =	stream.linear.scatter [tilespmem:s23], [sflag:$0x3], $0x80, $0x38;
	[tilespmem:$0x10C00] =	vst v63  }
0x226: {  	s24 =	sadd.s32 $0x30, s19;
	s25 =	simm.s32 $0xC118  }
0x227: {  	[hbm4b:s24+s3] =	stream.linear.scatter [tilespmem:s25], [sflag:$0x3], $0x80, $0x38;
	[tilespmem:$0x10C00] =	vst v63  }
0x228: {  	s22 =	sadd.s32 $0x40, s19;
	s23 =	simm.s32 $0xC1A0  }
0x229: {  	[hbm4b:s22+s3] =	stream.linear.scatter [tilespmem:s23], [sflag:$0x3], $0x80, $0x38;
	[tilespmem:$0x10C00] =	vst v63  }
0x22a: {  	s24 =	sadd.s32 $0x50, s19;
	s25 =	simm.s32 $0xC228  }
0x22b: {  	[hbm4b:s24+s3] =	stream.linear.scatter [tilespmem:s25], [sflag:$0x3], $0x80, $0x38;
	[tilespmem:$0x10C00] =	vst v63  }
0x22c: {  	s23 =	sadd.s32 $0x60, s19;
	s24 =	simm.s32 $0xC2B0  }
0x22d: {  	[hbm4b:s23+s3] =	stream.linear.scatter [tilespmem:s24], [sflag:$0x3], $0x80, $0x38;
	[tilespmem:$0x10C00] =	vst v63  }
0x22e: {  	s19 =	sadd.s32 $0x70, s19;
	s25 =	simm.s32 $0xC338  }
0x22f: {  	[hbm4b:s19+s3] =	stream.linear.scatter [tilespmem:s25], [sflag:$0x3], $0x80, $0x38;
	[tilespmem:$0x10C00] =	vst v63  }
0x230: {  	s20 =	simm.s32 $0xC3C0;
	s18 =	sadd.s32 s18, s10  }
0x231: {  	[hbm4b:s18+s3] =	stream.linear.scatter [tilespmem:s20], [sflag:$0x3], $0x80, $0x38;
	[tilespmem:$0x10C00] =	vst v63  }
0x232: {  	s22 =	sadd.s32 $0x10, s18;
	s23 =	simm.s32 $0xC448  }
0x233: {  	[hbm4b:s22+s3] =	stream.linear.scatter [tilespmem:s23], [sflag:$0x3], $0x80, $0x38;
	[tilespmem:$0x10C00] =	vst v63  }
0x234: {  	s24 =	sadd.s32 $0x20, s18;
	s25 =	simm.s32 $0xC4D0  }
0x235: {  	[hbm4b:s24+s3] =	stream.linear.scatter [tilespmem:s25], [sflag:$0x3], $0x80, $0x38;
	[tilespmem:$0x10C00] =	vst v63  }
0x236: {  	s22 =	sadd.s32 $0x30, s18;
	s23 =	simm.s32 $0xC558  }
0x237: {  	[hbm4b:s22+s3] =	stream.linear.scatter [tilespmem:s23], [sflag:$0x3], $0x80, $0x38;
	[tilespmem:$0x10C00] =	vst v63  }
0x238: {  	s24 =	sadd.s32 $0x40, s18;
	s25 =	simm.s32 $0xC5E0  }
0x239: {  	[hbm4b:s24+s3] =	stream.linear.scatter [tilespmem:s25], [sflag:$0x3], $0x80, $0x38;
	[tilespmem:$0x10C00] =	vst v63  }
0x23a: {  	s20 =	sadd.s32 $0x50, s18;
	s22 =	simm.s32 $0xC668  }
0x23b: {  	[hbm4b:s20+s3] =	stream.linear.scatter [tilespmem:s22], [sflag:$0x3], $0x80, $0x38;
	[tilespmem:$0x10C00] =	vst v63  }
0x23c: {  	s23 =	sadd.s32 $0x60, s18;
	s24 =	simm.s32 $0xC6F0  }
0x23d: {  	[hbm4b:s23+s3] =	stream.linear.scatter [tilespmem:s24], [sflag:$0x3], $0x80, $0x38;
	[tilespmem:$0x10C00] =	vst v63  }
0x23e: {  	s18 =	sadd.s32 $0x70, s18;
	s25 =	simm.s32 $0xC778  }
0x23f: {  	[hbm4b:s18+s3] =	stream.linear.scatter [tilespmem:s25], [sflag:$0x3], $0x80, $0x38;
	[tilespmem:$0x10C00] =	vst v63  }
0x240: {  	_ =	swait.ge [sflag:s6], $0x1000  }
0x241: {  	[sflag:s6] =	ssyncset.done $0x0  }
0x242: {  	[sflag:s6] =	ssyncadd.s32 $0xFFFFF000  }
0x243: {  	_ =	swait.ge [sflag:s6], $0x1000  }
0x244: {  	[sflag:s6] =	ssyncset.done $0x0  }
0x245: {  	[sflag:s6] =	ssyncadd.s32 $0xFFFFF000  }
0x246: {  	_ =	swait.ge [sflag:s6], $0x1000  }
0x247: {  	[sflag:s6] =	ssyncset.done $0x0  }
0x248: {  	[sflag:s6] =	ssyncadd.s32 $0xFFFFF000  }
0x249: {  	_ =	swait.ge [sflag:s6], $0x1000  }
0x24a: {  	v63 =	vld [tilespmem:$0x1FFF0];
	_ =	sdelay $0x1  }
0x24b: {  	[sflag:s6] =	ssyncset.done $0x0  }
0x24c: {  	v58 =	vimm.s32 $0x0;
	s19 =	simm.s32 $0x6400;
	[sflag:s6] =	ssyncadd.s32 $0xFFFFF000  }
0x24d: {  	v36 =	vand.u32 $0xFFFFFFF8, v58;
	v34 =	vand.u32 $0x4, v58;
	v32 =	vld [tilespmem:s19+$0xFFFFE020]  }
0x24e: {  	v37 =	vor.u32 $0x1, v34;
	v35 =	vld [tilespmem:s19+$0xFFFFE060];
	v33 =	vadd.s32 v63, v36  }
0x24f: {  	v38 =	vor.u32 $0x3, v34;
	v4 =	vor.u32 v37, v33  }
0x250: {  	v8 =	vor.u32 v38, v33;
	_ =	sdelay $0x1  }
0x251: {  	v1 =	vmul.f32 $5.656854150e+00, v32  }
0x252: {  	v39 =	vmul.f32 $5.656854150e+00, v35  }
0x253: {  	[tilespmem:v4+s12+$0x0] =	vst.idx.msk $0xffff, v1  }
0x254: {  	[tilespmem:v8+s12+$0x0] =	vst.idx.msk $0xffff, v39  }
0x255: {  	v62 =	vld [tilespmem:$0x1FFE0];
	_ =	sdelay $0x2  }
0x256: {  	v9 =	vld [tilespmem:s19+$0xFFFFE040]  }
0x257: {  	v43 =	vor.u32 $0x2, v34;
	v40 =	vld [tilespmem:s19+$0xFFFFE030]  }
0x258: {  	v4 =	vor.u32 v43, v33;
	v41 =	vadd.s32 v62, v36  }
0x259: {  	v8 =	vor.u32 v37, v41  }
0x25a: {  	v11 =	vld [tilespmem:s19+$0xFFFFE000]  }
0x25b: {  	v9 =	vmul.f32 $5.656854150e+00, v9  }
0x25c: {  	v2 =	vor.u32 v34, v33;
	v10 =	vld [tilespmem:s19+$0xFFFFE070];
	v3 =	vmul.f32 $5.656854150e+00, v40  }
0x25d: {  	[tilespmem:v4+s12+$0x0] =	vst.idx.msk $0xffff, v9  }
0x25e: {  	v4 =	vld [tilespmem:s19+$0xFFFFE050];
	v12 =	vor.u32 v38, v41;
	[tilespmem:v8+s12+$0x0] =	vst.idx.msk $0xffff, v3  }
0x25f: {  	v61 =	vmov v6;
	v8 =	vmul.f32 $5.656854150e+00, v11;
	v6 =	vld [tilespmem:$0x1FFD0];
	_ =	sdelay $0x1  }
0x260: {  	v42 =	vmul.f32 $5.656854150e+00, v10;
	v13 =	vor.u32 v43, v41;
	[tilespmem:v2+s12+$0x0] =	vst.idx.msk $0xffff, v8  }
0x261: {  	v15 =	vld [tilespmem:s19+$0xFFFFE010]  }
0x262: {  	v0 =	vadd.s32 $0x4, v58;
	v11 =	vld [tilespmem:s19+$0xFFFFF020];
	[tilespmem:v12+s12+$0x0] =	vst.idx.msk $0xffff, v42  }
0x263: {  	s18 =	simm.s32 $0x6480;
	v1 =	vor.u32 v34, v41;
	v4 =	vmul.f32 $5.656854150e+00, v4;
	v3 =	vld [tilespmem:s19+$0xFFFFF060];
	v14 =	vadd.s32 v6, v36  }
0x264: {  	v17 =	vld [tilespmem:s18+$0xFFFFE040];
	v9 =	vand.u32 $0xFFFFFFF8, v0;
	v10 =	vand.u32 $0x4, v0;
	v44 =	vor.u32 v37, v14  }
0x265: {  	[tilespmem:v13+s12+$0x0] =	vst.idx.msk $0xffff, v4;
	v4 =	vadd.s32 v63, v9;
	v13 =	vld [tilespmem:s18+$0xFFFFE020];
	v8 =	vor.u32 $0x2, v10;
	v16 =	vor.u32 v38, v14  }
0x266: {  	v35 =	vor.u32 $0x1, v10;
	v18 =	vld [tilespmem:s19+$0xFFFFF040];
	v19 =	vor.u32 v8, v4;
	v46 =	vmul.f32 $5.656854150e+00, v15  }
0x267: {  	v11 =	vmul.f32 $5.656854150e+00, v11;
	v15 =	vor.u32 v35, v4  }
0x268: {  	v23 =	vld [tilespmem:s18+$0xFFFFE000];
	v45 =	vmul.f32 $5.656854150e+00, v3;
	v21 =	vor.u32 v43, v14;
	[tilespmem:v1+s12+$0x0] =	vst.idx.msk $0xffff, v46  }
0x269: {  	v25 =	vld [tilespmem:s18+$0xFFFFE060];
	v47 =	vmul.f32 $5.656854150e+00, v17;
	[tilespmem:v44+s12+$0x0] =	vst.idx.msk $0xffff, v11  }
0x26a: {  	v59 =	vmov v7;
	v7 =	vmov v5;
	v13 =	vmul.f32 $5.656854150e+00, v13;
	v17 =	vld [tilespmem:s19+$0xFFFFF000];
	[tilespmem:v16+s12+$0x0] =	vst.idx.msk $0xffff, v45  }
0x26b: {  	v22 =	vadd.s32 v5, v36;
	v18 =	vmul.f32 $5.656854150e+00, v18;
	v16 =	vor.u32 v10, v4;
	v5 =	vld [tilespmem:$0x1FFC0];
	[tilespmem:v19+s12+$0x0] =	vst.idx.msk $0xffff, v47  }
0x26c: {  	v20 =	vld [tilespmem:s19+$0xFFFFF030];
	[tilespmem:v15+s12+$0x0] =	vst.idx.msk $0xffff, v13  }
0x26d: {  	v14 =	vor.u32 v34, v14;
	v49 =	vld [tilespmem:s19+$0xFFFFF070];
	[tilespmem:v21+s12+$0x0] =	vst.idx.msk $0xffff, v18  }
0x26e: {  	v48 =	vor.u32 v37, v22;
	v12 =	vor.u32 $0x3, v10;
	v19 =	vmul.f32 $5.656854150e+00, v23;
	v60 =	vld [tilespmem:$0x1FFB0]  }
0x26f: {  	v50 =	vor.u32 v38, v22;
	v54 =	vor.u32 v34, v22;
	v4 =	vor.u32 v12, v4;
	v13 =	vld [tilespmem:s18+$0xFFFFE050]  }
0x270: {  	s20 =	simm.s32 $0x6500;
	v31 =	vadd.s32 v6, v9;
	v18 =	vld [tilespmem:s18+$0xFFFFE030];
	[tilespmem:v16+s12+$0x0] =	vst.idx.msk $0xffff, v19;
	v16 =	vmul.f32 $5.656854150e+00, v17;
	v19 =	vmul.f32 $5.656854150e+00, v25  }
0x271: {  	v55 =	vld [tilespmem:s20+$0xFFFFE020];
	v25 =	vor.u32 v43, v22;
	v15 =	vmul.f32 $5.656854150e+00, v20;
	v20 =	vadd.s32 v62, v9  }
0x272: {  	v51 =	vld [tilespmem:s19+$0xFFFFF050];
	v24 =	vadd.s32 v5, v36;
	v17 =	vor.u32 v35, v20;
	[tilespmem:v14+s12+$0x0] =	vst.idx.msk $0xffff, v16  }
0x273: {  	v32 =	vld [tilespmem:s20+$0xFFFFE060];
	v21 =	vadd.s32 v60, v36;
	[tilespmem:v48+s12+$0x0] =	vst.idx.msk $0xffff, v15;
	v15 =	vor.u32 v8, v20  }
0x274: {  	v3 =	vmul.f32 $5.656854150e+00, v49;
	v27 =	vor.u32 v37, v24;
	v28 =	vor.u32 v43, v24;
	[tilespmem:v4+s12+$0x0] =	vst.idx.msk $0xffff, v19;
	v4 =	vld [tilespmem:s19+$0xFFFFF010]  }
0x275: {  	v26 =	vor.u32 v34, v24;
	v52 =	vmul.f32 $5.656854150e+00, v13;
	v13 =	vmul.f32 $5.656854150e+00, v18;
	v23 =	vld [tilespmem:s19+$0x20]  }
0x276: {  	v41 =	vor.u32 v38, v24;
	v19 =	vadd.s32 v59, v36;
	[tilespmem:v50+s12+$0x0] =	vst.idx.msk $0xffff, v3;
	v53 =	vld [tilespmem:s18+$0xFFFFE070]  }
0x277: {  	v29 =	vld [tilespmem:s18+$0xFFFFE010];
	v2 =	vmul.f32 $5.656854150e+00, v51;
	v24 =	vor.u32 v35, v31;
	v14 =	vor.u32 v37, v19;
	[tilespmem:v17+s12+$0x0] =	vst.idx.msk $0xffff, v13  }
0x278: {  	v0 =	vadd.s32 $0x4, v0;
	v40 =	vor.u32 v37, v21;
	[tilespmem:v15+s12+$0x0] =	vst.idx.msk $0xffff, v52;
	v15 =	vor.u32 v12, v20;
	v18 =	vld [tilespmem:s18+$0xFFFFF020]  }
0x279: {  	v42 =	vor.u32 v43, v21;
	v3 =	vld [tilespmem:s19+$0x60];
	[tilespmem:v25+s12+$0x0] =	vst.idx.msk $0xffff, v2;
	v20 =	vor.u32 v10, v20;
	v4 =	vmul.f32 $5.656854150e+00, v4  }
0x27a: {  	v44 =	vor.u32 v34, v21;
	v11 =	vor.u32 v38, v21;
	v21 =	vld [tilespmem:s19+$0x40];
	v13 =	vmul.f32 $5.656854150e+00, v23  }
0x27b: {  	v16 =	vand.u32 $0xFFFFFFF8, v0;
	v22 =	vor.u32 v38, v19;
	v25 =	vld [tilespmem:s20+$0xFFFFE040];
	v1 =	vmul.f32 $5.656854150e+00, v53;
	[tilespmem:v54+s12+$0x0] =	vst.idx.msk $0xffff, v4  }
0x27c: {  	v29 =	vmul.f32 $5.656854150e+00, v29;
	v30 =	vld [tilespmem:s18+$0xFFFFF040];
	v23 =	vor.u32 v43, v19;
	[tilespmem:v14+s12+$0x0] =	vst.idx.msk $0xffff, v13;
	v13 =	vand.u32 $0x4, v0  }
0x27d: {  	v39 =	vadd.s32 v63, v16;
	v47 =	vld [tilespmem:s19+$0x0];
	v14 =	vor.u32 $0x2, v13;
	[tilespmem:v15+s12+$0x0] =	vst.idx.msk $0xffff, v1;
	v56 =	vmul.f32 $5.656854150e+00, v18  }
0x27e: {  	v17 =	vadd.s32 v5, v9;
	v33 =	vld [tilespmem:s19+$0x30];
	v45 =	vor.u32 v14, v39;
	v15 =	vor.u32 $0x1, v13;
	[tilespmem:v20+s12+$0x0] =	vst.idx.msk $0xffff, v29  }
0x27f: {  	v57 =	vor.u32 v8, v17;
	v21 =	vmul.f32 $5.656854150e+00, v21;
	v4 =	vld [tilespmem:s18+$0xFFFFF060];
	v29 =	vor.u32 v15, v39;
	[tilespmem:v24+s12+$0x0] =	vst.idx.msk $0xffff, v56  }
0x280: {  	v2 =	vor.u32 v34, v19;
	v3 =	vmul.f32 $5.656854150e+00, v3;
	v49 =	vld [tilespmem:s18+$0xFFFFF000];
	[tilespmem:$0x1FF80] =	vst v57  }
0x281: {  	v46 =	vadd.s32 v60, v9;
	v48 =	vor.u32 v12, v31;
	v19 =	vmul.f32 $5.656854150e+00, v25;
	[tilespmem:v23+s12+$0x0] =	vst.idx.msk $0xffff, v21  }
0x282: {  	v51 =	vadd.s32 v7, v9;
	v50 =	vor.u32 v12, v46;
	v1 =	vmul.f32 $5.656854150e+00, v55;
	v58 =	vld [tilespmem:s18+$0xFFFFF030];
	[tilespmem:v22+s12+$0x0] =	vst.idx.msk $0xffff, v3  }
0x283: {  	v25 =	vor.u32 v10, v17;
	v3 =	vor.u32 v8, v31;
	v53 =	vld [tilespmem:s20+$0xFFFFE000];
	[tilespmem:v45+s12+$0x0] =	vst.idx.msk $0xffff, v19;
	v19 =	vmul.f32 $5.656854150e+00, v47  }
0x284: {  	v20 =	vor.u32 v35, v17;
	v55 =	vor.u32 v8, v51;
	v56 =	vld [tilespmem:s19+$0x50];
	v4 =	vmul.f32 $5.656854150e+00, v4;
	[tilespmem:v29+s12+$0x0] =	vst.idx.msk $0xffff, v1  }
0x285: {  	v24 =	vor.u32 v12, v17;
	v17 =	vor.u32 $0x3, v13;
	v57 =	vor.u32 v35, v51;
	v1 =	vld [tilespmem:s20+$0xFFFFE050];
	[tilespmem:v2+s12+$0x0] =	vst.idx.msk $0xffff, v19  }
0x286: {  	v21 =	vor.u32 v35, v46;
	v22 =	vor.u32 v8, v46;
	v29 =	vmul.f32 $5.656854150e+00, v30;
	[tilespmem:v48+s12+$0x0] =	vst.idx.msk $0xffff, v4;
	v4 =	vld [tilespmem:s19+$0x70]  }
0x287: {  	v23 =	vor.u32 v10, v46;
	v54 =	vmul.f32 $5.656854150e+00, v33;
	v30 =	vor.u32 v17, v39;
	v48 =	vld [tilespmem:s18+$0xFFFFF070];
	[tilespmem:$0x1FF90] =	vst v50  }
0x288: {  	v46 =	vor.u32 v10, v31;
	v2 =	vor.u32 v13, v39;
	v58 =	vmul.f32 $5.656854150e+00, v58;
	[tilespmem:v3+s12+$0x0] =	vst.idx.msk $0xffff, v29  }
0x289: {  	v45 =	vadd.s32 v60, v16;
	v39 =	vadd.s32 v5, v16;
	v3 =	vld [tilespmem:s19+$0x10];
	v29 =	vmul.f32 $5.656854150e+00, v56;
	[tilespmem:v27+s12+$0x0] =	vst.idx.msk $0xffff, v54  }
0x28a: {  	v32 =	vmul.f32 $5.656854150e+00, v32;
	v31 =	vor.u32 v15, v39;
	v50 =	vor.u32 v12, v51;
	[tilespmem:v57+s12+$0x0] =	vst.idx.msk $0xffff, v58  }
0x28b: {  	v33 =	vor.u32 v13, v39;
	v52 =	vld [tilespmem:s20+$0xFFFFE030];
	v27 =	vor.u32 v14, v45;
	[tilespmem:v28+s12+$0x0] =	vst.idx.msk $0xffff, v29;
	v28 =	vmul.f32 $5.656854150e+00, v53  }
0x28c: {  	v49 =	vmul.f32 $5.656854150e+00, v49;
	[tilespmem:v30+s12+$0x0] =	vst.idx.msk $0xffff, v32;
	v56 =	vld [tilespmem:s18+$0xFFFFF050];
	v32 =	vor.u32 v17, v39;
	v29 =	vor.u32 v14, v39  }
0x28d: {  	v39 =	vor.u32 v10, v51;
	v53 =	vld [tilespmem:s19+$0x1040];
	v30 =	vmul.f32 $5.656854150e+00, v48;
	[tilespmem:v2+s12+$0x0] =	vst.idx.msk $0xffff, v28;
	v2 =	vadd.s32 v62, v16  }
0x28e: {  	[tilespmem:v46+s12+$0x0] =	vst.idx.msk $0xffff, v49;
	v47 =	vld [tilespmem:s18+$0x20];
	v28 =	vor.u32 v15, v45;
	v3 =	vmul.f32 $5.656854150e+00, v3;
	v51 =	vor.u32 v14, v2  }
0x28f: {  	v4 =	vmul.f32 $5.656854150e+00, v4;
	v48 =	vld [tilespmem:s19+$0x1020];
	v54 =	vor.u32 v15, v2;
	v46 =	vor.u32 v13, v2;
	[tilespmem:v50+s12+$0x0] =	vst.idx.msk $0xffff, v30  }
0x290: {  	v58 =	vld [tilespmem:s20+$0xFFFFE010];
	v30 =	vor.u32 v13, v45;
	[tilespmem:v26+s12+$0x0] =	vst.idx.msk $0xffff, v3;
	v26 =	vor.u32 v17, v45  }
0x291: {  	[tilespmem:v41+s12+$0x0] =	vst.idx.msk $0xffff, v4;
	v4 =	vld [tilespmem:s18+$0xFFFFF010];
	v45 =	vor.u32 v17, v2;
	v2 =	vmul.f32 $5.656854150e+00, v52;
	v52 =	vmul.f32 $5.656854150e+00, v56  }
0x292: {  	v3 =	vld [tilespmem:s19+$0x1000];
	v53 =	vmul.f32 $5.656854150e+00, v53  }
0x293: {  	v1 =	vmul.f32 $5.656854150e+00, v1;
	v57 =	vld [tilespmem:s18+$0x60];
	[tilespmem:v55+s12+$0x0] =	vst.idx.msk $0xffff, v52  }
0x294: {  	v41 =	vadd.s32 v59, v9;
	[tilespmem:v42+s12+$0x0] =	vst.idx.msk $0xffff, v53;
	v53 =	vld [tilespmem:s19+$0x1060]  }
0x295: {  	v48 =	vmul.f32 $5.656854150e+00, v48;
	[tilespmem:v51+s12+$0x0] =	vst.idx.msk $0xffff, v1;
	v1 =	vld [tilespmem:s20+$0xFFFFE070];
	v51 =	vor.u32 v12, v41  }
0x296: {  	v50 =	vor.u32 v35, v41;
	v56 =	vmul.f32 $5.656854150e+00, v47;
	[tilespmem:v54+s12+$0x0] =	vst.idx.msk $0xffff, v2;
	v42 =	vor.u32 v8, v41;
	v2 =	vld [tilespmem:s20+$0xFFFFF040]  }
0x297: {  	v41 =	vor.u32 v10, v41;
	v47 =	vld [tilespmem:s18+$0x40];
	[tilespmem:v40+s12+$0x0] =	vst.idx.msk $0xffff, v48;
	v40 =	vadd.s32 $0x4, v0;
	v0 =	vmul.f32 $5.656854150e+00, v3  }
0x298: {  	v18 =	vmovc v12;
	v59 =	vmovc v5;
	v58 =	vmul.f32 $5.656854150e+00, v58;
	v49 =	vld [tilespmem:s20+$0xFFFFF020];
	v57 =	vmul.f32 $5.656854150e+00, v57;
	v3 =	vadd.s32 v61, v36  }
0x299: {  	v54 =	vld [tilespmem:s19+$0x1030];
	v52 =	vor.u32 v37, v3;
	v37 =	vor.u32 v38, v3;
	[tilespmem:v44+s12+$0x0] =	vst.idx.msk $0xffff, v0;
	v44 =	vmul.f32 $5.656854150e+00, v53  }
0x29a: {  	v48 =	vmul.f32 $5.656854150e+00, v4;
	v43 =	vor.u32 v43, v3;
	v38 =	vld [tilespmem:s19+$0x1050];
	[tilespmem:v51+s12+$0x0] =	vst.idx.msk $0xffff, v57;
	v53 =	vadd.s32 v6, v16  }
0x29b: {  	s22 =	simm.s32 $0x8;
	s23 =	simm.s32 $0x6580;
	v57 =	vmul.f32 $5.656854150e+00, v1;
	v51 =	vor.u32 v34, v3;
	v6 =	vmovc v7;
	v55 =	vld [tilespmem:s19+$0x1010];
	[tilespmem:v11+s12+$0x0] =	vst.idx.msk $0xffff, v44;
	v44 =	vmul.f32 $5.656854150e+00, v2  }
.LBB2_5:
0x29c: {  	[tilespmem:v50+s12+$0x0] =	vst.idx.msk $0xffff, v56;
	v3 =	vmov v10  }
0x29d: {  	v2 =	vld [tilespmem:s19+$0x1070];
	[tilespmem:$0x1FF70] =	vst v3  }
0x29e: {  	s19 =	smov.u32 s18;
	v50 =	vld [tilespmem:s23+$0xFFFFE060];
	[tilespmem:v45+s12+$0x0] =	vst.idx.msk $0xffff, v57;
	v5 =	vmul.f32 $5.656854150e+00, v54  }
0x29f: {  	v1 =	vor.u32 v15, v53;
	[tilespmem:v46+s12+$0x0] =	vst.idx.msk $0xffff, v58;
	v57 =	vld [tilespmem:s19+$0x30]  }
0x2a0: {  	v34 =	vand.u32 $0xFFFFFFF8, v40;
	v0 =	vand.u32 $0x4, v40;
	v10 =	vmovc v13;
	v36 =	vmovc v8;
	v54 =	vld [tilespmem:s23+$0xFFFFE040];
	v55 =	vmul.f32 $5.656854150e+00, v55;
	[tilespmem:v52+s12+$0x0] =	vst.idx.msk $0xffff, v5  }
0x2a1: {  	s18 =	smov.u32 s20;
	v3 =	vadd.s32 v63, v34;
	v4 =	vor.u32 $0x2, v0;
	v13 =	vmovc v0;
	[tilespmem:v39+s12+$0x0] =	vst.idx.msk $0xffff, v48;
	v39 =	vmul.f32 $5.656854150e+00, v47;
	v52 =	vld [tilespmem:s23+$0xFFFFE020]  }
0x2a2: {  	v45 =	vor.u32 v0, v3;
	v56 =	vor.u32 v4, v3;
	v48 =	vld [tilespmem:s18+$0xFFFFF060];
	v47 =	vmul.f32 $5.656854150e+00, v49;
	[tilespmem:v51+s12+$0x0] =	vst.idx.msk $0xffff, v55  }
0x2a3: {  	v8 =	vmovc v14;
	v0 =	vor.u32 $0x1, v13;
	v14 =	vmov v4;
	v4 =	vor.u32 v10, v53;
	[tilespmem:v42+s12+$0x0] =	vst.idx.msk $0xffff, v39  }
0x2a4: {  	v49 =	vor.u32 v17, v53;
	v51 =	vor.u32 v8, v53;
	v39 =	vmul.f32 $5.656854150e+00, v38;
	v53 =	vld [tilespmem:s19+$0x0];
	[tilespmem:v1+s12+$0x0] =	vst.idx.msk $0xffff, v47  }
0x2a5: {  	v58 =	vor.u32 v0, v3;
	v12 =	vmul.f32 $5.656854150e+00, v54;
	v54 =	vld [tilespmem:s18+$0xFFFFF030]  }
0x2a6: {  	v2 =	vmul.f32 $5.656854150e+00, v2;
	[tilespmem:v43+s12+$0x0] =	vst.idx.msk $0xffff, v39;
	v39 =	vmul.f32 $5.656854150e+00, v52;
	v52 =	vadd.s32 v6, v16  }
0x2a7: {  	v19 =	vmovc v15;
	v38 =	vmov v35;
	v48 =	vmul.f32 $5.656854150e+00, v48;
	v35 =	vor.u32 v15, v52  }
0x2a8: {  	v46 =	vor.u32 $0x3, v13;
	v42 =	vadd.s32 v59, v34;
	v55 =	vadd.s32 v60, v34;
	[tilespmem:v37+s12+$0x0] =	vst.idx.msk $0xffff, v2  }
0x2a9: {  	v1 =	vor.u32 v0, v42;
	v2 =	vld [tilespmem:s23+$0xFFFFE000];
	v5 =	vmovc v59;
	[tilespmem:v49+s12+$0x0] =	vst.idx.msk $0xffff, v48;
	v53 =	vmul.f32 $5.656854150e+00, v53;
	v15 =	vmov v0  }
0x2aa: {  	v59 =	vld [tilespmem:s18+$0xFFFFF000];
	v49 =	vor.u32 v14, v55;
	[tilespmem:v58+s12+$0x0] =	vst.idx.msk $0xffff, v39;
	v0 =	vor.u32 v15, v55;
	v7 =	vmul.f32 $5.656854150e+00, v54  }
0x2ab: {  	[tilespmem:v41+s12+$0x0] =	vst.idx.msk $0xffff, v53;
	v41 =	vor.u32 v13, v55;
	v53 =	vor.u32 v46, v55;
	v55 =	vld [tilespmem:s23+$0xFFFFE030]  }
0x2ac: {  	v3 =	vor.u32 v46, v3;
	[tilespmem:v35+s12+$0x0] =	vst.idx.msk $0xffff, v7;
	v7 =	vld [tilespmem:$0x1FF80]  }
0x2ad: {  	v11 =	vmov v6;
	v6 =	vmov v63;
	v63 =	vmov v60;
	v60 =	vld [tilespmem:s19+$0x50]  }
0x2ae: {  	[tilespmem:v56+s12+$0x0] =	vst.idx.msk $0xffff, v12  }
0x2af: {  	v50 =	vmul.f32 $5.656854150e+00, v50;
	v58 =	vld [tilespmem:s23+$0xFFFFE050]  }
0x2b0: {  	v47 =	vor.u32 v14, v42;
	v2 =	vmul.f32 $5.656854150e+00, v2;
	v54 =	vld [tilespmem:s18+$0xFFFFF070];
	[tilespmem:v51+s12+$0x0] =	vst.idx.msk $0xffff, v44  }
0x2b1: {  	v57 =	vmul.f32 $5.656854150e+00, v57;
	v43 =	vor.u32 v13, v42;
	v42 =	vor.u32 v46, v42;
	v48 =	vld [tilespmem:s19+$0x70];
	[tilespmem:v3+s12+$0x0] =	vst.idx.msk $0xffff, v50  }
0x2b2: {  	v56 =	vor.u32 v17, v52;
	v12 =	vor.u32 v8, v52;
	v44 =	vld [tilespmem:s19+$0x10];
	[tilespmem:v45+s12+$0x0] =	vst.idx.msk $0xffff, v2;
	v60 =	vmul.f32 $5.656854150e+00, v60  }
0x2b3: {  	v39 =	vor.u32 v10, v52;
	v52 =	vmov v28;
	v28 =	vmov v0;
	v0 =	vld [tilespmem:s18+$0x20];
	[tilespmem:v20+s12+$0x0] =	vst.idx.msk $0xffff, v57  }
0x2b4: {  	v35 =	vmovc v17;
	v20 =	vmov v31;
	v31 =	vmov v1;
	v1 =	vadd.s32 v62, v34;
	[tilespmem:v7+s12+$0x0] =	vst.idx.msk $0xffff, v60  }
0x2b5: {  	v17 =	vmovc v46;
	v50 =	vor.u32 v14, v1;
	v7 =	vmovc v29;
	v29 =	vmov v47;
	v47 =	vmul.f32 $5.656854150e+00, v54;
	v3 =	vld [tilespmem:s19+$0x1040]  }
0x2b6: {  	v45 =	vor.u32 v17, v1;
	v46 =	vor.u32 v13, v1;
	v1 =	vor.u32 v15, v1;
	[tilespmem:$0x1FF80] =	vst v7;
	v7 =	vld [tilespmem:$0x1FF90]  }
0x2b7: {  	v48 =	vmul.f32 $5.656854150e+00, v48;
	[tilespmem:v56+s12+$0x0] =	vst.idx.msk $0xffff, v47  }
0x2b8: {  	v54 =	vld [tilespmem:s18+$0x60]  }
0x2b9: {  	[tilespmem:v24+s12+$0x0] =	vst.idx.msk $0xffff, v48;
	v24 =	vmov v32;
	v32 =	vmov v42;
	v42 =	vmul.f32 $5.656854150e+00, v55;
	v48 =	vld [tilespmem:$0x1FFA0];
	_ =	sdelay $0x1  }
0x2ba: {  	v2 =	vmul.f32 $5.656854150e+00, v44;
	v44 =	vld [tilespmem:s19+$0x1020];
	[tilespmem:v1+s12+$0x0] =	vst.idx.msk $0xffff, v42;
	v60 =	vmovc v7;
	v7 =	vmov v26;
	v3 =	vmul.f32 $5.656854150e+00, v3  }
0x2bb: {  	v51 =	vmov v23;
	v23 =	vmov v30;
	v30 =	vmov v41;
	v41 =	vld [tilespmem:s18+$0xFFFFF050];
	[tilespmem:$0x1FF90] =	vst v7  }
0x2bc: {  	v57 =	vmul.f32 $5.656854150e+00, v59;
	v59 =	vmul.f32 $5.656854150e+00, v58;
	v55 =	vld [tilespmem:s23+$0xFFFFE070];
	[tilespmem:v22+s12+$0x0] =	vst.idx.msk $0xffff, v3  }
0x2bd: {  	v7 =	vmovc v62;
	v62 =	vld [tilespmem:s23+$0xFFFFE010];
	[tilespmem:v25+s12+$0x0] =	vst.idx.msk $0xffff, v2;
	v25 =	vmov v33;
	v33 =	vmov v43;
	v43 =	vadd.s32 v48, v16  }
0x2be: {  	v3 =	vld [tilespmem:s19+$0x1060];
	[tilespmem:v50+s12+$0x0] =	vst.idx.msk $0xffff, v59;
	v58 =	vor.u32 v35, v43  }
0x2bf: {  	[tilespmem:v4+s12+$0x0] =	vst.idx.msk $0xffff, v57;
	v1 =	vld [tilespmem:s23+$0xFFFFF040]  }
0x2c0: {  	v2 =	vld [tilespmem:s19+$0x1000]  }
0x2c1: {  	v59 =	vmul.f32 $5.656854150e+00, v54;
	v57 =	vld [tilespmem:$0x1FFD0]  }
0x2c2: {  	v37 =	vmovc v18;
	v44 =	vmul.f32 $5.656854150e+00, v44;
	v56 =	vmul.f32 $5.656854150e+00, v0;
	v0 =	vadd.s32 v61, v9;
	v4 =	vld [tilespmem:s18+$0xFFFFF010]  }
0x2c3: {  	s22 =	sadd.s32 $0x4, s22;
	v40 =	vadd.s32 $0x4, v40;
	v37 =	vor.u32 v37, v0;
	v26 =	vmovc v53;
	v53 =	vmul.f32 $5.656854150e+00, v41;
	[tilespmem:v58+s12+$0x0] =	vst.idx.msk $0xffff, v59;
	v58 =	vld [tilespmem:$0x1FF70]  }
0x2c4: {  	p0 =	slt.u32 s22, $0x7C;
	v22 =	vmovc v27;
	v27 =	vmov v49;
	v49 =	vld [tilespmem:s23+$0xFFFFF020];
	[tilespmem:v21+s12+$0x0] =	vst.idx.msk $0xffff, v44;
	v21 =	vmov v52;
	v52 =	vor.u32 v38, v0  }
.Ltmp1:
0x2c5: {  	v18 =	vmovc v35;
	v50 =	vor.u32 v19, v43;
	v42 =	vor.u32 v8, v43;
	v2 =	vmul.f32 $5.656854150e+00, v2;
	(pc) =	sbr.rel @p0 .LBB2_5-.Ltmp1, $4  }
0x2c6: {  	v9 =	vmov v16;
	v54 =	vld [tilespmem:s19+$0x1030];
	v41 =	vor.u32 v10, v43;
	[tilespmem:v12+s12+$0x0] =	vst.idx.msk $0xffff, v53;
	v43 =	vor.u32 v36, v0  }
0x2c7: {  	v16 =	vmovc v34;
	v47 =	vld [tilespmem:s18+$0x40];
	v53 =	vadd.s32 v57, v34;
	v57 =	vmul.f32 $5.656854150e+00, v55;
	[tilespmem:v51+s12+$0x0] =	vst.idx.msk $0xffff, v2;
	v2 =	vmul.f32 $5.656854150e+00, v3  }
0x2c8: {  	v35 =	vmovc v19;
	v38 =	vld [tilespmem:s19+$0x1050];
	v59 =	vmovc v5;
	v44 =	vmul.f32 $5.656854150e+00, v1;
	v48 =	vmul.f32 $5.656854150e+00, v4;
	v51 =	vor.u32 v58, v0  }
0x2c9: {  	s20 =	smov.u32 s23;
	s23 =	sadd.s32 $0x80, s23;
	v55 =	vld [tilespmem:s19+$0x1010];
	v58 =	vmul.f32 $5.656854150e+00, v62;
	v62 =	vmovc v7;
	[tilespmem:v60+s12+$0x0] =	vst.idx.msk $0xffff, v2;
	v60 =	vmovc v63;
	v63 =	vmov v6;
	v6 =	vmov v11  }
0x2ca: {  	_ =	sdelay $0x3  }
0x2cb: {  	[tilespmem:v46+s12+$0x0] =	vst.idx.msk $0xffff, v58  }
0x2cc: {  	v0 =	vld [tilespmem:s20+$0xFFFFF000]  }
0x2cd: {  	v1 =	vor.u32 v15, v53  }
0x2ce: {  	[tilespmem:v45+s12+$0x0] =	vst.idx.msk $0xffff, v57;
	v3 =	vor.u32 v13, v53  }
0x2cf: {  	v2 =	vld [tilespmem:s20+$0xFFFFF060]  }
0x2d0: {  	v4 =	vor.u32 v14, v53;
	v34 =	vmul.f32 $5.656854150e+00, v49  }
0x2d1: {  	v5 =	vor.u32 v17, v53;
	v0 =	vmul.f32 $5.656854150e+00, v0  }
0x2d2: {  	[tilespmem:v1+s12+$0x0] =	vst.idx.msk $0xffff, v34  }
0x2d3: {  	v1 =	vld [tilespmem:s20+$0xFFFFF030];
	[tilespmem:v3+s12+$0x0] =	vst.idx.msk $0xffff, v0  }
0x2d4: {  	[tilespmem:v39+s12+$0x0] =	vst.idx.msk $0xffff, v48;
	v2 =	vmul.f32 $5.656854150e+00, v2;
	v0 =	vadd.s32 v6, v16;
	v3 =	vld [tilespmem:s20+$0xFFFFF010]  }
0x2d5: {  	[tilespmem:v4+s12+$0x0] =	vst.idx.msk $0xffff, v44;
	v4 =	vor.u32 v15, v0  }
0x2d6: {  	v54 =	vmul.f32 $5.656854150e+00, v54;
	[tilespmem:v5+s12+$0x0] =	vst.idx.msk $0xffff, v2;
	v5 =	vor.u32 v13, v0  }
0x2d7: {  	[tilespmem:v50+s12+$0x0] =	vst.idx.msk $0xffff, v56;
	v57 =	vld [tilespmem:s18+$0x0];
	v40 =	vmul.f32 $5.656854150e+00, v55  }
0x2d8: {  	[tilespmem:v52+s12+$0x0] =	vst.idx.msk $0xffff, v54;
	v1 =	vmul.f32 $5.656854150e+00, v1  }
0x2d9: {  	[tilespmem:v51+s12+$0x0] =	vst.idx.msk $0xffff, v40;
	v3 =	vmul.f32 $5.656854150e+00, v3  }
0x2da: {  	v2 =	vld [tilespmem:s20+$0xFFFFF050];
	[tilespmem:v4+s12+$0x0] =	vst.idx.msk $0xffff, v1  }
0x2db: {  	v36 =	vld [tilespmem:s20+$0xFFFFF070];
	[tilespmem:v5+s12+$0x0] =	vst.idx.msk $0xffff, v3;
	v3 =	vmul.f32 $5.656854150e+00, v47  }
0x2dc: {  	v34 =	vmul.f32 $5.656854150e+00, v57;
	v56 =	vor.u32 v14, v0;
	v5 =	vld [tilespmem:$0x1FFA0]  }
0x2dd: {  	v0 =	vor.u32 v17, v0;
	[tilespmem:v42+s12+$0x0] =	vst.idx.msk $0xffff, v3;
	v3 =	vmul.f32 $5.656854150e+00, v38  }
0x2de: {  	v58 =	vld [tilespmem:s19+$0x1070];
	[tilespmem:v41+s12+$0x0] =	vst.idx.msk $0xffff, v34  }
0x2df: {  	v1 =	vmul.f32 $5.656854150e+00, v2;
	[tilespmem:v43+s12+$0x0] =	vst.idx.msk $0xffff, v3;
	v3 =	vld [tilespmem:s18+$0x10]  }
0x2e0: {  	v4 =	vmul.f32 $5.656854150e+00, v36;
	v2 =	vld [tilespmem:s20+$0x20]  }
0x2e1: {  	[tilespmem:v56+s12+$0x0] =	vst.idx.msk $0xffff, v1;
	v1 =	vld [tilespmem:s20+$0x0];
	v7 =	vadd.s32 v5, v16  }
0x2e2: {  	[tilespmem:v0+s12+$0x0] =	vst.idx.msk $0xffff, v4;
	v4 =	vld [tilespmem:s20+$0x40];
	v0 =	vor.u32 v15, v7  }
0x2e3: {  	v40 =	vmul.f32 $5.656854150e+00, v58;
	v11 =	vld [tilespmem:s20+$0x60];
	v12 =	vor.u32 v13, v7  }
0x2e4: {  	v19 =	vld [tilespmem:s18+$0x30];
	v44 =	vor.u32 v14, v7;
	v3 =	vmul.f32 $5.656854150e+00, v3  }
0x2e5: {  	[tilespmem:v37+s12+$0x0] =	vst.idx.msk $0xffff, v40;
	v2 =	vmul.f32 $5.656854150e+00, v2;
	v7 =	vor.u32 v17, v7  }
0x2e6: {  	v1 =	vmul.f32 $5.656854150e+00, v1;
	[tilespmem:v25+s12+$0x0] =	vst.idx.msk $0xffff, v3  }
0x2e7: {  	[tilespmem:v0+s12+$0x0] =	vst.idx.msk $0xffff, v2;
	v0 =	vmul.f32 $5.656854150e+00, v4  }
0x2e8: {  	v2 =	vmul.f32 $5.656854150e+00, v11;
	[tilespmem:v12+s12+$0x0] =	vst.idx.msk $0xffff, v1  }
0x2e9: {  	v1 =	vmul.f32 $5.656854150e+00, v19;
	[tilespmem:v44+s12+$0x0] =	vst.idx.msk $0xffff, v0  }
0x2ea: {  	[tilespmem:v7+s12+$0x0] =	vst.idx.msk $0xffff, v2  }
0x2eb: {  	[tilespmem:v20+s12+$0x0] =	vst.idx.msk $0xffff, v1  }
0x2ec: {  	v3 =	vld [tilespmem:$0x1FF80]  }
0x2ed: {  	v45 =	vld [tilespmem:s18+$0x50]  }
0x2ee: {  	v46 =	vld [tilespmem:s18+$0x70]  }
0x2ef: {  	v4 =	vld [tilespmem:s20+$0x30]  }
0x2f0: {  	v0 =	vld [tilespmem:s20+$0x10]  }
0x2f1: {  	v2 =	vld [tilespmem:s20+$0x50]  }
0x2f2: {  	v47 =	vmul.f32 $5.656854150e+00, v45;
	v1 =	vld [tilespmem:s20+$0x70]  }
0x2f3: {  	v7 =	vmul.f32 $5.656854150e+00, v46;
	v20 =	vld [tilespmem:s18+$0x1020]  }
0x2f4: {  	v4 =	vmul.f32 $5.656854150e+00, v4;
	[tilespmem:v3+s12+$0x0] =	vst.idx.msk $0xffff, v47;
	v3 =	vld [tilespmem:s18+$0x1000]  }
0x2f5: {  	[tilespmem:v24+s12+$0x0] =	vst.idx.msk $0xffff, v7;
	v0 =	vmul.f32 $5.656854150e+00, v0;
	v11 =	vld [tilespmem:s18+$0x1040]  }
0x2f6: {  	v2 =	vmul.f32 $5.656854150e+00, v2;
	[tilespmem:v31+s12+$0x0] =	vst.idx.msk $0xffff, v4  }
0x2f7: {  	v1 =	vmul.f32 $5.656854150e+00, v1;
	[tilespmem:v33+s12+$0x0] =	vst.idx.msk $0xffff, v0  }
0x2f8: {  	v0 =	vmul.f32 $5.656854150e+00, v20;
	[tilespmem:v29+s12+$0x0] =	vst.idx.msk $0xffff, v2  }
0x2f9: {  	[tilespmem:v32+s12+$0x0] =	vst.idx.msk $0xffff, v1;
	v3 =	vmul.f32 $5.656854150e+00, v3  }
0x2fa: {  	[tilespmem:v21+s12+$0x0] =	vst.idx.msk $0xffff, v0;
	v1 =	vmul.f32 $5.656854150e+00, v11  }
0x2fb: {  	[tilespmem:v23+s12+$0x0] =	vst.idx.msk $0xffff, v3  }
0x2fc: {  	[tilespmem:v22+s12+$0x0] =	vst.idx.msk $0xffff, v1  }
0x2fd: {  	v51 =	vld [tilespmem:$0x1FF90]  }
0x2fe: {  	v24 =	vld [tilespmem:s18+$0x1060]  }
0x2ff: {  	v4 =	vld [tilespmem:s20+$0x1020]  }
0x300: {  	v2 =	vld [tilespmem:s20+$0x1000]  }
0x301: {  	v48 =	vld [tilespmem:s20+$0x1040]  }
0x302: {  	v0 =	vld [tilespmem:s20+$0x1060]  }
0x303: {  	v7 =	vld [tilespmem:s18+$0x1030];
	v3 =	vmul.f32 $5.656854150e+00, v24  }
0x304: {  	v4 =	vmul.f32 $5.656854150e+00, v4;
	v1 =	vadd.s32 v61, v9;
	v49 =	vld [tilespmem:s18+$0x1010]  }
0x305: {  	v2 =	vmul.f32 $5.656854150e+00, v2;
	v12 =	vor.u32 v35, v1;
	v50 =	vld [tilespmem:s18+$0x1050];
	[tilespmem:v51+s12+$0x0] =	vst.idx.msk $0xffff, v3  }
0x306: {  	v19 =	vmul.f32 $5.656854150e+00, v48;
	[tilespmem:v28+s12+$0x0] =	vst.idx.msk $0xffff, v4;
	v3 =	vor.u32 v10, v1;
	v52 =	vld [tilespmem:s18+$0x1070]  }
0x307: {  	v0 =	vmul.f32 $5.656854150e+00, v0;
	v4 =	vor.u32 v8, v1;
	[tilespmem:v30+s12+$0x0] =	vst.idx.msk $0xffff, v2;
	v8 =	vld [tilespmem:s20+$0x1030]  }
0x308: {  	v53 =	vadd.s32 v61, v16;
	v2 =	vmul.f32 $5.656854150e+00, v7;
	[tilespmem:v27+s12+$0x0] =	vst.idx.msk $0xffff, v19;
	v54 =	vld [tilespmem:s20+$0x1010];
	v1 =	vor.u32 v18, v1  }
0x309: {  	v55 =	vor.u32 v15, v53;
	[tilespmem:v26+s12+$0x0] =	vst.idx.msk $0xffff, v0;
	v56 =	vld [tilespmem:s20+$0x1050];
	v9 =	vmul.f32 $5.656854150e+00, v49  }
0x30a: {  	v57 =	vld [tilespmem:s20+$0x1070];
	[tilespmem:v12+s12+$0x0] =	vst.idx.msk $0xffff, v2;
	v0 =	vmul.f32 $5.656854150e+00, v50;
	v2 =	vor.u32 v13, v53  }
0x30b: {  	v58 =	vor.u32 v14, v53;
	[tilespmem:v3+s12+$0x0] =	vst.idx.msk $0xffff, v9;
	v3 =	vmul.f32 $5.656854150e+00, v52  }
0x30c: {  	[tilespmem:v4+s12+$0x0] =	vst.idx.msk $0xffff, v0;
	v0 =	vor.u32 v17, v53;
	v4 =	vmul.f32 $5.656854150e+00, v8  }
0x30d: {  	[tilespmem:v1+s12+$0x0] =	vst.idx.msk $0xffff, v3;
	v1 =	vmul.f32 $5.656854150e+00, v54  }
0x30e: {  	[tilespmem:v55+s12+$0x0] =	vst.idx.msk $0xffff, v4;
	v3 =	vmul.f32 $5.656854150e+00, v56  }
0x30f: {  	[tilespmem:v2+s12+$0x0] =	vst.idx.msk $0xffff, v1;
	v1 =	vmul.f32 $5.656854150e+00, v57  }
0x310: {  	p0 =	seq.s32 s15, $0x18;
	[tilespmem:v58+s12+$0x0] =	vst.idx.msk $0xffff, v3  }
0x311: {  	s17 =	sadd.s32 @!p0 s17, s11;
	s18 =	simm.s32 @!p0 $0x0;
	[tilespmem:v0+s12+$0x0] =	vst.idx.msk $0xffff, v1  }
0x312: {  	[tilespmem:s18], [sflag:$0x5] =	stream.linear.gather @!p0 [hbm4b:s17+s18], $0x200, $0x38;
	[tilespmem:$0x10C00] =	vst v63  }
0x313: {  	s17 =	simm.s32 @!p0 $0x5  }
0x314: {  	_ =	swait.ge @!p0 [sflag:s17], $0x200  }
0x315: {  	[sflag:s17] =	ssyncset.done @!p0 $0x0  }
0x316: {  	s19 =	simm.s32 @!p0 $0x400;
	[sflag:s17] =	ssyncadd.s32 @!p0 $0xFFFFFE00;
	s17 =	simm.s32 @!p0 $0x80  }
0x317: {  	[tilespmem:s19], [sflag:$0x1] =	stream.indirect.gather @!p0 [hbm4b:s4+s17], $0x20, s18, s17, $0xb8;
	[tilespmem:$0x10C00] =	vst v63  }
0x318: {  	s18 =	simm.s32 @!p0 $0x1400  }
0x319: {  	[tilespmem:s18], [sflag:$0x1] =	stream.indirect.gather @!p0 [hbm4b:s4+s17], $0x20, s17, s17, $0xb8;
	[tilespmem:$0x10C00] =	vst v63  }
0x31a: {  	s19 =	simm.s32 @!p0 $0x2400;
	s18 =	simm.s32 @!p0 $0x100  }
0x31b: {  	[tilespmem:s19], [sflag:$0x1] =	stream.indirect.gather @!p0 [hbm4b:s4+s17], $0x20, s18, s17, $0xb8;
	[tilespmem:$0x10C00] =	vst v63  }
0x31c: {  	s18 =	simm.s32 @!p0 $0x180;
	s19 =	simm.s32 @!p0 $0x3400  }
0x31d: {  	[tilespmem:s19], [sflag:$0x1] =	stream.indirect.gather @!p0 [hbm4b:s4+s17], $0x20, s18, s17, $0xb8;
	[tilespmem:$0x10C00] =	vst v63  }
0x31e: {  	s17 =	sshrl.u32 s16, $0x3  }
0x31f: {  	s23 =	sshrl.u32 s16, $0x1;
	s19 =	sand.u32 $0xFFFFFF8, s17  }
0x320: {  	s18 =	sand.u32 $0x1F, s23;
	s20 =	sor.u32 $0x4, s19  }
0x321: {  	s16 =	sshll.u32 s18, $0xA;
	s22 =	sshll.u32 s20, $0x11  }
0x322: {  	s22 =	sor.u32 s16, s22  }
0x323: {  	s22 =	sshrl.u32 s22, $0x3  }
0x324: {  	s22 =	sadd.s32 s2, s22  }
0x325: {  	[hbm4b:s22+s3] =	stream.linear.scatter [tilespmem:s12], [sflag:$0x4], $0x80, $0x38;
	[tilespmem:$0x10C00] =	vst v63  }
0x326: {  	s24 =	simm.s32 $0xC888;
	s23 =	sadd.s32 $0x10, s22  }
0x327: {  	[hbm4b:s23+s3] =	stream.linear.scatter [tilespmem:s24], [sflag:$0x4], $0x80, $0x38;
	[tilespmem:$0x10C00] =	vst v63  }
0x328: {  	s25 =	simm.s32 $0xC910;
	s24 =	sadd.s32 $0x20, s22  }
0x329: {  	[hbm4b:s24+s3] =	stream.linear.scatter [tilespmem:s25], [sflag:$0x4], $0x80, $0x38;
	[tilespmem:$0x10C00] =	vst v63  }
0x32a: {  	s24 =	sadd.s32 $0x30, s22;
	s25 =	simm.s32 $0xC998  }
0x32b: {  	[hbm4b:s24+s3] =	stream.linear.scatter [tilespmem:s25], [sflag:$0x4], $0x80, $0x38;
	[tilespmem:$0x10C00] =	vst v63  }
0x32c: {  	s18 =	sshll.u32 s18, $0x7;
	s24 =	sadd.s32 $0x40, s22;
	s25 =	simm.s32 $0xCA20  }
0x32d: {  	[hbm4b:s24+s3] =	stream.linear.scatter [tilespmem:s25], [sflag:$0x4], $0x80, $0x38;
	[tilespmem:$0x10C00] =	vst v63  }
0x32e: {  	s20 =	sshll.u32 s20, $0xE;
	s24 =	sadd.s32 $0x50, s22;
	s25 =	simm.s32 $0xCAA8  }
0x32f: {  	[hbm4b:s24+s3] =	stream.linear.scatter [tilespmem:s25], [sflag:$0x4], $0x80, $0x38;
	[tilespmem:$0x10C00] =	vst v63  }
0x330: {  	s20 =	sand.u32 $0x1FFF0000, s20;
	s24 =	sadd.s32 $0x60, s22;
	s25 =	simm.s32 $0xCB30  }
0x331: {  	[hbm4b:s24+s3] =	stream.linear.scatter [tilespmem:s25], [sflag:$0x4], $0x80, $0x38;
	[tilespmem:$0x10C00] =	vst v63  }
0x332: {  	s20 =	sor.u32 s18, s20;
	s22 =	sadd.s32 $0x70, s22;
	s24 =	simm.s32 $0xCBB8  }
0x333: {  	[hbm4b:s22+s3] =	stream.linear.scatter [tilespmem:s24], [sflag:$0x4], $0x80, $0x38;
	[tilespmem:$0x10C00] =	vst v63  }
0x334: {  	s25 =	simm.s32 $0xCC40;
	s22 =	sadd.s32 s20, s8  }
0x335: {  	[hbm4b:s22+s3] =	stream.linear.scatter [tilespmem:s25], [sflag:$0x4], $0x80, $0x38;
	[tilespmem:$0x10C00] =	vst v63  }
0x336: {  	s24 =	sadd.s32 $0x10, s22;
	s25 =	simm.s32 $0xCCC8  }
0x337: {  	[hbm4b:s24+s3] =	stream.linear.scatter [tilespmem:s25], [sflag:$0x4], $0x80, $0x38;
	[tilespmem:$0x10C00] =	vst v63  }
0x338: {  	s24 =	sadd.s32 $0x20, s22;
	s25 =	simm.s32 $0xCD50  }
0x339: {  	[hbm4b:s24+s3] =	stream.linear.scatter [tilespmem:s25], [sflag:$0x4], $0x80, $0x38;
	[tilespmem:$0x10C00] =	vst v63  }
0x33a: {  	s24 =	sadd.s32 $0x30, s22;
	s25 =	simm.s32 $0xCDD8  }
0x33b: {  	[hbm4b:s24+s3] =	stream.linear.scatter [tilespmem:s25], [sflag:$0x4], $0x80, $0x38;
	[tilespmem:$0x10C00] =	vst v63  }
0x33c: {  	s24 =	sadd.s32 $0x40, s22;
	s25 =	simm.s32 $0xCE60  }
0x33d: {  	[hbm4b:s24+s3] =	stream.linear.scatter [tilespmem:s25], [sflag:$0x4], $0x80, $0x38;
	[tilespmem:$0x10C00] =	vst v63  }
0x33e: {  	s24 =	sadd.s32 $0x50, s22;
	s25 =	simm.s32 $0xCEE8  }
0x33f: {  	[hbm4b:s24+s3] =	stream.linear.scatter [tilespmem:s25], [sflag:$0x4], $0x80, $0x38;
	[tilespmem:$0x10C00] =	vst v63  }
0x340: {  	s24 =	sadd.s32 $0x60, s22;
	s25 =	simm.s32 $0xCF70  }
0x341: {  	[hbm4b:s24+s3] =	stream.linear.scatter [tilespmem:s25], [sflag:$0x4], $0x80, $0x38;
	[tilespmem:$0x10C00] =	vst v63  }
0x342: {  	s22 =	sadd.s32 $0x70, s22;
	s24 =	simm.s32 $0xCFF8  }
0x343: {  	[hbm4b:s22+s3] =	stream.linear.scatter [tilespmem:s24], [sflag:$0x4], $0x80, $0x38;
	[tilespmem:$0x10C00] =	vst v63  }
0x344: {  	s25 =	simm.s32 $0xD080;
	s22 =	sadd.s32 s20, s9  }
0x345: {  	[hbm4b:s22+s3] =	stream.linear.scatter [tilespmem:s25], [sflag:$0x4], $0x80, $0x38;
	[tilespmem:$0x10C00] =	vst v63  }
0x346: {  	s24 =	sadd.s32 $0x10, s22;
	s25 =	simm.s32 $0xD108  }
0x347: {  	[hbm4b:s24+s3] =	stream.linear.scatter [tilespmem:s25], [sflag:$0x4], $0x80, $0x38;
	[tilespmem:$0x10C00] =	vst v63  }
0x348: {  	s24 =	sadd.s32 $0x20, s22;
	s25 =	simm.s32 $0xD190  }
0x349: {  	[hbm4b:s24+s3] =	stream.linear.scatter [tilespmem:s25], [sflag:$0x4], $0x80, $0x38;
	[tilespmem:$0x10C00] =	vst v63  }
0x34a: {  	s24 =	sadd.s32 $0x30, s22;
	s25 =	simm.s32 $0xD218  }
0x34b: {  	[hbm4b:s24+s3] =	stream.linear.scatter [tilespmem:s25], [sflag:$0x4], $0x80, $0x38;
	[tilespmem:$0x10C00] =	vst v63  }
0x34c: {  	s24 =	sadd.s32 $0x40, s22;
	s25 =	simm.s32 $0xD2A0  }
0x34d: {  	[hbm4b:s24+s3] =	stream.linear.scatter [tilespmem:s25], [sflag:$0x4], $0x80, $0x38;
	[tilespmem:$0x10C00] =	vst v63  }
0x34e: {  	s24 =	sadd.s32 $0x50, s22;
	s25 =	simm.s32 $0xD328  }
0x34f: {  	[hbm4b:s24+s3] =	stream.linear.scatter [tilespmem:s25], [sflag:$0x4], $0x80, $0x38;
	[tilespmem:$0x10C00] =	vst v63  }
0x350: {  	s24 =	sadd.s32 $0x60, s22;
	s25 =	simm.s32 $0xD3B0  }
0x351: {  	[hbm4b:s24+s3] =	stream.linear.scatter [tilespmem:s25], [sflag:$0x4], $0x80, $0x38;
	[tilespmem:$0x10C00] =	vst v63  }
0x352: {  	s22 =	sadd.s32 $0x70, s22;
	s25 =	simm.s32 $0xD438  }
0x353: {  	[hbm4b:s22+s3] =	stream.linear.scatter [tilespmem:s25], [sflag:$0x4], $0x80, $0x38;
	[tilespmem:$0x10C00] =	vst v63  }
0x354: {  	s23 =	simm.s32 $0xD4C0;
	s20 =	sadd.s32 s20, s10  }
0x355: {  	[hbm4b:s20+s3] =	stream.linear.scatter [tilespmem:s23], [sflag:$0x4], $0x80, $0x38;
	[tilespmem:$0x10C00] =	vst v63  }
0x356: {  	s24 =	sadd.s32 $0x10, s20;
	s25 =	simm.s32 $0xD548  }
0x357: {  	[hbm4b:s24+s3] =	stream.linear.scatter [tilespmem:s25], [sflag:$0x4], $0x80, $0x38;
	[tilespmem:$0x10C00] =	vst v63  }
0x358: {  	s24 =	sadd.s32 $0x20, s20;
	s25 =	simm.s32 $0xD5D0  }
0x359: {  	[hbm4b:s24+s3] =	stream.linear.scatter [tilespmem:s25], [sflag:$0x4], $0x80, $0x38;
	[tilespmem:$0x10C00] =	vst v63  }
0x35a: {  	s24 =	sadd.s32 $0x30, s20;
	s25 =	simm.s32 $0xD658  }
0x35b: {  	[hbm4b:s24+s3] =	stream.linear.scatter [tilespmem:s25], [sflag:$0x4], $0x80, $0x38;
	[tilespmem:$0x10C00] =	vst v63  }
0x35c: {  	s24 =	sadd.s32 $0x40, s20;
	s25 =	simm.s32 $0xD6E0  }
0x35d: {  	[hbm4b:s24+s3] =	stream.linear.scatter [tilespmem:s25], [sflag:$0x4], $0x80, $0x38;
	[tilespmem:$0x10C00] =	vst v63  }
0x35e: {  	s24 =	sadd.s32 $0x50, s20;
	s25 =	simm.s32 $0xD768  }
0x35f: {  	[hbm4b:s24+s3] =	stream.linear.scatter [tilespmem:s25], [sflag:$0x4], $0x80, $0x38;
	[tilespmem:$0x10C00] =	vst v63  }
0x360: {  	s24 =	sadd.s32 $0x60, s20;
	s25 =	simm.s32 $0xD7F0  }
0x361: {  	[hbm4b:s24+s3] =	stream.linear.scatter [tilespmem:s25], [sflag:$0x4], $0x80, $0x38;
	[tilespmem:$0x10C00] =	vst v63  }
0x362: {  	s23 =	simm.s32 $0xD878;
	s20 =	sadd.s32 $0x70, s20  }
0x363: {  	[hbm4b:s20+s3] =	stream.linear.scatter [tilespmem:s23], [sflag:$0x4], $0x80, $0x38;
	[tilespmem:$0x10C00] =	vst v63  }
0x364: {  	s20 =	sor.u32 $0x5, s19  }
0x365: {  	s24 =	sshll.u32 s20, $0x11  }
0x366: {  	s22 =	sor.u32 s16, s24  }
0x367: {  	s22 =	sshrl.u32 s22, $0x3  }
0x368: {  	s25 =	simm.s32 $0xD900;
	s22 =	sadd.s32 s2, s22  }
0x369: {  	[hbm4b:s22+s3] =	stream.linear.scatter [tilespmem:s25], [sflag:$0x4], $0x80, $0x38;
	[tilespmem:$0x10C00] =	vst v63  }
0x36a: {  	s24 =	sadd.s32 $0x10, s22;
	s25 =	simm.s32 $0xD988  }
0x36b: {  	[hbm4b:s24+s3] =	stream.linear.scatter [tilespmem:s25], [sflag:$0x4], $0x80, $0x38;
	[tilespmem:$0x10C00] =	vst v63  }
0x36c: {  	s24 =	sadd.s32 $0x20, s22;
	s25 =	simm.s32 $0xDA10  }
0x36d: {  	[hbm4b:s24+s3] =	stream.linear.scatter [tilespmem:s25], [sflag:$0x4], $0x80, $0x38;
	[tilespmem:$0x10C00] =	vst v63  }
0x36e: {  	s24 =	sadd.s32 $0x30, s22;
	s25 =	simm.s32 $0xDA98  }
0x36f: {  	[hbm4b:s24+s3] =	stream.linear.scatter [tilespmem:s25], [sflag:$0x4], $0x80, $0x38;
	[tilespmem:$0x10C00] =	vst v63  }
0x370: {  	s24 =	sadd.s32 $0x40, s22;
	s25 =	simm.s32 $0xDB20  }
0x371: {  	[hbm4b:s24+s3] =	stream.linear.scatter [tilespmem:s25], [sflag:$0x4], $0x80, $0x38;
	[tilespmem:$0x10C00] =	vst v63  }
0x372: {  	s20 =	sshll.u32 s20, $0xE;
	s24 =	sadd.s32 $0x50, s22;
	s25 =	simm.s32 $0xDBA8  }
0x373: {  	[hbm4b:s24+s3] =	stream.linear.scatter [tilespmem:s25], [sflag:$0x4], $0x80, $0x38;
	[tilespmem:$0x10C00] =	vst v63  }
0x374: {  	s20 =	sand.u32 $0x1FFF4000, s20;
	s24 =	sadd.s32 $0x60, s22;
	s25 =	simm.s32 $0xDC30  }
0x375: {  	[hbm4b:s24+s3] =	stream.linear.scatter [tilespmem:s25], [sflag:$0x4], $0x80, $0x38;
	[tilespmem:$0x10C00] =	vst v63  }
0x376: {  	s20 =	sor.u32 s18, s20;
	s22 =	sadd.s32 $0x70, s22;
	s24 =	simm.s32 $0xDCB8  }
0x377: {  	[hbm4b:s22+s3] =	stream.linear.scatter [tilespmem:s24], [sflag:$0x4], $0x80, $0x38;
	[tilespmem:$0x10C00] =	vst v63  }
0x378: {  	s25 =	simm.s32 $0xDD40;
	s22 =	sadd.s32 s20, s8  }
0x379: {  	[hbm4b:s22+s3] =	stream.linear.scatter [tilespmem:s25], [sflag:$0x4], $0x80, $0x38;
	[tilespmem:$0x10C00] =	vst v63  }
0x37a: {  	s24 =	sadd.s32 $0x10, s22;
	s25 =	simm.s32 $0xDDC8  }
0x37b: {  	[hbm4b:s24+s3] =	stream.linear.scatter [tilespmem:s25], [sflag:$0x4], $0x80, $0x38;
	[tilespmem:$0x10C00] =	vst v63  }
0x37c: {  	s24 =	sadd.s32 $0x20, s22;
	s25 =	simm.s32 $0xDE50  }
0x37d: {  	[hbm4b:s24+s3] =	stream.linear.scatter [tilespmem:s25], [sflag:$0x4], $0x80, $0x38;
	[tilespmem:$0x10C00] =	vst v63  }
0x37e: {  	s24 =	sadd.s32 $0x30, s22;
	s25 =	simm.s32 $0xDED8  }
0x37f: {  	[hbm4b:s24+s3] =	stream.linear.scatter [tilespmem:s25], [sflag:$0x4], $0x80, $0x38;
	[tilespmem:$0x10C00] =	vst v63  }
0x380: {  	s24 =	sadd.s32 $0x40, s22;
	s25 =	simm.s32 $0xDF60  }
0x381: {  	[hbm4b:s24+s3] =	stream.linear.scatter [tilespmem:s25], [sflag:$0x4], $0x80, $0x38;
	[tilespmem:$0x10C00] =	vst v63  }
0x382: {  	s24 =	sadd.s32 $0x50, s22;
	s25 =	simm.s32 $0xDFE8  }
0x383: {  	[hbm4b:s24+s3] =	stream.linear.scatter [tilespmem:s25], [sflag:$0x4], $0x80, $0x38;
	[tilespmem:$0x10C00] =	vst v63  }
0x384: {  	s24 =	sadd.s32 $0x60, s22;
	s25 =	simm.s32 $0xE070  }
0x385: {  	[hbm4b:s24+s3] =	stream.linear.scatter [tilespmem:s25], [sflag:$0x4], $0x80, $0x38;
	[tilespmem:$0x10C00] =	vst v63  }
0x386: {  	s22 =	sadd.s32 $0x70, s22;
	s24 =	simm.s32 $0xE0F8  }
0x387: {  	[hbm4b:s22+s3] =	stream.linear.scatter [tilespmem:s24], [sflag:$0x4], $0x80, $0x38;
	[tilespmem:$0x10C00] =	vst v63  }
0x388: {  	s25 =	simm.s32 $0xE180;
	s22 =	sadd.s32 s20, s9  }
0x389: {  	[hbm4b:s22+s3] =	stream.linear.scatter [tilespmem:s25], [sflag:$0x4], $0x80, $0x38;
	[tilespmem:$0x10C00] =	vst v63  }
0x38a: {  	s24 =	sadd.s32 $0x10, s22;
	s25 =	simm.s32 $0xE208  }
0x38b: {  	[hbm4b:s24+s3] =	stream.linear.scatter [tilespmem:s25], [sflag:$0x4], $0x80, $0x38;
	[tilespmem:$0x10C00] =	vst v63  }
0x38c: {  	s24 =	sadd.s32 $0x20, s22;
	s25 =	simm.s32 $0xE290  }
0x38d: {  	[hbm4b:s24+s3] =	stream.linear.scatter [tilespmem:s25], [sflag:$0x4], $0x80, $0x38;
	[tilespmem:$0x10C00] =	vst v63  }
0x38e: {  	s24 =	sadd.s32 $0x30, s22;
	s25 =	simm.s32 $0xE318  }
0x38f: {  	[hbm4b:s24+s3] =	stream.linear.scatter [tilespmem:s25], [sflag:$0x4], $0x80, $0x38;
	[tilespmem:$0x10C00] =	vst v63  }
0x390: {  	s24 =	sadd.s32 $0x40, s22;
	s25 =	simm.s32 $0xE3A0  }
0x391: {  	[hbm4b:s24+s3] =	stream.linear.scatter [tilespmem:s25], [sflag:$0x4], $0x80, $0x38;
	[tilespmem:$0x10C00] =	vst v63  }
0x392: {  	s24 =	sadd.s32 $0x50, s22;
	s25 =	simm.s32 $0xE428  }
0x393: {  	[hbm4b:s24+s3] =	stream.linear.scatter [tilespmem:s25], [sflag:$0x4], $0x80, $0x38;
	[tilespmem:$0x10C00] =	vst v63  }
0x394: {  	s24 =	sadd.s32 $0x60, s22;
	s25 =	simm.s32 $0xE4B0  }
0x395: {  	[hbm4b:s24+s3] =	stream.linear.scatter [tilespmem:s25], [sflag:$0x4], $0x80, $0x38;
	[tilespmem:$0x10C00] =	vst v63  }
0x396: {  	s22 =	sadd.s32 $0x70, s22;
	s25 =	simm.s32 $0xE538  }
0x397: {  	[hbm4b:s22+s3] =	stream.linear.scatter [tilespmem:s25], [sflag:$0x4], $0x80, $0x38;
	[tilespmem:$0x10C00] =	vst v63  }
0x398: {  	s23 =	simm.s32 $0xE5C0;
	s20 =	sadd.s32 s20, s10  }
0x399: {  	[hbm4b:s20+s3] =	stream.linear.scatter [tilespmem:s23], [sflag:$0x4], $0x80, $0x38;
	[tilespmem:$0x10C00] =	vst v63  }
0x39a: {  	s24 =	sadd.s32 $0x10, s20;
	s25 =	simm.s32 $0xE648  }
0x39b: {  	[hbm4b:s24+s3] =	stream.linear.scatter [tilespmem:s25], [sflag:$0x4], $0x80, $0x38;
	[tilespmem:$0x10C00] =	vst v63  }
0x39c: {  	s24 =	sadd.s32 $0x20, s20;
	s25 =	simm.s32 $0xE6D0  }
0x39d: {  	[hbm4b:s24+s3] =	stream.linear.scatter [tilespmem:s25], [sflag:$0x4], $0x80, $0x38;
	[tilespmem:$0x10C00] =	vst v63  }
0x39e: {  	s24 =	sadd.s32 $0x30, s20;
	s25 =	simm.s32 $0xE758  }
0x39f: {  	[hbm4b:s24+s3] =	stream.linear.scatter [tilespmem:s25], [sflag:$0x4], $0x80, $0x38;
	[tilespmem:$0x10C00] =	vst v63  }
0x3a0: {  	s24 =	sadd.s32 $0x40, s20;
	s25 =	simm.s32 $0xE7E0  }
0x3a1: {  	[hbm4b:s24+s3] =	stream.linear.scatter [tilespmem:s25], [sflag:$0x4], $0x80, $0x38;
	[tilespmem:$0x10C00] =	vst v63  }
0x3a2: {  	s24 =	sadd.s32 $0x50, s20;
	s25 =	simm.s32 $0xE868  }
0x3a3: {  	[hbm4b:s24+s3] =	stream.linear.scatter [tilespmem:s25], [sflag:$0x4], $0x80, $0x38;
	[tilespmem:$0x10C00] =	vst v63  }
0x3a4: {  	s19 =	sor.u32 $0x6, s19;
	s23 =	sadd.s32 $0x60, s20;
	s24 =	simm.s32 $0xE8F0  }
0x3a5: {  	[hbm4b:s23+s3] =	stream.linear.scatter [tilespmem:s24], [sflag:$0x4], $0x80, $0x38;
	[tilespmem:$0x10C00] =	vst v63  }
0x3a6: {  	s22 =	sshll.u32 s19, $0x11;
	s20 =	sadd.s32 $0x70, s20;
	s25 =	simm.s32 $0xE978  }
0x3a7: {  	[hbm4b:s20+s3] =	stream.linear.scatter [tilespmem:s25], [sflag:$0x4], $0x80, $0x38;
	[tilespmem:$0x10C00] =	vst v63  }
0x3a8: {  	s20 =	sor.u32 s16, s22  }
0x3a9: {  	s20 =	sshrl.u32 s20, $0x3  }
0x3aa: {  	s23 =	simm.s32 $0xEA00;
	s20 =	sadd.s32 s2, s20  }
0x3ab: {  	[hbm4b:s20+s3] =	stream.linear.scatter [tilespmem:s23], [sflag:$0x4], $0x80, $0x38;
	[tilespmem:$0x10C00] =	vst v63  }
0x3ac: {  	s25 =	simm.s32 $0xEA88;
	s24 =	sadd.s32 $0x10, s20  }
0x3ad: {  	[hbm4b:s24+s3] =	stream.linear.scatter [tilespmem:s25], [sflag:$0x4], $0x80, $0x38;
	[tilespmem:$0x10C00] =	vst v63  }
0x3ae: {  	s24 =	sadd.s32 $0x20, s20;
	s25 =	simm.s32 $0xEB10  }
0x3af: {  	[hbm4b:s24+s3] =	stream.linear.scatter [tilespmem:s25], [sflag:$0x4], $0x80, $0x38;
	[tilespmem:$0x10C00] =	vst v63  }
0x3b0: {  	s24 =	sadd.s32 $0x30, s20;
	s25 =	simm.s32 $0xEB98  }
0x3b1: {  	[hbm4b:s24+s3] =	stream.linear.scatter [tilespmem:s25], [sflag:$0x4], $0x80, $0x38;
	[tilespmem:$0x10C00] =	vst v63  }
0x3b2: {  	s24 =	sadd.s32 $0x40, s20;
	s25 =	simm.s32 $0xEC20  }
0x3b3: {  	[hbm4b:s24+s3] =	stream.linear.scatter [tilespmem:s25], [sflag:$0x4], $0x80, $0x38;
	[tilespmem:$0x10C00] =	vst v63  }
0x3b4: {  	s19 =	sshll.u32 s19, $0xE;
	s24 =	sadd.s32 $0x50, s20;
	s25 =	simm.s32 $0xECA8  }
0x3b5: {  	[hbm4b:s24+s3] =	stream.linear.scatter [tilespmem:s25], [sflag:$0x4], $0x80, $0x38;
	[tilespmem:$0x10C00] =	vst v63  }
0x3b6: {  	s19 =	sand.u32 $0x1FFF8000, s19;
	s23 =	sadd.s32 $0x60, s20;
	s24 =	simm.s32 $0xED30  }
0x3b7: {  	[hbm4b:s23+s3] =	stream.linear.scatter [tilespmem:s24], [sflag:$0x4], $0x80, $0x38;
	[tilespmem:$0x10C00] =	vst v63  }
0x3b8: {  	s19 =	sor.u32 s18, s19;
	s20 =	sadd.s32 $0x70, s20;
	s25 =	simm.s32 $0xEDB8  }
0x3b9: {  	[hbm4b:s20+s3] =	stream.linear.scatter [tilespmem:s25], [sflag:$0x4], $0x80, $0x38;
	[tilespmem:$0x10C00] =	vst v63  }
0x3ba: {  	s23 =	simm.s32 $0xEE40;
	s20 =	sadd.s32 s19, s8  }
0x3bb: {  	[hbm4b:s20+s3] =	stream.linear.scatter [tilespmem:s23], [sflag:$0x4], $0x80, $0x38;
	[tilespmem:$0x10C00] =	vst v63  }
0x3bc: {  	s25 =	simm.s32 $0xEEC8;
	s24 =	sadd.s32 $0x10, s20  }
0x3bd: {  	[hbm4b:s24+s3] =	stream.linear.scatter [tilespmem:s25], [sflag:$0x4], $0x80, $0x38;
	[tilespmem:$0x10C00] =	vst v63  }
0x3be: {  	s24 =	sadd.s32 $0x20, s20;
	s25 =	simm.s32 $0xEF50  }
0x3bf: {  	[hbm4b:s24+s3] =	stream.linear.scatter [tilespmem:s25], [sflag:$0x4], $0x80, $0x38;
	[tilespmem:$0x10C00] =	vst v63  }
0x3c0: {  	s24 =	sadd.s32 $0x30, s20;
	s25 =	simm.s32 $0xEFD8  }
0x3c1: {  	[hbm4b:s24+s3] =	stream.linear.scatter [tilespmem:s25], [sflag:$0x4], $0x80, $0x38;
	[tilespmem:$0x10C00] =	vst v63  }
0x3c2: {  	s24 =	sadd.s32 $0x40, s20;
	s25 =	simm.s32 $0xF060  }
0x3c3: {  	[hbm4b:s24+s3] =	stream.linear.scatter [tilespmem:s25], [sflag:$0x4], $0x80, $0x38;
	[tilespmem:$0x10C00] =	vst v63  }
0x3c4: {  	s24 =	sadd.s32 $0x50, s20;
	s25 =	simm.s32 $0xF0E8  }
0x3c5: {  	[hbm4b:s24+s3] =	stream.linear.scatter [tilespmem:s25], [sflag:$0x4], $0x80, $0x38;
	[tilespmem:$0x10C00] =	vst v63  }
0x3c6: {  	s23 =	sadd.s32 $0x60, s20;
	s24 =	simm.s32 $0xF170  }
0x3c7: {  	[hbm4b:s23+s3] =	stream.linear.scatter [tilespmem:s24], [sflag:$0x4], $0x80, $0x38;
	[tilespmem:$0x10C00] =	vst v63  }
0x3c8: {  	s20 =	sadd.s32 $0x70, s20;
	s25 =	simm.s32 $0xF1F8  }
0x3c9: {  	[hbm4b:s20+s3] =	stream.linear.scatter [tilespmem:s25], [sflag:$0x4], $0x80, $0x38;
	[tilespmem:$0x10C00] =	vst v63  }
0x3ca: {  	s23 =	simm.s32 $0xF280;
	s20 =	sadd.s32 s19, s9  }
0x3cb: {  	[hbm4b:s20+s3] =	stream.linear.scatter [tilespmem:s23], [sflag:$0x4], $0x80, $0x38;
	[tilespmem:$0x10C00] =	vst v63  }
0x3cc: {  	s25 =	simm.s32 $0xF308;
	s24 =	sadd.s32 $0x10, s20  }
0x3cd: {  	[hbm4b:s24+s3] =	stream.linear.scatter [tilespmem:s25], [sflag:$0x4], $0x80, $0x38;
	[tilespmem:$0x10C00] =	vst v63  }
0x3ce: {  	s24 =	sadd.s32 $0x20, s20;
	s25 =	simm.s32 $0xF390  }
0x3cf: {  	[hbm4b:s24+s3] =	stream.linear.scatter [tilespmem:s25], [sflag:$0x4], $0x80, $0x38;
	[tilespmem:$0x10C00] =	vst v63  }
0x3d0: {  	s24 =	sadd.s32 $0x30, s20;
	s25 =	simm.s32 $0xF418  }
0x3d1: {  	[hbm4b:s24+s3] =	stream.linear.scatter [tilespmem:s25], [sflag:$0x4], $0x80, $0x38;
	[tilespmem:$0x10C00] =	vst v63  }
0x3d2: {  	s24 =	sadd.s32 $0x40, s20;
	s25 =	simm.s32 $0xF4A0  }
0x3d3: {  	[hbm4b:s24+s3] =	stream.linear.scatter [tilespmem:s25], [sflag:$0x4], $0x80, $0x38;
	[tilespmem:$0x10C00] =	vst v63  }
0x3d4: {  	s24 =	sadd.s32 $0x50, s20;
	s25 =	simm.s32 $0xF528  }
0x3d5: {  	[hbm4b:s24+s3] =	stream.linear.scatter [tilespmem:s25], [sflag:$0x4], $0x80, $0x38;
	[tilespmem:$0x10C00] =	vst v63  }
0x3d6: {  	s23 =	sadd.s32 $0x60, s20;
	s24 =	simm.s32 $0xF5B0  }
0x3d7: {  	[hbm4b:s23+s3] =	stream.linear.scatter [tilespmem:s24], [sflag:$0x4], $0x80, $0x38;
	[tilespmem:$0x10C00] =	vst v63  }
0x3d8: {  	s20 =	sadd.s32 $0x70, s20;
	s25 =	simm.s32 $0xF638  }
0x3d9: {  	[hbm4b:s20+s3] =	stream.linear.scatter [tilespmem:s25], [sflag:$0x4], $0x80, $0x38;
	[tilespmem:$0x10C00] =	vst v63  }
0x3da: {  	s19 =	sadd.s32 s19, s10;
	s23 =	simm.s32 $0xF6C0  }
0x3db: {  	[hbm4b:s19+s3] =	stream.linear.scatter [tilespmem:s23], [sflag:$0x4], $0x80, $0x38;
	[tilespmem:$0x10C00] =	vst v63  }
0x3dc: {  	s24 =	sadd.s32 $0x10, s19;
	s25 =	simm.s32 $0xF748  }
0x3dd: {  	[hbm4b:s24+s3] =	stream.linear.scatter [tilespmem:s25], [sflag:$0x4], $0x80, $0x38;
	[tilespmem:$0x10C00] =	vst v63  }
0x3de: {  	s22 =	sadd.s32 $0x20, s19;
	s23 =	simm.s32 $0xF7D0  }
0x3df: {  	[hbm4b:s22+s3] =	stream.linear.scatter [tilespmem:s23], [sflag:$0x4], $0x80, $0x38;
	[tilespmem:$0x10C00] =	vst v63  }
0x3e0: {  	s24 =	sadd.s32 $0x30, s19;
	s25 =	simm.s32 $0xF858  }
0x3e1: {  	[hbm4b:s24+s3] =	stream.linear.scatter [tilespmem:s25], [sflag:$0x4], $0x80, $0x38;
	[tilespmem:$0x10C00] =	vst v63  }
0x3e2: {  	s22 =	sadd.s32 $0x40, s19;
	s23 =	simm.s32 $0xF8E0  }
0x3e3: {  	[hbm4b:s22+s3] =	stream.linear.scatter [tilespmem:s23], [sflag:$0x4], $0x80, $0x38;
	[tilespmem:$0x10C00] =	vst v63  }
0x3e4: {  	s17 =	sor.u32 $0x7, s17;
	s24 =	sadd.s32 $0x50, s19;
	s25 =	simm.s32 $0xF968  }
0x3e5: {  	[hbm4b:s24+s3] =	stream.linear.scatter [tilespmem:s25], [sflag:$0x4], $0x80, $0x38;
	[tilespmem:$0x10C00] =	vst v63  }
0x3e6: {  	s25 =	sshll.u32 s17, $0x11  }
0x3e7: {  	s22 =	sadd.s32 $0x60, s19;
	s23 =	simm.s32 $0xF9F0;
	s16 =	sor.u32 s16, s25  }
0x3e8: {  	[hbm4b:s22+s3] =	stream.linear.scatter [tilespmem:s23], [sflag:$0x4], $0x80, $0x38;
	[tilespmem:$0x10C00] =	vst v63  }
0x3e9: {  	s19 =	sadd.s32 $0x70, s19;
	s24 =	simm.s32 $0xFA78;
	s16 =	sshrl.u32 s16, $0x3  }
0x3ea: {  	[hbm4b:s19+s3] =	stream.linear.scatter [tilespmem:s24], [sflag:$0x4], $0x80, $0x38;
	[tilespmem:$0x10C00] =	vst v63  }
0x3eb: {  	s20 =	simm.s32 $0xFB00;
	s16 =	sadd.s32 s2, s16  }
0x3ec: {  	[hbm4b:s16+s3] =	stream.linear.scatter [tilespmem:s20], [sflag:$0x4], $0x80, $0x38;
	[tilespmem:$0x10C00] =	vst v63  }
0x3ed: {  	s23 =	simm.s32 $0xFB88;
	s22 =	sadd.s32 $0x10, s16  }
0x3ee: {  	[hbm4b:s22+s3] =	stream.linear.scatter [tilespmem:s23], [sflag:$0x4], $0x80, $0x38;
	[tilespmem:$0x10C00] =	vst v63  }
0x3ef: {  	s25 =	simm.s32 $0xFC10;
	s24 =	sadd.s32 $0x20, s16  }
0x3f0: {  	[hbm4b:s24+s3] =	stream.linear.scatter [tilespmem:s25], [sflag:$0x4], $0x80, $0x38;
	[tilespmem:$0x10C00] =	vst v63  }
0x3f1: {  	s22 =	sadd.s32 $0x30, s16;
	s23 =	simm.s32 $0xFC98  }
0x3f2: {  	[hbm4b:s22+s3] =	stream.linear.scatter [tilespmem:s23], [sflag:$0x4], $0x80, $0x38;
	[tilespmem:$0x10C00] =	vst v63  }
0x3f3: {  	s24 =	sadd.s32 $0x40, s16;
	s25 =	simm.s32 $0xFD20  }
0x3f4: {  	[hbm4b:s24+s3] =	stream.linear.scatter [tilespmem:s25], [sflag:$0x4], $0x80, $0x38;
	[tilespmem:$0x10C00] =	vst v63  }
0x3f5: {  	s22 =	sadd.s32 $0x50, s16;
	s23 =	simm.s32 $0xFDA8  }
0x3f6: {  	[hbm4b:s22+s3] =	stream.linear.scatter [tilespmem:s23], [sflag:$0x4], $0x80, $0x38;
	[tilespmem:$0x10C00] =	vst v63  }
0x3f7: {  	s24 =	sadd.s32 $0x60, s16;
	s25 =	simm.s32 $0xFE30  }
0x3f8: {  	[hbm4b:s24+s3] =	stream.linear.scatter [tilespmem:s25], [sflag:$0x4], $0x80, $0x38;
	[tilespmem:$0x10C00] =	vst v63  }
0x3f9: {  	s20 =	simm.s32 $0xFEB8;
	s16 =	sadd.s32 $0x70, s16;
	s22 =	sshll.u32 s17, $0xE  }
0x3fa: {  	[hbm4b:s16+s3] =	stream.linear.scatter [tilespmem:s20], [sflag:$0x4], $0x80, $0x38;
	[tilespmem:$0x10C00] =	vst v63  }
0x3fb: {  	s16 =	sand.u32 $0x1FFFC000, s22  }
0x3fc: {  	s16 =	sor.u32 s18, s16  }
0x3fd: {  	s23 =	simm.s32 $0xFF40;
	s17 =	sadd.s32 s16, s8  }
0x3fe: {  	[hbm4b:s17+s3] =	stream.linear.scatter [tilespmem:s23], [sflag:$0x4], $0x80, $0x38;
	[tilespmem:$0x10C00] =	vst v63  }
0x3ff: {  	s25 =	simm.s32 $0xFFC8;
	s24 =	sadd.s32 $0x10, s17  }
0x400: {  	[hbm4b:s24+s3] =	stream.linear.scatter [tilespmem:s25], [sflag:$0x4], $0x80, $0x38;
	[tilespmem:$0x10C00] =	vst v63  }
0x401: {  	s20 =	simm.s32 $0x10050;
	s19 =	sadd.s32 $0x20, s17  }
0x402: {  	[hbm4b:s19+s3] =	stream.linear.scatter [tilespmem:s20], [sflag:$0x4], $0x80, $0x38;
	[tilespmem:$0x10C00] =	vst v63  }
0x403: {  	s22 =	sadd.s32 $0x30, s17;
	s23 =	simm.s32 $0x100D8  }
0x404: {  	[hbm4b:s22+s3] =	stream.linear.scatter [tilespmem:s23], [sflag:$0x4], $0x80, $0x38;
	[tilespmem:$0x10C00] =	vst v63  }
0x405: {  	s24 =	sadd.s32 $0x40, s17;
	s25 =	simm.s32 $0x10160  }
0x406: {  	[hbm4b:s24+s3] =	stream.linear.scatter [tilespmem:s25], [sflag:$0x4], $0x80, $0x38;
	[tilespmem:$0x10C00] =	vst v63  }
0x407: {  	s19 =	sadd.s32 $0x50, s17;
	s20 =	simm.s32 $0x101E8  }
0x408: {  	[hbm4b:s19+s3] =	stream.linear.scatter [tilespmem:s20], [sflag:$0x4], $0x80, $0x38;
	[tilespmem:$0x10C00] =	vst v63  }
0x409: {  	s22 =	sadd.s32 $0x60, s17;
	s23 =	simm.s32 $0x10270  }
0x40a: {  	[hbm4b:s22+s3] =	stream.linear.scatter [tilespmem:s23], [sflag:$0x4], $0x80, $0x38;
	[tilespmem:$0x10C00] =	vst v63  }
0x40b: {  	s17 =	sadd.s32 $0x70, s17;
	s24 =	simm.s32 $0x102F8  }
0x40c: {  	[hbm4b:s17+s3] =	stream.linear.scatter [tilespmem:s24], [sflag:$0x4], $0x80, $0x38;
	[tilespmem:$0x10C00] =	vst v63  }
0x40d: {  	s25 =	simm.s32 $0x10380;
	s17 =	sadd.s32 s16, s9  }
0x40e: {  	[hbm4b:s17+s3] =	stream.linear.scatter [tilespmem:s25], [sflag:$0x4], $0x80, $0x38;
	[tilespmem:$0x10C00] =	vst v63  }
0x40f: {  	s20 =	simm.s32 $0x10408;
	s19 =	sadd.s32 $0x10, s17  }
0x410: {  	[hbm4b:s19+s3] =	stream.linear.scatter [tilespmem:s20], [sflag:$0x4], $0x80, $0x38;
	[tilespmem:$0x10C00] =	vst v63  }
0x411: {  	s23 =	simm.s32 $0x10490;
	s22 =	sadd.s32 $0x20, s17  }
0x412: {  	[hbm4b:s22+s3] =	stream.linear.scatter [tilespmem:s23], [sflag:$0x4], $0x80, $0x38;
	[tilespmem:$0x10C00] =	vst v63  }
0x413: {  	s24 =	sadd.s32 $0x30, s17;
	s25 =	simm.s32 $0x10518  }
0x414: {  	[hbm4b:s24+s3] =	stream.linear.scatter [tilespmem:s25], [sflag:$0x4], $0x80, $0x38;
	[tilespmem:$0x10C00] =	vst v63  }
0x415: {  	s19 =	sadd.s32 $0x40, s17;
	s20 =	simm.s32 $0x105A0  }
0x416: {  	[hbm4b:s19+s3] =	stream.linear.scatter [tilespmem:s20], [sflag:$0x4], $0x80, $0x38;
	[tilespmem:$0x10C00] =	vst v63  }
0x417: {  	s22 =	sadd.s32 $0x50, s17;
	s23 =	simm.s32 $0x10628  }
0x418: {  	[hbm4b:s22+s3] =	stream.linear.scatter [tilespmem:s23], [sflag:$0x4], $0x80, $0x38;
	[tilespmem:$0x10C00] =	vst v63  }
0x419: {  	s24 =	sadd.s32 $0x60, s17;
	s25 =	simm.s32 $0x106B0  }
0x41a: {  	[hbm4b:s24+s3] =	stream.linear.scatter [tilespmem:s25], [sflag:$0x4], $0x80, $0x38;
	[tilespmem:$0x10C00] =	vst v63  }
0x41b: {  	s17 =	sadd.s32 $0x70, s17;
	s20 =	simm.s32 $0x10738  }
0x41c: {  	[hbm4b:s17+s3] =	stream.linear.scatter [tilespmem:s20], [sflag:$0x4], $0x80, $0x38;
	[tilespmem:$0x10C00] =	vst v63  }
0x41d: {  	s16 =	sadd.s32 s16, s10  }
0x41e: {  	[hbm4b:s16+s3] =	stream.linear.scatter [tilespmem:s26], [sflag:$0x4], $0x80, $0x38;
	[tilespmem:$0x10C00] =	vst v63  }
0x41f: {  	s22 =	sadd.s32 $0x10, s16  }
0x420: {  	[hbm4b:s22+s3] =	stream.linear.scatter [tilespmem:s28], [sflag:$0x4], $0x80, $0x38;
	[tilespmem:$0x10C00] =	vst v63  }
0x421: {  	s23 =	sadd.s32 $0x20, s16  }
0x422: {  	[hbm4b:s23+s3] =	stream.linear.scatter [tilespmem:s29], [sflag:$0x4], $0x80, $0x38;
	[tilespmem:$0x10C00] =	vst v63  }
0x423: {  	s24 =	sadd.s32 $0x30, s16;
	s25 =	simm.s32 $0x10958  }
0x424: {  	[hbm4b:s24+s3] =	stream.linear.scatter [tilespmem:s25], [sflag:$0x4], $0x80, $0x38;
	[tilespmem:$0x10C00] =	vst v63  }
0x425: {  	s15 =	sadd.s32 $0x1, s15;
	s18 =	sadd.s32 $0x40, s16;
	s19 =	simm.s32 $0x109E0  }
0x426: {  	[hbm4b:s18+s3] =	stream.linear.scatter [tilespmem:s19], [sflag:$0x4], $0x80, $0x38;
	[tilespmem:$0x10C00] =	vst v63  }
0x427: {  	p0 =	sne.s32 s15, $0x19;
	s20 =	sadd.s32 $0x50, s16;
	s22 =	simm.s32 $0x10A68  }
0x428: {  	[hbm4b:s20+s3] =	stream.linear.scatter [tilespmem:s22], [sflag:$0x4], $0x80, $0x38;
	[tilespmem:$0x10C00] =	vst v63  }
.Ltmp2:
0x429: {  	_ = 	snop;
	(pc) =	sbr.rel @p0 .LBB2_2-.Ltmp2, $4  }
0x42a: {  	s23 =	sadd.s32 $0x60, s16;
	s24 =	simm.s32 $0x10AF0  }
0x42b: {  	[hbm4b:s23+s3] =	stream.linear.scatter [tilespmem:s24], [sflag:$0x4], $0x80, $0x38;
	[tilespmem:$0x10C00] =	vst v63  }
0x42c: {  	s16 =	sadd.s32 $0x70, s16;
	s25 =	simm.s32 $0x10B78  }
0x42d: {  	v7 =	vmov v5;
	v3 =	vld [tilespmem:$0x1FFD0];
	[hbm4b:s16+s3] =	stream.linear.scatter [tilespmem:s25], [sflag:$0x4], $0x80, $0x38  }
0x42e: {  	_ =	swait.ge [sflag:s0], $0x400  }
0x42f: {  	[sflag:s0] =	ssyncset.done $0x0  }
0x430: {  	[sflag:s0] =	ssyncadd.s32 $0xFFFFFC00  }
0x431: {  	_ =	swait.ge [sflag:s0], $0x400  }
0x432: {  	[sflag:s0] =	ssyncset.done $0x0  }
0x433: {  	[sflag:s0] =	ssyncadd.s32 $0xFFFFFC00  }
0x434: {  	_ =	swait.ge [sflag:s0], $0x400  }
0x435: {  	[sflag:s0] =	ssyncset.done $0x0  }
0x436: {  	[sflag:s0] =	ssyncadd.s32 $0xFFFFFC00  }
0x437: {  	_ =	swait.ge [sflag:s0], $0x400  }
0x438: {  	[sflag:s0] =	ssyncset.done $0x0  }
0x439: {  	[sflag:s0] =	ssyncadd.s32 $0xFFFFFC00  }
0x43a: {  	_ =	swait.ge [sflag:s0], $0x400  }
0x43b: {  	[sflag:s0] =	ssyncset.done $0x0  }
0x43c: {  	[sflag:s0] =	ssyncadd.s32 $0xFFFFFC00  }
0x43d: {  	_ =	swait.ge [sflag:s0], $0x400  }
0x43e: {  	[sflag:s0] =	ssyncset.done $0x0  }
0x43f: {  	[sflag:s0] =	ssyncadd.s32 $0xFFFFFC00  }
0x440: {  	_ =	swait.ge [sflag:s0], $0x400  }
0x441: {  	[sflag:s0] =	ssyncset.done $0x0  }
0x442: {  	[sflag:s0] =	ssyncadd.s32 $0xFFFFFC00  }
0x443: {  	_ =	swait.ge [sflag:s0], $0x400  }
0x444: {  	[sflag:s0] =	ssyncset.done $0x0  }
0x445: {  	[sflag:s0] =	ssyncadd.s32 $0xFFFFFC00  }
0x446: {  	_ =	swait.ge [sflag:s0], $0x400  }
0x447: {  	[sflag:s0] =	ssyncset.done $0x0  }
0x448: {  	[sflag:s0] =	ssyncadd.s32 $0xFFFFFC00  }
0x449: {  	_ =	swait.ge [sflag:s0], $0x400  }
0x44a: {  	[sflag:s0] =	ssyncset.done $0x0  }
0x44b: {  	[sflag:s0] =	ssyncadd.s32 $0xFFFFFC00  }
0x44c: {  	_ =	swait.ge [sflag:s0], $0x400  }
0x44d: {  	[sflag:s0] =	ssyncset.done $0x0  }
0x44e: {  	[sflag:s0] =	ssyncadd.s32 $0xFFFFFC00  }
0x44f: {  	_ =	swait.ge [sflag:s0], $0x400  }
0x450: {  	[sflag:s0] =	ssyncset.done $0x0  }
0x451: {  	[sflag:s0] =	ssyncadd.s32 $0xFFFFFC00  }
0x452: {  	_ =	swait.ge [sflag:s0], $0x400  }
0x453: {  	[sflag:s0] =	ssyncset.done $0x0  }
0x454: {  	[sflag:s0] =	ssyncadd.s32 $0xFFFFFC00  }
0x455: {  	_ =	swait.ge [sflag:s0], $0x400  }
0x456: {  	[sflag:s0] =	ssyncset.done $0x0  }
0x457: {  	[sflag:s0] =	ssyncadd.s32 $0xFFFFFC00  }
0x458: {  	_ =	swait.ge [sflag:s0], $0x400  }
0x459: {  	[sflag:s0] =	ssyncset.done $0x0  }
0x45a: {  	[sflag:s0] =	ssyncadd.s32 $0xFFFFFC00  }
0x45b: {  	_ =	swait.ge [sflag:s0], $0x400  }
0x45c: {  	[sflag:s0] =	ssyncset.done $0x0  }
0x45d: {  	[sflag:s0] =	ssyncadd.s32 $0xFFFFFC00  }
0x45e: {  	_ =	swait.ge [sflag:s1], $0x400  }
0x45f: {  	[sflag:s1] =	ssyncset.done $0x0  }
0x460: {  	[sflag:s1] =	ssyncadd.s32 $0xFFFFFC00  }
0x461: {  	_ =	swait.ge [sflag:s1], $0x400  }
0x462: {  	[sflag:s1] =	ssyncset.done $0x0  }
0x463: {  	[sflag:s1] =	ssyncadd.s32 $0xFFFFFC00  }
0x464: {  	_ =	swait.ge [sflag:s1], $0x400  }
0x465: {  	[sflag:s1] =	ssyncset.done $0x0  }
0x466: {  	[sflag:s1] =	ssyncadd.s32 $0xFFFFFC00  }
0x467: {  	_ =	swait.ge [sflag:s1], $0x400  }
0x468: {  	[sflag:s1] =	ssyncset.done $0x0  }
0x469: {  	[sflag:s1] =	ssyncadd.s32 $0xFFFFFC00  }
0x46a: {  	_ =	swait.ge [sflag:s1], $0x400  }
0x46b: {  	[sflag:s1] =	ssyncset.done $0x0  }
0x46c: {  	[sflag:s1] =	ssyncadd.s32 $0xFFFFFC00  }
0x46d: {  	_ =	swait.ge [sflag:s1], $0x400  }
0x46e: {  	[sflag:s1] =	ssyncset.done $0x0  }
0x46f: {  	[sflag:s1] =	ssyncadd.s32 $0xFFFFFC00  }
0x470: {  	_ =	swait.ge [sflag:s1], $0x400  }
0x471: {  	[sflag:s1] =	ssyncset.done $0x0  }
0x472: {  	[sflag:s1] =	ssyncadd.s32 $0xFFFFFC00  }
0x473: {  	_ =	swait.ge [sflag:s1], $0x400  }
0x474: {  	[sflag:s1] =	ssyncset.done $0x0  }
0x475: {  	[sflag:s1] =	ssyncadd.s32 $0xFFFFFC00  }
0x476: {  	_ =	swait.ge [sflag:s1], $0x400  }
0x477: {  	[sflag:s1] =	ssyncset.done $0x0  }
0x478: {  	[sflag:s1] =	ssyncadd.s32 $0xFFFFFC00  }
0x479: {  	_ =	swait.ge [sflag:s1], $0x400  }
0x47a: {  	[sflag:s1] =	ssyncset.done $0x0  }
0x47b: {  	[sflag:s1] =	ssyncadd.s32 $0xFFFFFC00  }
0x47c: {  	_ =	swait.ge [sflag:s1], $0x400  }
0x47d: {  	[sflag:s1] =	ssyncset.done $0x0  }
0x47e: {  	[sflag:s1] =	ssyncadd.s32 $0xFFFFFC00  }
0x47f: {  	_ =	swait.ge [sflag:s1], $0x400  }
0x480: {  	[sflag:s1] =	ssyncset.done $0x0  }
0x481: {  	[sflag:s1] =	ssyncadd.s32 $0xFFFFFC00  }
0x482: {  	_ =	swait.ge [sflag:s1], $0x400  }
0x483: {  	[sflag:s1] =	ssyncset.done $0x0  }
0x484: {  	[sflag:s1] =	ssyncadd.s32 $0xFFFFFC00  }
0x485: {  	_ =	swait.ge [sflag:s1], $0x400  }
0x486: {  	[sflag:s1] =	ssyncset.done $0x0  }
0x487: {  	[sflag:s1] =	ssyncadd.s32 $0xFFFFFC00  }
0x488: {  	_ =	swait.ge [sflag:s1], $0x400  }
0x489: {  	[sflag:s1] =	ssyncset.done $0x0  }
0x48a: {  	[sflag:s1] =	ssyncadd.s32 $0xFFFFFC00  }
0x48b: {  	_ =	swait.ge [sflag:s1], $0x400  }
0x48c: {  	s16 =	rddreg [dreg:$0x6]  }
0x48d: {  	s15 =	rddreg [dreg:$0x5];
	s16 =	sadd.s32 $0x1, s16  }
0x48e: {  	p0 =	sne.s32 s16, s15  }
.Ltmp3:
0x48f: {  	_ = 	snop;
	(pc) =	sbr.rel @p0 .LBB2_1-.Ltmp3, $3  }
0x490: {  	_ =	sdelay $0x1  }
0x491: {  	[sflag:s1] =	ssyncset.done $0x0  }
0x492: {  	[sflag:s1] =	ssyncadd.s32 $0xFFFFFC00  }
0x493: {  	_ =	sfence.sel $0x180000  }
0x494: {  	[bflag:$0x0] =	sbarrier.arrive $0xFFFF  }
0x495: {  	_ =	strace $0x9000004A  }
0x496: {  	s0 =	stileid.u32;
	[bflag:$0x2] =	sbarrier.arrive $0xFFFF  }
0x497: {  	p0 =	sne.s32 s0, $0x0;
	s0 =	rddreg [dreg:$0x3]  }
0x498: {  	s0 =	sadd.s32 @!p0 $0x100000, s0  }
0x499: {  	[sflag:s0] =	ssyncadd.tile.s32 @!p0 $0x1;
	_ =	shalt  }
.Lfunc_end2:
_tile_overlayer_lowered:
.L_overlay_start_2:
0x49a: {  	(tag) =	ssettag $0x2  }
0x49b: {  	s0 =	rddreg [dreg:$0x0];
	s2 =	stileid.u32  }
0x49c: {  	s1 =	rddreg [dreg:$0x1];
	p0 =	sne.s32 s2, $0x0  }
0x49d: {  	s3 =	rddreg [dreg:$0x2];
	[bflag:$0x3] =	sbarrier.arrive $0xFFFF;
	s2 =	simm.s32 @!p0 $0x1C05  }
0x49e: {  	[timem:s3], [sflag:s2] =	dma.local @!p0 [hbm:s0], s1  }
0x49f: {  	s0 =	simm.s32 @!p0 $0x5  }
0x4a0: {  	_ =	swait.ge @!p0 [sflag:s0], s1  }
0x4a1: {  	s1 =	ssub.s32 @!p0 $0x0, s1;
	[sflag:s0] =	ssyncset.done @!p0 $0x0  }
0x4a2: {  	[sflag:s0] =	ssyncadd.s32 @!p0 s1  }
0x4a3: {  	[bflag:$0x3] =	sbarrier.arrive $0xFFFF  }
0x4a4: {  	_ =	shalt  }

</sc_bundles>
